<compile_context>
chip_gen: v7x
topology: tpu7x:2x2x1
jax: 0.10.2.dev20260603
libtpu: 0.0.44.dev20260713+nightly
codegen_flags: <defaults>
</compile_context>

<pallas_src>
import functools

import jax
import jax.numpy as jnp
from jax import lax
from jax.experimental import pallas as pl
from jax.experimental.pallas import tpu as pltpu
from jax.experimental.pallas import tpu_sc as plsc

B = 4
S = 8192
D = 768
NC = 2
NS = 16
NW = NC * NS
S_W = S // NW
R = 16
NBUF = 2
NCHUNK = S_W // R
NGRP = NCHUNK // NBUF
NV = D // 16

_mesh = plsc.VectorSubcoreMesh(core_axis_name="c", subcore_axis_name="s")


@functools.partial(
    pl.kernel,
    mesh=_mesh,
    out_type=jax.ShapeDtypeStruct((B, S, D), jnp.float32),
    scratch_types=(
        [pltpu.VMEM((S_W,), jnp.int32), pltpu.VMEM((16,), jnp.int32)]
        + [pltpu.VMEM((R, D), jnp.float32) for _ in range(NBUF)]
        + [pltpu.VMEM((B, R, D), jnp.float32) for _ in range(NBUF)]
        + [pltpu.SemaphoreType.DMA for _ in range(2 * NBUF)]
    ),
)
def _pe_add(enc_hbm, t_hbm, table_hbm, out_hbm, idx_v, t0_v, *bufs):
    rows = bufs[0:NBUF]
    encb = bufs[NBUF:2 * NBUF]
    sem_in = bufs[2 * NBUF:3 * NBUF]
    sem_st = bufs[3 * NBUF:4 * NBUF]

    cid = lax.axis_index("c")
    sid = lax.axis_index("s")
    wid = sid * NC + cid
    base = wid * S_W
    def issue_enc_in(i, buf):
        row0 = i * R
        pltpu.async_copy(
            enc_hbm.at[:, pl.ds(base + row0, R), :], encb[buf], sem_in[buf]
        )

    def issue_gather(i, buf):
        row0 = i * R
        pltpu.async_copy(
            table_hbm.at[idx_v.at[pl.ds(row0, R)]], rows[buf], sem_in[buf]
        )

    for p in range(NBUF - 1):
        issue_enc_in(p, p)

    pltpu.sync_copy(t_hbm.at[pl.ds(base, S_W)], idx_v)
    pltpu.sync_copy(t_hbm.at[pl.ds(0, 16)], t0_v)
    z16 = lax.iota(jnp.int32, 16)
    t0 = t0_v[...].at[z16 - z16].get(mode="promise_in_bounds")
    for q in range(S_W // 16):
        sl = pl.ds(q * 16, 16)
        idx_v[sl] = idx_v[sl] - t0

    def issue_in(i, buf):
        row0 = i * R
        pltpu.async_copy(
            table_hbm.at[idx_v.at[pl.ds(row0, R)]], rows[buf], sem_in[buf]
        )
        pltpu.async_copy(
            enc_hbm.at[:, pl.ds(base + row0, R), :], encb[buf], sem_in[buf]
        )

    def wait_in(buf):
        pltpu.make_async_copy(
            table_hbm.at[pl.ds(0, R)], rows[buf], sem_in[buf]
        ).wait()
        pltpu.make_async_copy(
            enc_hbm.at[:, pl.ds(0, R), :], encb[buf], sem_in[buf]
        ).wait()

    def wait_store(buf):
        pltpu.make_async_copy(
            encb[buf], out_hbm.at[:, pl.ds(0, R), :], sem_st[buf]
        ).wait()

    def compute(buf):
        @plsc.parallel_loop(0, R)
        def _rbody(r):
            row_next = rows[buf][r, pl.ds(0, 16)]
            for j in range(NV):
                sl = pl.ds(j * 16, 16)
                row = row_next
                if j + 1 < NV:
                    row_next = rows[buf][r, pl.ds((j + 1) * 16, 16)]
                for bb in range(B):
                    plsc.addupdate(encb[buf].at[bb, r, sl], row)

    for p in range(NBUF - 1):
        issue_gather(p, p)

    def grp(g, _):
        for b in range(NBUF):
            i = g * NBUF + b
            wait_in(b)
            pb = (b + NBUF - 1) % NBUF

            @pl.when(i >= 1)
            def _():
                wait_store(pb)

            @pl.when(i + NBUF - 1 < NCHUNK)
            def _():
                issue_in(i + NBUF - 1, pb)

            compute(b)
            row0 = i * R
            pltpu.async_copy(
                encb[b], out_hbm.at[:, pl.ds(base + row0, R), :], sem_st[b]
            )

        return 0

    lax.fori_loop(0, NGRP, grp, 0)
    wait_store((NCHUNK - 1) % NBUF)


def kernel(enc_inputs, tindex, pos_table):
    return _pe_add(enc_inputs, tindex, pos_table)

# --- scband reference (transcript-rebuilt; emitter-appended) ---
"""Pipeline reference for scband-positional-encoding-11854109737499 (READ-ONLY COPY).

The authoritative reference and input builder live on the scoring server;
editing this copy changes nothing except your own understanding.
"""

import jax, jax.numpy as jnp
import numpy as np

B = 4
S = 8192
D_MODEL = 768
MAX_LEN = 50000


def _make_pos_table():
    # Faithful vectorized version of the original list-comprehension table:
    # pos_table[pos, i] = pos / 10000**(2*i/d_model), row 0 is zeros,
    # then sin on even columns, cos on odd columns (rows 1:).
    pos = np.arange(MAX_LEN, dtype=np.float64)[:, None]
    i = np.arange(D_MODEL, dtype=np.float64)[None, :]
    table = pos / np.power(10000.0, 2.0 * i / D_MODEL)
    table[0, :] = 0.0
    table[1:, 0::2] = np.sin(table[1:, 0::2])
    table[1:, 1::2] = np.cos(table[1:, 1::2])
    return jnp.asarray(table, dtype=jnp.float32)


def setup_inputs(seed: int = 0) -> dict:
    key = jax.random.key(seed)
    k1, k2 = jax.random.split(key)
    enc_inputs = jax.random.normal(k1, (B, S, D_MODEL), dtype=jnp.float32)
    tindex = jnp.sort(jax.random.randint(k2, (S,), 0, MAX_LEN, dtype=jnp.int32))
    pos_table = _make_pos_table()
    return {"enc_inputs": enc_inputs, "tindex": tindex, "pos_table": pos_table}


def reference(enc_inputs, tindex, pos_table):
    # tindex normalization relative to first timestep
    t = tindex - tindex[0]
    # gather positional rows and add (broadcasts [S, D] over [B, S, D])
    out = enc_inputs + jnp.take(pos_table, t, axis=0)
    # dropout in eval mode is identity
    return out

if __name__ == "__main__":
    import jax
    _d = setup_inputs()
    print(jax.jit(kernel)(*tuple(_d.values())))

</pallas_src>

<mosaic_0001>
#map = affine_map<(d0, d1) -> (0, 0, 0)>
#map1 = affine_map<(d0, d1) -> (0)>
#map2 = affine_map<(d0, d1) -> (0, 0)>
module attributes {stable_mosaic.version = 14 : i64} {
  func.func @_pe_add(%arg0: i32, %arg1: i32, %arg2: memref<4x8192x768xf32, #tpu.memory_space<hbm>>, %arg3: memref<8192xi32, #tpu.memory_space<hbm>>, %arg4: memref<50000x768xf32, #tpu.memory_space<hbm>>, %arg5: memref<4x8192x768xf32, #tpu.memory_space<hbm>>, %arg6: memref<256xi32, #tpu.memory_space<vmem>>, %arg7: memref<16xi32, #tpu.memory_space<vmem>>, %arg8: memref<16x768xf32, #tpu.memory_space<vmem>>, %arg9: memref<16x768xf32, #tpu.memory_space<vmem>>, %arg10: memref<4x16x768xf32, #tpu.memory_space<vmem>>, %arg11: memref<4x16x768xf32, #tpu.memory_space<vmem>>, %arg12: memref<!tpu.dma_semaphore, #tpu.memory_space<semaphore_mem>>, %arg13: memref<!tpu.dma_semaphore, #tpu.memory_space<semaphore_mem>>, %arg14: memref<!tpu.dma_semaphore, #tpu.memory_space<semaphore_mem>>, %arg15: memref<!tpu.dma_semaphore, #tpu.memory_space<semaphore_mem>>) attributes {dimension_semantics = [#tpu.dimension_semantics<core_parallel>, #tpu.dimension_semantics<subcore_parallel>], iteration_bounds = array<i64: 2, 16>, scalar_prefetch = 0 : i64, scratch_operands = 10 : i64, tpu.core_type = #tpu.core_type<sc_vector_subcore>, window_params = [{transform_indices = #map}, {transform_indices = #map1}, {transform_indices = #map2}, {transform_indices = #map}]} {
    %mul3A = arith.constant 2 : i32
    %mul3A_0 = arith.muli %arg1, %mul3A : i32
    %add3A = arith.addi %mul3A_0, %arg0 : i32
    %mul3A_1 = arith.constant 256 : i32
    %mul3A_2 = arith.muli %add3A, %mul3A_1 : i32
    %add3A_3 = arith.constant 0 : i32
    %add3A_4 = arith.addi %mul3A_2, %add3A_3 : i32
    %dma_start3A = arith.constant 0 : i32
    %dma_start3A_5 = arith.constant 0 : i32
    %dma_start3A_6 = tpu.memref_slice %arg2[%dma_start3A, %add3A_4, %dma_start3A_5] : memref<4x8192x768xf32, #tpu.memory_space<hbm>> -> memref<4x16x768xf32, #tpu.memory_space<hbm>>
    %dma_start3A_7 = arith.constant 0 : i32
    %dma_start3A_8 = arith.constant 0 : i32
    %dma_start3A_9 = tpu.memref_slice %arg2[%dma_start3A_7, %add3A_4, %dma_start3A_8] : memref<4x8192x768xf32, #tpu.memory_space<hbm>> -> memref<4x16x768xf32, #tpu.memory_space<hbm>>
    tpu.enqueue_dma source(%dma_start3A_9 : memref<4x16x768xf32, #tpu.memory_space<hbm>>) target(%arg10 : memref<4x16x768xf32, #tpu.memory_space<vmem>>) target_semaphore(%arg12 : memref<!tpu.dma_semaphore, #tpu.memory_space<semaphore_mem>>)
    "tpu.region"() ({
      %run_scoped3A = tpu.sem_alloc : memref<!tpu.dma_semaphore, #tpu.memory_space<semaphore_mem>>
      %dma_start3A_163 = tpu.memref_slice %arg3[%mul3A_2] : memref<8192xi32, #tpu.memory_space<hbm>> -> memref<256xi32, #tpu.memory_space<hbm>>
      %dma_start3A_164 = tpu.memref_slice %arg3[%mul3A_2] : memref<8192xi32, #tpu.memory_space<hbm>> -> memref<256xi32, #tpu.memory_space<hbm>>
      tpu.enqueue_dma source(%dma_start3A_164 : memref<256xi32, #tpu.memory_space<hbm>>) target(%arg6 : memref<256xi32, #tpu.memory_space<vmem>>) target_semaphore(%run_scoped3A : memref<!tpu.dma_semaphore, #tpu.memory_space<semaphore_mem>>)
      %dma_wait3A_165 = tpu.memref_slice %arg3[%mul3A_2] : memref<8192xi32, #tpu.memory_space<hbm>> -> memref<256xi32, #tpu.memory_space<hbm>>
      %dma_wait3A_166 = tpu.memref_slice %arg3[%mul3A_2] : memref<8192xi32, #tpu.memory_space<hbm>> -> memref<256xi32, #tpu.memory_space<hbm>>
      tpu.wait_dma2 semaphore(%run_scoped3A : memref<!tpu.dma_semaphore, #tpu.memory_space<semaphore_mem>>) src(%dma_wait3A_166 : memref<256xi32, #tpu.memory_space<hbm>>) dst(%arg6 : memref<256xi32, #tpu.memory_space<vmem>>)
      tpu.yield
    }) : () -> ()
    "tpu.region"() ({
      %run_scoped3A = tpu.sem_alloc : memref<!tpu.dma_semaphore, #tpu.memory_space<semaphore_mem>>
      %dma_start3A_163 = arith.constant 0 : i32
      %dma_start3A_164 = tpu.memref_slice %arg3[%dma_start3A_163] : memref<8192xi32, #tpu.memory_space<hbm>> -> memref<16xi32, #tpu.memory_space<hbm>>
      %dma_start3A_165 = arith.constant 0 : i32
      %dma_start3A_166 = tpu.memref_slice %arg3[%dma_start3A_165] : memref<8192xi32, #tpu.memory_space<hbm>> -> memref<16xi32, #tpu.memory_space<hbm>>
      tpu.enqueue_dma source(%dma_start3A_166 : memref<16xi32, #tpu.memory_space<hbm>>) target(%arg7 : memref<16xi32, #tpu.memory_space<vmem>>) target_semaphore(%run_scoped3A : memref<!tpu.dma_semaphore, #tpu.memory_space<semaphore_mem>>)
      %dma_wait3A_167 = arith.constant 0 : i32
      %dma_wait3A_168 = tpu.memref_slice %arg3[%dma_wait3A_167] : memref<8192xi32, #tpu.memory_space<hbm>> -> memref<16xi32, #tpu.memory_space<hbm>>
      %dma_wait3A_169 = arith.constant 0 : i32
      %dma_wait3A_170 = tpu.memref_slice %arg3[%dma_wait3A_169] : memref<8192xi32, #tpu.memory_space<hbm>> -> memref<16xi32, #tpu.memory_space<hbm>>
      tpu.wait_dma2 semaphore(%run_scoped3A : memref<!tpu.dma_semaphore, #tpu.memory_space<semaphore_mem>>) src(%dma_wait3A_170 : memref<16xi32, #tpu.memory_space<hbm>>) dst(%arg7 : memref<16xi32, #tpu.memory_space<vmem>>)
      tpu.yield
    }) : () -> ()
    %iota3A = tpu.iota {dimensions = array<i32: 0>} : vector<16xi32>
    %get3A = arith.constant 0 : index
    %get3A_10 = tpu.vector_load %arg7[%get3A] {strides = array<i32>} : memref<16xi32, #tpu.memory_space<vmem>>, vector<16xi32>,
    %get3A_11 = vector.shape_cast %get3A_10 : vector<16xi32> to vector<16xi32>
    %sub3A = arith.subi %iota3A, %iota3A : vector<16xi32>
    %lt3A = arith.constant 0 : i32
    %lt3A_12 = vector.broadcast %lt3A : i32 to vector<16xi32>
    %lt3A_13 = arith.cmpi slt, %sub3A, %lt3A_12 : vector<16xi32>
    %add3A_14 = arith.constant 16 : i32
    %add3A_15 = vector.broadcast %add3A_14 : i32 to vector<16xi32>
    %add3A_16 = arith.addi %sub3A, %add3A_15 : vector<16xi32>
    %select_n3A = arith.select %lt3A_13, %add3A_16, %sub3A : vector<16xi1>, vector<16xi32>
    %broadcast_in_dim3A = vector.shape_cast %select_n3A : vector<16xi32> to vector<16x1xi32>
    %gather3A = vector.shape_cast %broadcast_in_dim3A : vector<16x1xi32> to vector<16xi32>
    %gather3A_17 = tpu.dynamic_gather %get3A_11[%gather3A] in [0] : vector<16xi32>, vector<16xi32> -> vector<16xi32>
    %get3A_18 = arith.constant 0 : index
    %get3A_19 = tpu.vector_load %arg6[%get3A_18] {strides = array<i32>} : memref<256xi32, #tpu.memory_space<vmem>>, vector<16xi32>,
    %get3A_20 = vector.shape_cast %get3A_19 : vector<16xi32> to vector<16xi32>
    %sub3A_21 = arith.subi %get3A_20, %gather3A_17 : vector<16xi32>
    %swap3A = arith.constant 0 : index
    %swap3A_22 = tpu.vector_load %arg6[%swap3A] {strides = array<i32>} : memref<256xi32, #tpu.memory_space<vmem>>, vector<16xi32>,
    %swap3A_23 = vector.shape_cast %swap3A_22 : vector<16xi32> to vector<16xi32>
    %swap3A_24 = vector.shape_cast %sub3A_21 : vector<16xi32> to vector<16xi32>
    tpu.vector_store %arg6[%swap3A], %swap3A_24 {strides = array<i32>} : memref<256xi32, #tpu.memory_space<vmem>>, vector<16xi32>,
    %get3A_25 = arith.constant 16 : index
    %get3A_26 = tpu.vector_load %arg6[%get3A_25] {strides = array<i32>} : memref<256xi32, #tpu.memory_space<vmem>>, vector<16xi32>,
    %get3A_27 = vector.shape_cast %get3A_26 : vector<16xi32> to vector<16xi32>
    %sub3A_28 = arith.subi %get3A_27, %gather3A_17 : vector<16xi32>
    %swap3A_29 = arith.constant 16 : index
    %swap3A_30 = tpu.vector_load %arg6[%swap3A_29] {strides = array<i32>} : memref<256xi32, #tpu.memory_space<vmem>>, vector<16xi32>,
    %swap3A_31 = vector.shape_cast %swap3A_30 : vector<16xi32> to vector<16xi32>
    %swap3A_32 = vector.shape_cast %sub3A_28 : vector<16xi32> to vector<16xi32>
    tpu.vector_store %arg6[%swap3A_29], %swap3A_32 {strides = array<i32>} : memref<256xi32, #tpu.memory_space<vmem>>, vector<16xi32>,
    %get3A_33 = arith.constant 32 : index
    %get3A_34 = tpu.vector_load %arg6[%get3A_33] {strides = array<i32>} : memref<256xi32, #tpu.memory_space<vmem>>, vector<16xi32>,
    %get3A_35 = vector.shape_cast %get3A_34 : vector<16xi32> to vector<16xi32>
    %sub3A_36 = arith.subi %get3A_35, %gather3A_17 : vector<16xi32>
    %swap3A_37 = arith.constant 32 : index
    %swap3A_38 = tpu.vector_load %arg6[%swap3A_37] {strides = array<i32>} : memref<256xi32, #tpu.memory_space<vmem>>, vector<16xi32>,
    %swap3A_39 = vector.shape_cast %swap3A_38 : vector<16xi32> to vector<16xi32>
    %swap3A_40 = vector.shape_cast %sub3A_36 : vector<16xi32> to vector<16xi32>
    tpu.vector_store %arg6[%swap3A_37], %swap3A_40 {strides = array<i32>} : memref<256xi32, #tpu.memory_space<vmem>>, vector<16xi32>,
    %get3A_41 = arith.constant 48 : index
    %get3A_42 = tpu.vector_load %arg6[%get3A_41] {strides = array<i32>} : memref<256xi32, #tpu.memory_space<vmem>>, vector<16xi32>,
    %get3A_43 = vector.shape_cast %get3A_42 : vector<16xi32> to vector<16xi32>
    %sub3A_44 = arith.subi %get3A_43, %gather3A_17 : vector<16xi32>
    %swap3A_45 = arith.constant 48 : index
    %swap3A_46 = tpu.vector_load %arg6[%swap3A_45] {strides = array<i32>} : memref<256xi32, #tpu.memory_space<vmem>>, vector<16xi32>,
    %swap3A_47 = vector.shape_cast %swap3A_46 : vector<16xi32> to vector<16xi32>
    %swap3A_48 = vector.shape_cast %sub3A_44 : vector<16xi32> to vector<16xi32>
    tpu.vector_store %arg6[%swap3A_45], %swap3A_48 {strides = array<i32>} : memref<256xi32, #tpu.memory_space<vmem>>, vector<16xi32>,
    %get3A_49 = arith.constant 64 : index
    %get3A_50 = tpu.vector_load %arg6[%get3A_49] {strides = array<i32>} : memref<256xi32, #tpu.memory_space<vmem>>, vector<16xi32>,
    %get3A_51 = vector.shape_cast %get3A_50 : vector<16xi32> to vector<16xi32>
    %sub3A_52 = arith.subi %get3A_51, %gather3A_17 : vector<16xi32>
    %swap3A_53 = arith.constant 64 : index
    %swap3A_54 = tpu.vector_load %arg6[%swap3A_53] {strides = array<i32>} : memref<256xi32, #tpu.memory_space<vmem>>, vector<16xi32>,
    %swap3A_55 = vector.shape_cast %swap3A_54 : vector<16xi32> to vector<16xi32>
    %swap3A_56 = vector.shape_cast %sub3A_52 : vector<16xi32> to vector<16xi32>
    tpu.vector_store %arg6[%swap3A_53], %swap3A_56 {strides = array<i32>} : memref<256xi32, #tpu.memory_space<vmem>>, vector<16xi32>,
    %get3A_57 = arith.constant 80 : index
    %get3A_58 = tpu.vector_load %arg6[%get3A_57] {strides = array<i32>} : memref<256xi32, #tpu.memory_space<vmem>>, vector<16xi32>,
    %get3A_59 = vector.shape_cast %get3A_58 : vector<16xi32> to vector<16xi32>
    %sub3A_60 = arith.subi %get3A_59, %gather3A_17 : vector<16xi32>
    %swap3A_61 = arith.constant 80 : index
    %swap3A_62 = tpu.vector_load %arg6[%swap3A_61] {strides = array<i32>} : memref<256xi32, #tpu.memory_space<vmem>>, vector<16xi32>,
    %swap3A_63 = vector.shape_cast %swap3A_62 : vector<16xi32> to vector<16xi32>
    %swap3A_64 = vector.shape_cast %sub3A_60 : vector<16xi32> to vector<16xi32>
    tpu.vector_store %arg6[%swap3A_61], %swap3A_64 {strides = array<i32>} : memref<256xi32, #tpu.memory_space<vmem>>, vector<16xi32>,
    %get3A_65 = arith.constant 96 : index
    %get3A_66 = tpu.vector_load %arg6[%get3A_65] {strides = array<i32>} : memref<256xi32, #tpu.memory_space<vmem>>, vector<16xi32>,
    %get3A_67 = vector.shape_cast %get3A_66 : vector<16xi32> to vector<16xi32>
    %sub3A_68 = arith.subi %get3A_67, %gather3A_17 : vector<16xi32>
    %swap3A_69 = arith.constant 96 : index
    %swap3A_70 = tpu.vector_load %arg6[%swap3A_69] {strides = array<i32>} : memref<256xi32, #tpu.memory_space<vmem>>, vector<16xi32>,
    %swap3A_71 = vector.shape_cast %swap3A_70 : vector<16xi32> to vector<16xi32>
    %swap3A_72 = vector.shape_cast %sub3A_68 : vector<16xi32> to vector<16xi32>
    tpu.vector_store %arg6[%swap3A_69], %swap3A_72 {strides = array<i32>} : memref<256xi32, #tpu.memory_space<vmem>>, vector<16xi32>,
    %get3A_73 = arith.constant 112 : index
    %get3A_74 = tpu.vector_load %arg6[%get3A_73] {strides = array<i32>} : memref<256xi32, #tpu.memory_space<vmem>>, vector<16xi32>,
    %get3A_75 = vector.shape_cast %get3A_74 : vector<16xi32> to vector<16xi32>
    %sub3A_76 = arith.subi %get3A_75, %gather3A_17 : vector<16xi32>
    %swap3A_77 = arith.constant 112 : index
    %swap3A_78 = tpu.vector_load %arg6[%swap3A_77] {strides = array<i32>} : memref<256xi32, #tpu.memory_space<vmem>>, vector<16xi32>,
    %swap3A_79 = vector.shape_cast %swap3A_78 : vector<16xi32> to vector<16xi32>
    %swap3A_80 = vector.shape_cast %sub3A_76 : vector<16xi32> to vector<16xi32>
    tpu.vector_store %arg6[%swap3A_77], %swap3A_80 {strides = array<i32>} : memref<256xi32, #tpu.memory_space<vmem>>, vector<16xi32>,
    %get3A_81 = arith.constant 128 : index
    %get3A_82 = tpu.vector_load %arg6[%get3A_81] {strides = array<i32>} : memref<256xi32, #tpu.memory_space<vmem>>, vector<16xi32>,
    %get3A_83 = vector.shape_cast %get3A_82 : vector<16xi32> to vector<16xi32>
    %sub3A_84 = arith.subi %get3A_83, %gather3A_17 : vector<16xi32>
    %swap3A_85 = arith.constant 128 : index
    %swap3A_86 = tpu.vector_load %arg6[%swap3A_85] {strides = array<i32>} : memref<256xi32, #tpu.memory_space<vmem>>, vector<16xi32>,
    %swap3A_87 = vector.shape_cast %swap3A_86 : vector<16xi32> to vector<16xi32>
    %swap3A_88 = vector.shape_cast %sub3A_84 : vector<16xi32> to vector<16xi32>
    tpu.vector_store %arg6[%swap3A_85], %swap3A_88 {strides = array<i32>} : memref<256xi32, #tpu.memory_space<vmem>>, vector<16xi32>,
    %get3A_89 = arith.constant 144 : index
    %get3A_90 = tpu.vector_load %arg6[%get3A_89] {strides = array<i32>} : memref<256xi32, #tpu.memory_space<vmem>>, vector<16xi32>,
    %get3A_91 = vector.shape_cast %get3A_90 : vector<16xi32> to vector<16xi32>
    %sub3A_92 = arith.subi %get3A_91, %gather3A_17 : vector<16xi32>
    %swap3A_93 = arith.constant 144 : index
    %swap3A_94 = tpu.vector_load %arg6[%swap3A_93] {strides = array<i32>} : memref<256xi32, #tpu.memory_space<vmem>>, vector<16xi32>,
    %swap3A_95 = vector.shape_cast %swap3A_94 : vector<16xi32> to vector<16xi32>
    %swap3A_96 = vector.shape_cast %sub3A_92 : vector<16xi32> to vector<16xi32>
    tpu.vector_store %arg6[%swap3A_93], %swap3A_96 {strides = array<i32>} : memref<256xi32, #tpu.memory_space<vmem>>, vector<16xi32>,
    %get3A_97 = arith.constant 160 : index
    %get3A_98 = tpu.vector_load %arg6[%get3A_97] {strides = array<i32>} : memref<256xi32, #tpu.memory_space<vmem>>, vector<16xi32>,
    %get3A_99 = vector.shape_cast %get3A_98 : vector<16xi32> to vector<16xi32>
    %sub3A_100 = arith.subi %get3A_99, %gather3A_17 : vector<16xi32>
    %swap3A_101 = arith.constant 160 : index
    %swap3A_102 = tpu.vector_load %arg6[%swap3A_101] {strides = array<i32>} : memref<256xi32, #tpu.memory_space<vmem>>, vector<16xi32>,
    %swap3A_103 = vector.shape_cast %swap3A_102 : vector<16xi32> to vector<16xi32>
    %swap3A_104 = vector.shape_cast %sub3A_100 : vector<16xi32> to vector<16xi32>
    tpu.vector_store %arg6[%swap3A_101], %swap3A_104 {strides = array<i32>} : memref<256xi32, #tpu.memory_space<vmem>>, vector<16xi32>,
    %get3A_105 = arith.constant 176 : index
    %get3A_106 = tpu.vector_load %arg6[%get3A_105] {strides = array<i32>} : memref<256xi32, #tpu.memory_space<vmem>>, vector<16xi32>,
    %get3A_107 = vector.shape_cast %get3A_106 : vector<16xi32> to vector<16xi32>
    %sub3A_108 = arith.subi %get3A_107, %gather3A_17 : vector<16xi32>
    %swap3A_109 = arith.constant 176 : index
    %swap3A_110 = tpu.vector_load %arg6[%swap3A_109] {strides = array<i32>} : memref<256xi32, #tpu.memory_space<vmem>>, vector<16xi32>,
    %swap3A_111 = vector.shape_cast %swap3A_110 : vector<16xi32> to vector<16xi32>
    %swap3A_112 = vector.shape_cast %sub3A_108 : vector<16xi32> to vector<16xi32>
    tpu.vector_store %arg6[%swap3A_109], %swap3A_112 {strides = array<i32>} : memref<256xi32, #tpu.memory_space<vmem>>, vector<16xi32>,
    %get3A_113 = arith.constant 192 : index
    %get3A_114 = tpu.vector_load %arg6[%get3A_113] {strides = array<i32>} : memref<256xi32, #tpu.memory_space<vmem>>, vector<16xi32>,
    %get3A_115 = vector.shape_cast %get3A_114 : vector<16xi32> to vector<16xi32>
    %sub3A_116 = arith.subi %get3A_115, %gather3A_17 : vector<16xi32>
    %swap3A_117 = arith.constant 192 : index
    %swap3A_118 = tpu.vector_load %arg6[%swap3A_117] {strides = array<i32>} : memref<256xi32, #tpu.memory_space<vmem>>, vector<16xi32>,
    %swap3A_119 = vector.shape_cast %swap3A_118 : vector<16xi32> to vector<16xi32>
    %swap3A_120 = vector.shape_cast %sub3A_116 : vector<16xi32> to vector<16xi32>
    tpu.vector_store %arg6[%swap3A_117], %swap3A_120 {strides = array<i32>} : memref<256xi32, #tpu.memory_space<vmem>>, vector<16xi32>,
    %get3A_121 = arith.constant 208 : index
    %get3A_122 = tpu.vector_load %arg6[%get3A_121] {strides = array<i32>} : memref<256xi32, #tpu.memory_space<vmem>>, vector<16xi32>,
    %get3A_123 = vector.shape_cast %get3A_122 : vector<16xi32> to vector<16xi32>
    %sub3A_124 = arith.subi %get3A_123, %gather3A_17 : vector<16xi32>
    %swap3A_125 = arith.constant 208 : index
    %swap3A_126 = tpu.vector_load %arg6[%swap3A_125] {strides = array<i32>} : memref<256xi32, #tpu.memory_space<vmem>>, vector<16xi32>,
    %swap3A_127 = vector.shape_cast %swap3A_126 : vector<16xi32> to vector<16xi32>
    %swap3A_128 = vector.shape_cast %sub3A_124 : vector<16xi32> to vector<16xi32>
    tpu.vector_store %arg6[%swap3A_125], %swap3A_128 {strides = array<i32>} : memref<256xi32, #tpu.memory_space<vmem>>, vector<16xi32>,
    %get3A_129 = arith.constant 224 : index
    %get3A_130 = tpu.vector_load %arg6[%get3A_129] {strides = array<i32>} : memref<256xi32, #tpu.memory_space<vmem>>, vector<16xi32>,
    %get3A_131 = vector.shape_cast %get3A_130 : vector<16xi32> to vector<16xi32>
    %sub3A_132 = arith.subi %get3A_131, %gather3A_17 : vector<16xi32>
    %swap3A_133 = arith.constant 224 : index
    %swap3A_134 = tpu.vector_load %arg6[%swap3A_133] {strides = array<i32>} : memref<256xi32, #tpu.memory_space<vmem>>, vector<16xi32>,
    %swap3A_135 = vector.shape_cast %swap3A_134 : vector<16xi32> to vector<16xi32>
    %swap3A_136 = vector.shape_cast %sub3A_132 : vector<16xi32> to vector<16xi32>
    tpu.vector_store %arg6[%swap3A_133], %swap3A_136 {strides = array<i32>} : memref<256xi32, #tpu.memory_space<vmem>>, vector<16xi32>,
    %get3A_137 = arith.constant 240 : index
    %get3A_138 = tpu.vector_load %arg6[%get3A_137] {strides = array<i32>} : memref<256xi32, #tpu.memory_space<vmem>>, vector<16xi32>,
    %get3A_139 = vector.shape_cast %get3A_138 : vector<16xi32> to vector<16xi32>
    %sub3A_140 = arith.subi %get3A_139, %gather3A_17 : vector<16xi32>
    %swap3A_141 = arith.constant 240 : index
    %swap3A_142 = tpu.vector_load %arg6[%swap3A_141] {strides = array<i32>} : memref<256xi32, #tpu.memory_space<vmem>>, vector<16xi32>,
    %swap3A_143 = vector.shape_cast %swap3A_142 : vector<16xi32> to vector<16xi32>
    %swap3A_144 = vector.shape_cast %sub3A_140 : vector<16xi32> to vector<16xi32>
    tpu.vector_store %arg6[%swap3A_141], %swap3A_144 {strides = array<i32>} : memref<256xi32, #tpu.memory_space<vmem>>, vector<16xi32>,
    %dma_start3A_145 = arith.constant 0 : i32
    %dma_start3A_146 = tpu.memref_slice %arg6[%dma_start3A_145] : memref<256xi32, #tpu.memory_space<vmem>> -> memref<16xi32, #tpu.memory_space<vmem>>
    %dma_start3A_147 = arith.constant 0 : i32
    %dma_start3A_148 = arith.constant 0 : i32
    %dma_start3A_149 = tpu.memref_slice %arg4[%dma_start3A_147, %dma_start3A_148] : memref<50000x768xf32, #tpu.memory_space<hbm>> -> memref<50000x768xf32, #tpu.memory_space<hbm>>
    tpu.enqueue_indirect_dma source(%dma_start3A_149 : memref<50000x768xf32, #tpu.memory_space<hbm>>) target(%arg8 : memref<16x768xf32, #tpu.memory_space<vmem>>) offsets(%dma_start3A_146 : memref<16xi32, #tpu.memory_space<vmem>>) semaphore(%arg12 : memref<!tpu.dma_semaphore, #tpu.memory_space<semaphore_mem>>)
    %scan3A = arith.constant 0 : i32
    %scan3A_150 = arith.constant 0 : i32
    %scan3A_151 = arith.constant 8 : i32
    %scan3A_152 = arith.addi %scan3A_150, %scan3A_151 : i32
    %scan3A_153 = arith.constant 1 : i32
    %scan3A_154 = scf.for %scan3A_163 = %scan3A_150 to %scan3A_152 step %scan3A_153 iter_args(%scan3A_164 = %scan3A) -> (i32)  : i32 {
      %mul3A_165 = arith.constant 2 : i32
      %mul3A_166 = arith.muli %scan3A_163, %mul3A_165 : i32
      %add3A_167 = arith.constant 0 : i32
      %add3A_168 = arith.addi %mul3A_166, %add3A_167 : i32
      %dma_wait3A_169 = arith.constant 0 : i32
      %dma_wait3A_170 = arith.constant 0 : i32
      %dma_wait3A_171 = tpu.memref_slice %arg4[%dma_wait3A_169, %dma_wait3A_170] : memref<50000x768xf32, #tpu.memory_space<hbm>> -> memref<16x768xf32, #tpu.memory_space<hbm>>
      %dma_wait3A_172 = arith.constant 0 : i32
      %dma_wait3A_173 = arith.constant 0 : i32
      %dma_wait3A_174 = tpu.memref_slice %arg4[%dma_wait3A_172, %dma_wait3A_173] : memref<50000x768xf32, #tpu.memory_space<hbm>> -> memref<16x768xf32, #tpu.memory_space<hbm>>
      tpu.wait_dma2 semaphore(%arg12 : memref<!tpu.dma_semaphore, #tpu.memory_space<semaphore_mem>>) src(%dma_wait3A_174 : memref<16x768xf32, #tpu.memory_space<hbm>>) dst(%arg8 : memref<16x768xf32, #tpu.memory_space<vmem>>)
      %dma_wait3A_175 = arith.constant 0 : i32
      %dma_wait3A_176 = arith.constant 0 : i32
      %dma_wait3A_177 = arith.constant 0 : i32
      %dma_wait3A_178 = tpu.memref_slice %arg2[%dma_wait3A_175, %dma_wait3A_176, %dma_wait3A_177] : memref<4x8192x768xf32, #tpu.memory_space<hbm>> -> memref<4x16x768xf32, #tpu.memory_space<hbm>>
      %dma_wait3A_179 = arith.constant 0 : i32
      %dma_wait3A_180 = arith.constant 0 : i32
      %dma_wait3A_181 = arith.constant 0 : i32
      %dma_wait3A_182 = tpu.memref_slice %arg2[%dma_wait3A_179, %dma_wait3A_180, %dma_wait3A_181] : memref<4x8192x768xf32, #tpu.memory_space<hbm>> -> memref<4x16x768xf32, #tpu.memory_space<hbm>>
      tpu.wait_dma2 semaphore(%arg12 : memref<!tpu.dma_semaphore, #tpu.memory_space<semaphore_mem>>) src(%dma_wait3A_182 : memref<4x16x768xf32, #tpu.memory_space<hbm>>) dst(%arg10 : memref<4x16x768xf32, #tpu.memory_space<vmem>>)
      %ge3A = arith.constant 1 : i32
      %ge3A_183 = arith.cmpi sge, %add3A_168, %ge3A : i32
      %convert_element_type3A = arith.extui %ge3A_183 : i1 to i32
      %cond3A = arith.constant 0 : i32
      %cond3A_184 = arith.cmpi ne, %convert_element_type3A, %cond3A : i32
      scf.if %cond3A_184 {
        %dma_wait3A_250 = arith.constant 0 : i32
        %dma_wait3A_251 = arith.constant 0 : i32
        %dma_wait3A_252 = arith.constant 0 : i32
        %dma_wait3A_253 = tpu.memref_slice %arg5[%dma_wait3A_250, %dma_wait3A_251, %dma_wait3A_252] : memref<4x8192x768xf32, #tpu.memory_space<hbm>> -> memref<4x16x768xf32, #tpu.memory_space<hbm>>
        %dma_wait3A_254 = arith.constant 0 : i32
        %dma_wait3A_255 = arith.constant 0 : i32
        %dma_wait3A_256 = arith.constant 0 : i32
        %dma_wait3A_257 = tpu.memref_slice %arg5[%dma_wait3A_254, %dma_wait3A_255, %dma_wait3A_256] : memref<4x8192x768xf32, #tpu.memory_space<hbm>> -> memref<4x16x768xf32, #tpu.memory_space<hbm>>
        tpu.wait_dma2 semaphore(%arg15 : memref<!tpu.dma_semaphore, #tpu.memory_space<semaphore_mem>>) src(%arg11 : memref<4x16x768xf32, #tpu.memory_space<vmem>>) dst(%dma_wait3A_257 : memref<4x16x768xf32, #tpu.memory_space<hbm>>)
      } else {
      }
      %add3A_185 = arith.constant 2 : i32
      %add3A_186 = arith.addi %add3A_168, %add3A_185 : i32
      %sub3A_187 = arith.constant 1 : i32
      %sub3A_188 = arith.subi %add3A_186, %sub3A_187 : i32
      %lt3A_189 = arith.constant 16 : i32
      %lt3A_190 = arith.cmpi slt, %sub3A_188, %lt3A_189 : i32
      %convert_element_type3A_191 = arith.extui %lt3A_190 : i1 to i32
      %cond3A_192 = arith.constant 0 : i32
      %cond3A_193 = arith.cmpi ne, %convert_element_type3A_191, %cond3A_192 : i32
      scf.if %cond3A_193 {
        %add3A_250 = arith.constant 2 : i32
        %add3A_251 = arith.addi %add3A_168, %add3A_250 : i32
        %sub3A_252 = arith.constant 1 : i32
        %sub3A_253 = arith.subi %add3A_251, %sub3A_252 : i32
        %mul3A_254 = arith.constant 16 : i32
        %mul3A_255 = arith.muli %sub3A_253, %mul3A_254 : i32
        %dma_start3A_256 = tpu.memref_slice %arg6[%mul3A_255] : memref<256xi32, #tpu.memory_space<vmem>> -> memref<16xi32, #tpu.memory_space<vmem>>
        %dma_start3A_257 = arith.constant 0 : i32
        %dma_start3A_258 = arith.constant 0 : i32
        %dma_start3A_259 = tpu.memref_slice %arg4[%dma_start3A_257, %dma_start3A_258] : memref<50000x768xf32, #tpu.memory_space<hbm>> -> memref<50000x768xf32, #tpu.memory_space<hbm>>
        tpu.enqueue_indirect_dma source(%dma_start3A_259 : memref<50000x768xf32, #tpu.memory_space<hbm>>) target(%arg9 : memref<16x768xf32, #tpu.memory_space<vmem>>) offsets(%dma_start3A_256 : memref<16xi32, #tpu.memory_space<vmem>>) semaphore(%arg13 : memref<!tpu.dma_semaphore, #tpu.memory_space<semaphore_mem>>)
        %add3A_260 = arith.addi %mul3A_2, %mul3A_255 : i32
        %dma_start3A_261 = arith.constant 0 : i32
        %dma_start3A_262 = arith.constant 0 : i32
        %dma_start3A_263 = tpu.memref_slice %arg2[%dma_start3A_261, %add3A_260, %dma_start3A_262] : memref<4x8192x768xf32, #tpu.memory_space<hbm>> -> memref<4x16x768xf32, #tpu.memory_space<hbm>>
        %dma_start3A_264 = arith.constant 0 : i32
        %dma_start3A_265 = arith.constant 0 : i32
        %dma_start3A_266 = tpu.memref_slice %arg2[%dma_start3A_264, %add3A_260, %dma_start3A_265] : memref<4x8192x768xf32, #tpu.memory_space<hbm>> -> memref<4x16x768xf32, #tpu.memory_space<hbm>>
        tpu.enqueue_dma source(%dma_start3A_266 : memref<4x16x768xf32, #tpu.memory_space<hbm>>) target(%arg11 : memref<4x16x768xf32, #tpu.memory_space<vmem>>) target_semaphore(%arg13 : memref<!tpu.dma_semaphore, #tpu.memory_space<semaphore_mem>>)
      } else {
      }
      %parallel_loop3A = arith.constant 0 : i32
      %parallel_loop3A_194 = arith.constant 16 : i32
      %parallel_loop3A_195 = arith.constant 1 : i32
      scf.for %parallel_loop3A_250 = %parallel_loop3A to %parallel_loop3A_194 step %parallel_loop3A_195  : i32 {
        %parallel_loop3A_251 = arith.index_cast %parallel_loop3A_250 : i32 to index
        %parallel_loop3A_252 = arith.constant 0 : index
        %parallel_loop3A_253 = tpu.vector_load %arg8[%parallel_loop3A_251, %parallel_loop3A_252] {strides = array<i32>} : memref<16x768xf32, #tpu.memory_space<vmem>>, vector<1x16xf32>,
        %parallel_loop3A_254 = vector.shape_cast %parallel_loop3A_253 : vector<1x16xf32> to vector<16xf32>
        %parallel_loop3A_255 = arith.index_cast %parallel_loop3A_250 : i32 to index
        %parallel_loop3A_256 = arith.constant 16 : index
        %parallel_loop3A_257 = tpu.vector_load %arg8[%parallel_loop3A_255, %parallel_loop3A_256] {strides = array<i32>} : memref<16x768xf32, #tpu.memory_space<vmem>>, vector<1x16xf32>,
        %parallel_loop3A_258 = vector.shape_cast %parallel_loop3A_257 : vector<1x16xf32> to vector<16xf32>
        %parallel_loop3A_259 = arith.constant 0 : i32
        %parallel_loop3A_260 = arith.index_cast %parallel_loop3A_259 : i32 to index
        %parallel_loop3A_261 = arith.index_cast %parallel_loop3A_250 : i32 to index
        %parallel_loop3A_262 = arith.constant 0 : index
        %parallel_loop3A_263 = tpu.vector_load %arg10[%parallel_loop3A_260, %parallel_loop3A_261, %parallel_loop3A_262] {strides = array<i32>} : memref<4x16x768xf32, #tpu.memory_space<vmem>>, vector<1x1x16xf32>,
        %parallel_loop3A_264 = vector.shape_cast %parallel_loop3A_263 : vector<1x1x16xf32> to vector<16xf32>
        %parallel_loop3A_265 = vector.shape_cast %parallel_loop3A_254 : vector<16xf32> to vector<1x1x16xf32>
        tpu.vector_store %arg10[%parallel_loop3A_260, %parallel_loop3A_261, %parallel_loop3A_262], %parallel_loop3A_265 {add = true, strides = array<i32>} : memref<4x16x768xf32, #tpu.memory_space<vmem>>, vector<1x1x16xf32>,
        %parallel_loop3A_266 = arith.constant 1 : i32
        %parallel_loop3A_267 = arith.index_cast %parallel_loop3A_266 : i32 to index
        %parallel_loop3A_268 = arith.index_cast %parallel_loop3A_250 : i32 to index
        %parallel_loop3A_269 = arith.constant 0 : index
        %parallel_loop3A_270 = tpu.vector_load %arg10[%parallel_loop3A_267, %parallel_loop3A_268, %parallel_loop3A_269] {strides = array<i32>} : memref<4x16x768xf32, #tpu.memory_space<vmem>>, vector<1x1x16xf32>,
        %parallel_loop3A_271 = vector.shape_cast %parallel_loop3A_270 : vector<1x1x16xf32> to vector<16xf32>
        %parallel_loop3A_272 = vector.shape_cast %parallel_loop3A_254 : vector<16xf32> to vector<1x1x16xf32>
        tpu.vector_store %arg10[%parallel_loop3A_267, %parallel_loop3A_268, %parallel_loop3A_269], %parallel_loop3A_272 {add = true, strides = array<i32>} : memref<4x16x768xf32, #tpu.memory_space<vmem>>, vector<1x1x16xf32>,
        %parallel_loop3A_273 = arith.constant 2 : i32
        %parallel_loop3A_274 = arith.index_cast %parallel_loop3A_273 : i32 to index
        %parallel_loop3A_275 = arith.index_cast %parallel_loop3A_250 : i32 to index
        %parallel_loop3A_276 = arith.constant 0 : index
        %parallel_loop3A_277 = tpu.vector_load %arg10[%parallel_loop3A_274, %parallel_loop3A_275, %parallel_loop3A_276] {strides = array<i32>} : memref<4x16x768xf32, #tpu.memory_space<vmem>>, vector<1x1x16xf32>,
        %parallel_loop3A_278 = vector.shape_cast %parallel_loop3A_277 : vector<1x1x16xf32> to vector<16xf32>
        %parallel_loop3A_279 = vector.shape_cast %parallel_loop3A_254 : vector<16xf32> to vector<1x1x16xf32>
        tpu.vector_store %arg10[%parallel_loop3A_274, %parallel_loop3A_275, %parallel_loop3A_276], %parallel_loop3A_279 {add = true, strides = array<i32>} : memref<4x16x768xf32, #tpu.memory_space<vmem>>, vector<1x1x16xf32>,
        %parallel_loop3A_280 = arith.constant 3 : i32
        %parallel_loop3A_281 = arith.index_cast %parallel_loop3A_280 : i32 to index
        %parallel_loop3A_282 = arith.index_cast %parallel_loop3A_250 : i32 to index
        %parallel_loop3A_283 = arith.constant 0 : index
        %parallel_loop3A_284 = tpu.vector_load %arg10[%parallel_loop3A_281, %parallel_loop3A_282, %parallel_loop3A_283] {strides = array<i32>} : memref<4x16x768xf32, #tpu.memory_space<vmem>>, vector<1x1x16xf32>,
        %parallel_loop3A_285 = vector.shape_cast %parallel_loop3A_284 : vector<1x1x16xf32> to vector<16xf32>
        %parallel_loop3A_286 = vector.shape_cast %parallel_loop3A_254 : vector<16xf32> to vector<1x1x16xf32>
        tpu.vector_store %arg10[%parallel_loop3A_281, %parallel_loop3A_282, %parallel_loop3A_283], %parallel_loop3A_286 {add = true, strides = array<i32>} : memref<4x16x768xf32, #tpu.memory_space<vmem>>, vector<1x1x16xf32>,
        %parallel_loop3A_287 = arith.index_cast %parallel_loop3A_250 : i32 to index
        %parallel_loop3A_288 = arith.constant 32 : index
        %parallel_loop3A_289 = tpu.vector_load %arg8[%parallel_loop3A_287, %parallel_loop3A_288] {strides = array<i32>} : memref<16x768xf32, #tpu.memory_space<vmem>>, vector<1x16xf32>,
        %parallel_loop3A_290 = vector.shape_cast %parallel_loop3A_289 : vector<1x16xf32> to vector<16xf32>
        %parallel_loop3A_291 = arith.constant 0 : i32
        %parallel_loop3A_292 = arith.index_cast %parallel_loop3A_291 : i32 to index
        %parallel_loop3A_293 = arith.index_cast %parallel_loop3A_250 : i32 to index
        %parallel_loop3A_294 = arith.constant 16 : index
        %parallel_loop3A_295 = tpu.vector_load %arg10[%parallel_loop3A_292, %parallel_loop3A_293, %parallel_loop3A_294] {strides = array<i32>} : memref<4x16x768xf32, #tpu.memory_space<vmem>>, vector<1x1x16xf32>,
        %parallel_loop3A_296 = vector.shape_cast %parallel_loop3A_295 : vector<1x1x16xf32> to vector<16xf32>
        %parallel_loop3A_297 = vector.shape_cast %parallel_loop3A_258 : vector<16xf32> to vector<1x1x16xf32>
        tpu.vector_store %arg10[%parallel_loop3A_292, %parallel_loop3A_293, %parallel_loop3A_294], %parallel_loop3A_297 {add = true, strides = array<i32>} : memref<4x16x768xf32, #tpu.memory_space<vmem>>, vector<1x1x16xf32>,
        %parallel_loop3A_298 = arith.constant 1 : i32
        %parallel_loop3A_299 = arith.index_cast %parallel_loop3A_298 : i32 to index
        %parallel_loop3A_300 = arith.index_cast %parallel_loop3A_250 : i32 to index
        %parallel_loop3A_301 = arith.constant 16 : index
        %parallel_loop3A_302 = tpu.vector_load %arg10[%parallel_loop3A_299, %parallel_loop3A_300, %parallel_loop3A_301] {strides = array<i32>} : memref<4x16x768xf32, #tpu.memory_space<vmem>>, vector<1x1x16xf32>,
        %parallel_loop3A_303 = vector.shape_cast %parallel_loop3A_302 : vector<1x1x16xf32> to vector<16xf32>
        %parallel_loop3A_304 = vector.shape_cast %parallel_loop3A_258 : vector<16xf32> to vector<1x1x16xf32>
        tpu.vector_store %arg10[%parallel_loop3A_299, %parallel_loop3A_300, %parallel_loop3A_301], %parallel_loop3A_304 {add = true, strides = array<i32>} : memref<4x16x768xf32, #tpu.memory_space<vmem>>, vector<1x1x16xf32>,
        %parallel_loop3A_305 = arith.constant 2 : i32
        %parallel_loop3A_306 = arith.index_cast %parallel_loop3A_305 : i32 to index
        %parallel_loop3A_307 = arith.index_cast %parallel_loop3A_250 : i32 to index
        %parallel_loop3A_308 = arith.constant 16 : index
        %parallel_loop3A_309 = tpu.vector_load %arg10[%parallel_loop3A_306, %parallel_loop3A_307, %parallel_loop3A_308] {strides = array<i32>} : memref<4x16x768xf32, #tpu.memory_space<vmem>>, vector<1x1x16xf32>,
        %parallel_loop3A_310 = vector.shape_cast %parallel_loop3A_309 : vector<1x1x16xf32> to vector<16xf32>
        %parallel_loop3A_311 = vector.shape_cast %parallel_loop3A_258 : vector<16xf32> to vector<1x1x16xf32>
        tpu.vector_store %arg10[%parallel_loop3A_306, %parallel_loop3A_307, %parallel_loop3A_308], %parallel_loop3A_311 {add = true, strides = array<i32>} : memref<4x16x768xf32, #tpu.memory_space<vmem>>, vector<1x1x16xf32>,
        %parallel_loop3A_312 = arith.constant 3 : i32
        %parallel_loop3A_313 = arith.index_cast %parallel_loop3A_312 : i32 to index
        %parallel_loop3A_314 = arith.index_cast %parallel_loop3A_250 : i32 to index
        %parallel_loop3A_315 = arith.constant 16 : index
        %parallel_loop3A_316 = tpu.vector_load %arg10[%parallel_loop3A_313, %parallel_loop3A_314, %parallel_loop3A_315] {strides = array<i32>} : memref<4x16x768xf32, #tpu.memory_space<vmem>>, vector<1x1x16xf32>,
        %parallel_loop3A_317 = vector.shape_cast %parallel_loop3A_316 : vector<1x1x16xf32> to vector<16xf32>
        %parallel_loop3A_318 = vector.shape_cast %parallel_loop3A_258 : vector<16xf32> to vector<1x1x16xf32>
        tpu.vector_store %arg10[%parallel_loop3A_313, %parallel_loop3A_314, %parallel_loop3A_315], %parallel_loop3A_318 {add = true, strides = array<i32>} : memref<4x16x768xf32, #tpu.memory_space<vmem>>, vector<1x1x16xf32>,
        %parallel_loop3A_319 = arith.index_cast %parallel_loop3A_250 : i32 to index
        %parallel_loop3A_320 = arith.constant 48 : index
        %parallel_loop3A_321 = tpu.vector_load %arg8[%parallel_loop3A_319, %parallel_loop3A_320] {strides = array<i32>} : memref<16x768xf32, #tpu.memory_space<vmem>>, vector<1x16xf32>,
        %parallel_loop3A_322 = vector.shape_cast %parallel_loop3A_321 : vector<1x16xf32> to vector<16xf32>
        %parallel_loop3A_323 = arith.constant 0 : i32
        %parallel_loop3A_324 = arith.index_cast %parallel_loop3A_323 : i32 to index
        %parallel_loop3A_325 = arith.index_cast %parallel_loop3A_250 : i32 to index
        %parallel_loop3A_326 = arith.constant 32 : index
        %parallel_loop3A_327 = tpu.vector_load %arg10[%parallel_loop3A_324, %parallel_loop3A_325, %parallel_loop3A_326] {strides = array<i32>} : memref<4x16x768xf32, #tpu.memory_space<vmem>>, vector<1x1x16xf32>,
        %parallel_loop3A_328 = vector.shape_cast %parallel_loop3A_327 : vector<1x1x16xf32> to vector<16xf32>
        %parallel_loop3A_329 = vector.shape_cast %parallel_loop3A_290 : vector<16xf32> to vector<1x1x16xf32>
        tpu.vector_store %arg10[%parallel_loop3A_324, %parallel_loop3A_325, %parallel_loop3A_326], %parallel_loop3A_329 {add = true, strides = array<i32>} : memref<4x16x768xf32, #tpu.memory_space<vmem>>, vector<1x1x16xf32>,
        %parallel_loop3A_330 = arith.constant 1 : i32
        %parallel_loop3A_331 = arith.index_cast %parallel_loop3A_330 : i32 to index
        %parallel_loop3A_332 = arith.index_cast %parallel_loop3A_250 : i32 to index
        %parallel_loop3A_333 = arith.constant 32 : index
        %parallel_loop3A_334 = tpu.vector_load %arg10[%parallel_loop3A_331, %parallel_loop3A_332, %parallel_loop3A_333] {strides = array<i32>} : memref<4x16x768xf32, #tpu.memory_space<vmem>>, vector<1x1x16xf32>,
        %parallel_loop3A_335 = vector.shape_cast %parallel_loop3A_334 : vector<1x1x16xf32> to vector<16xf32>
        %parallel_loop3A_336 = vector.shape_cast %parallel_loop3A_290 : vector<16xf32> to vector<1x1x16xf32>
        tpu.vector_store %arg10[%parallel_loop3A_331, %parallel_loop3A_332, %parallel_loop3A_333], %parallel_loop3A_336 {add = true, strides = array<i32>} : memref<4x16x768xf32, #tpu.memory_space<vmem>>, vector<1x1x16xf32>,
        %parallel_loop3A_337 = arith.constant 2 : i32
        %parallel_loop3A_338 = arith.index_cast %parallel_loop3A_337 : i32 to index
        %parallel_loop3A_339 = arith.index_cast %parallel_loop3A_250 : i32 to index
        %parallel_loop3A_340 = arith.constant 32 : index
        %parallel_loop3A_341 = tpu.vector_load %arg10[%parallel_loop3A_338, %parallel_loop3A_339, %parallel_loop3A_340] {strides = array<i32>} : memref<4x16x768xf32, #tpu.memory_space<vmem>>, vector<1x1x16xf32>,
        %parallel_loop3A_342 = vector.shape_cast %parallel_loop3A_341 : vector<1x1x16xf32> to vector<16xf32>
        %parallel_loop3A_343 = vector.shape_cast %parallel_loop3A_290 : vector<16xf32> to vector<1x1x16xf32>
        tpu.vector_store %arg10[%parallel_loop3A_338, %parallel_loop3A_339, %parallel_loop3A_340], %parallel_loop3A_343 {add = true, strides = array<i32>} : memref<4x16x768xf32, #tpu.memory_space<vmem>>, vector<1x1x16xf32>,
        %parallel_loop3A_344 = arith.constant 3 : i32
        %parallel_loop3A_345 = arith.index_cast %parallel_loop3A_344 : i32 to index
        %parallel_loop3A_346 = arith.index_cast %parallel_loop3A_250 : i32 to index
        %parallel_loop3A_347 = arith.constant 32 : index
        %parallel_loop3A_348 = tpu.vector_load %arg10[%parallel_loop3A_345, %parallel_loop3A_346, %parallel_loop3A_347] {strides = array<i32>} : memref<4x16x768xf32, #tpu.memory_space<vmem>>, vector<1x1x16xf32>,
        %parallel_loop3A_349 = vector.shape_cast %parallel_loop3A_348 : vector<1x1x16xf32> to vector<16xf32>
        %parallel_loop3A_350 = vector.shape_cast %parallel_loop3A_290 : vector<16xf32> to vector<1x1x16xf32>
        tpu.vector_store %arg10[%parallel_loop3A_345, %parallel_loop3A_346, %parallel_loop3A_347], %parallel_loop3A_350 {add = true, strides = array<i32>} : memref<4x16x768xf32, #tpu.memory_space<vmem>>, vector<1x1x16xf32>,
        %parallel_loop3A_351 = arith.index_cast %parallel_loop3A_250 : i32 to index
        %parallel_loop3A_352 = arith.constant 64 : index
        %parallel_loop3A_353 = tpu.vector_load %arg8[%parallel_loop3A_351, %parallel_loop3A_352] {strides = array<i32>} : memref<16x768xf32, #tpu.memory_space<vmem>>, vector<1x16xf32>,
        %parallel_loop3A_354 = vector.shape_cast %parallel_loop3A_353 : vector<1x16xf32> to vector<16xf32>
        %parallel_loop3A_355 = arith.constant 0 : i32
        %parallel_loop3A_356 = arith.index_cast %parallel_loop3A_355 : i32 to index
        %parallel_loop3A_357 = arith.index_cast %parallel_loop3A_250 : i32 to index
        %parallel_loop3A_358 = arith.constant 48 : index
        %parallel_loop3A_359 = tpu.vector_load %arg10[%parallel_loop3A_356, %parallel_loop3A_357, %parallel_loop3A_358] {strides = array<i32>} : memref<4x16x768xf32, #tpu.memory_space<vmem>>, vector<1x1x16xf32>,
        %parallel_loop3A_360 = vector.shape_cast %parallel_loop3A_359 : vector<1x1x16xf32> to vector<16xf32>
        %parallel_loop3A_361 = vector.shape_cast %parallel_loop3A_322 : vector<16xf32> to vector<1x1x16xf32>
        tpu.vector_store %arg10[%parallel_loop3A_356, %parallel_loop3A_357, %parallel_loop3A_358], %parallel_loop3A_361 {add = true, strides = array<i32>} : memref<4x16x768xf32, #tpu.memory_space<vmem>>, vector<1x1x16xf32>,
        %parallel_loop3A_362 = arith.constant 1 : i32
        %parallel_loop3A_363 = arith.index_cast %parallel_loop3A_362 : i32 to index
        %parallel_loop3A_364 = arith.index_cast %parallel_loop3A_250 : i32 to index
        %parallel_loop3A_365 = arith.constant 48 : index
        %parallel_loop3A_366 = tpu.vector_load %arg10[%parallel_loop3A_363, %parallel_loop3A_364, %parallel_loop3A_365] {strides = array<i32>} : memref<4x16x768xf32, #tpu.memory_space<vmem>>, vector<1x1x16xf32>,
        %parallel_loop3A_367 = vector.shape_cast %parallel_loop3A_366 : vector<1x1x16xf32> to vector<16xf32>
        %parallel_loop3A_368 = vector.shape_cast %parallel_loop3A_322 : vector<16xf32> to vector<1x1x16xf32>
        tpu.vector_store %arg10[%parallel_loop3A_363, %parallel_loop3A_364, %parallel_loop3A_365], %parallel_loop3A_368 {add = true, strides = array<i32>} : memref<4x16x768xf32, #tpu.memory_space<vmem>>, vector<1x1x16xf32>,
        %parallel_loop3A_369 = arith.constant 2 : i32
        %parallel_loop3A_370 = arith.index_cast %parallel_loop3A_369 : i32 to index
        %parallel_loop3A_371 = arith.index_cast %parallel_loop3A_250 : i32 to index
        %parallel_loop3A_372 = arith.constant 48 : index
        %parallel_loop3A_373 = tpu.vector_load %arg10[%parallel_loop3A_370, %parallel_loop3A_371, %parallel_loop3A_372] {strides = array<i32>} : memref<4x16x768xf32, #tpu.memory_space<vmem>>, vector<1x1x16xf32>,
        %parallel_loop3A_374 = vector.shape_cast %parallel_loop3A_373 : vector<1x1x16xf32> to vector<16xf32>
        %parallel_loop3A_375 = vector.shape_cast %parallel_loop3A_322 : vector<16xf32> to vector<1x1x16xf32>
        tpu.vector_store %arg10[%parallel_loop3A_370, %parallel_loop3A_371, %parallel_loop3A_372], %parallel_loop3A_375 {add = true, strides = array<i32>} : memref<4x16x768xf32, #tpu.memory_space<vmem>>, vector<1x1x16xf32>,
        %parallel_loop3A_376 = arith.constant 3 : i32
        %parallel_loop3A_377 = arith.index_cast %parallel_loop3A_376 : i32 to index
        %parallel_loop3A_378 = arith.index_cast %parallel_loop3A_250 : i32 to index
        %parallel_loop3A_379 = arith.constant 48 : index
        %parallel_loop3A_380 = tpu.vector_load %arg10[%parallel_loop3A_377, %parallel_loop3A_378, %parallel_loop3A_379] {strides = array<i32>} : memref<4x16x768xf32, #tpu.memory_space<vmem>>, vector<1x1x16xf32>,
        %parallel_loop3A_381 = vector.shape_cast %parallel_loop3A_380 : vector<1x1x16xf32> to vector<16xf32>
        %parallel_loop3A_382 = vector.shape_cast %parallel_loop3A_322 : vector<16xf32> to vector<1x1x16xf32>
        tpu.vector_store %arg10[%parallel_loop3A_377, %parallel_loop3A_378, %parallel_loop3A_379], %parallel_loop3A_382 {add = true, strides = array<i32>} : memref<4x16x768xf32, #tpu.memory_space<vmem>>, vector<1x1x16xf32>,
        %parallel_loop3A_383 = arith.index_cast %parallel_loop3A_250 : i32 to index
        %parallel_loop3A_384 = arith.constant 80 : index
        %parallel_loop3A_385 = tpu.vector_load %arg8[%parallel_loop3A_383, %parallel_loop3A_384] {strides = array<i32>} : memref<16x768xf32, #tpu.memory_space<vmem>>, vector<1x16xf32>,
        %parallel_loop3A_386 = vector.shape_cast %parallel_loop3A_385 : vector<1x16xf32> to vector<16xf32>
        %parallel_loop3A_387 = arith.constant 0 : i32
        %parallel_loop3A_388 = arith.index_cast %parallel_loop3A_387 : i32 to index
        %parallel_loop3A_389 = arith.index_cast %parallel_loop3A_250 : i32 to index
        %parallel_loop3A_390 = arith.constant 64 : index
        %parallel_loop3A_391 = tpu.vector_load %arg10[%parallel_loop3A_388, %parallel_loop3A_389, %parallel_loop3A_390] {strides = array<i32>} : memref<4x16x768xf32, #tpu.memory_space<vmem>>, vector<1x1x16xf32>,
        %parallel_loop3A_392 = vector.shape_cast %parallel_loop3A_391 : vector<1x1x16xf32> to vector<16xf32>
        %parallel_loop3A_393 = vector.shape_cast %parallel_loop3A_354 : vector<16xf32> to vector<1x1x16xf32>
        tpu.vector_store %arg10[%parallel_loop3A_388, %parallel_loop3A_389, %parallel_loop3A_390], %parallel_loop3A_393 {add = true, strides = array<i32>} : memref<4x16x768xf32, #tpu.memory_space<vmem>>, vector<1x1x16xf32>,
        %parallel_loop3A_394 = arith.constant 1 : i32
        %parallel_loop3A_395 = arith.index_cast %parallel_loop3A_394 : i32 to index
        %parallel_loop3A_396 = arith.index_cast %parallel_loop3A_250 : i32 to index
        %parallel_loop3A_397 = arith.constant 64 : index
        %parallel_loop3A_398 = tpu.vector_load %arg10[%parallel_loop3A_395, %parallel_loop3A_396, %parallel_loop3A_397] {strides = array<i32>} : memref<4x16x768xf32, #tpu.memory_space<vmem>>, vector<1x1x16xf32>,
        %parallel_loop3A_399 = vector.shape_cast %parallel_loop3A_398 : vector<1x1x16xf32> to vector<16xf32>
        %parallel_loop3A_400 = vector.shape_cast %parallel_loop3A_354 : vector<16xf32> to vector<1x1x16xf32>
        tpu.vector_store %arg10[%parallel_loop3A_395, %parallel_loop3A_396, %parallel_loop3A_397], %parallel_loop3A_400 {add = true, strides = array<i32>} : memref<4x16x768xf32, #tpu.memory_space<vmem>>, vector<1x1x16xf32>,
        %parallel_loop3A_401 = arith.constant 2 : i32
        %parallel_loop3A_402 = arith.index_cast %parallel_loop3A_401 : i32 to index
        %parallel_loop3A_403 = arith.index_cast %parallel_loop3A_250 : i32 to index
        %parallel_loop3A_404 = arith.constant 64 : index
        %parallel_loop3A_405 = tpu.vector_load %arg10[%parallel_loop3A_402, %parallel_loop3A_403, %parallel_loop3A_404] {strides = array<i32>} : memref<4x16x768xf32, #tpu.memory_space<vmem>>, vector<1x1x16xf32>,
        %parallel_loop3A_406 = vector.shape_cast %parallel_loop3A_405 : vector<1x1x16xf32> to vector<16xf32>
        %parallel_loop3A_407 = vector.shape_cast %parallel_loop3A_354 : vector<16xf32> to vector<1x1x16xf32>
        tpu.vector_store %arg10[%parallel_loop3A_402, %parallel_loop3A_403, %parallel_loop3A_404], %parallel_loop3A_407 {add = true, strides = array<i32>} : memref<4x16x768xf32, #tpu.memory_space<vmem>>, vector<1x1x16xf32>,
        %parallel_loop3A_408 = arith.constant 3 : i32
        %parallel_loop3A_409 = arith.index_cast %parallel_loop3A_408 : i32 to index
        %parallel_loop3A_410 = arith.index_cast %parallel_loop3A_250 : i32 to index
        %parallel_loop3A_411 = arith.constant 64 : index
        %parallel_loop3A_412 = tpu.vector_load %arg10[%parallel_loop3A_409, %parallel_loop3A_410, %parallel_loop3A_411] {strides = array<i32>} : memref<4x16x768xf32, #tpu.memory_space<vmem>>, vector<1x1x16xf32>,
        %parallel_loop3A_413 = vector.shape_cast %parallel_loop3A_412 : vector<1x1x16xf32> to vector<16xf32>
        %parallel_loop3A_414 = vector.shape_cast %parallel_loop3A_354 : vector<16xf32> to vector<1x1x16xf32>
        tpu.vector_store %arg10[%parallel_loop3A_409, %parallel_loop3A_410, %parallel_loop3A_411], %parallel_loop3A_414 {add = true, strides = array<i32>} : memref<4x16x768xf32, #tpu.memory_space<vmem>>, vector<1x1x16xf32>,
        %parallel_loop3A_415 = arith.index_cast %parallel_loop3A_250 : i32 to index
        %parallel_loop3A_416 = arith.constant 96 : index
        %parallel_loop3A_417 = tpu.vector_load %arg8[%parallel_loop3A_415, %parallel_loop3A_416] {strides = array<i32>} : memref<16x768xf32, #tpu.memory_space<vmem>>, vector<1x16xf32>,
        %parallel_loop3A_418 = vector.shape_cast %parallel_loop3A_417 : vector<1x16xf32> to vector<16xf32>
        %parallel_loop3A_419 = arith.constant 0 : i32
        %parallel_loop3A_420 = arith.index_cast %parallel_loop3A_419 : i32 to index
        %parallel_loop3A_421 = arith.index_cast %parallel_loop3A_250 : i32 to index
        %parallel_loop3A_422 = arith.constant 80 : index
        %parallel_loop3A_423 = tpu.vector_load %arg10[%parallel_loop3A_420, %parallel_loop3A_421, %parallel_loop3A_422] {strides = array<i32>} : memref<4x16x768xf32, #tpu.memory_space<vmem>>, vector<1x1x16xf32>,
        %parallel_loop3A_424 = vector.shape_cast %parallel_loop3A_423 : vector<1x1x16xf32> to vector<16xf32>
        %parallel_loop3A_425 = vector.shape_cast %parallel_loop3A_386 : vector<16xf32> to vector<1x1x16xf32>
        tpu.vector_store %arg10[%parallel_loop3A_420, %parallel_loop3A_421, %parallel_loop3A_422], %parallel_loop3A_425 {add = true, strides = array<i32>} : memref<4x16x768xf32, #tpu.memory_space<vmem>>, vector<1x1x16xf32>,
        %parallel_loop3A_426 = arith.constant 1 : i32
        %parallel_loop3A_427 = arith.index_cast %parallel_loop3A_426 : i32 to index
        %parallel_loop3A_428 = arith.index_cast %parallel_loop3A_250 : i32 to index
        %parallel_loop3A_429 = arith.constant 80 : index
        %parallel_loop3A_430 = tpu.vector_load %arg10[%parallel_loop3A_427, %parallel_loop3A_428, %parallel_loop3A_429] {strides = array<i32>} : memref<4x16x768xf32, #tpu.memory_space<vmem>>, vector<1x1x16xf32>,
        %parallel_loop3A_431 = vector.shape_cast %parallel_loop3A_430 : vector<1x1x16xf32> to vector<16xf32>
        %parallel_loop3A_432 = vector.shape_cast %parallel_loop3A_386 : vector<16xf32> to vector<1x1x16xf32>
        tpu.vector_store %arg10[%parallel_loop3A_427, %parallel_loop3A_428, %parallel_loop3A_429], %parallel_loop3A_432 {add = true, strides = array<i32>} : memref<4x16x768xf32, #tpu.memory_space<vmem>>, vector<1x1x16xf32>,
        %parallel_loop3A_433 = arith.constant 2 : i32
        %parallel_loop3A_434 = arith.index_cast %parallel_loop3A_433 : i32 to index
        %parallel_loop3A_435 = arith.index_cast %parallel_loop3A_250 : i32 to index
        %parallel_loop3A_436 = arith.constant 80 : index
        %parallel_loop3A_437 = tpu.vector_load %arg10[%parallel_loop3A_434, %parallel_loop3A_435, %parallel_loop3A_436] {strides = array<i32>} : memref<4x16x768xf32, #tpu.memory_space<vmem>>, vector<1x1x16xf32>,
        %parallel_loop3A_438 = vector.shape_cast %parallel_loop3A_437 : vector<1x1x16xf32> to vector<16xf32>
        %parallel_loop3A_439 = vector.shape_cast %parallel_loop3A_386 : vector<16xf32> to vector<1x1x16xf32>
        tpu.vector_store %arg10[%parallel_loop3A_434, %parallel_loop3A_435, %parallel_loop3A_436], %parallel_loop3A_439 {add = true, strides = array<i32>} : memref<4x16x768xf32, #tpu.memory_space<vmem>>, vector<1x1x16xf32>,
        %parallel_loop3A_440 = arith.constant 3 : i32
        %parallel_loop3A_441 = arith.index_cast %parallel_loop3A_440 : i32 to index
        %parallel_loop3A_442 = arith.index_cast %parallel_loop3A_250 : i32 to index
        %parallel_loop3A_443 = arith.constant 80 : index
        %parallel_loop3A_444 = tpu.vector_load %arg10[%parallel_loop3A_441, %parallel_loop3A_442, %parallel_loop3A_443] {strides = array<i32>} : memref<4x16x768xf32, #tpu.memory_space<vmem>>, vector<1x1x16xf32>,
        %parallel_loop3A_445 = vector.shape_cast %parallel_loop3A_444 : vector<1x1x16xf32> to vector<16xf32>
        %parallel_loop3A_446 = vector.shape_cast %parallel_loop3A_386 : vector<16xf32> to vector<1x1x16xf32>
        tpu.vector_store %arg10[%parallel_loop3A_441, %parallel_loop3A_442, %parallel_loop3A_443], %parallel_loop3A_446 {add = true, strides = array<i32>} : memref<4x16x768xf32, #tpu.memory_space<vmem>>, vector<1x1x16xf32>,
        %parallel_loop3A_447 = arith.index_cast %parallel_loop3A_250 : i32 to index
        %parallel_loop3A_448 = arith.constant 112 : index
        %parallel_loop3A_449 = tpu.vector_load %arg8[%parallel_loop3A_447, %parallel_loop3A_448] {strides = array<i32>} : memref<16x768xf32, #tpu.memory_space<vmem>>, vector<1x16xf32>,
        %parallel_loop3A_450 = vector.shape_cast %parallel_loop3A_449 : vector<1x16xf32> to vector<16xf32>
        %parallel_loop3A_451 = arith.constant 0 : i32
        %parallel_loop3A_452 = arith.index_cast %parallel_loop3A_451 : i32 to index
        %parallel_loop3A_453 = arith.index_cast %parallel_loop3A_250 : i32 to index
        %parallel_loop3A_454 = arith.constant 96 : index
        %parallel_loop3A_455 = tpu.vector_load %arg10[%parallel_loop3A_452, %parallel_loop3A_453, %parallel_loop3A_454] {strides = array<i32>} : memref<4x16x768xf32, #tpu.memory_space<vmem>>, vector<1x1x16xf32>,
        %parallel_loop3A_456 = vector.shape_cast %parallel_loop3A_455 : vector<1x1x16xf32> to vector<16xf32>
        %parallel_loop3A_457 = vector.shape_cast %parallel_loop3A_418 : vector<16xf32> to vector<1x1x16xf32>
        tpu.vector_store %arg10[%parallel_loop3A_452, %parallel_loop3A_453, %parallel_loop3A_454], %parallel_loop3A_457 {add = true, strides = array<i32>} : memref<4x16x768xf32, #tpu.memory_space<vmem>>, vector<1x1x16xf32>,
        %parallel_loop3A_458 = arith.constant 1 : i32
        %parallel_loop3A_459 = arith.index_cast %parallel_loop3A_458 : i32 to index
        %parallel_loop3A_460 = arith.index_cast %parallel_loop3A_250 : i32 to index
        %parallel_loop3A_461 = arith.constant 96 : index
        %parallel_loop3A_462 = tpu.vector_load %arg10[%parallel_loop3A_459, %parallel_loop3A_460, %parallel_loop3A_461] {strides = array<i32>} : memref<4x16x768xf32, #tpu.memory_space<vmem>>, vector<1x1x16xf32>,
        %parallel_loop3A_463 = vector.shape_cast %parallel_loop3A_462 : vector<1x1x16xf32> to vector<16xf32>
        %parallel_loop3A_464 = vector.shape_cast %parallel_loop3A_418 : vector<16xf32> to vector<1x1x16xf32>
        tpu.vector_store %arg10[%parallel_loop3A_459, %parallel_loop3A_460, %parallel_loop3A_461], %parallel_loop3A_464 {add = true, strides = array<i32>} : memref<4x16x768xf32, #tpu.memory_space<vmem>>, vector<1x1x16xf32>,
        %parallel_loop3A_465 = arith.constant 2 : i32
        %parallel_loop3A_466 = arith.index_cast %parallel_loop3A_465 : i32 to index
        %parallel_loop3A_467 = arith.index_cast %parallel_loop3A_250 : i32 to index
        %parallel_loop3A_468 = arith.constant 96 : index
        %parallel_loop3A_469 = tpu.vector_load %arg10[%parallel_loop3A_466, %parallel_loop3A_467, %parallel_loop3A_468] {strides = array<i32>} : memref<4x16x768xf32, #tpu.memory_space<vmem>>, vector<1x1x16xf32>,
        %parallel_loop3A_470 = vector.shape_cast %parallel_loop3A_469 : vector<1x1x16xf32> to vector<16xf32>
        %parallel_loop3A_471 = vector.shape_cast %parallel_loop3A_418 : vector<16xf32> to vector<1x1x16xf32>
        tpu.vector_store %arg10[%parallel_loop3A_466, %parallel_loop3A_467, %parallel_loop3A_468], %parallel_loop3A_471 {add = true, strides = array<i32>} : memref<4x16x768xf32, #tpu.memory_space<vmem>>, vector<1x1x16xf32>,
        %parallel_loop3A_472 = arith.constant 3 : i32
        %parallel_loop3A_473 = arith.index_cast %parallel_loop3A_472 : i32 to index
        %parallel_loop3A_474 = arith.index_cast %parallel_loop3A_250 : i32 to index
        %parallel_loop3A_475 = arith.constant 96 : index
        %parallel_loop3A_476 = tpu.vector_load %arg10[%parallel_loop3A_473, %parallel_loop3A_474, %parallel_loop3A_475] {strides = array<i32>} : memref<4x16x768xf32, #tpu.memory_space<vmem>>, vector<1x1x16xf32>,
        %parallel_loop3A_477 = vector.shape_cast %parallel_loop3A_476 : vector<1x1x16xf32> to vector<16xf32>
        %parallel_loop3A_478 = vector.shape_cast %parallel_loop3A_418 : vector<16xf32> to vector<1x1x16xf32>
        tpu.vector_store %arg10[%parallel_loop3A_473, %parallel_loop3A_474, %parallel_loop3A_475], %parallel_loop3A_478 {add = true, strides = array<i32>} : memref<4x16x768xf32, #tpu.memory_space<vmem>>, vector<1x1x16xf32>,
        %parallel_loop3A_479 = arith.index_cast %parallel_loop3A_250 : i32 to index
        %parallel_loop3A_480 = arith.constant 128 : index
        %parallel_loop3A_481 = tpu.vector_load %arg8[%parallel_loop3A_479, %parallel_loop3A_480] {strides = array<i32>} : memref<16x768xf32, #tpu.memory_space<vmem>>, vector<1x16xf32>,
        %parallel_loop3A_482 = vector.shape_cast %parallel_loop3A_481 : vector<1x16xf32> to vector<16xf32>
        %parallel_loop3A_483 = arith.constant 0 : i32
        %parallel_loop3A_484 = arith.index_cast %parallel_loop3A_483 : i32 to index
        %parallel_loop3A_485 = arith.index_cast %parallel_loop3A_250 : i32 to index
        %parallel_loop3A_486 = arith.constant 112 : index
        %parallel_loop3A_487 = tpu.vector_load %arg10[%parallel_loop3A_484, %parallel_loop3A_485, %parallel_loop3A_486] {strides = array<i32>} : memref<4x16x768xf32, #tpu.memory_space<vmem>>, vector<1x1x16xf32>,
        %parallel_loop3A_488 = vector.shape_cast %parallel_loop3A_487 : vector<1x1x16xf32> to vector<16xf32>
        %parallel_loop3A_489 = vector.shape_cast %parallel_loop3A_450 : vector<16xf32> to vector<1x1x16xf32>
        tpu.vector_store %arg10[%parallel_loop3A_484, %parallel_loop3A_485, %parallel_loop3A_486], %parallel_loop3A_489 {add = true, strides = array<i32>} : memref<4x16x768xf32, #tpu.memory_space<vmem>>, vector<1x1x16xf32>,
        %parallel_loop3A_490 = arith.constant 1 : i32
        %parallel_loop3A_491 = arith.index_cast %parallel_loop3A_490 : i32 to index
        %parallel_loop3A_492 = arith.index_cast %parallel_loop3A_250 : i32 to index
        %parallel_loop3A_493 = arith.constant 112 : index
        %parallel_loop3A_494 = tpu.vector_load %arg10[%parallel_loop3A_491, %parallel_loop3A_492, %parallel_loop3A_493] {strides = array<i32>} : memref<4x16x768xf32, #tpu.memory_space<vmem>>, vector<1x1x16xf32>,
        %parallel_loop3A_495 = vector.shape_cast %parallel_loop3A_494 : vector<1x1x16xf32> to vector<16xf32>
        %parallel_loop3A_496 = vector.shape_cast %parallel_loop3A_450 : vector<16xf32> to vector<1x1x16xf32>
        tpu.vector_store %arg10[%parallel_loop3A_491, %parallel_loop3A_492, %parallel_loop3A_493], %parallel_loop3A_496 {add = true, strides = array<i32>} : memref<4x16x768xf32, #tpu.memory_space<vmem>>, vector<1x1x16xf32>,
        %parallel_loop3A_497 = arith.constant 2 : i32
        %parallel_loop3A_498 = arith.index_cast %parallel_loop3A_497 : i32 to index
        %parallel_loop3A_499 = arith.index_cast %parallel_loop3A_250 : i32 to index
        %parallel_loop3A_500 = arith.constant 112 : index
        %parallel_loop3A_501 = tpu.vector_load %arg10[%parallel_loop3A_498, %parallel_loop3A_499, %parallel_loop3A_500] {strides = array<i32>} : memref<4x16x768xf32, #tpu.memory_space<vmem>>, vector<1x1x16xf32>,
        %parallel_loop3A_502 = vector.shape_cast %parallel_loop3A_501 : vector<1x1x16xf32> to vector<16xf32>
        %parallel_loop3A_503 = vector.shape_cast %parallel_loop3A_450 : vector<16xf32> to vector<1x1x16xf32>
        tpu.vector_store %arg10[%parallel_loop3A_498, %parallel_loop3A_499, %parallel_loop3A_500], %parallel_loop3A_503 {add = true, strides = array<i32>} : memref<4x16x768xf32, #tpu.memory_space<vmem>>, vector<1x1x16xf32>,
        %parallel_loop3A_504 = arith.constant 3 : i32
        %parallel_loop3A_505 = arith.index_cast %parallel_loop3A_504 : i32 to index
        %parallel_loop3A_506 = arith.index_cast %parallel_loop3A_250 : i32 to index
        %parallel_loop3A_507 = arith.constant 112 : index
        %parallel_loop3A_508 = tpu.vector_load %arg10[%parallel_loop3A_505, %parallel_loop3A_506, %parallel_loop3A_507] {strides = array<i32>} : memref<4x16x768xf32, #tpu.memory_space<vmem>>, vector<1x1x16xf32>,
        %parallel_loop3A_509 = vector.shape_cast %parallel_loop3A_508 : vector<1x1x16xf32> to vector<16xf32>
        %parallel_loop3A_510 = vector.shape_cast %parallel_loop3A_450 : vector<16xf32> to vector<1x1x16xf32>
        tpu.vector_store %arg10[%parallel_loop3A_505, %parallel_loop3A_506, %parallel_loop3A_507], %parallel_loop3A_510 {add = true, strides = array<i32>} : memref<4x16x768xf32, #tpu.memory_space<vmem>>, vector<1x1x16xf32>,
        %parallel_loop3A_511 = arith.index_cast %parallel_loop3A_250 : i32 to index
        %parallel_loop3A_512 = arith.constant 144 : index
        %parallel_loop3A_513 = tpu.vector_load %arg8[%parallel_loop3A_511, %parallel_loop3A_512] {strides = array<i32>} : memref<16x768xf32, #tpu.memory_space<vmem>>, vector<1x16xf32>,
        %parallel_loop3A_514 = vector.shape_cast %parallel_loop3A_513 : vector<1x16xf32> to vector<16xf32>
        %parallel_loop3A_515 = arith.constant 0 : i32
        %parallel_loop3A_516 = arith.index_cast %parallel_loop3A_515 : i32 to index
        %parallel_loop3A_517 = arith.index_cast %parallel_loop3A_250 : i32 to index
        %parallel_loop3A_518 = arith.constant 128 : index
        %parallel_loop3A_519 = tpu.vector_load %arg10[%parallel_loop3A_516, %parallel_loop3A_517, %parallel_loop3A_518] {strides = array<i32>} : memref<4x16x768xf32, #tpu.memory_space<vmem>>, vector<1x1x16xf32>,
        %parallel_loop3A_520 = vector.shape_cast %parallel_loop3A_519 : vector<1x1x16xf32> to vector<16xf32>
        %parallel_loop3A_521 = vector.shape_cast %parallel_loop3A_482 : vector<16xf32> to vector<1x1x16xf32>
        tpu.vector_store %arg10[%parallel_loop3A_516, %parallel_loop3A_517, %parallel_loop3A_518], %parallel_loop3A_521 {add = true, strides = array<i32>} : memref<4x16x768xf32, #tpu.memory_space<vmem>>, vector<1x1x16xf32>,
        %parallel_loop3A_522 = arith.constant 1 : i32
        %parallel_loop3A_523 = arith.index_cast %parallel_loop3A_522 : i32 to index
        %parallel_loop3A_524 = arith.index_cast %parallel_loop3A_250 : i32 to index
        %parallel_loop3A_525 = arith.constant 128 : index
        %parallel_loop3A_526 = tpu.vector_load %arg10[%parallel_loop3A_523, %parallel_loop3A_524, %parallel_loop3A_525] {strides = array<i32>} : memref<4x16x768xf32, #tpu.memory_space<vmem>>, vector<1x1x16xf32>,
        %parallel_loop3A_527 = vector.shape_cast %parallel_loop3A_526 : vector<1x1x16xf32> to vector<16xf32>
        %parallel_loop3A_528 = vector.shape_cast %parallel_loop3A_482 : vector<16xf32> to vector<1x1x16xf32>
        tpu.vector_store %arg10[%parallel_loop3A_523, %parallel_loop3A_524, %parallel_loop3A_525], %parallel_loop3A_528 {add = true, strides = array<i32>} : memref<4x16x768xf32, #tpu.memory_space<vmem>>, vector<1x1x16xf32>,
        %parallel_loop3A_529 = arith.constant 2 : i32
        %parallel_loop3A_530 = arith.index_cast %parallel_loop3A_529 : i32 to index
        %parallel_loop3A_531 = arith.index_cast %parallel_loop3A_250 : i32 to index
        %parallel_loop3A_532 = arith.constant 128 : index
        %parallel_loop3A_533 = tpu.vector_load %arg10[%parallel_loop3A_530, %parallel_loop3A_531, %parallel_loop3A_532] {strides = array<i32>} : memref<4x16x768xf32, #tpu.memory_space<vmem>>, vector<1x1x16xf32>,
        %parallel_loop3A_534 = vector.shape_cast %parallel_loop3A_533 : vector<1x1x16xf32> to vector<16xf32>
        %parallel_loop3A_535 = vector.shape_cast %parallel_loop3A_482 : vector<16xf32> to vector<1x1x16xf32>
        tpu.vector_store %arg10[%parallel_loop3A_530, %parallel_loop3A_531, %parallel_loop3A_532], %parallel_loop3A_535 {add = true, strides = array<i32>} : memref<4x16x768xf32, #tpu.memory_space<vmem>>, vector<1x1x16xf32>,
        %parallel_loop3A_536 = arith.constant 3 : i32
        %parallel_loop3A_537 = arith.index_cast %parallel_loop3A_536 : i32 to index
        %parallel_loop3A_538 = arith.index_cast %parallel_loop3A_250 : i32 to index
        %parallel_loop3A_539 = arith.constant 128 : index
        %parallel_loop3A_540 = tpu.vector_load %arg10[%parallel_loop3A_537, %parallel_loop3A_538, %parallel_loop3A_539] {strides = array<i32>} : memref<4x16x768xf32, #tpu.memory_space<vmem>>, vector<1x1x16xf32>,
        %parallel_loop3A_541 = vector.shape_cast %parallel_loop3A_540 : vector<1x1x16xf32> to vector<16xf32>
        %parallel_loop3A_542 = vector.shape_cast %parallel_loop3A_482 : vector<16xf32> to vector<1x1x16xf32>
        tpu.vector_store %arg10[%parallel_loop3A_537, %parallel_loop3A_538, %parallel_loop3A_539], %parallel_loop3A_542 {add = true, strides = array<i32>} : memref<4x16x768xf32, #tpu.memory_space<vmem>>, vector<1x1x16xf32>,
        %parallel_loop3A_543 = arith.index_cast %parallel_loop3A_250 : i32 to index
        %parallel_loop3A_544 = arith.constant 160 : index
        %parallel_loop3A_545 = tpu.vector_load %arg8[%parallel_loop3A_543, %parallel_loop3A_544] {strides = array<i32>} : memref<16x768xf32, #tpu.memory_space<vmem>>, vector<1x16xf32>,
        %parallel_loop3A_546 = vector.shape_cast %parallel_loop3A_545 : vector<1x16xf32> to vector<16xf32>
        %parallel_loop3A_547 = arith.constant 0 : i32
        %parallel_loop3A_548 = arith.index_cast %parallel_loop3A_547 : i32 to index
        %parallel_loop3A_549 = arith.index_cast %parallel_loop3A_250 : i32 to index
        %parallel_loop3A_550 = arith.constant 144 : index
        %parallel_loop3A_551 = tpu.vector_load %arg10[%parallel_loop3A_548, %parallel_loop3A_549, %parallel_loop3A_550] {strides = array<i32>} : memref<4x16x768xf32, #tpu.memory_space<vmem>>, vector<1x1x16xf32>,
        %parallel_loop3A_552 = vector.shape_cast %parallel_loop3A_551 : vector<1x1x16xf32> to vector<16xf32>
        %parallel_loop3A_553 = vector.shape_cast %parallel_loop3A_514 : vector<16xf32> to vector<1x1x16xf32>
        tpu.vector_store %arg10[%parallel_loop3A_548, %parallel_loop3A_549, %parallel_loop3A_550], %parallel_loop3A_553 {add = true, strides = array<i32>} : memref<4x16x768xf32, #tpu.memory_space<vmem>>, vector<1x1x16xf32>,
        %parallel_loop3A_554 = arith.constant 1 : i32
        %parallel_loop3A_555 = arith.index_cast %parallel_loop3A_554 : i32 to index
        %parallel_loop3A_556 = arith.index_cast %parallel_loop3A_250 : i32 to index
        %parallel_loop3A_557 = arith.constant 144 : index
        %parallel_loop3A_558 = tpu.vector_load %arg10[%parallel_loop3A_555, %parallel_loop3A_556, %parallel_loop3A_557] {strides = array<i32>} : memref<4x16x768xf32, #tpu.memory_space<vmem>>, vector<1x1x16xf32>,
        %parallel_loop3A_559 = vector.shape_cast %parallel_loop3A_558 : vector<1x1x16xf32> to vector<16xf32>
        %parallel_loop3A_560 = vector.shape_cast %parallel_loop3A_514 : vector<16xf32> to vector<1x1x16xf32>
        tpu.vector_store %arg10[%parallel_loop3A_555, %parallel_loop3A_556, %parallel_loop3A_557], %parallel_loop3A_560 {add = true, strides = array<i32>} : memref<4x16x768xf32, #tpu.memory_space<vmem>>, vector<1x1x16xf32>,
        %parallel_loop3A_561 = arith.constant 2 : i32
        %parallel_loop3A_562 = arith.index_cast %parallel_loop3A_561 : i32 to index
        %parallel_loop3A_563 = arith.index_cast %parallel_loop3A_250 : i32 to index
        %parallel_loop3A_564 = arith.constant 144 : index
        %parallel_loop3A_565 = tpu.vector_load %arg10[%parallel_loop3A_562, %parallel_loop3A_563, %parallel_loop3A_564] {strides = array<i32>} : memref<4x16x768xf32, #tpu.memory_space<vmem>>, vector<1x1x16xf32>,
        %parallel_loop3A_566 = vector.shape_cast %parallel_loop3A_565 : vector<1x1x16xf32> to vector<16xf32>
        %parallel_loop3A_567 = vector.shape_cast %parallel_loop3A_514 : vector<16xf32> to vector<1x1x16xf32>
        tpu.vector_store %arg10[%parallel_loop3A_562, %parallel_loop3A_563, %parallel_loop3A_564], %parallel_loop3A_567 {add = true, strides = array<i32>} : memref<4x16x768xf32, #tpu.memory_space<vmem>>, vector<1x1x16xf32>,
        %parallel_loop3A_568 = arith.constant 3 : i32
        %parallel_loop3A_569 = arith.index_cast %parallel_loop3A_568 : i32 to index
        %parallel_loop3A_570 = arith.index_cast %parallel_loop3A_250 : i32 to index
        %parallel_loop3A_571 = arith.constant 144 : index
        %parallel_loop3A_572 = tpu.vector_load %arg10[%parallel_loop3A_569, %parallel_loop3A_570, %parallel_loop3A_571] {strides = array<i32>} : memref<4x16x768xf32, #tpu.memory_space<vmem>>, vector<1x1x16xf32>,
        %parallel_loop3A_573 = vector.shape_cast %parallel_loop3A_572 : vector<1x1x16xf32> to vector<16xf32>
        %parallel_loop3A_574 = vector.shape_cast %parallel_loop3A_514 : vector<16xf32> to vector<1x1x16xf32>
        tpu.vector_store %arg10[%parallel_loop3A_569, %parallel_loop3A_570, %parallel_loop3A_571], %parallel_loop3A_574 {add = true, strides = array<i32>} : memref<4x16x768xf32, #tpu.memory_space<vmem>>, vector<1x1x16xf32>,
        %parallel_loop3A_575 = arith.index_cast %parallel_loop3A_250 : i32 to index
        %parallel_loop3A_576 = arith.constant 176 : index
        %parallel_loop3A_577 = tpu.vector_load %arg8[%parallel_loop3A_575, %parallel_loop3A_576] {strides = array<i32>} : memref<16x768xf32, #tpu.memory_space<vmem>>, vector<1x16xf32>,
        %parallel_loop3A_578 = vector.shape_cast %parallel_loop3A_577 : vector<1x16xf32> to vector<16xf32>
        %parallel_loop3A_579 = arith.constant 0 : i32
        %parallel_loop3A_580 = arith.index_cast %parallel_loop3A_579 : i32 to index
        %parallel_loop3A_581 = arith.index_cast %parallel_loop3A_250 : i32 to index
        %parallel_loop3A_582 = arith.constant 160 : index
        %parallel_loop3A_583 = tpu.vector_load %arg10[%parallel_loop3A_580, %parallel_loop3A_581, %parallel_loop3A_582] {strides = array<i32>} : memref<4x16x768xf32, #tpu.memory_space<vmem>>, vector<1x1x16xf32>,
        %parallel_loop3A_584 = vector.shape_cast %parallel_loop3A_583 : vector<1x1x16xf32> to vector<16xf32>
        %parallel_loop3A_585 = vector.shape_cast %parallel_loop3A_546 : vector<16xf32> to vector<1x1x16xf32>
        tpu.vector_store %arg10[%parallel_loop3A_580, %parallel_loop3A_581, %parallel_loop3A_582], %parallel_loop3A_585 {add = true, strides = array<i32>} : memref<4x16x768xf32, #tpu.memory_space<vmem>>, vector<1x1x16xf32>,
        %parallel_loop3A_586 = arith.constant 1 : i32
        %parallel_loop3A_587 = arith.index_cast %parallel_loop3A_586 : i32 to index
        %parallel_loop3A_588 = arith.index_cast %parallel_loop3A_250 : i32 to index
        %parallel_loop3A_589 = arith.constant 160 : index
        %parallel_loop3A_590 = tpu.vector_load %arg10[%parallel_loop3A_587, %parallel_loop3A_588, %parallel_loop3A_589] {strides = array<i32>} : memref<4x16x768xf32, #tpu.memory_space<vmem>>, vector<1x1x16xf32>,
        %parallel_loop3A_591 = vector.shape_cast %parallel_loop3A_590 : vector<1x1x16xf32> to vector<16xf32>
        %parallel_loop3A_592 = vector.shape_cast %parallel_loop3A_546 : vector<16xf32> to vector<1x1x16xf32>
        tpu.vector_store %arg10[%parallel_loop3A_587, %parallel_loop3A_588, %parallel_loop3A_589], %parallel_loop3A_592 {add = true, strides = array<i32>} : memref<4x16x768xf32, #tpu.memory_space<vmem>>, vector<1x1x16xf32>,
        %parallel_loop3A_593 = arith.constant 2 : i32
        %parallel_loop3A_594 = arith.index_cast %parallel_loop3A_593 : i32 to index
        %parallel_loop3A_595 = arith.index_cast %parallel_loop3A_250 : i32 to index
        %parallel_loop3A_596 = arith.constant 160 : index
        %parallel_loop3A_597 = tpu.vector_load %arg10[%parallel_loop3A_594, %parallel_loop3A_595, %parallel_loop3A_596] {strides = array<i32>} : memref<4x16x768xf32, #tpu.memory_space<vmem>>, vector<1x1x16xf32>,
        %parallel_loop3A_598 = vector.shape_cast %parallel_loop3A_597 : vector<1x1x16xf32> to vector<16xf32>
        %parallel_loop3A_599 = vector.shape_cast %parallel_loop3A_546 : vector<16xf32> to vector<1x1x16xf32>
        tpu.vector_store %arg10[%parallel_loop3A_594, %parallel_loop3A_595, %parallel_loop3A_596], %parallel_loop3A_599 {add = true, strides = array<i32>} : memref<4x16x768xf32, #tpu.memory_space<vmem>>, vector<1x1x16xf32>,
        %parallel_loop3A_600 = arith.constant 3 : i32
        %parallel_loop3A_601 = arith.index_cast %parallel_loop3A_600 : i32 to index
        %parallel_loop3A_602 = arith.index_cast %parallel_loop3A_250 : i32 to index
        %parallel_loop3A_603 = arith.constant 160 : index
        %parallel_loop3A_604 = tpu.vector_load %arg10[%parallel_loop3A_601, %parallel_loop3A_602, %parallel_loop3A_603] {strides = array<i32>} : memref<4x16x768xf32, #tpu.memory_space<vmem>>, vector<1x1x16xf32>,
        %parallel_loop3A_605 = vector.shape_cast %parallel_loop3A_604 : vector<1x1x16xf32> to vector<16xf32>
        %parallel_loop3A_606 = vector.shape_cast %parallel_loop3A_546 : vector<16xf32> to vector<1x1x16xf32>
        tpu.vector_store %arg10[%parallel_loop3A_601, %parallel_loop3A_602, %parallel_loop3A_603], %parallel_loop3A_606 {add = true, strides = array<i32>} : memref<4x16x768xf32, #tpu.memory_space<vmem>>, vector<1x1x16xf32>,
        %parallel_loop3A_607 = arith.index_cast %parallel_loop3A_250 : i32 to index
        %parallel_loop3A_608 = arith.constant 192 : index
        %parallel_loop3A_609 = tpu.vector_load %arg8[%parallel_loop3A_607, %parallel_loop3A_608] {strides = array<i32>} : memref<16x768xf32, #tpu.memory_space<vmem>>, vector<1x16xf32>,
        %parallel_loop3A_610 = vector.shape_cast %parallel_loop3A_609 : vector<1x16xf32> to vector<16xf32>
        %parallel_loop3A_611 = arith.constant 0 : i32
        %parallel_loop3A_612 = arith.index_cast %parallel_loop3A_611 : i32 to index
        %parallel_loop3A_613 = arith.index_cast %parallel_loop3A_250 : i32 to index
        %parallel_loop3A_614 = arith.constant 176 : index
        %parallel_loop3A_615 = tpu.vector_load %arg10[%parallel_loop3A_612, %parallel_loop3A_613, %parallel_loop3A_614] {strides = array<i32>} : memref<4x16x768xf32, #tpu.memory_space<vmem>>, vector<1x1x16xf32>,
        %parallel_loop3A_616 = vector.shape_cast %parallel_loop3A_615 : vector<1x1x16xf32> to vector<16xf32>
        %parallel_loop3A_617 = vector.shape_cast %parallel_loop3A_578 : vector<16xf32> to vector<1x1x16xf32>
        tpu.vector_store %arg10[%parallel_loop3A_612, %parallel_loop3A_613, %parallel_loop3A_614], %parallel_loop3A_617 {add = true, strides = array<i32>} : memref<4x16x768xf32, #tpu.memory_space<vmem>>, vector<1x1x16xf32>,
        %parallel_loop3A_618 = arith.constant 1 : i32
        %parallel_loop3A_619 = arith.index_cast %parallel_loop3A_618 : i32 to index
        %parallel_loop3A_620 = arith.index_cast %parallel_loop3A_250 : i32 to index
        %parallel_loop3A_621 = arith.constant 176 : index
        %parallel_loop3A_622 = tpu.vector_load %arg10[%parallel_loop3A_619, %parallel_loop3A_620, %parallel_loop3A_621] {strides = array<i32>} : memref<4x16x768xf32, #tpu.memory_space<vmem>>, vector<1x1x16xf32>,
        %parallel_loop3A_623 = vector.shape_cast %parallel_loop3A_622 : vector<1x1x16xf32> to vector<16xf32>
        %parallel_loop3A_624 = vector.shape_cast %parallel_loop3A_578 : vector<16xf32> to vector<1x1x16xf32>
        tpu.vector_store %arg10[%parallel_loop3A_619, %parallel_loop3A_620, %parallel_loop3A_621], %parallel_loop3A_624 {add = true, strides = array<i32>} : memref<4x16x768xf32, #tpu.memory_space<vmem>>, vector<1x1x16xf32>,
        %parallel_loop3A_625 = arith.constant 2 : i32
        %parallel_loop3A_626 = arith.index_cast %parallel_loop3A_625 : i32 to index
        %parallel_loop3A_627 = arith.index_cast %parallel_loop3A_250 : i32 to index
        %parallel_loop3A_628 = arith.constant 176 : index
        %parallel_loop3A_629 = tpu.vector_load %arg10[%parallel_loop3A_626, %parallel_loop3A_627, %parallel_loop3A_628] {strides = array<i32>} : memref<4x16x768xf32, #tpu.memory_space<vmem>>, vector<1x1x16xf32>,
        %parallel_loop3A_630 = vector.shape_cast %parallel_loop3A_629 : vector<1x1x16xf32> to vector<16xf32>
        %parallel_loop3A_631 = vector.shape_cast %parallel_loop3A_578 : vector<16xf32> to vector<1x1x16xf32>
        tpu.vector_store %arg10[%parallel_loop3A_626, %parallel_loop3A_627, %parallel_loop3A_628], %parallel_loop3A_631 {add = true, strides = array<i32>} : memref<4x16x768xf32, #tpu.memory_space<vmem>>, vector<1x1x16xf32>,
        %parallel_loop3A_632 = arith.constant 3 : i32
        %parallel_loop3A_633 = arith.index_cast %parallel_loop3A_632 : i32 to index
        %parallel_loop3A_634 = arith.index_cast %parallel_loop3A_250 : i32 to index
        %parallel_loop3A_635 = arith.constant 176 : index
        %parallel_loop3A_636 = tpu.vector_load %arg10[%parallel_loop3A_633, %parallel_loop3A_634, %parallel_loop3A_635] {strides = array<i32>} : memref<4x16x768xf32, #tpu.memory_space<vmem>>, vector<1x1x16xf32>,
        %parallel_loop3A_637 = vector.shape_cast %parallel_loop3A_636 : vector<1x1x16xf32> to vector<16xf32>
        %parallel_loop3A_638 = vector.shape_cast %parallel_loop3A_578 : vector<16xf32> to vector<1x1x16xf32>
        tpu.vector_store %arg10[%parallel_loop3A_633, %parallel_loop3A_634, %parallel_loop3A_635], %parallel_loop3A_638 {add = true, strides = array<i32>} : memref<4x16x768xf32, #tpu.memory_space<vmem>>, vector<1x1x16xf32>,
        %parallel_loop3A_639 = arith.index_cast %parallel_loop3A_250 : i32 to index
        %parallel_loop3A_640 = arith.constant 208 : index
        %parallel_loop3A_641 = tpu.vector_load %arg8[%parallel_loop3A_639, %parallel_loop3A_640] {strides = array<i32>} : memref<16x768xf32, #tpu.memory_space<vmem>>, vector<1x16xf32>,
        %parallel_loop3A_642 = vector.shape_cast %parallel_loop3A_641 : vector<1x16xf32> to vector<16xf32>
        %parallel_loop3A_643 = arith.constant 0 : i32
        %parallel_loop3A_644 = arith.index_cast %parallel_loop3A_643 : i32 to index
        %parallel_loop3A_645 = arith.index_cast %parallel_loop3A_250 : i32 to index
        %parallel_loop3A_646 = arith.constant 192 : index
        %parallel_loop3A_647 = tpu.vector_load %arg10[%parallel_loop3A_644, %parallel_loop3A_645, %parallel_loop3A_646] {strides = array<i32>} : memref<4x16x768xf32, #tpu.memory_space<vmem>>, vector<1x1x16xf32>,
        %parallel_loop3A_648 = vector.shape_cast %parallel_loop3A_647 : vector<1x1x16xf32> to vector<16xf32>
        %parallel_loop3A_649 = vector.shape_cast %parallel_loop3A_610 : vector<16xf32> to vector<1x1x16xf32>
        tpu.vector_store %arg10[%parallel_loop3A_644, %parallel_loop3A_645, %parallel_loop3A_646], %parallel_loop3A_649 {add = true, strides = array<i32>} : memref<4x16x768xf32, #tpu.memory_space<vmem>>, vector<1x1x16xf32>,
        %parallel_loop3A_650 = arith.constant 1 : i32
        %parallel_loop3A_651 = arith.index_cast %parallel_loop3A_650 : i32 to index
        %parallel_loop3A_652 = arith.index_cast %parallel_loop3A_250 : i32 to index
        %parallel_loop3A_653 = arith.constant 192 : index
        %parallel_loop3A_654 = tpu.vector_load %arg10[%parallel_loop3A_651, %parallel_loop3A_652, %parallel_loop3A_653] {strides = array<i32>} : memref<4x16x768xf32, #tpu.memory_space<vmem>>, vector<1x1x16xf32>,
        %parallel_loop3A_655 = vector.shape_cast %parallel_loop3A_654 : vector<1x1x16xf32> to vector<16xf32>
        %parallel_loop3A_656 = vector.shape_cast %parallel_loop3A_610 : vector<16xf32> to vector<1x1x16xf32>
        tpu.vector_store %arg10[%parallel_loop3A_651, %parallel_loop3A_652, %parallel_loop3A_653], %parallel_loop3A_656 {add = true, strides = array<i32>} : memref<4x16x768xf32, #tpu.memory_space<vmem>>, vector<1x1x16xf32>,
        %parallel_loop3A_657 = arith.constant 2 : i32
        %parallel_loop3A_658 = arith.index_cast %parallel_loop3A_657 : i32 to index
        %parallel_loop3A_659 = arith.index_cast %parallel_loop3A_250 : i32 to index
        %parallel_loop3A_660 = arith.constant 192 : index
        %parallel_loop3A_661 = tpu.vector_load %arg10[%parallel_loop3A_658, %parallel_loop3A_659, %parallel_loop3A_660] {strides = array<i32>} : memref<4x16x768xf32, #tpu.memory_space<vmem>>, vector<1x1x16xf32>,
        %parallel_loop3A_662 = vector.shape_cast %parallel_loop3A_661 : vector<1x1x16xf32> to vector<16xf32>
        %parallel_loop3A_663 = vector.shape_cast %parallel_loop3A_610 : vector<16xf32> to vector<1x1x16xf32>
        tpu.vector_store %arg10[%parallel_loop3A_658, %parallel_loop3A_659, %parallel_loop3A_660], %parallel_loop3A_663 {add = true, strides = array<i32>} : memref<4x16x768xf32, #tpu.memory_space<vmem>>, vector<1x1x16xf32>,
        %parallel_loop3A_664 = arith.constant 3 : i32
        %parallel_loop3A_665 = arith.index_cast %parallel_loop3A_664 : i32 to index
        %parallel_loop3A_666 = arith.index_cast %parallel_loop3A_250 : i32 to index
        %parallel_loop3A_667 = arith.constant 192 : index
        %parallel_loop3A_668 = tpu.vector_load %arg10[%parallel_loop3A_665, %parallel_loop3A_666, %parallel_loop3A_667] {strides = array<i32>} : memref<4x16x768xf32, #tpu.memory_space<vmem>>, vector<1x1x16xf32>,
        %parallel_loop3A_669 = vector.shape_cast %parallel_loop3A_668 : vector<1x1x16xf32> to vector<16xf32>
        %parallel_loop3A_670 = vector.shape_cast %parallel_loop3A_610 : vector<16xf32> to vector<1x1x16xf32>
        tpu.vector_store %arg10[%parallel_loop3A_665, %parallel_loop3A_666, %parallel_loop3A_667], %parallel_loop3A_670 {add = true, strides = array<i32>} : memref<4x16x768xf32, #tpu.memory_space<vmem>>, vector<1x1x16xf32>,
        %parallel_loop3A_671 = arith.index_cast %parallel_loop3A_250 : i32 to index
        %parallel_loop3A_672 = arith.constant 224 : index
        %parallel_loop3A_673 = tpu.vector_load %arg8[%parallel_loop3A_671, %parallel_loop3A_672] {strides = array<i32>} : memref<16x768xf32, #tpu.memory_space<vmem>>, vector<1x16xf32>,
        %parallel_loop3A_674 = vector.shape_cast %parallel_loop3A_673 : vector<1x16xf32> to vector<16xf32>
        %parallel_loop3A_675 = arith.constant 0 : i32
        %parallel_loop3A_676 = arith.index_cast %parallel_loop3A_675 : i32 to index
        %parallel_loop3A_677 = arith.index_cast %parallel_loop3A_250 : i32 to index
        %parallel_loop3A_678 = arith.constant 208 : index
        %parallel_loop3A_679 = tpu.vector_load %arg10[%parallel_loop3A_676, %parallel_loop3A_677, %parallel_loop3A_678] {strides = array<i32>} : memref<4x16x768xf32, #tpu.memory_space<vmem>>, vector<1x1x16xf32>,
        %parallel_loop3A_680 = vector.shape_cast %parallel_loop3A_679 : vector<1x1x16xf32> to vector<16xf32>
        %parallel_loop3A_681 = vector.shape_cast %parallel_loop3A_642 : vector<16xf32> to vector<1x1x16xf32>
        tpu.vector_store %arg10[%parallel_loop3A_676, %parallel_loop3A_677, %parallel_loop3A_678], %parallel_loop3A_681 {add = true, strides = array<i32>} : memref<4x16x768xf32, #tpu.memory_space<vmem>>, vector<1x1x16xf32>,
        %parallel_loop3A_682 = arith.constant 1 : i32
        %parallel_loop3A_683 = arith.index_cast %parallel_loop3A_682 : i32 to index
        %parallel_loop3A_684 = arith.index_cast %parallel_loop3A_250 : i32 to index
        %parallel_loop3A_685 = arith.constant 208 : index
        %parallel_loop3A_686 = tpu.vector_load %arg10[%parallel_loop3A_683, %parallel_loop3A_684, %parallel_loop3A_685] {strides = array<i32>} : memref<4x16x768xf32, #tpu.memory_space<vmem>>, vector<1x1x16xf32>,
        %parallel_loop3A_687 = vector.shape_cast %parallel_loop3A_686 : vector<1x1x16xf32> to vector<16xf32>
        %parallel_loop3A_688 = vector.shape_cast %parallel_loop3A_642 : vector<16xf32> to vector<1x1x16xf32>
        tpu.vector_store %arg10[%parallel_loop3A_683, %parallel_loop3A_684, %parallel_loop3A_685], %parallel_loop3A_688 {add = true, strides = array<i32>} : memref<4x16x768xf32, #tpu.memory_space<vmem>>, vector<1x1x16xf32>,
        %parallel_loop3A_689 = arith.constant 2 : i32
        %parallel_loop3A_690 = arith.index_cast %parallel_loop3A_689 : i32 to index
        %parallel_loop3A_691 = arith.index_cast %parallel_loop3A_250 : i32 to index
        %parallel_loop3A_692 = arith.constant 208 : index
        %parallel_loop3A_693 = tpu.vector_load %arg10[%parallel_loop3A_690, %parallel_loop3A_691, %parallel_loop3A_692] {strides = array<i32>} : memref<4x16x768xf32, #tpu.memory_space<vmem>>, vector<1x1x16xf32>,
        %parallel_loop3A_694 = vector.shape_cast %parallel_loop3A_693 : vector<1x1x16xf32> to vector<16xf32>
        %parallel_loop3A_695 = vector.shape_cast %parallel_loop3A_642 : vector<16xf32> to vector<1x1x16xf32>
        tpu.vector_store %arg10[%parallel_loop3A_690, %parallel_loop3A_691, %parallel_loop3A_692], %parallel_loop3A_695 {add = true, strides = array<i32>} : memref<4x16x768xf32, #tpu.memory_space<vmem>>, vector<1x1x16xf32>,
        %parallel_loop3A_696 = arith.constant 3 : i32
        %parallel_loop3A_697 = arith.index_cast %parallel_loop3A_696 : i32 to index
        %parallel_loop3A_698 = arith.index_cast %parallel_loop3A_250 : i32 to index
        %parallel_loop3A_699 = arith.constant 208 : index
        %parallel_loop3A_700 = tpu.vector_load %arg10[%parallel_loop3A_697, %parallel_loop3A_698, %parallel_loop3A_699] {strides = array<i32>} : memref<4x16x768xf32, #tpu.memory_space<vmem>>, vector<1x1x16xf32>,
        %parallel_loop3A_701 = vector.shape_cast %parallel_loop3A_700 : vector<1x1x16xf32> to vector<16xf32>
        %parallel_loop3A_702 = vector.shape_cast %parallel_loop3A_642 : vector<16xf32> to vector<1x1x16xf32>
        tpu.vector_store %arg10[%parallel_loop3A_697, %parallel_loop3A_698, %parallel_loop3A_699], %parallel_loop3A_702 {add = true, strides = array<i32>} : memref<4x16x768xf32, #tpu.memory_space<vmem>>, vector<1x1x16xf32>,
        %parallel_loop3A_703 = arith.index_cast %parallel_loop3A_250 : i32 to index
        %parallel_loop3A_704 = arith.constant 240 : index
        %parallel_loop3A_705 = tpu.vector_load %arg8[%parallel_loop3A_703, %parallel_loop3A_704] {strides = array<i32>} : memref<16x768xf32, #tpu.memory_space<vmem>>, vector<1x16xf32>,
        %parallel_loop3A_706 = vector.shape_cast %parallel_loop3A_705 : vector<1x16xf32> to vector<16xf32>
        %parallel_loop3A_707 = arith.constant 0 : i32
        %parallel_loop3A_708 = arith.index_cast %parallel_loop3A_707 : i32 to index
        %parallel_loop3A_709 = arith.index_cast %parallel_loop3A_250 : i32 to index
        %parallel_loop3A_710 = arith.constant 224 : index
        %parallel_loop3A_711 = tpu.vector_load %arg10[%parallel_loop3A_708, %parallel_loop3A_709, %parallel_loop3A_710] {strides = array<i32>} : memref<4x16x768xf32, #tpu.memory_space<vmem>>, vector<1x1x16xf32>,
        %parallel_loop3A_712 = vector.shape_cast %parallel_loop3A_711 : vector<1x1x16xf32> to vector<16xf32>
        %parallel_loop3A_713 = vector.shape_cast %parallel_loop3A_674 : vector<16xf32> to vector<1x1x16xf32>
        tpu.vector_store %arg10[%parallel_loop3A_708, %parallel_loop3A_709, %parallel_loop3A_710], %parallel_loop3A_713 {add = true, strides = array<i32>} : memref<4x16x768xf32, #tpu.memory_space<vmem>>, vector<1x1x16xf32>,
        %parallel_loop3A_714 = arith.constant 1 : i32
        %parallel_loop3A_715 = arith.index_cast %parallel_loop3A_714 : i32 to index
        %parallel_loop3A_716 = arith.index_cast %parallel_loop3A_250 : i32 to index
        %parallel_loop3A_717 = arith.constant 224 : index
        %parallel_loop3A_718 = tpu.vector_load %arg10[%parallel_loop3A_715, %parallel_loop3A_716, %parallel_loop3A_717] {strides = array<i32>} : memref<4x16x768xf32, #tpu.memory_space<vmem>>, vector<1x1x16xf32>,
        %parallel_loop3A_719 = vector.shape_cast %parallel_loop3A_718 : vector<1x1x16xf32> to vector<16xf32>
        %parallel_loop3A_720 = vector.shape_cast %parallel_loop3A_674 : vector<16xf32> to vector<1x1x16xf32>
        tpu.vector_store %arg10[%parallel_loop3A_715, %parallel_loop3A_716, %parallel_loop3A_717], %parallel_loop3A_720 {add = true, strides = array<i32>} : memref<4x16x768xf32, #tpu.memory_space<vmem>>, vector<1x1x16xf32>,
        %parallel_loop3A_721 = arith.constant 2 : i32
        %parallel_loop3A_722 = arith.index_cast %parallel_loop3A_721 : i32 to index
        %parallel_loop3A_723 = arith.index_cast %parallel_loop3A_250 : i32 to index
        %parallel_loop3A_724 = arith.constant 224 : index
        %parallel_loop3A_725 = tpu.vector_load %arg10[%parallel_loop3A_722, %parallel_loop3A_723, %parallel_loop3A_724] {strides = array<i32>} : memref<4x16x768xf32, #tpu.memory_space<vmem>>, vector<1x1x16xf32>,
        %parallel_loop3A_726 = vector.shape_cast %parallel_loop3A_725 : vector<1x1x16xf32> to vector<16xf32>
        %parallel_loop3A_727 = vector.shape_cast %parallel_loop3A_674 : vector<16xf32> to vector<1x1x16xf32>
        tpu.vector_store %arg10[%parallel_loop3A_722, %parallel_loop3A_723, %parallel_loop3A_724], %parallel_loop3A_727 {add = true, strides = array<i32>} : memref<4x16x768xf32, #tpu.memory_space<vmem>>, vector<1x1x16xf32>,
        %parallel_loop3A_728 = arith.constant 3 : i32
        %parallel_loop3A_729 = arith.index_cast %parallel_loop3A_728 : i32 to index
        %parallel_loop3A_730 = arith.index_cast %parallel_loop3A_250 : i32 to index
        %parallel_loop3A_731 = arith.constant 224 : index
        %parallel_loop3A_732 = tpu.vector_load %arg10[%parallel_loop3A_729, %parallel_loop3A_730, %parallel_loop3A_731] {strides = array<i32>} : memref<4x16x768xf32, #tpu.memory_space<vmem>>, vector<1x1x16xf32>,
        %parallel_loop3A_733 = vector.shape_cast %parallel_loop3A_732 : vector<1x1x16xf32> to vector<16xf32>
        %parallel_loop3A_734 = vector.shape_cast %parallel_loop3A_674 : vector<16xf32> to vector<1x1x16xf32>
        tpu.vector_store %arg10[%parallel_loop3A_729, %parallel_loop3A_730, %parallel_loop3A_731], %parallel_loop3A_734 {add = true, strides = array<i32>} : memref<4x16x768xf32, #tpu.memory_space<vmem>>, vector<1x1x16xf32>,
        %parallel_loop3A_735 = arith.index_cast %parallel_loop3A_250 : i32 to index
        %parallel_loop3A_736 = arith.constant 256 : index
        %parallel_loop3A_737 = tpu.vector_load %arg8[%parallel_loop3A_735, %parallel_loop3A_736] {strides = array<i32>} : memref<16x768xf32, #tpu.memory_space<vmem>>, vector<1x16xf32>,
        %parallel_loop3A_738 = vector.shape_cast %parallel_loop3A_737 : vector<1x16xf32> to vector<16xf32>
        %parallel_loop3A_739 = arith.constant 0 : i32
        %parallel_loop3A_740 = arith.index_cast %parallel_loop3A_739 : i32 to index
        %parallel_loop3A_741 = arith.index_cast %parallel_loop3A_250 : i32 to index
        %parallel_loop3A_742 = arith.constant 240 : index
        %parallel_loop3A_743 = tpu.vector_load %arg10[%parallel_loop3A_740, %parallel_loop3A_741, %parallel_loop3A_742] {strides = array<i32>} : memref<4x16x768xf32, #tpu.memory_space<vmem>>, vector<1x1x16xf32>,
        %parallel_loop3A_744 = vector.shape_cast %parallel_loop3A_743 : vector<1x1x16xf32> to vector<16xf32>
        %parallel_loop3A_745 = vector.shape_cast %parallel_loop3A_706 : vector<16xf32> to vector<1x1x16xf32>
        tpu.vector_store %arg10[%parallel_loop3A_740, %parallel_loop3A_741, %parallel_loop3A_742], %parallel_loop3A_745 {add = true, strides = array<i32>} : memref<4x16x768xf32, #tpu.memory_space<vmem>>, vector<1x1x16xf32>,
        %parallel_loop3A_746 = arith.constant 1 : i32
        %parallel_loop3A_747 = arith.index_cast %parallel_loop3A_746 : i32 to index
        %parallel_loop3A_748 = arith.index_cast %parallel_loop3A_250 : i32 to index
        %parallel_loop3A_749 = arith.constant 240 : index
        %parallel_loop3A_750 = tpu.vector_load %arg10[%parallel_loop3A_747, %parallel_loop3A_748, %parallel_loop3A_749] {strides = array<i32>} : memref<4x16x768xf32, #tpu.memory_space<vmem>>, vector<1x1x16xf32>,
        %parallel_loop3A_751 = vector.shape_cast %parallel_loop3A_750 : vector<1x1x16xf32> to vector<16xf32>
        %parallel_loop3A_752 = vector.shape_cast %parallel_loop3A_706 : vector<16xf32> to vector<1x1x16xf32>
        tpu.vector_store %arg10[%parallel_loop3A_747, %parallel_loop3A_748, %parallel_loop3A_749], %parallel_loop3A_752 {add = true, strides = array<i32>} : memref<4x16x768xf32, #tpu.memory_space<vmem>>, vector<1x1x16xf32>,
        %parallel_loop3A_753 = arith.constant 2 : i32
        %parallel_loop3A_754 = arith.index_cast %parallel_loop3A_753 : i32 to index
        %parallel_loop3A_755 = arith.index_cast %parallel_loop3A_250 : i32 to index
        %parallel_loop3A_756 = arith.constant 240 : index
        %parallel_loop3A_757 = tpu.vector_load %arg10[%parallel_loop3A_754, %parallel_loop3A_755, %parallel_loop3A_756] {strides = array<i32>} : memref<4x16x768xf32, #tpu.memory_space<vmem>>, vector<1x1x16xf32>,
        %parallel_loop3A_758 = vector.shape_cast %parallel_loop3A_757 : vector<1x1x16xf32> to vector<16xf32>
        %parallel_loop3A_759 = vector.shape_cast %parallel_loop3A_706 : vector<16xf32> to vector<1x1x16xf32>
        tpu.vector_store %arg10[%parallel_loop3A_754, %parallel_loop3A_755, %parallel_loop3A_756], %parallel_loop3A_759 {add = true, strides = array<i32>} : memref<4x16x768xf32, #tpu.memory_space<vmem>>, vector<1x1x16xf32>,
        %parallel_loop3A_760 = arith.constant 3 : i32
        %parallel_loop3A_761 = arith.index_cast %parallel_loop3A_760 : i32 to index
        %parallel_loop3A_762 = arith.index_cast %parallel_loop3A_250 : i32 to index
        %parallel_loop3A_763 = arith.constant 240 : index
        %parallel_loop3A_764 = tpu.vector_load %arg10[%parallel_loop3A_761, %parallel_loop3A_762, %parallel_loop3A_763] {strides = array<i32>} : memref<4x16x768xf32, #tpu.memory_space<vmem>>, vector<1x1x16xf32>,
        %parallel_loop3A_765 = vector.shape_cast %parallel_loop3A_764 : vector<1x1x16xf32> to vector<16xf32>
        %parallel_loop3A_766 = vector.shape_cast %parallel_loop3A_706 : vector<16xf32> to vector<1x1x16xf32>
        tpu.vector_store %arg10[%parallel_loop3A_761, %parallel_loop3A_762, %parallel_loop3A_763], %parallel_loop3A_766 {add = true, strides = array<i32>} : memref<4x16x768xf32, #tpu.memory_space<vmem>>, vector<1x1x16xf32>,
        %parallel_loop3A_767 = arith.index_cast %parallel_loop3A_250 : i32 to index
        %parallel_loop3A_768 = arith.constant 272 : index
        %parallel_loop3A_769 = tpu.vector_load %arg8[%parallel_loop3A_767, %parallel_loop3A_768] {strides = array<i32>} : memref<16x768xf32, #tpu.memory_space<vmem>>, vector<1x16xf32>,
        %parallel_loop3A_770 = vector.shape_cast %parallel_loop3A_769 : vector<1x16xf32> to vector<16xf32>
        %parallel_loop3A_771 = arith.constant 0 : i32
        %parallel_loop3A_772 = arith.index_cast %parallel_loop3A_771 : i32 to index
        %parallel_loop3A_773 = arith.index_cast %parallel_loop3A_250 : i32 to index
        %parallel_loop3A_774 = arith.constant 256 : index
        %parallel_loop3A_775 = tpu.vector_load %arg10[%parallel_loop3A_772, %parallel_loop3A_773, %parallel_loop3A_774] {strides = array<i32>} : memref<4x16x768xf32, #tpu.memory_space<vmem>>, vector<1x1x16xf32>,
        %parallel_loop3A_776 = vector.shape_cast %parallel_loop3A_775 : vector<1x1x16xf32> to vector<16xf32>
        %parallel_loop3A_777 = vector.shape_cast %parallel_loop3A_738 : vector<16xf32> to vector<1x1x16xf32>
        tpu.vector_store %arg10[%parallel_loop3A_772, %parallel_loop3A_773, %parallel_loop3A_774], %parallel_loop3A_777 {add = true, strides = array<i32>} : memref<4x16x768xf32, #tpu.memory_space<vmem>>, vector<1x1x16xf32>,
        %parallel_loop3A_778 = arith.constant 1 : i32
        %parallel_loop3A_779 = arith.index_cast %parallel_loop3A_778 : i32 to index
        %parallel_loop3A_780 = arith.index_cast %parallel_loop3A_250 : i32 to index
        %parallel_loop3A_781 = arith.constant 256 : index
        %parallel_loop3A_782 = tpu.vector_load %arg10[%parallel_loop3A_779, %parallel_loop3A_780, %parallel_loop3A_781] {strides = array<i32>} : memref<4x16x768xf32, #tpu.memory_space<vmem>>, vector<1x1x16xf32>,
        %parallel_loop3A_783 = vector.shape_cast %parallel_loop3A_782 : vector<1x1x16xf32> to vector<16xf32>
        %parallel_loop3A_784 = vector.shape_cast %parallel_loop3A_738 : vector<16xf32> to vector<1x1x16xf32>
        tpu.vector_store %arg10[%parallel_loop3A_779, %parallel_loop3A_780, %parallel_loop3A_781], %parallel_loop3A_784 {add = true, strides = array<i32>} : memref<4x16x768xf32, #tpu.memory_space<vmem>>, vector<1x1x16xf32>,
        %parallel_loop3A_785 = arith.constant 2 : i32
        %parallel_loop3A_786 = arith.index_cast %parallel_loop3A_785 : i32 to index
        %parallel_loop3A_787 = arith.index_cast %parallel_loop3A_250 : i32 to index
        %parallel_loop3A_788 = arith.constant 256 : index
        %parallel_loop3A_789 = tpu.vector_load %arg10[%parallel_loop3A_786, %parallel_loop3A_787, %parallel_loop3A_788] {strides = array<i32>} : memref<4x16x768xf32, #tpu.memory_space<vmem>>, vector<1x1x16xf32>,
        %parallel_loop3A_790 = vector.shape_cast %parallel_loop3A_789 : vector<1x1x16xf32> to vector<16xf32>
        %parallel_loop3A_791 = vector.shape_cast %parallel_loop3A_738 : vector<16xf32> to vector<1x1x16xf32>
        tpu.vector_store %arg10[%parallel_loop3A_786, %parallel_loop3A_787, %parallel_loop3A_788], %parallel_loop3A_791 {add = true, strides = array<i32>} : memref<4x16x768xf32, #tpu.memory_space<vmem>>, vector<1x1x16xf32>,
        %parallel_loop3A_792 = arith.constant 3 : i32
        %parallel_loop3A_793 = arith.index_cast %parallel_loop3A_792 : i32 to index
        %parallel_loop3A_794 = arith.index_cast %parallel_loop3A_250 : i32 to index
        %parallel_loop3A_795 = arith.constant 256 : index
        %parallel_loop3A_796 = tpu.vector_load %arg10[%parallel_loop3A_793, %parallel_loop3A_794, %parallel_loop3A_795] {strides = array<i32>} : memref<4x16x768xf32, #tpu.memory_space<vmem>>, vector<1x1x16xf32>,
        %parallel_loop3A_797 = vector.shape_cast %parallel_loop3A_796 : vector<1x1x16xf32> to vector<16xf32>
        %parallel_loop3A_798 = vector.shape_cast %parallel_loop3A_738 : vector<16xf32> to vector<1x1x16xf32>
        tpu.vector_store %arg10[%parallel_loop3A_793, %parallel_loop3A_794, %parallel_loop3A_795], %parallel_loop3A_798 {add = true, strides = array<i32>} : memref<4x16x768xf32, #tpu.memory_space<vmem>>, vector<1x1x16xf32>,
        %parallel_loop3A_799 = arith.index_cast %parallel_loop3A_250 : i32 to index
        %parallel_loop3A_800 = arith.constant 288 : index
        %parallel_loop3A_801 = tpu.vector_load %arg8[%parallel_loop3A_799, %parallel_loop3A_800] {strides = array<i32>} : memref<16x768xf32, #tpu.memory_space<vmem>>, vector<1x16xf32>,
        %parallel_loop3A_802 = vector.shape_cast %parallel_loop3A_801 : vector<1x16xf32> to vector<16xf32>
        %parallel_loop3A_803 = arith.constant 0 : i32
        %parallel_loop3A_804 = arith.index_cast %parallel_loop3A_803 : i32 to index
        %parallel_loop3A_805 = arith.index_cast %parallel_loop3A_250 : i32 to index
        %parallel_loop3A_806 = arith.constant 272 : index
        %parallel_loop3A_807 = tpu.vector_load %arg10[%parallel_loop3A_804, %parallel_loop3A_805, %parallel_loop3A_806] {strides = array<i32>} : memref<4x16x768xf32, #tpu.memory_space<vmem>>, vector<1x1x16xf32>,
        %parallel_loop3A_808 = vector.shape_cast %parallel_loop3A_807 : vector<1x1x16xf32> to vector<16xf32>
        %parallel_loop3A_809 = vector.shape_cast %parallel_loop3A_770 : vector<16xf32> to vector<1x1x16xf32>
        tpu.vector_store %arg10[%parallel_loop3A_804, %parallel_loop3A_805, %parallel_loop3A_806], %parallel_loop3A_809 {add = true, strides = array<i32>} : memref<4x16x768xf32, #tpu.memory_space<vmem>>, vector<1x1x16xf32>,
        %parallel_loop3A_810 = arith.constant 1 : i32
        %parallel_loop3A_811 = arith.index_cast %parallel_loop3A_810 : i32 to index
        %parallel_loop3A_812 = arith.index_cast %parallel_loop3A_250 : i32 to index
        %parallel_loop3A_813 = arith.constant 272 : index
        %parallel_loop3A_814 = tpu.vector_load %arg10[%parallel_loop3A_811, %parallel_loop3A_812, %parallel_loop3A_813] {strides = array<i32>} : memref<4x16x768xf32, #tpu.memory_space<vmem>>, vector<1x1x16xf32>,
        %parallel_loop3A_815 = vector.shape_cast %parallel_loop3A_814 : vector<1x1x16xf32> to vector<16xf32>
        %parallel_loop3A_816 = vector.shape_cast %parallel_loop3A_770 : vector<16xf32> to vector<1x1x16xf32>
        tpu.vector_store %arg10[%parallel_loop3A_811, %parallel_loop3A_812, %parallel_loop3A_813], %parallel_loop3A_816 {add = true, strides = array<i32>} : memref<4x16x768xf32, #tpu.memory_space<vmem>>, vector<1x1x16xf32>,
        %parallel_loop3A_817 = arith.constant 2 : i32
        %parallel_loop3A_818 = arith.index_cast %parallel_loop3A_817 : i32 to index
        %parallel_loop3A_819 = arith.index_cast %parallel_loop3A_250 : i32 to index
        %parallel_loop3A_820 = arith.constant 272 : index
        %parallel_loop3A_821 = tpu.vector_load %arg10[%parallel_loop3A_818, %parallel_loop3A_819, %parallel_loop3A_820] {strides = array<i32>} : memref<4x16x768xf32, #tpu.memory_space<vmem>>, vector<1x1x16xf32>,
        %parallel_loop3A_822 = vector.shape_cast %parallel_loop3A_821 : vector<1x1x16xf32> to vector<16xf32>
        %parallel_loop3A_823 = vector.shape_cast %parallel_loop3A_770 : vector<16xf32> to vector<1x1x16xf32>
        tpu.vector_store %arg10[%parallel_loop3A_818, %parallel_loop3A_819, %parallel_loop3A_820], %parallel_loop3A_823 {add = true, strides = array<i32>} : memref<4x16x768xf32, #tpu.memory_space<vmem>>, vector<1x1x16xf32>,
        %parallel_loop3A_824 = arith.constant 3 : i32
        %parallel_loop3A_825 = arith.index_cast %parallel_loop3A_824 : i32 to index
        %parallel_loop3A_826 = arith.index_cast %parallel_loop3A_250 : i32 to index
        %parallel_loop3A_827 = arith.constant 272 : index
        %parallel_loop3A_828 = tpu.vector_load %arg10[%parallel_loop3A_825, %parallel_loop3A_826, %parallel_loop3A_827] {strides = array<i32>} : memref<4x16x768xf32, #tpu.memory_space<vmem>>, vector<1x1x16xf32>,
        %parallel_loop3A_829 = vector.shape_cast %parallel_loop3A_828 : vector<1x1x16xf32> to vector<16xf32>
        %parallel_loop3A_830 = vector.shape_cast %parallel_loop3A_770 : vector<16xf32> to vector<1x1x16xf32>
        tpu.vector_store %arg10[%parallel_loop3A_825, %parallel_loop3A_826, %parallel_loop3A_827], %parallel_loop3A_830 {add = true, strides = array<i32>} : memref<4x16x768xf32, #tpu.memory_space<vmem>>, vector<1x1x16xf32>,
        %parallel_loop3A_831 = arith.index_cast %parallel_loop3A_250 : i32 to index
        %parallel_loop3A_832 = arith.constant 304 : index
        %parallel_loop3A_833 = tpu.vector_load %arg8[%parallel_loop3A_831, %parallel_loop3A_832] {strides = array<i32>} : memref<16x768xf32, #tpu.memory_space<vmem>>, vector<1x16xf32>,
        %parallel_loop3A_834 = vector.shape_cast %parallel_loop3A_833 : vector<1x16xf32> to vector<16xf32>
        %parallel_loop3A_835 = arith.constant 0 : i32
        %parallel_loop3A_836 = arith.index_cast %parallel_loop3A_835 : i32 to index
        %parallel_loop3A_837 = arith.index_cast %parallel_loop3A_250 : i32 to index
        %parallel_loop3A_838 = arith.constant 288 : index
        %parallel_loop3A_839 = tpu.vector_load %arg10[%parallel_loop3A_836, %parallel_loop3A_837, %parallel_loop3A_838] {strides = array<i32>} : memref<4x16x768xf32, #tpu.memory_space<vmem>>, vector<1x1x16xf32>,
        %parallel_loop3A_840 = vector.shape_cast %parallel_loop3A_839 : vector<1x1x16xf32> to vector<16xf32>
        %parallel_loop3A_841 = vector.shape_cast %parallel_loop3A_802 : vector<16xf32> to vector<1x1x16xf32>
        tpu.vector_store %arg10[%parallel_loop3A_836, %parallel_loop3A_837, %parallel_loop3A_838], %parallel_loop3A_841 {add = true, strides = array<i32>} : memref<4x16x768xf32, #tpu.memory_space<vmem>>, vector<1x1x16xf32>,
        %parallel_loop3A_842 = arith.constant 1 : i32
        %parallel_loop3A_843 = arith.index_cast %parallel_loop3A_842 : i32 to index
        %parallel_loop3A_844 = arith.index_cast %parallel_loop3A_250 : i32 to index
        %parallel_loop3A_845 = arith.constant 288 : index
        %parallel_loop3A_846 = tpu.vector_load %arg10[%parallel_loop3A_843, %parallel_loop3A_844, %parallel_loop3A_845] {strides = array<i32>} : memref<4x16x768xf32, #tpu.memory_space<vmem>>, vector<1x1x16xf32>,
        %parallel_loop3A_847 = vector.shape_cast %parallel_loop3A_846 : vector<1x1x16xf32> to vector<16xf32>
        %parallel_loop3A_848 = vector.shape_cast %parallel_loop3A_802 : vector<16xf32> to vector<1x1x16xf32>
        tpu.vector_store %arg10[%parallel_loop3A_843, %parallel_loop3A_844, %parallel_loop3A_845], %parallel_loop3A_848 {add = true, strides = array<i32>} : memref<4x16x768xf32, #tpu.memory_space<vmem>>, vector<1x1x16xf32>,
        %parallel_loop3A_849 = arith.constant 2 : i32
        %parallel_loop3A_850 = arith.index_cast %parallel_loop3A_849 : i32 to index
        %parallel_loop3A_851 = arith.index_cast %parallel_loop3A_250 : i32 to index
        %parallel_loop3A_852 = arith.constant 288 : index
        %parallel_loop3A_853 = tpu.vector_load %arg10[%parallel_loop3A_850, %parallel_loop3A_851, %parallel_loop3A_852] {strides = array<i32>} : memref<4x16x768xf32, #tpu.memory_space<vmem>>, vector<1x1x16xf32>,
        %parallel_loop3A_854 = vector.shape_cast %parallel_loop3A_853 : vector<1x1x16xf32> to vector<16xf32>
        %parallel_loop3A_855 = vector.shape_cast %parallel_loop3A_802 : vector<16xf32> to vector<1x1x16xf32>
        tpu.vector_store %arg10[%parallel_loop3A_850, %parallel_loop3A_851, %parallel_loop3A_852], %parallel_loop3A_855 {add = true, strides = array<i32>} : memref<4x16x768xf32, #tpu.memory_space<vmem>>, vector<1x1x16xf32>,
        %parallel_loop3A_856 = arith.constant 3 : i32
        %parallel_loop3A_857 = arith.index_cast %parallel_loop3A_856 : i32 to index
        %parallel_loop3A_858 = arith.index_cast %parallel_loop3A_250 : i32 to index
        %parallel_loop3A_859 = arith.constant 288 : index
        %parallel_loop3A_860 = tpu.vector_load %arg10[%parallel_loop3A_857, %parallel_loop3A_858, %parallel_loop3A_859] {strides = array<i32>} : memref<4x16x768xf32, #tpu.memory_space<vmem>>, vector<1x1x16xf32>,
        %parallel_loop3A_861 = vector.shape_cast %parallel_loop3A_860 : vector<1x1x16xf32> to vector<16xf32>
        %parallel_loop3A_862 = vector.shape_cast %parallel_loop3A_802 : vector<16xf32> to vector<1x1x16xf32>
        tpu.vector_store %arg10[%parallel_loop3A_857, %parallel_loop3A_858, %parallel_loop3A_859], %parallel_loop3A_862 {add = true, strides = array<i32>} : memref<4x16x768xf32, #tpu.memory_space<vmem>>, vector<1x1x16xf32>,
        %parallel_loop3A_863 = arith.index_cast %parallel_loop3A_250 : i32 to index
        %parallel_loop3A_864 = arith.constant 320 : index
        %parallel_loop3A_865 = tpu.vector_load %arg8[%parallel_loop3A_863, %parallel_loop3A_864] {strides = array<i32>} : memref<16x768xf32, #tpu.memory_space<vmem>>, vector<1x16xf32>,
        %parallel_loop3A_866 = vector.shape_cast %parallel_loop3A_865 : vector<1x16xf32> to vector<16xf32>
        %parallel_loop3A_867 = arith.constant 0 : i32
        %parallel_loop3A_868 = arith.index_cast %parallel_loop3A_867 : i32 to index
        %parallel_loop3A_869 = arith.index_cast %parallel_loop3A_250 : i32 to index
        %parallel_loop3A_870 = arith.constant 304 : index
        %parallel_loop3A_871 = tpu.vector_load %arg10[%parallel_loop3A_868, %parallel_loop3A_869, %parallel_loop3A_870] {strides = array<i32>} : memref<4x16x768xf32, #tpu.memory_space<vmem>>, vector<1x1x16xf32>,
        %parallel_loop3A_872 = vector.shape_cast %parallel_loop3A_871 : vector<1x1x16xf32> to vector<16xf32>
        %parallel_loop3A_873 = vector.shape_cast %parallel_loop3A_834 : vector<16xf32> to vector<1x1x16xf32>
        tpu.vector_store %arg10[%parallel_loop3A_868, %parallel_loop3A_869, %parallel_loop3A_870], %parallel_loop3A_873 {add = true, strides = array<i32>} : memref<4x16x768xf32, #tpu.memory_space<vmem>>, vector<1x1x16xf32>,
        %parallel_loop3A_874 = arith.constant 1 : i32
        %parallel_loop3A_875 = arith.index_cast %parallel_loop3A_874 : i32 to index
        %parallel_loop3A_876 = arith.index_cast %parallel_loop3A_250 : i32 to index
        %parallel_loop3A_877 = arith.constant 304 : index
        %parallel_loop3A_878 = tpu.vector_load %arg10[%parallel_loop3A_875, %parallel_loop3A_876, %parallel_loop3A_877] {strides = array<i32>} : memref<4x16x768xf32, #tpu.memory_space<vmem>>, vector<1x1x16xf32>,
        %parallel_loop3A_879 = vector.shape_cast %parallel_loop3A_878 : vector<1x1x16xf32> to vector<16xf32>
        %parallel_loop3A_880 = vector.shape_cast %parallel_loop3A_834 : vector<16xf32> to vector<1x1x16xf32>
        tpu.vector_store %arg10[%parallel_loop3A_875, %parallel_loop3A_876, %parallel_loop3A_877], %parallel_loop3A_880 {add = true, strides = array<i32>} : memref<4x16x768xf32, #tpu.memory_space<vmem>>, vector<1x1x16xf32>,
        %parallel_loop3A_881 = arith.constant 2 : i32
        %parallel_loop3A_882 = arith.index_cast %parallel_loop3A_881 : i32 to index
        %parallel_loop3A_883 = arith.index_cast %parallel_loop3A_250 : i32 to index
        %parallel_loop3A_884 = arith.constant 304 : index
        %parallel_loop3A_885 = tpu.vector_load %arg10[%parallel_loop3A_882, %parallel_loop3A_883, %parallel_loop3A_884] {strides = array<i32>} : memref<4x16x768xf32, #tpu.memory_space<vmem>>, vector<1x1x16xf32>,
        %parallel_loop3A_886 = vector.shape_cast %parallel_loop3A_885 : vector<1x1x16xf32> to vector<16xf32>
        %parallel_loop3A_887 = vector.shape_cast %parallel_loop3A_834 : vector<16xf32> to vector<1x1x16xf32>
        tpu.vector_store %arg10[%parallel_loop3A_882, %parallel_loop3A_883, %parallel_loop3A_884], %parallel_loop3A_887 {add = true, strides = array<i32>} : memref<4x16x768xf32, #tpu.memory_space<vmem>>, vector<1x1x16xf32>,
        %parallel_loop3A_888 = arith.constant 3 : i32
        %parallel_loop3A_889 = arith.index_cast %parallel_loop3A_888 : i32 to index
        %parallel_loop3A_890 = arith.index_cast %parallel_loop3A_250 : i32 to index
        %parallel_loop3A_891 = arith.constant 304 : index
        %parallel_loop3A_892 = tpu.vector_load %arg10[%parallel_loop3A_889, %parallel_loop3A_890, %parallel_loop3A_891] {strides = array<i32>} : memref<4x16x768xf32, #tpu.memory_space<vmem>>, vector<1x1x16xf32>,
        %parallel_loop3A_893 = vector.shape_cast %parallel_loop3A_892 : vector<1x1x16xf32> to vector<16xf32>
        %parallel_loop3A_894 = vector.shape_cast %parallel_loop3A_834 : vector<16xf32> to vector<1x1x16xf32>
        tpu.vector_store %arg10[%parallel_loop3A_889, %parallel_loop3A_890, %parallel_loop3A_891], %parallel_loop3A_894 {add = true, strides = array<i32>} : memref<4x16x768xf32, #tpu.memory_space<vmem>>, vector<1x1x16xf32>,
        %parallel_loop3A_895 = arith.index_cast %parallel_loop3A_250 : i32 to index
        %parallel_loop3A_896 = arith.constant 336 : index
        %parallel_loop3A_897 = tpu.vector_load %arg8[%parallel_loop3A_895, %parallel_loop3A_896] {strides = array<i32>} : memref<16x768xf32, #tpu.memory_space<vmem>>, vector<1x16xf32>,
        %parallel_loop3A_898 = vector.shape_cast %parallel_loop3A_897 : vector<1x16xf32> to vector<16xf32>
        %parallel_loop3A_899 = arith.constant 0 : i32
        %parallel_loop3A_900 = arith.index_cast %parallel_loop3A_899 : i32 to index
        %parallel_loop3A_901 = arith.index_cast %parallel_loop3A_250 : i32 to index
        %parallel_loop3A_902 = arith.constant 320 : index
        %parallel_loop3A_903 = tpu.vector_load %arg10[%parallel_loop3A_900, %parallel_loop3A_901, %parallel_loop3A_902] {strides = array<i32>} : memref<4x16x768xf32, #tpu.memory_space<vmem>>, vector<1x1x16xf32>,
        %parallel_loop3A_904 = vector.shape_cast %parallel_loop3A_903 : vector<1x1x16xf32> to vector<16xf32>
        %parallel_loop3A_905 = vector.shape_cast %parallel_loop3A_866 : vector<16xf32> to vector<1x1x16xf32>
        tpu.vector_store %arg10[%parallel_loop3A_900, %parallel_loop3A_901, %parallel_loop3A_902], %parallel_loop3A_905 {add = true, strides = array<i32>} : memref<4x16x768xf32, #tpu.memory_space<vmem>>, vector<1x1x16xf32>,
        %parallel_loop3A_906 = arith.constant 1 : i32
        %parallel_loop3A_907 = arith.index_cast %parallel_loop3A_906 : i32 to index
        %parallel_loop3A_908 = arith.index_cast %parallel_loop3A_250 : i32 to index
        %parallel_loop3A_909 = arith.constant 320 : index
        %parallel_loop3A_910 = tpu.vector_load %arg10[%parallel_loop3A_907, %parallel_loop3A_908, %parallel_loop3A_909] {strides = array<i32>} : memref<4x16x768xf32, #tpu.memory_space<vmem>>, vector<1x1x16xf32>,
        %parallel_loop3A_911 = vector.shape_cast %parallel_loop3A_910 : vector<1x1x16xf32> to vector<16xf32>
        %parallel_loop3A_912 = vector.shape_cast %parallel_loop3A_866 : vector<16xf32> to vector<1x1x16xf32>
        tpu.vector_store %arg10[%parallel_loop3A_907, %parallel_loop3A_908, %parallel_loop3A_909], %parallel_loop3A_912 {add = true, strides = array<i32>} : memref<4x16x768xf32, #tpu.memory_space<vmem>>, vector<1x1x16xf32>,
        %parallel_loop3A_913 = arith.constant 2 : i32
        %parallel_loop3A_914 = arith.index_cast %parallel_loop3A_913 : i32 to index
        %parallel_loop3A_915 = arith.index_cast %parallel_loop3A_250 : i32 to index
        %parallel_loop3A_916 = arith.constant 320 : index
        %parallel_loop3A_917 = tpu.vector_load %arg10[%parallel_loop3A_914, %parallel_loop3A_915, %parallel_loop3A_916] {strides = array<i32>} : memref<4x16x768xf32, #tpu.memory_space<vmem>>, vector<1x1x16xf32>,
        %parallel_loop3A_918 = vector.shape_cast %parallel_loop3A_917 : vector<1x1x16xf32> to vector<16xf32>
        %parallel_loop3A_919 = vector.shape_cast %parallel_loop3A_866 : vector<16xf32> to vector<1x1x16xf32>
        tpu.vector_store %arg10[%parallel_loop3A_914, %parallel_loop3A_915, %parallel_loop3A_916], %parallel_loop3A_919 {add = true, strides = array<i32>} : memref<4x16x768xf32, #tpu.memory_space<vmem>>, vector<1x1x16xf32>,
        %parallel_loop3A_920 = arith.constant 3 : i32
        %parallel_loop3A_921 = arith.index_cast %parallel_loop3A_920 : i32 to index
        %parallel_loop3A_922 = arith.index_cast %parallel_loop3A_250 : i32 to index
        %parallel_loop3A_923 = arith.constant 320 : index
        %parallel_loop3A_924 = tpu.vector_load %arg10[%parallel_loop3A_921, %parallel_loop3A_922, %parallel_loop3A_923] {strides = array<i32>} : memref<4x16x768xf32, #tpu.memory_space<vmem>>, vector<1x1x16xf32>,
        %parallel_loop3A_925 = vector.shape_cast %parallel_loop3A_924 : vector<1x1x16xf32> to vector<16xf32>
        %parallel_loop3A_926 = vector.shape_cast %parallel_loop3A_866 : vector<16xf32> to vector<1x1x16xf32>
        tpu.vector_store %arg10[%parallel_loop3A_921, %parallel_loop3A_922, %parallel_loop3A_923], %parallel_loop3A_926 {add = true, strides = array<i32>} : memref<4x16x768xf32, #tpu.memory_space<vmem>>, vector<1x1x16xf32>,
        %parallel_loop3A_927 = arith.index_cast %parallel_loop3A_250 : i32 to index
        %parallel_loop3A_928 = arith.constant 352 : index
        %parallel_loop3A_929 = tpu.vector_load %arg8[%parallel_loop3A_927, %parallel_loop3A_928] {strides = array<i32>} : memref<16x768xf32, #tpu.memory_space<vmem>>, vector<1x16xf32>,
        %parallel_loop3A_930 = vector.shape_cast %parallel_loop3A_929 : vector<1x16xf32> to vector<16xf32>
        %parallel_loop3A_931 = arith.constant 0 : i32
        %parallel_loop3A_932 = arith.index_cast %parallel_loop3A_931 : i32 to index
        %parallel_loop3A_933 = arith.index_cast %parallel_loop3A_250 : i32 to index
        %parallel_loop3A_934 = arith.constant 336 : index
        %parallel_loop3A_935 = tpu.vector_load %arg10[%parallel_loop3A_932, %parallel_loop3A_933, %parallel_loop3A_934] {strides = array<i32>} : memref<4x16x768xf32, #tpu.memory_space<vmem>>, vector<1x1x16xf32>,
        %parallel_loop3A_936 = vector.shape_cast %parallel_loop3A_935 : vector<1x1x16xf32> to vector<16xf32>
        %parallel_loop3A_937 = vector.shape_cast %parallel_loop3A_898 : vector<16xf32> to vector<1x1x16xf32>
        tpu.vector_store %arg10[%parallel_loop3A_932, %parallel_loop3A_933, %parallel_loop3A_934], %parallel_loop3A_937 {add = true, strides = array<i32>} : memref<4x16x768xf32, #tpu.memory_space<vmem>>, vector<1x1x16xf32>,
        %parallel_loop3A_938 = arith.constant 1 : i32
        %parallel_loop3A_939 = arith.index_cast %parallel_loop3A_938 : i32 to index
        %parallel_loop3A_940 = arith.index_cast %parallel_loop3A_250 : i32 to index
        %parallel_loop3A_941 = arith.constant 336 : index
        %parallel_loop3A_942 = tpu.vector_load %arg10[%parallel_loop3A_939, %parallel_loop3A_940, %parallel_loop3A_941] {strides = array<i32>} : memref<4x16x768xf32, #tpu.memory_space<vmem>>, vector<1x1x16xf32>,
        %parallel_loop3A_943 = vector.shape_cast %parallel_loop3A_942 : vector<1x1x16xf32> to vector<16xf32>
        %parallel_loop3A_944 = vector.shape_cast %parallel_loop3A_898 : vector<16xf32> to vector<1x1x16xf32>
        tpu.vector_store %arg10[%parallel_loop3A_939, %parallel_loop3A_940, %parallel_loop3A_941], %parallel_loop3A_944 {add = true, strides = array<i32>} : memref<4x16x768xf32, #tpu.memory_space<vmem>>, vector<1x1x16xf32>,
        %parallel_loop3A_945 = arith.constant 2 : i32
        %parallel_loop3A_946 = arith.index_cast %parallel_loop3A_945 : i32 to index
        %parallel_loop3A_947 = arith.index_cast %parallel_loop3A_250 : i32 to index
        %parallel_loop3A_948 = arith.constant 336 : index
        %parallel_loop3A_949 = tpu.vector_load %arg10[%parallel_loop3A_946, %parallel_loop3A_947, %parallel_loop3A_948] {strides = array<i32>} : memref<4x16x768xf32, #tpu.memory_space<vmem>>, vector<1x1x16xf32>,
        %parallel_loop3A_950 = vector.shape_cast %parallel_loop3A_949 : vector<1x1x16xf32> to vector<16xf32>
        %parallel_loop3A_951 = vector.shape_cast %parallel_loop3A_898 : vector<16xf32> to vector<1x1x16xf32>
        tpu.vector_store %arg10[%parallel_loop3A_946, %parallel_loop3A_947, %parallel_loop3A_948], %parallel_loop3A_951 {add = true, strides = array<i32>} : memref<4x16x768xf32, #tpu.memory_space<vmem>>, vector<1x1x16xf32>,
        %parallel_loop3A_952 = arith.constant 3 : i32
        %parallel_loop3A_953 = arith.index_cast %parallel_loop3A_952 : i32 to index
        %parallel_loop3A_954 = arith.index_cast %parallel_loop3A_250 : i32 to index
        %parallel_loop3A_955 = arith.constant 336 : index
        %parallel_loop3A_956 = tpu.vector_load %arg10[%parallel_loop3A_953, %parallel_loop3A_954, %parallel_loop3A_955] {strides = array<i32>} : memref<4x16x768xf32, #tpu.memory_space<vmem>>, vector<1x1x16xf32>,
        %parallel_loop3A_957 = vector.shape_cast %parallel_loop3A_956 : vector<1x1x16xf32> to vector<16xf32>
        %parallel_loop3A_958 = vector.shape_cast %parallel_loop3A_898 : vector<16xf32> to vector<1x1x16xf32>
        tpu.vector_store %arg10[%parallel_loop3A_953, %parallel_loop3A_954, %parallel_loop3A_955], %parallel_loop3A_958 {add = true, strides = array<i32>} : memref<4x16x768xf32, #tpu.memory_space<vmem>>, vector<1x1x16xf32>,
        %parallel_loop3A_959 = arith.index_cast %parallel_loop3A_250 : i32 to index
        %parallel_loop3A_960 = arith.constant 368 : index
        %parallel_loop3A_961 = tpu.vector_load %arg8[%parallel_loop3A_959, %parallel_loop3A_960] {strides = array<i32>} : memref<16x768xf32, #tpu.memory_space<vmem>>, vector<1x16xf32>,
        %parallel_loop3A_962 = vector.shape_cast %parallel_loop3A_961 : vector<1x16xf32> to vector<16xf32>
        %parallel_loop3A_963 = arith.constant 0 : i32
        %parallel_loop3A_964 = arith.index_cast %parallel_loop3A_963 : i32 to index
        %parallel_loop3A_965 = arith.index_cast %parallel_loop3A_250 : i32 to index
        %parallel_loop3A_966 = arith.constant 352 : index
        %parallel_loop3A_967 = tpu.vector_load %arg10[%parallel_loop3A_964, %parallel_loop3A_965, %parallel_loop3A_966] {strides = array<i32>} : memref<4x16x768xf32, #tpu.memory_space<vmem>>, vector<1x1x16xf32>,
        %parallel_loop3A_968 = vector.shape_cast %parallel_loop3A_967 : vector<1x1x16xf32> to vector<16xf32>
        %parallel_loop3A_969 = vector.shape_cast %parallel_loop3A_930 : vector<16xf32> to vector<1x1x16xf32>
        tpu.vector_store %arg10[%parallel_loop3A_964, %parallel_loop3A_965, %parallel_loop3A_966], %parallel_loop3A_969 {add = true, strides = array<i32>} : memref<4x16x768xf32, #tpu.memory_space<vmem>>, vector<1x1x16xf32>,
        %parallel_loop3A_970 = arith.constant 1 : i32
        %parallel_loop3A_971 = arith.index_cast %parallel_loop3A_970 : i32 to index
        %parallel_loop3A_972 = arith.index_cast %parallel_loop3A_250 : i32 to index
        %parallel_loop3A_973 = arith.constant 352 : index
        %parallel_loop3A_974 = tpu.vector_load %arg10[%parallel_loop3A_971, %parallel_loop3A_972, %parallel_loop3A_973] {strides = array<i32>} : memref<4x16x768xf32, #tpu.memory_space<vmem>>, vector<1x1x16xf32>,
        %parallel_loop3A_975 = vector.shape_cast %parallel_loop3A_974 : vector<1x1x16xf32> to vector<16xf32>
        %parallel_loop3A_976 = vector.shape_cast %parallel_loop3A_930 : vector<16xf32> to vector<1x1x16xf32>
        tpu.vector_store %arg10[%parallel_loop3A_971, %parallel_loop3A_972, %parallel_loop3A_973], %parallel_loop3A_976 {add = true, strides = array<i32>} : memref<4x16x768xf32, #tpu.memory_space<vmem>>, vector<1x1x16xf32>,
        %parallel_loop3A_977 = arith.constant 2 : i32
        %parallel_loop3A_978 = arith.index_cast %parallel_loop3A_977 : i32 to index
        %parallel_loop3A_979 = arith.index_cast %parallel_loop3A_250 : i32 to index
        %parallel_loop3A_980 = arith.constant 352 : index
        %parallel_loop3A_981 = tpu.vector_load %arg10[%parallel_loop3A_978, %parallel_loop3A_979, %parallel_loop3A_980] {strides = array<i32>} : memref<4x16x768xf32, #tpu.memory_space<vmem>>, vector<1x1x16xf32>,
        %parallel_loop3A_982 = vector.shape_cast %parallel_loop3A_981 : vector<1x1x16xf32> to vector<16xf32>
        %parallel_loop3A_983 = vector.shape_cast %parallel_loop3A_930 : vector<16xf32> to vector<1x1x16xf32>
        tpu.vector_store %arg10[%parallel_loop3A_978, %parallel_loop3A_979, %parallel_loop3A_980], %parallel_loop3A_983 {add = true, strides = array<i32>} : memref<4x16x768xf32, #tpu.memory_space<vmem>>, vector<1x1x16xf32>,
        %parallel_loop3A_984 = arith.constant 3 : i32
        %parallel_loop3A_985 = arith.index_cast %parallel_loop3A_984 : i32 to index
        %parallel_loop3A_986 = arith.index_cast %parallel_loop3A_250 : i32 to index
        %parallel_loop3A_987 = arith.constant 352 : index
        %parallel_loop3A_988 = tpu.vector_load %arg10[%parallel_loop3A_985, %parallel_loop3A_986, %parallel_loop3A_987] {strides = array<i32>} : memref<4x16x768xf32, #tpu.memory_space<vmem>>, vector<1x1x16xf32>,
        %parallel_loop3A_989 = vector.shape_cast %parallel_loop3A_988 : vector<1x1x16xf32> to vector<16xf32>
        %parallel_loop3A_990 = vector.shape_cast %parallel_loop3A_930 : vector<16xf32> to vector<1x1x16xf32>
        tpu.vector_store %arg10[%parallel_loop3A_985, %parallel_loop3A_986, %parallel_loop3A_987], %parallel_loop3A_990 {add = true, strides = array<i32>} : memref<4x16x768xf32, #tpu.memory_space<vmem>>, vector<1x1x16xf32>,
        %parallel_loop3A_991 = arith.index_cast %parallel_loop3A_250 : i32 to index
        %parallel_loop3A_992 = arith.constant 384 : index
        %parallel_loop3A_993 = tpu.vector_load %arg8[%parallel_loop3A_991, %parallel_loop3A_992] {strides = array<i32>} : memref<16x768xf32, #tpu.memory_space<vmem>>, vector<1x16xf32>,
        %parallel_loop3A_994 = vector.shape_cast %parallel_loop3A_993 : vector<1x16xf32> to vector<16xf32>
        %parallel_loop3A_995 = arith.constant 0 : i32
        %parallel_loop3A_996 = arith.index_cast %parallel_loop3A_995 : i32 to index
        %parallel_loop3A_997 = arith.index_cast %parallel_loop3A_250 : i32 to index
        %parallel_loop3A_998 = arith.constant 368 : index
        %parallel_loop3A_999 = tpu.vector_load %arg10[%parallel_loop3A_996, %parallel_loop3A_997, %parallel_loop3A_998] {strides = array<i32>} : memref<4x16x768xf32, #tpu.memory_space<vmem>>, vector<1x1x16xf32>,
        %parallel_loop3A_1000 = vector.shape_cast %parallel_loop3A_999 : vector<1x1x16xf32> to vector<16xf32>
        %parallel_loop3A_1001 = vector.shape_cast %parallel_loop3A_962 : vector<16xf32> to vector<1x1x16xf32>
        tpu.vector_store %arg10[%parallel_loop3A_996, %parallel_loop3A_997, %parallel_loop3A_998], %parallel_loop3A_1001 {add = true, strides = array<i32>} : memref<4x16x768xf32, #tpu.memory_space<vmem>>, vector<1x1x16xf32>,
        %parallel_loop3A_1002 = arith.constant 1 : i32
        %parallel_loop3A_1003 = arith.index_cast %parallel_loop3A_1002 : i32 to index
        %parallel_loop3A_1004 = arith.index_cast %parallel_loop3A_250 : i32 to index
        %parallel_loop3A_1005 = arith.constant 368 : index
        %parallel_loop3A_1006 = tpu.vector_load %arg10[%parallel_loop3A_1003, %parallel_loop3A_1004, %parallel_loop3A_1005] {strides = array<i32>} : memref<4x16x768xf32, #tpu.memory_space<vmem>>, vector<1x1x16xf32>,
        %parallel_loop3A_1007 = vector.shape_cast %parallel_loop3A_1006 : vector<1x1x16xf32> to vector<16xf32>
        %parallel_loop3A_1008 = vector.shape_cast %parallel_loop3A_962 : vector<16xf32> to vector<1x1x16xf32>
        tpu.vector_store %arg10[%parallel_loop3A_1003, %parallel_loop3A_1004, %parallel_loop3A_1005], %parallel_loop3A_1008 {add = true, strides = array<i32>} : memref<4x16x768xf32, #tpu.memory_space<vmem>>, vector<1x1x16xf32>,
        %parallel_loop3A_1009 = arith.constant 2 : i32
        %parallel_loop3A_1010 = arith.index_cast %parallel_loop3A_1009 : i32 to index
        %parallel_loop3A_1011 = arith.index_cast %parallel_loop3A_250 : i32 to index
        %parallel_loop3A_1012 = arith.constant 368 : index
        %parallel_loop3A_1013 = tpu.vector_load %arg10[%parallel_loop3A_1010, %parallel_loop3A_1011, %parallel_loop3A_1012] {strides = array<i32>} : memref<4x16x768xf32, #tpu.memory_space<vmem>>, vector<1x1x16xf32>,
        %parallel_loop3A_1014 = vector.shape_cast %parallel_loop3A_1013 : vector<1x1x16xf32> to vector<16xf32>
        %parallel_loop3A_1015 = vector.shape_cast %parallel_loop3A_962 : vector<16xf32> to vector<1x1x16xf32>
        tpu.vector_store %arg10[%parallel_loop3A_1010, %parallel_loop3A_1011, %parallel_loop3A_1012], %parallel_loop3A_1015 {add = true, strides = array<i32>} : memref<4x16x768xf32, #tpu.memory_space<vmem>>, vector<1x1x16xf32>,
        %parallel_loop3A_1016 = arith.constant 3 : i32
        %parallel_loop3A_1017 = arith.index_cast %parallel_loop3A_1016 : i32 to index
        %parallel_loop3A_1018 = arith.index_cast %parallel_loop3A_250 : i32 to index
        %parallel_loop3A_1019 = arith.constant 368 : index
        %parallel_loop3A_1020 = tpu.vector_load %arg10[%parallel_loop3A_1017, %parallel_loop3A_1018, %parallel_loop3A_1019] {strides = array<i32>} : memref<4x16x768xf32, #tpu.memory_space<vmem>>, vector<1x1x16xf32>,
        %parallel_loop3A_1021 = vector.shape_cast %parallel_loop3A_1020 : vector<1x1x16xf32> to vector<16xf32>
        %parallel_loop3A_1022 = vector.shape_cast %parallel_loop3A_962 : vector<16xf32> to vector<1x1x16xf32>
        tpu.vector_store %arg10[%parallel_loop3A_1017, %parallel_loop3A_1018, %parallel_loop3A_1019], %parallel_loop3A_1022 {add = true, strides = array<i32>} : memref<4x16x768xf32, #tpu.memory_space<vmem>>, vector<1x1x16xf32>,
        %parallel_loop3A_1023 = arith.index_cast %parallel_loop3A_250 : i32 to index
        %parallel_loop3A_1024 = arith.constant 400 : index
        %parallel_loop3A_1025 = tpu.vector_load %arg8[%parallel_loop3A_1023, %parallel_loop3A_1024] {strides = array<i32>} : memref<16x768xf32, #tpu.memory_space<vmem>>, vector<1x16xf32>,
        %parallel_loop3A_1026 = vector.shape_cast %parallel_loop3A_1025 : vector<1x16xf32> to vector<16xf32>
        %parallel_loop3A_1027 = arith.constant 0 : i32
        %parallel_loop3A_1028 = arith.index_cast %parallel_loop3A_1027 : i32 to index
        %parallel_loop3A_1029 = arith.index_cast %parallel_loop3A_250 : i32 to index
        %parallel_loop3A_1030 = arith.constant 384 : index
        %parallel_loop3A_1031 = tpu.vector_load %arg10[%parallel_loop3A_1028, %parallel_loop3A_1029, %parallel_loop3A_1030] {strides = array<i32>} : memref<4x16x768xf32, #tpu.memory_space<vmem>>, vector<1x1x16xf32>,
        %parallel_loop3A_1032 = vector.shape_cast %parallel_loop3A_1031 : vector<1x1x16xf32> to vector<16xf32>
        %parallel_loop3A_1033 = vector.shape_cast %parallel_loop3A_994 : vector<16xf32> to vector<1x1x16xf32>
        tpu.vector_store %arg10[%parallel_loop3A_1028, %parallel_loop3A_1029, %parallel_loop3A_1030], %parallel_loop3A_1033 {add = true, strides = array<i32>} : memref<4x16x768xf32, #tpu.memory_space<vmem>>, vector<1x1x16xf32>,
        %parallel_loop3A_1034 = arith.constant 1 : i32
        %parallel_loop3A_1035 = arith.index_cast %parallel_loop3A_1034 : i32 to index
        %parallel_loop3A_1036 = arith.index_cast %parallel_loop3A_250 : i32 to index
        %parallel_loop3A_1037 = arith.constant 384 : index
        %parallel_loop3A_1038 = tpu.vector_load %arg10[%parallel_loop3A_1035, %parallel_loop3A_1036, %parallel_loop3A_1037] {strides = array<i32>} : memref<4x16x768xf32, #tpu.memory_space<vmem>>, vector<1x1x16xf32>,
        %parallel_loop3A_1039 = vector.shape_cast %parallel_loop3A_1038 : vector<1x1x16xf32> to vector<16xf32>
        %parallel_loop3A_1040 = vector.shape_cast %parallel_loop3A_994 : vector<16xf32> to vector<1x1x16xf32>
        tpu.vector_store %arg10[%parallel_loop3A_1035, %parallel_loop3A_1036, %parallel_loop3A_1037], %parallel_loop3A_1040 {add = true, strides = array<i32>} : memref<4x16x768xf32, #tpu.memory_space<vmem>>, vector<1x1x16xf32>,
        %parallel_loop3A_1041 = arith.constant 2 : i32
        %parallel_loop3A_1042 = arith.index_cast %parallel_loop3A_1041 : i32 to index
        %parallel_loop3A_1043 = arith.index_cast %parallel_loop3A_250 : i32 to index
        %parallel_loop3A_1044 = arith.constant 384 : index
        %parallel_loop3A_1045 = tpu.vector_load %arg10[%parallel_loop3A_1042, %parallel_loop3A_1043, %parallel_loop3A_1044] {strides = array<i32>} : memref<4x16x768xf32, #tpu.memory_space<vmem>>, vector<1x1x16xf32>,
        %parallel_loop3A_1046 = vector.shape_cast %parallel_loop3A_1045 : vector<1x1x16xf32> to vector<16xf32>
        %parallel_loop3A_1047 = vector.shape_cast %parallel_loop3A_994 : vector<16xf32> to vector<1x1x16xf32>
        tpu.vector_store %arg10[%parallel_loop3A_1042, %parallel_loop3A_1043, %parallel_loop3A_1044], %parallel_loop3A_1047 {add = true, strides = array<i32>} : memref<4x16x768xf32, #tpu.memory_space<vmem>>, vector<1x1x16xf32>,
        %parallel_loop3A_1048 = arith.constant 3 : i32
        %parallel_loop3A_1049 = arith.index_cast %parallel_loop3A_1048 : i32 to index
        %parallel_loop3A_1050 = arith.index_cast %parallel_loop3A_250 : i32 to index
        %parallel_loop3A_1051 = arith.constant 384 : index
        %parallel_loop3A_1052 = tpu.vector_load %arg10[%parallel_loop3A_1049, %parallel_loop3A_1050, %parallel_loop3A_1051] {strides = array<i32>} : memref<4x16x768xf32, #tpu.memory_space<vmem>>, vector<1x1x16xf32>,
        %parallel_loop3A_1053 = vector.shape_cast %parallel_loop3A_1052 : vector<1x1x16xf32> to vector<16xf32>
        %parallel_loop3A_1054 = vector.shape_cast %parallel_loop3A_994 : vector<16xf32> to vector<1x1x16xf32>
        tpu.vector_store %arg10[%parallel_loop3A_1049, %parallel_loop3A_1050, %parallel_loop3A_1051], %parallel_loop3A_1054 {add = true, strides = array<i32>} : memref<4x16x768xf32, #tpu.memory_space<vmem>>, vector<1x1x16xf32>,
        %parallel_loop3A_1055 = arith.index_cast %parallel_loop3A_250 : i32 to index
        %parallel_loop3A_1056 = arith.constant 416 : index
        %parallel_loop3A_1057 = tpu.vector_load %arg8[%parallel_loop3A_1055, %parallel_loop3A_1056] {strides = array<i32>} : memref<16x768xf32, #tpu.memory_space<vmem>>, vector<1x16xf32>,
        %parallel_loop3A_1058 = vector.shape_cast %parallel_loop3A_1057 : vector<1x16xf32> to vector<16xf32>
        %parallel_loop3A_1059 = arith.constant 0 : i32
        %parallel_loop3A_1060 = arith.index_cast %parallel_loop3A_1059 : i32 to index
        %parallel_loop3A_1061 = arith.index_cast %parallel_loop3A_250 : i32 to index
        %parallel_loop3A_1062 = arith.constant 400 : index
        %parallel_loop3A_1063 = tpu.vector_load %arg10[%parallel_loop3A_1060, %parallel_loop3A_1061, %parallel_loop3A_1062] {strides = array<i32>} : memref<4x16x768xf32, #tpu.memory_space<vmem>>, vector<1x1x16xf32>,
        %parallel_loop3A_1064 = vector.shape_cast %parallel_loop3A_1063 : vector<1x1x16xf32> to vector<16xf32>
        %parallel_loop3A_1065 = vector.shape_cast %parallel_loop3A_1026 : vector<16xf32> to vector<1x1x16xf32>
        tpu.vector_store %arg10[%parallel_loop3A_1060, %parallel_loop3A_1061, %parallel_loop3A_1062], %parallel_loop3A_1065 {add = true, strides = array<i32>} : memref<4x16x768xf32, #tpu.memory_space<vmem>>, vector<1x1x16xf32>,
        %parallel_loop3A_1066 = arith.constant 1 : i32
        %parallel_loop3A_1067 = arith.index_cast %parallel_loop3A_1066 : i32 to index
        %parallel_loop3A_1068 = arith.index_cast %parallel_loop3A_250 : i32 to index
        %parallel_loop3A_1069 = arith.constant 400 : index
        %parallel_loop3A_1070 = tpu.vector_load %arg10[%parallel_loop3A_1067, %parallel_loop3A_1068, %parallel_loop3A_1069] {strides = array<i32>} : memref<4x16x768xf32, #tpu.memory_space<vmem>>, vector<1x1x16xf32>,
        %parallel_loop3A_1071 = vector.shape_cast %parallel_loop3A_1070 : vector<1x1x16xf32> to vector<16xf32>
        %parallel_loop3A_1072 = vector.shape_cast %parallel_loop3A_1026 : vector<16xf32> to vector<1x1x16xf32>
        tpu.vector_store %arg10[%parallel_loop3A_1067, %parallel_loop3A_1068, %parallel_loop3A_1069], %parallel_loop3A_1072 {add = true, strides = array<i32>} : memref<4x16x768xf32, #tpu.memory_space<vmem>>, vector<1x1x16xf32>,
        %parallel_loop3A_1073 = arith.constant 2 : i32
        %parallel_loop3A_1074 = arith.index_cast %parallel_loop3A_1073 : i32 to index
        %parallel_loop3A_1075 = arith.index_cast %parallel_loop3A_250 : i32 to index
        %parallel_loop3A_1076 = arith.constant 400 : index
        %parallel_loop3A_1077 = tpu.vector_load %arg10[%parallel_loop3A_1074, %parallel_loop3A_1075, %parallel_loop3A_1076] {strides = array<i32>} : memref<4x16x768xf32, #tpu.memory_space<vmem>>, vector<1x1x16xf32>,
        %parallel_loop3A_1078 = vector.shape_cast %parallel_loop3A_1077 : vector<1x1x16xf32> to vector<16xf32>
        %parallel_loop3A_1079 = vector.shape_cast %parallel_loop3A_1026 : vector<16xf32> to vector<1x1x16xf32>
        tpu.vector_store %arg10[%parallel_loop3A_1074, %parallel_loop3A_1075, %parallel_loop3A_1076], %parallel_loop3A_1079 {add = true, strides = array<i32>} : memref<4x16x768xf32, #tpu.memory_space<vmem>>, vector<1x1x16xf32>,
        %parallel_loop3A_1080 = arith.constant 3 : i32
        %parallel_loop3A_1081 = arith.index_cast %parallel_loop3A_1080 : i32 to index
        %parallel_loop3A_1082 = arith.index_cast %parallel_loop3A_250 : i32 to index
        %parallel_loop3A_1083 = arith.constant 400 : index
        %parallel_loop3A_1084 = tpu.vector_load %arg10[%parallel_loop3A_1081, %parallel_loop3A_1082, %parallel_loop3A_1083] {strides = array<i32>} : memref<4x16x768xf32, #tpu.memory_space<vmem>>, vector<1x1x16xf32>,
        %parallel_loop3A_1085 = vector.shape_cast %parallel_loop3A_1084 : vector<1x1x16xf32> to vector<16xf32>
        %parallel_loop3A_1086 = vector.shape_cast %parallel_loop3A_1026 : vector<16xf32> to vector<1x1x16xf32>
        tpu.vector_store %arg10[%parallel_loop3A_1081, %parallel_loop3A_1082, %parallel_loop3A_1083], %parallel_loop3A_1086 {add = true, strides = array<i32>} : memref<4x16x768xf32, #tpu.memory_space<vmem>>, vector<1x1x16xf32>,
        %parallel_loop3A_1087 = arith.index_cast %parallel_loop3A_250 : i32 to index
        %parallel_loop3A_1088 = arith.constant 432 : index
        %parallel_loop3A_1089 = tpu.vector_load %arg8[%parallel_loop3A_1087, %parallel_loop3A_1088] {strides = array<i32>} : memref<16x768xf32, #tpu.memory_space<vmem>>, vector<1x16xf32>,
        %parallel_loop3A_1090 = vector.shape_cast %parallel_loop3A_1089 : vector<1x16xf32> to vector<16xf32>
        %parallel_loop3A_1091 = arith.constant 0 : i32
        %parallel_loop3A_1092 = arith.index_cast %parallel_loop3A_1091 : i32 to index
        %parallel_loop3A_1093 = arith.index_cast %parallel_loop3A_250 : i32 to index
        %parallel_loop3A_1094 = arith.constant 416 : index
        %parallel_loop3A_1095 = tpu.vector_load %arg10[%parallel_loop3A_1092, %parallel_loop3A_1093, %parallel_loop3A_1094] {strides = array<i32>} : memref<4x16x768xf32, #tpu.memory_space<vmem>>, vector<1x1x16xf32>,
        %parallel_loop3A_1096 = vector.shape_cast %parallel_loop3A_1095 : vector<1x1x16xf32> to vector<16xf32>
        %parallel_loop3A_1097 = vector.shape_cast %parallel_loop3A_1058 : vector<16xf32> to vector<1x1x16xf32>
        tpu.vector_store %arg10[%parallel_loop3A_1092, %parallel_loop3A_1093, %parallel_loop3A_1094], %parallel_loop3A_1097 {add = true, strides = array<i32>} : memref<4x16x768xf32, #tpu.memory_space<vmem>>, vector<1x1x16xf32>,
        %parallel_loop3A_1098 = arith.constant 1 : i32
        %parallel_loop3A_1099 = arith.index_cast %parallel_loop3A_1098 : i32 to index
        %parallel_loop3A_1100 = arith.index_cast %parallel_loop3A_250 : i32 to index
        %parallel_loop3A_1101 = arith.constant 416 : index
        %parallel_loop3A_1102 = tpu.vector_load %arg10[%parallel_loop3A_1099, %parallel_loop3A_1100, %parallel_loop3A_1101] {strides = array<i32>} : memref<4x16x768xf32, #tpu.memory_space<vmem>>, vector<1x1x16xf32>,
        %parallel_loop3A_1103 = vector.shape_cast %parallel_loop3A_1102 : vector<1x1x16xf32> to vector<16xf32>
        %parallel_loop3A_1104 = vector.shape_cast %parallel_loop3A_1058 : vector<16xf32> to vector<1x1x16xf32>
        tpu.vector_store %arg10[%parallel_loop3A_1099, %parallel_loop3A_1100, %parallel_loop3A_1101], %parallel_loop3A_1104 {add = true, strides = array<i32>} : memref<4x16x768xf32, #tpu.memory_space<vmem>>, vector<1x1x16xf32>,
        %parallel_loop3A_1105 = arith.constant 2 : i32
        %parallel_loop3A_1106 = arith.index_cast %parallel_loop3A_1105 : i32 to index
        %parallel_loop3A_1107 = arith.index_cast %parallel_loop3A_250 : i32 to index
        %parallel_loop3A_1108 = arith.constant 416 : index
        %parallel_loop3A_1109 = tpu.vector_load %arg10[%parallel_loop3A_1106, %parallel_loop3A_1107, %parallel_loop3A_1108] {strides = array<i32>} : memref<4x16x768xf32, #tpu.memory_space<vmem>>, vector<1x1x16xf32>,
        %parallel_loop3A_1110 = vector.shape_cast %parallel_loop3A_1109 : vector<1x1x16xf32> to vector<16xf32>
        %parallel_loop3A_1111 = vector.shape_cast %parallel_loop3A_1058 : vector<16xf32> to vector<1x1x16xf32>
        tpu.vector_store %arg10[%parallel_loop3A_1106, %parallel_loop3A_1107, %parallel_loop3A_1108], %parallel_loop3A_1111 {add = true, strides = array<i32>} : memref<4x16x768xf32, #tpu.memory_space<vmem>>, vector<1x1x16xf32>,
        %parallel_loop3A_1112 = arith.constant 3 : i32
        %parallel_loop3A_1113 = arith.index_cast %parallel_loop3A_1112 : i32 to index
        %parallel_loop3A_1114 = arith.index_cast %parallel_loop3A_250 : i32 to index
        %parallel_loop3A_1115 = arith.constant 416 : index
        %parallel_loop3A_1116 = tpu.vector_load %arg10[%parallel_loop3A_1113, %parallel_loop3A_1114, %parallel_loop3A_1115] {strides = array<i32>} : memref<4x16x768xf32, #tpu.memory_space<vmem>>, vector<1x1x16xf32>,
        %parallel_loop3A_1117 = vector.shape_cast %parallel_loop3A_1116 : vector<1x1x16xf32> to vector<16xf32>
        %parallel_loop3A_1118 = vector.shape_cast %parallel_loop3A_1058 : vector<16xf32> to vector<1x1x16xf32>
        tpu.vector_store %arg10[%parallel_loop3A_1113, %parallel_loop3A_1114, %parallel_loop3A_1115], %parallel_loop3A_1118 {add = true, strides = array<i32>} : memref<4x16x768xf32, #tpu.memory_space<vmem>>, vector<1x1x16xf32>,
        %parallel_loop3A_1119 = arith.index_cast %parallel_loop3A_250 : i32 to index
        %parallel_loop3A_1120 = arith.constant 448 : index
        %parallel_loop3A_1121 = tpu.vector_load %arg8[%parallel_loop3A_1119, %parallel_loop3A_1120] {strides = array<i32>} : memref<16x768xf32, #tpu.memory_space<vmem>>, vector<1x16xf32>,
        %parallel_loop3A_1122 = vector.shape_cast %parallel_loop3A_1121 : vector<1x16xf32> to vector<16xf32>
        %parallel_loop3A_1123 = arith.constant 0 : i32
        %parallel_loop3A_1124 = arith.index_cast %parallel_loop3A_1123 : i32 to index
        %parallel_loop3A_1125 = arith.index_cast %parallel_loop3A_250 : i32 to index
        %parallel_loop3A_1126 = arith.constant 432 : index
        %parallel_loop3A_1127 = tpu.vector_load %arg10[%parallel_loop3A_1124, %parallel_loop3A_1125, %parallel_loop3A_1126] {strides = array<i32>} : memref<4x16x768xf32, #tpu.memory_space<vmem>>, vector<1x1x16xf32>,
        %parallel_loop3A_1128 = vector.shape_cast %parallel_loop3A_1127 : vector<1x1x16xf32> to vector<16xf32>
        %parallel_loop3A_1129 = vector.shape_cast %parallel_loop3A_1090 : vector<16xf32> to vector<1x1x16xf32>
        tpu.vector_store %arg10[%parallel_loop3A_1124, %parallel_loop3A_1125, %parallel_loop3A_1126], %parallel_loop3A_1129 {add = true, strides = array<i32>} : memref<4x16x768xf32, #tpu.memory_space<vmem>>, vector<1x1x16xf32>,
        %parallel_loop3A_1130 = arith.constant 1 : i32
        %parallel_loop3A_1131 = arith.index_cast %parallel_loop3A_1130 : i32 to index
        %parallel_loop3A_1132 = arith.index_cast %parallel_loop3A_250 : i32 to index
        %parallel_loop3A_1133 = arith.constant 432 : index
        %parallel_loop3A_1134 = tpu.vector_load %arg10[%parallel_loop3A_1131, %parallel_loop3A_1132, %parallel_loop3A_1133] {strides = array<i32>} : memref<4x16x768xf32, #tpu.memory_space<vmem>>, vector<1x1x16xf32>,
        %parallel_loop3A_1135 = vector.shape_cast %parallel_loop3A_1134 : vector<1x1x16xf32> to vector<16xf32>
        %parallel_loop3A_1136 = vector.shape_cast %parallel_loop3A_1090 : vector<16xf32> to vector<1x1x16xf32>
        tpu.vector_store %arg10[%parallel_loop3A_1131, %parallel_loop3A_1132, %parallel_loop3A_1133], %parallel_loop3A_1136 {add = true, strides = array<i32>} : memref<4x16x768xf32, #tpu.memory_space<vmem>>, vector<1x1x16xf32>,
        %parallel_loop3A_1137 = arith.constant 2 : i32
        %parallel_loop3A_1138 = arith.index_cast %parallel_loop3A_1137 : i32 to index
        %parallel_loop3A_1139 = arith.index_cast %parallel_loop3A_250 : i32 to index
        %parallel_loop3A_1140 = arith.constant 432 : index
        %parallel_loop3A_1141 = tpu.vector_load %arg10[%parallel_loop3A_1138, %parallel_loop3A_1139, %parallel_loop3A_1140] {strides = array<i32>} : memref<4x16x768xf32, #tpu.memory_space<vmem>>, vector<1x1x16xf32>,
        %parallel_loop3A_1142 = vector.shape_cast %parallel_loop3A_1141 : vector<1x1x16xf32> to vector<16xf32>
        %parallel_loop3A_1143 = vector.shape_cast %parallel_loop3A_1090 : vector<16xf32> to vector<1x1x16xf32>
        tpu.vector_store %arg10[%parallel_loop3A_1138, %parallel_loop3A_1139, %parallel_loop3A_1140], %parallel_loop3A_1143 {add = true, strides = array<i32>} : memref<4x16x768xf32, #tpu.memory_space<vmem>>, vector<1x1x16xf32>,
        %parallel_loop3A_1144 = arith.constant 3 : i32
        %parallel_loop3A_1145 = arith.index_cast %parallel_loop3A_1144 : i32 to index
        %parallel_loop3A_1146 = arith.index_cast %parallel_loop3A_250 : i32 to index
        %parallel_loop3A_1147 = arith.constant 432 : index
        %parallel_loop3A_1148 = tpu.vector_load %arg10[%parallel_loop3A_1145, %parallel_loop3A_1146, %parallel_loop3A_1147] {strides = array<i32>} : memref<4x16x768xf32, #tpu.memory_space<vmem>>, vector<1x1x16xf32>,
        %parallel_loop3A_1149 = vector.shape_cast %parallel_loop3A_1148 : vector<1x1x16xf32> to vector<16xf32>
        %parallel_loop3A_1150 = vector.shape_cast %parallel_loop3A_1090 : vector<16xf32> to vector<1x1x16xf32>
        tpu.vector_store %arg10[%parallel_loop3A_1145, %parallel_loop3A_1146, %parallel_loop3A_1147], %parallel_loop3A_1150 {add = true, strides = array<i32>} : memref<4x16x768xf32, #tpu.memory_space<vmem>>, vector<1x1x16xf32>,
        %parallel_loop3A_1151 = arith.index_cast %parallel_loop3A_250 : i32 to index
        %parallel_loop3A_1152 = arith.constant 464 : index
        %parallel_loop3A_1153 = tpu.vector_load %arg8[%parallel_loop3A_1151, %parallel_loop3A_1152] {strides = array<i32>} : memref<16x768xf32, #tpu.memory_space<vmem>>, vector<1x16xf32>,
        %parallel_loop3A_1154 = vector.shape_cast %parallel_loop3A_1153 : vector<1x16xf32> to vector<16xf32>
        %parallel_loop3A_1155 = arith.constant 0 : i32
        %parallel_loop3A_1156 = arith.index_cast %parallel_loop3A_1155 : i32 to index
        %parallel_loop3A_1157 = arith.index_cast %parallel_loop3A_250 : i32 to index
        %parallel_loop3A_1158 = arith.constant 448 : index
        %parallel_loop3A_1159 = tpu.vector_load %arg10[%parallel_loop3A_1156, %parallel_loop3A_1157, %parallel_loop3A_1158] {strides = array<i32>} : memref<4x16x768xf32, #tpu.memory_space<vmem>>, vector<1x1x16xf32>,
        %parallel_loop3A_1160 = vector.shape_cast %parallel_loop3A_1159 : vector<1x1x16xf32> to vector<16xf32>
        %parallel_loop3A_1161 = vector.shape_cast %parallel_loop3A_1122 : vector<16xf32> to vector<1x1x16xf32>
        tpu.vector_store %arg10[%parallel_loop3A_1156, %parallel_loop3A_1157, %parallel_loop3A_1158], %parallel_loop3A_1161 {add = true, strides = array<i32>} : memref<4x16x768xf32, #tpu.memory_space<vmem>>, vector<1x1x16xf32>,
        %parallel_loop3A_1162 = arith.constant 1 : i32
        %parallel_loop3A_1163 = arith.index_cast %parallel_loop3A_1162 : i32 to index
        %parallel_loop3A_1164 = arith.index_cast %parallel_loop3A_250 : i32 to index
        %parallel_loop3A_1165 = arith.constant 448 : index
        %parallel_loop3A_1166 = tpu.vector_load %arg10[%parallel_loop3A_1163, %parallel_loop3A_1164, %parallel_loop3A_1165] {strides = array<i32>} : memref<4x16x768xf32, #tpu.memory_space<vmem>>, vector<1x1x16xf32>,
        %parallel_loop3A_1167 = vector.shape_cast %parallel_loop3A_1166 : vector<1x1x16xf32> to vector<16xf32>
        %parallel_loop3A_1168 = vector.shape_cast %parallel_loop3A_1122 : vector<16xf32> to vector<1x1x16xf32>
        tpu.vector_store %arg10[%parallel_loop3A_1163, %parallel_loop3A_1164, %parallel_loop3A_1165], %parallel_loop3A_1168 {add = true, strides = array<i32>} : memref<4x16x768xf32, #tpu.memory_space<vmem>>, vector<1x1x16xf32>,
        %parallel_loop3A_1169 = arith.constant 2 : i32
        %parallel_loop3A_1170 = arith.index_cast %parallel_loop3A_1169 : i32 to index
        %parallel_loop3A_1171 = arith.index_cast %parallel_loop3A_250 : i32 to index
        %parallel_loop3A_1172 = arith.constant 448 : index
        %parallel_loop3A_1173 = tpu.vector_load %arg10[%parallel_loop3A_1170, %parallel_loop3A_1171, %parallel_loop3A_1172] {strides = array<i32>} : memref<4x16x768xf32, #tpu.memory_space<vmem>>, vector<1x1x16xf32>,
        %parallel_loop3A_1174 = vector.shape_cast %parallel_loop3A_1173 : vector<1x1x16xf32> to vector<16xf32>
        %parallel_loop3A_1175 = vector.shape_cast %parallel_loop3A_1122 : vector<16xf32> to vector<1x1x16xf32>
        tpu.vector_store %arg10[%parallel_loop3A_1170, %parallel_loop3A_1171, %parallel_loop3A_1172], %parallel_loop3A_1175 {add = true, strides = array<i32>} : memref<4x16x768xf32, #tpu.memory_space<vmem>>, vector<1x1x16xf32>,
        %parallel_loop3A_1176 = arith.constant 3 : i32
        %parallel_loop3A_1177 = arith.index_cast %parallel_loop3A_1176 : i32 to index
        %parallel_loop3A_1178 = arith.index_cast %parallel_loop3A_250 : i32 to index
        %parallel_loop3A_1179 = arith.constant 448 : index
        %parallel_loop3A_1180 = tpu.vector_load %arg10[%parallel_loop3A_1177, %parallel_loop3A_1178, %parallel_loop3A_1179] {strides = array<i32>} : memref<4x16x768xf32, #tpu.memory_space<vmem>>, vector<1x1x16xf32>,
        %parallel_loop3A_1181 = vector.shape_cast %parallel_loop3A_1180 : vector<1x1x16xf32> to vector<16xf32>
        %parallel_loop3A_1182 = vector.shape_cast %parallel_loop3A_1122 : vector<16xf32> to vector<1x1x16xf32>
        tpu.vector_store %arg10[%parallel_loop3A_1177, %parallel_loop3A_1178, %parallel_loop3A_1179], %parallel_loop3A_1182 {add = true, strides = array<i32>} : memref<4x16x768xf32, #tpu.memory_space<vmem>>, vector<1x1x16xf32>,
        %parallel_loop3A_1183 = arith.index_cast %parallel_loop3A_250 : i32 to index
        %parallel_loop3A_1184 = arith.constant 480 : index
        %parallel_loop3A_1185 = tpu.vector_load %arg8[%parallel_loop3A_1183, %parallel_loop3A_1184] {strides = array<i32>} : memref<16x768xf32, #tpu.memory_space<vmem>>, vector<1x16xf32>,
        %parallel_loop3A_1186 = vector.shape_cast %parallel_loop3A_1185 : vector<1x16xf32> to vector<16xf32>
        %parallel_loop3A_1187 = arith.constant 0 : i32
        %parallel_loop3A_1188 = arith.index_cast %parallel_loop3A_1187 : i32 to index
        %parallel_loop3A_1189 = arith.index_cast %parallel_loop3A_250 : i32 to index
        %parallel_loop3A_1190 = arith.constant 464 : index
        %parallel_loop3A_1191 = tpu.vector_load %arg10[%parallel_loop3A_1188, %parallel_loop3A_1189, %parallel_loop3A_1190] {strides = array<i32>} : memref<4x16x768xf32, #tpu.memory_space<vmem>>, vector<1x1x16xf32>,
        %parallel_loop3A_1192 = vector.shape_cast %parallel_loop3A_1191 : vector<1x1x16xf32> to vector<16xf32>
        %parallel_loop3A_1193 = vector.shape_cast %parallel_loop3A_1154 : vector<16xf32> to vector<1x1x16xf32>
        tpu.vector_store %arg10[%parallel_loop3A_1188, %parallel_loop3A_1189, %parallel_loop3A_1190], %parallel_loop3A_1193 {add = true, strides = array<i32>} : memref<4x16x768xf32, #tpu.memory_space<vmem>>, vector<1x1x16xf32>,
        %parallel_loop3A_1194 = arith.constant 1 : i32
        %parallel_loop3A_1195 = arith.index_cast %parallel_loop3A_1194 : i32 to index
        %parallel_loop3A_1196 = arith.index_cast %parallel_loop3A_250 : i32 to index
        %parallel_loop3A_1197 = arith.constant 464 : index
        %parallel_loop3A_1198 = tpu.vector_load %arg10[%parallel_loop3A_1195, %parallel_loop3A_1196, %parallel_loop3A_1197] {strides = array<i32>} : memref<4x16x768xf32, #tpu.memory_space<vmem>>, vector<1x1x16xf32>,
        %parallel_loop3A_1199 = vector.shape_cast %parallel_loop3A_1198 : vector<1x1x16xf32> to vector<16xf32>
        %parallel_loop3A_1200 = vector.shape_cast %parallel_loop3A_1154 : vector<16xf32> to vector<1x1x16xf32>
        tpu.vector_store %arg10[%parallel_loop3A_1195, %parallel_loop3A_1196, %parallel_loop3A_1197], %parallel_loop3A_1200 {add = true, strides = array<i32>} : memref<4x16x768xf32, #tpu.memory_space<vmem>>, vector<1x1x16xf32>,
        %parallel_loop3A_1201 = arith.constant 2 : i32
        %parallel_loop3A_1202 = arith.index_cast %parallel_loop3A_1201 : i32 to index
        %parallel_loop3A_1203 = arith.index_cast %parallel_loop3A_250 : i32 to index
        %parallel_loop3A_1204 = arith.constant 464 : index
        %parallel_loop3A_1205 = tpu.vector_load %arg10[%parallel_loop3A_1202, %parallel_loop3A_1203, %parallel_loop3A_1204] {strides = array<i32>} : memref<4x16x768xf32, #tpu.memory_space<vmem>>, vector<1x1x16xf32>,
        %parallel_loop3A_1206 = vector.shape_cast %parallel_loop3A_1205 : vector<1x1x16xf32> to vector<16xf32>
        %parallel_loop3A_1207 = vector.shape_cast %parallel_loop3A_1154 : vector<16xf32> to vector<1x1x16xf32>
        tpu.vector_store %arg10[%parallel_loop3A_1202, %parallel_loop3A_1203, %parallel_loop3A_1204], %parallel_loop3A_1207 {add = true, strides = array<i32>} : memref<4x16x768xf32, #tpu.memory_space<vmem>>, vector<1x1x16xf32>,
        %parallel_loop3A_1208 = arith.constant 3 : i32
        %parallel_loop3A_1209 = arith.index_cast %parallel_loop3A_1208 : i32 to index
        %parallel_loop3A_1210 = arith.index_cast %parallel_loop3A_250 : i32 to index
        %parallel_loop3A_1211 = arith.constant 464 : index
        %parallel_loop3A_1212 = tpu.vector_load %arg10[%parallel_loop3A_1209, %parallel_loop3A_1210, %parallel_loop3A_1211] {strides = array<i32>} : memref<4x16x768xf32, #tpu.memory_space<vmem>>, vector<1x1x16xf32>,
        %parallel_loop3A_1213 = vector.shape_cast %parallel_loop3A_1212 : vector<1x1x16xf32> to vector<16xf32>
        %parallel_loop3A_1214 = vector.shape_cast %parallel_loop3A_1154 : vector<16xf32> to vector<1x1x16xf32>
        tpu.vector_store %arg10[%parallel_loop3A_1209, %parallel_loop3A_1210, %parallel_loop3A_1211], %parallel_loop3A_1214 {add = true, strides = array<i32>} : memref<4x16x768xf32, #tpu.memory_space<vmem>>, vector<1x1x16xf32>,
        %parallel_loop3A_1215 = arith.index_cast %parallel_loop3A_250 : i32 to index
        %parallel_loop3A_1216 = arith.constant 496 : index
        %parallel_loop3A_1217 = tpu.vector_load %arg8[%parallel_loop3A_1215, %parallel_loop3A_1216] {strides = array<i32>} : memref<16x768xf32, #tpu.memory_space<vmem>>, vector<1x16xf32>,
        %parallel_loop3A_1218 = vector.shape_cast %parallel_loop3A_1217 : vector<1x16xf32> to vector<16xf32>
        %parallel_loop3A_1219 = arith.constant 0 : i32
        %parallel_loop3A_1220 = arith.index_cast %parallel_loop3A_1219 : i32 to index
        %parallel_loop3A_1221 = arith.index_cast %parallel_loop3A_250 : i32 to index
        %parallel_loop3A_1222 = arith.constant 480 : index
        %parallel_loop3A_1223 = tpu.vector_load %arg10[%parallel_loop3A_1220, %parallel_loop3A_1221, %parallel_loop3A_1222] {strides = array<i32>} : memref<4x16x768xf32, #tpu.memory_space<vmem>>, vector<1x1x16xf32>,
        %parallel_loop3A_1224 = vector.shape_cast %parallel_loop3A_1223 : vector<1x1x16xf32> to vector<16xf32>
        %parallel_loop3A_1225 = vector.shape_cast %parallel_loop3A_1186 : vector<16xf32> to vector<1x1x16xf32>
        tpu.vector_store %arg10[%parallel_loop3A_1220, %parallel_loop3A_1221, %parallel_loop3A_1222], %parallel_loop3A_1225 {add = true, strides = array<i32>} : memref<4x16x768xf32, #tpu.memory_space<vmem>>, vector<1x1x16xf32>,
        %parallel_loop3A_1226 = arith.constant 1 : i32
        %parallel_loop3A_1227 = arith.index_cast %parallel_loop3A_1226 : i32 to index
        %parallel_loop3A_1228 = arith.index_cast %parallel_loop3A_250 : i32 to index
        %parallel_loop3A_1229 = arith.constant 480 : index
        %parallel_loop3A_1230 = tpu.vector_load %arg10[%parallel_loop3A_1227, %parallel_loop3A_1228, %parallel_loop3A_1229] {strides = array<i32>} : memref<4x16x768xf32, #tpu.memory_space<vmem>>, vector<1x1x16xf32>,
        %parallel_loop3A_1231 = vector.shape_cast %parallel_loop3A_1230 : vector<1x1x16xf32> to vector<16xf32>
        %parallel_loop3A_1232 = vector.shape_cast %parallel_loop3A_1186 : vector<16xf32> to vector<1x1x16xf32>
        tpu.vector_store %arg10[%parallel_loop3A_1227, %parallel_loop3A_1228, %parallel_loop3A_1229], %parallel_loop3A_1232 {add = true, strides = array<i32>} : memref<4x16x768xf32, #tpu.memory_space<vmem>>, vector<1x1x16xf32>,
        %parallel_loop3A_1233 = arith.constant 2 : i32
        %parallel_loop3A_1234 = arith.index_cast %parallel_loop3A_1233 : i32 to index
        %parallel_loop3A_1235 = arith.index_cast %parallel_loop3A_250 : i32 to index
        %parallel_loop3A_1236 = arith.constant 480 : index
        %parallel_loop3A_1237 = tpu.vector_load %arg10[%parallel_loop3A_1234, %parallel_loop3A_1235, %parallel_loop3A_1236] {strides = array<i32>} : memref<4x16x768xf32, #tpu.memory_space<vmem>>, vector<1x1x16xf32>,
        %parallel_loop3A_1238 = vector.shape_cast %parallel_loop3A_1237 : vector<1x1x16xf32> to vector<16xf32>
        %parallel_loop3A_1239 = vector.shape_cast %parallel_loop3A_1186 : vector<16xf32> to vector<1x1x16xf32>
        tpu.vector_store %arg10[%parallel_loop3A_1234, %parallel_loop3A_1235, %parallel_loop3A_1236], %parallel_loop3A_1239 {add = true, strides = array<i32>} : memref<4x16x768xf32, #tpu.memory_space<vmem>>, vector<1x1x16xf32>,
        %parallel_loop3A_1240 = arith.constant 3 : i32
        %parallel_loop3A_1241 = arith.index_cast %parallel_loop3A_1240 : i32 to index
        %parallel_loop3A_1242 = arith.index_cast %parallel_loop3A_250 : i32 to index
        %parallel_loop3A_1243 = arith.constant 480 : index
        %parallel_loop3A_1244 = tpu.vector_load %arg10[%parallel_loop3A_1241, %parallel_loop3A_1242, %parallel_loop3A_1243] {strides = array<i32>} : memref<4x16x768xf32, #tpu.memory_space<vmem>>, vector<1x1x16xf32>,
        %parallel_loop3A_1245 = vector.shape_cast %parallel_loop3A_1244 : vector<1x1x16xf32> to vector<16xf32>
        %parallel_loop3A_1246 = vector.shape_cast %parallel_loop3A_1186 : vector<16xf32> to vector<1x1x16xf32>
        tpu.vector_store %arg10[%parallel_loop3A_1241, %parallel_loop3A_1242, %parallel_loop3A_1243], %parallel_loop3A_1246 {add = true, strides = array<i32>} : memref<4x16x768xf32, #tpu.memory_space<vmem>>, vector<1x1x16xf32>,
        %parallel_loop3A_1247 = arith.index_cast %parallel_loop3A_250 : i32 to index
        %parallel_loop3A_1248 = arith.constant 512 : index
        %parallel_loop3A_1249 = tpu.vector_load %arg8[%parallel_loop3A_1247, %parallel_loop3A_1248] {strides = array<i32>} : memref<16x768xf32, #tpu.memory_space<vmem>>, vector<1x16xf32>,
        %parallel_loop3A_1250 = vector.shape_cast %parallel_loop3A_1249 : vector<1x16xf32> to vector<16xf32>
        %parallel_loop3A_1251 = arith.constant 0 : i32
        %parallel_loop3A_1252 = arith.index_cast %parallel_loop3A_1251 : i32 to index
        %parallel_loop3A_1253 = arith.index_cast %parallel_loop3A_250 : i32 to index
        %parallel_loop3A_1254 = arith.constant 496 : index
        %parallel_loop3A_1255 = tpu.vector_load %arg10[%parallel_loop3A_1252, %parallel_loop3A_1253, %parallel_loop3A_1254] {strides = array<i32>} : memref<4x16x768xf32, #tpu.memory_space<vmem>>, vector<1x1x16xf32>,
        %parallel_loop3A_1256 = vector.shape_cast %parallel_loop3A_1255 : vector<1x1x16xf32> to vector<16xf32>
        %parallel_loop3A_1257 = vector.shape_cast %parallel_loop3A_1218 : vector<16xf32> to vector<1x1x16xf32>
        tpu.vector_store %arg10[%parallel_loop3A_1252, %parallel_loop3A_1253, %parallel_loop3A_1254], %parallel_loop3A_1257 {add = true, strides = array<i32>} : memref<4x16x768xf32, #tpu.memory_space<vmem>>, vector<1x1x16xf32>,
        %parallel_loop3A_1258 = arith.constant 1 : i32
        %parallel_loop3A_1259 = arith.index_cast %parallel_loop3A_1258 : i32 to index
        %parallel_loop3A_1260 = arith.index_cast %parallel_loop3A_250 : i32 to index
        %parallel_loop3A_1261 = arith.constant 496 : index
        %parallel_loop3A_1262 = tpu.vector_load %arg10[%parallel_loop3A_1259, %parallel_loop3A_1260, %parallel_loop3A_1261] {strides = array<i32>} : memref<4x16x768xf32, #tpu.memory_space<vmem>>, vector<1x1x16xf32>,
        %parallel_loop3A_1263 = vector.shape_cast %parallel_loop3A_1262 : vector<1x1x16xf32> to vector<16xf32>
        %parallel_loop3A_1264 = vector.shape_cast %parallel_loop3A_1218 : vector<16xf32> to vector<1x1x16xf32>
        tpu.vector_store %arg10[%parallel_loop3A_1259, %parallel_loop3A_1260, %parallel_loop3A_1261], %parallel_loop3A_1264 {add = true, strides = array<i32>} : memref<4x16x768xf32, #tpu.memory_space<vmem>>, vector<1x1x16xf32>,
        %parallel_loop3A_1265 = arith.constant 2 : i32
        %parallel_loop3A_1266 = arith.index_cast %parallel_loop3A_1265 : i32 to index
        %parallel_loop3A_1267 = arith.index_cast %parallel_loop3A_250 : i32 to index
        %parallel_loop3A_1268 = arith.constant 496 : index
        %parallel_loop3A_1269 = tpu.vector_load %arg10[%parallel_loop3A_1266, %parallel_loop3A_1267, %parallel_loop3A_1268] {strides = array<i32>} : memref<4x16x768xf32, #tpu.memory_space<vmem>>, vector<1x1x16xf32>,
        %parallel_loop3A_1270 = vector.shape_cast %parallel_loop3A_1269 : vector<1x1x16xf32> to vector<16xf32>
        %parallel_loop3A_1271 = vector.shape_cast %parallel_loop3A_1218 : vector<16xf32> to vector<1x1x16xf32>
        tpu.vector_store %arg10[%parallel_loop3A_1266, %parallel_loop3A_1267, %parallel_loop3A_1268], %parallel_loop3A_1271 {add = true, strides = array<i32>} : memref<4x16x768xf32, #tpu.memory_space<vmem>>, vector<1x1x16xf32>,
        %parallel_loop3A_1272 = arith.constant 3 : i32
        %parallel_loop3A_1273 = arith.index_cast %parallel_loop3A_1272 : i32 to index
        %parallel_loop3A_1274 = arith.index_cast %parallel_loop3A_250 : i32 to index
        %parallel_loop3A_1275 = arith.constant 496 : index
        %parallel_loop3A_1276 = tpu.vector_load %arg10[%parallel_loop3A_1273, %parallel_loop3A_1274, %parallel_loop3A_1275] {strides = array<i32>} : memref<4x16x768xf32, #tpu.memory_space<vmem>>, vector<1x1x16xf32>,
        %parallel_loop3A_1277 = vector.shape_cast %parallel_loop3A_1276 : vector<1x1x16xf32> to vector<16xf32>
        %parallel_loop3A_1278 = vector.shape_cast %parallel_loop3A_1218 : vector<16xf32> to vector<1x1x16xf32>
        tpu.vector_store %arg10[%parallel_loop3A_1273, %parallel_loop3A_1274, %parallel_loop3A_1275], %parallel_loop3A_1278 {add = true, strides = array<i32>} : memref<4x16x768xf32, #tpu.memory_space<vmem>>, vector<1x1x16xf32>,
        %parallel_loop3A_1279 = arith.index_cast %parallel_loop3A_250 : i32 to index
        %parallel_loop3A_1280 = arith.constant 528 : index
        %parallel_loop3A_1281 = tpu.vector_load %arg8[%parallel_loop3A_1279, %parallel_loop3A_1280] {strides = array<i32>} : memref<16x768xf32, #tpu.memory_space<vmem>>, vector<1x16xf32>,
        %parallel_loop3A_1282 = vector.shape_cast %parallel_loop3A_1281 : vector<1x16xf32> to vector<16xf32>
        %parallel_loop3A_1283 = arith.constant 0 : i32
        %parallel_loop3A_1284 = arith.index_cast %parallel_loop3A_1283 : i32 to index
        %parallel_loop3A_1285 = arith.index_cast %parallel_loop3A_250 : i32 to index
        %parallel_loop3A_1286 = arith.constant 512 : index
        %parallel_loop3A_1287 = tpu.vector_load %arg10[%parallel_loop3A_1284, %parallel_loop3A_1285, %parallel_loop3A_1286] {strides = array<i32>} : memref<4x16x768xf32, #tpu.memory_space<vmem>>, vector<1x1x16xf32>,
        %parallel_loop3A_1288 = vector.shape_cast %parallel_loop3A_1287 : vector<1x1x16xf32> to vector<16xf32>
        %parallel_loop3A_1289 = vector.shape_cast %parallel_loop3A_1250 : vector<16xf32> to vector<1x1x16xf32>
        tpu.vector_store %arg10[%parallel_loop3A_1284, %parallel_loop3A_1285, %parallel_loop3A_1286], %parallel_loop3A_1289 {add = true, strides = array<i32>} : memref<4x16x768xf32, #tpu.memory_space<vmem>>, vector<1x1x16xf32>,
        %parallel_loop3A_1290 = arith.constant 1 : i32
        %parallel_loop3A_1291 = arith.index_cast %parallel_loop3A_1290 : i32 to index
        %parallel_loop3A_1292 = arith.index_cast %parallel_loop3A_250 : i32 to index
        %parallel_loop3A_1293 = arith.constant 512 : index
        %parallel_loop3A_1294 = tpu.vector_load %arg10[%parallel_loop3A_1291, %parallel_loop3A_1292, %parallel_loop3A_1293] {strides = array<i32>} : memref<4x16x768xf32, #tpu.memory_space<vmem>>, vector<1x1x16xf32>,
        %parallel_loop3A_1295 = vector.shape_cast %parallel_loop3A_1294 : vector<1x1x16xf32> to vector<16xf32>
        %parallel_loop3A_1296 = vector.shape_cast %parallel_loop3A_1250 : vector<16xf32> to vector<1x1x16xf32>
        tpu.vector_store %arg10[%parallel_loop3A_1291, %parallel_loop3A_1292, %parallel_loop3A_1293], %parallel_loop3A_1296 {add = true, strides = array<i32>} : memref<4x16x768xf32, #tpu.memory_space<vmem>>, vector<1x1x16xf32>,
        %parallel_loop3A_1297 = arith.constant 2 : i32
        %parallel_loop3A_1298 = arith.index_cast %parallel_loop3A_1297 : i32 to index
        %parallel_loop3A_1299 = arith.index_cast %parallel_loop3A_250 : i32 to index
        %parallel_loop3A_1300 = arith.constant 512 : index
        %parallel_loop3A_1301 = tpu.vector_load %arg10[%parallel_loop3A_1298, %parallel_loop3A_1299, %parallel_loop3A_1300] {strides = array<i32>} : memref<4x16x768xf32, #tpu.memory_space<vmem>>, vector<1x1x16xf32>,
        %parallel_loop3A_1302 = vector.shape_cast %parallel_loop3A_1301 : vector<1x1x16xf32> to vector<16xf32>
        %parallel_loop3A_1303 = vector.shape_cast %parallel_loop3A_1250 : vector<16xf32> to vector<1x1x16xf32>
        tpu.vector_store %arg10[%parallel_loop3A_1298, %parallel_loop3A_1299, %parallel_loop3A_1300], %parallel_loop3A_1303 {add = true, strides = array<i32>} : memref<4x16x768xf32, #tpu.memory_space<vmem>>, vector<1x1x16xf32>,
        %parallel_loop3A_1304 = arith.constant 3 : i32
        %parallel_loop3A_1305 = arith.index_cast %parallel_loop3A_1304 : i32 to index
        %parallel_loop3A_1306 = arith.index_cast %parallel_loop3A_250 : i32 to index
        %parallel_loop3A_1307 = arith.constant 512 : index
        %parallel_loop3A_1308 = tpu.vector_load %arg10[%parallel_loop3A_1305, %parallel_loop3A_1306, %parallel_loop3A_1307] {strides = array<i32>} : memref<4x16x768xf32, #tpu.memory_space<vmem>>, vector<1x1x16xf32>,
        %parallel_loop3A_1309 = vector.shape_cast %parallel_loop3A_1308 : vector<1x1x16xf32> to vector<16xf32>
        %parallel_loop3A_1310 = vector.shape_cast %parallel_loop3A_1250 : vector<16xf32> to vector<1x1x16xf32>
        tpu.vector_store %arg10[%parallel_loop3A_1305, %parallel_loop3A_1306, %parallel_loop3A_1307], %parallel_loop3A_1310 {add = true, strides = array<i32>} : memref<4x16x768xf32, #tpu.memory_space<vmem>>, vector<1x1x16xf32>,
        %parallel_loop3A_1311 = arith.index_cast %parallel_loop3A_250 : i32 to index
        %parallel_loop3A_1312 = arith.constant 544 : index
        %parallel_loop3A_1313 = tpu.vector_load %arg8[%parallel_loop3A_1311, %parallel_loop3A_1312] {strides = array<i32>} : memref<16x768xf32, #tpu.memory_space<vmem>>, vector<1x16xf32>,
        %parallel_loop3A_1314 = vector.shape_cast %parallel_loop3A_1313 : vector<1x16xf32> to vector<16xf32>
        %parallel_loop3A_1315 = arith.constant 0 : i32
        %parallel_loop3A_1316 = arith.index_cast %parallel_loop3A_1315 : i32 to index
        %parallel_loop3A_1317 = arith.index_cast %parallel_loop3A_250 : i32 to index
        %parallel_loop3A_1318 = arith.constant 528 : index
        %parallel_loop3A_1319 = tpu.vector_load %arg10[%parallel_loop3A_1316, %parallel_loop3A_1317, %parallel_loop3A_1318] {strides = array<i32>} : memref<4x16x768xf32, #tpu.memory_space<vmem>>, vector<1x1x16xf32>,
        %parallel_loop3A_1320 = vector.shape_cast %parallel_loop3A_1319 : vector<1x1x16xf32> to vector<16xf32>
        %parallel_loop3A_1321 = vector.shape_cast %parallel_loop3A_1282 : vector<16xf32> to vector<1x1x16xf32>
        tpu.vector_store %arg10[%parallel_loop3A_1316, %parallel_loop3A_1317, %parallel_loop3A_1318], %parallel_loop3A_1321 {add = true, strides = array<i32>} : memref<4x16x768xf32, #tpu.memory_space<vmem>>, vector<1x1x16xf32>,
        %parallel_loop3A_1322 = arith.constant 1 : i32
        %parallel_loop3A_1323 = arith.index_cast %parallel_loop3A_1322 : i32 to index
        %parallel_loop3A_1324 = arith.index_cast %parallel_loop3A_250 : i32 to index
        %parallel_loop3A_1325 = arith.constant 528 : index
        %parallel_loop3A_1326 = tpu.vector_load %arg10[%parallel_loop3A_1323, %parallel_loop3A_1324, %parallel_loop3A_1325] {strides = array<i32>} : memref<4x16x768xf32, #tpu.memory_space<vmem>>, vector<1x1x16xf32>,
        %parallel_loop3A_1327 = vector.shape_cast %parallel_loop3A_1326 : vector<1x1x16xf32> to vector<16xf32>
        %parallel_loop3A_1328 = vector.shape_cast %parallel_loop3A_1282 : vector<16xf32> to vector<1x1x16xf32>
        tpu.vector_store %arg10[%parallel_loop3A_1323, %parallel_loop3A_1324, %parallel_loop3A_1325], %parallel_loop3A_1328 {add = true, strides = array<i32>} : memref<4x16x768xf32, #tpu.memory_space<vmem>>, vector<1x1x16xf32>,
        %parallel_loop3A_1329 = arith.constant 2 : i32
        %parallel_loop3A_1330 = arith.index_cast %parallel_loop3A_1329 : i32 to index
        %parallel_loop3A_1331 = arith.index_cast %parallel_loop3A_250 : i32 to index
        %parallel_loop3A_1332 = arith.constant 528 : index
        %parallel_loop3A_1333 = tpu.vector_load %arg10[%parallel_loop3A_1330, %parallel_loop3A_1331, %parallel_loop3A_1332] {strides = array<i32>} : memref<4x16x768xf32, #tpu.memory_space<vmem>>, vector<1x1x16xf32>,
        %parallel_loop3A_1334 = vector.shape_cast %parallel_loop3A_1333 : vector<1x1x16xf32> to vector<16xf32>
        %parallel_loop3A_1335 = vector.shape_cast %parallel_loop3A_1282 : vector<16xf32> to vector<1x1x16xf32>
        tpu.vector_store %arg10[%parallel_loop3A_1330, %parallel_loop3A_1331, %parallel_loop3A_1332], %parallel_loop3A_1335 {add = true, strides = array<i32>} : memref<4x16x768xf32, #tpu.memory_space<vmem>>, vector<1x1x16xf32>,
        %parallel_loop3A_1336 = arith.constant 3 : i32
        %parallel_loop3A_1337 = arith.index_cast %parallel_loop3A_1336 : i32 to index
        %parallel_loop3A_1338 = arith.index_cast %parallel_loop3A_250 : i32 to index
        %parallel_loop3A_1339 = arith.constant 528 : index
        %parallel_loop3A_1340 = tpu.vector_load %arg10[%parallel_loop3A_1337, %parallel_loop3A_1338, %parallel_loop3A_1339] {strides = array<i32>} : memref<4x16x768xf32, #tpu.memory_space<vmem>>, vector<1x1x16xf32>,
        %parallel_loop3A_1341 = vector.shape_cast %parallel_loop3A_1340 : vector<1x1x16xf32> to vector<16xf32>
        %parallel_loop3A_1342 = vector.shape_cast %parallel_loop3A_1282 : vector<16xf32> to vector<1x1x16xf32>
        tpu.vector_store %arg10[%parallel_loop3A_1337, %parallel_loop3A_1338, %parallel_loop3A_1339], %parallel_loop3A_1342 {add = true, strides = array<i32>} : memref<4x16x768xf32, #tpu.memory_space<vmem>>, vector<1x1x16xf32>,
        %parallel_loop3A_1343 = arith.index_cast %parallel_loop3A_250 : i32 to index
        %parallel_loop3A_1344 = arith.constant 560 : index
        %parallel_loop3A_1345 = tpu.vector_load %arg8[%parallel_loop3A_1343, %parallel_loop3A_1344] {strides = array<i32>} : memref<16x768xf32, #tpu.memory_space<vmem>>, vector<1x16xf32>,
        %parallel_loop3A_1346 = vector.shape_cast %parallel_loop3A_1345 : vector<1x16xf32> to vector<16xf32>
        %parallel_loop3A_1347 = arith.constant 0 : i32
        %parallel_loop3A_1348 = arith.index_cast %parallel_loop3A_1347 : i32 to index
        %parallel_loop3A_1349 = arith.index_cast %parallel_loop3A_250 : i32 to index
        %parallel_loop3A_1350 = arith.constant 544 : index
        %parallel_loop3A_1351 = tpu.vector_load %arg10[%parallel_loop3A_1348, %parallel_loop3A_1349, %parallel_loop3A_1350] {strides = array<i32>} : memref<4x16x768xf32, #tpu.memory_space<vmem>>, vector<1x1x16xf32>,
        %parallel_loop3A_1352 = vector.shape_cast %parallel_loop3A_1351 : vector<1x1x16xf32> to vector<16xf32>
        %parallel_loop3A_1353 = vector.shape_cast %parallel_loop3A_1314 : vector<16xf32> to vector<1x1x16xf32>
        tpu.vector_store %arg10[%parallel_loop3A_1348, %parallel_loop3A_1349, %parallel_loop3A_1350], %parallel_loop3A_1353 {add = true, strides = array<i32>} : memref<4x16x768xf32, #tpu.memory_space<vmem>>, vector<1x1x16xf32>,
        %parallel_loop3A_1354 = arith.constant 1 : i32
        %parallel_loop3A_1355 = arith.index_cast %parallel_loop3A_1354 : i32 to index
        %parallel_loop3A_1356 = arith.index_cast %parallel_loop3A_250 : i32 to index
        %parallel_loop3A_1357 = arith.constant 544 : index
        %parallel_loop3A_1358 = tpu.vector_load %arg10[%parallel_loop3A_1355, %parallel_loop3A_1356, %parallel_loop3A_1357] {strides = array<i32>} : memref<4x16x768xf32, #tpu.memory_space<vmem>>, vector<1x1x16xf32>,
        %parallel_loop3A_1359 = vector.shape_cast %parallel_loop3A_1358 : vector<1x1x16xf32> to vector<16xf32>
        %parallel_loop3A_1360 = vector.shape_cast %parallel_loop3A_1314 : vector<16xf32> to vector<1x1x16xf32>
        tpu.vector_store %arg10[%parallel_loop3A_1355, %parallel_loop3A_1356, %parallel_loop3A_1357], %parallel_loop3A_1360 {add = true, strides = array<i32>} : memref<4x16x768xf32, #tpu.memory_space<vmem>>, vector<1x1x16xf32>,
        %parallel_loop3A_1361 = arith.constant 2 : i32
        %parallel_loop3A_1362 = arith.index_cast %parallel_loop3A_1361 : i32 to index
        %parallel_loop3A_1363 = arith.index_cast %parallel_loop3A_250 : i32 to index
        %parallel_loop3A_1364 = arith.constant 544 : index
        %parallel_loop3A_1365 = tpu.vector_load %arg10[%parallel_loop3A_1362, %parallel_loop3A_1363, %parallel_loop3A_1364] {strides = array<i32>} : memref<4x16x768xf32, #tpu.memory_space<vmem>>, vector<1x1x16xf32>,
        %parallel_loop3A_1366 = vector.shape_cast %parallel_loop3A_1365 : vector<1x1x16xf32> to vector<16xf32>
        %parallel_loop3A_1367 = vector.shape_cast %parallel_loop3A_1314 : vector<16xf32> to vector<1x1x16xf32>
        tpu.vector_store %arg10[%parallel_loop3A_1362, %parallel_loop3A_1363, %parallel_loop3A_1364], %parallel_loop3A_1367 {add = true, strides = array<i32>} : memref<4x16x768xf32, #tpu.memory_space<vmem>>, vector<1x1x16xf32>,
        %parallel_loop3A_1368 = arith.constant 3 : i32
        %parallel_loop3A_1369 = arith.index_cast %parallel_loop3A_1368 : i32 to index
        %parallel_loop3A_1370 = arith.index_cast %parallel_loop3A_250 : i32 to index
        %parallel_loop3A_1371 = arith.constant 544 : index
        %parallel_loop3A_1372 = tpu.vector_load %arg10[%parallel_loop3A_1369, %parallel_loop3A_1370, %parallel_loop3A_1371] {strides = array<i32>} : memref<4x16x768xf32, #tpu.memory_space<vmem>>, vector<1x1x16xf32>,
        %parallel_loop3A_1373 = vector.shape_cast %parallel_loop3A_1372 : vector<1x1x16xf32> to vector<16xf32>
        %parallel_loop3A_1374 = vector.shape_cast %parallel_loop3A_1314 : vector<16xf32> to vector<1x1x16xf32>
        tpu.vector_store %arg10[%parallel_loop3A_1369, %parallel_loop3A_1370, %parallel_loop3A_1371], %parallel_loop3A_1374 {add = true, strides = array<i32>} : memref<4x16x768xf32, #tpu.memory_space<vmem>>, vector<1x1x16xf32>,
        %parallel_loop3A_1375 = arith.index_cast %parallel_loop3A_250 : i32 to index
        %parallel_loop3A_1376 = arith.constant 576 : index
        %parallel_loop3A_1377 = tpu.vector_load %arg8[%parallel_loop3A_1375, %parallel_loop3A_1376] {strides = array<i32>} : memref<16x768xf32, #tpu.memory_space<vmem>>, vector<1x16xf32>,
        %parallel_loop3A_1378 = vector.shape_cast %parallel_loop3A_1377 : vector<1x16xf32> to vector<16xf32>
        %parallel_loop3A_1379 = arith.constant 0 : i32
        %parallel_loop3A_1380 = arith.index_cast %parallel_loop3A_1379 : i32 to index
        %parallel_loop3A_1381 = arith.index_cast %parallel_loop3A_250 : i32 to index
        %parallel_loop3A_1382 = arith.constant 560 : index
        %parallel_loop3A_1383 = tpu.vector_load %arg10[%parallel_loop3A_1380, %parallel_loop3A_1381, %parallel_loop3A_1382] {strides = array<i32>} : memref<4x16x768xf32, #tpu.memory_space<vmem>>, vector<1x1x16xf32>,
        %parallel_loop3A_1384 = vector.shape_cast %parallel_loop3A_1383 : vector<1x1x16xf32> to vector<16xf32>
        %parallel_loop3A_1385 = vector.shape_cast %parallel_loop3A_1346 : vector<16xf32> to vector<1x1x16xf32>
        tpu.vector_store %arg10[%parallel_loop3A_1380, %parallel_loop3A_1381, %parallel_loop3A_1382], %parallel_loop3A_1385 {add = true, strides = array<i32>} : memref<4x16x768xf32, #tpu.memory_space<vmem>>, vector<1x1x16xf32>,
        %parallel_loop3A_1386 = arith.constant 1 : i32
        %parallel_loop3A_1387 = arith.index_cast %parallel_loop3A_1386 : i32 to index
        %parallel_loop3A_1388 = arith.index_cast %parallel_loop3A_250 : i32 to index
        %parallel_loop3A_1389 = arith.constant 560 : index
        %parallel_loop3A_1390 = tpu.vector_load %arg10[%parallel_loop3A_1387, %parallel_loop3A_1388, %parallel_loop3A_1389] {strides = array<i32>} : memref<4x16x768xf32, #tpu.memory_space<vmem>>, vector<1x1x16xf32>,
        %parallel_loop3A_1391 = vector.shape_cast %parallel_loop3A_1390 : vector<1x1x16xf32> to vector<16xf32>
        %parallel_loop3A_1392 = vector.shape_cast %parallel_loop3A_1346 : vector<16xf32> to vector<1x1x16xf32>
        tpu.vector_store %arg10[%parallel_loop3A_1387, %parallel_loop3A_1388, %parallel_loop3A_1389], %parallel_loop3A_1392 {add = true, strides = array<i32>} : memref<4x16x768xf32, #tpu.memory_space<vmem>>, vector<1x1x16xf32>,
        %parallel_loop3A_1393 = arith.constant 2 : i32
        %parallel_loop3A_1394 = arith.index_cast %parallel_loop3A_1393 : i32 to index
        %parallel_loop3A_1395 = arith.index_cast %parallel_loop3A_250 : i32 to index
        %parallel_loop3A_1396 = arith.constant 560 : index
        %parallel_loop3A_1397 = tpu.vector_load %arg10[%parallel_loop3A_1394, %parallel_loop3A_1395, %parallel_loop3A_1396] {strides = array<i32>} : memref<4x16x768xf32, #tpu.memory_space<vmem>>, vector<1x1x16xf32>,
        %parallel_loop3A_1398 = vector.shape_cast %parallel_loop3A_1397 : vector<1x1x16xf32> to vector<16xf32>
        %parallel_loop3A_1399 = vector.shape_cast %parallel_loop3A_1346 : vector<16xf32> to vector<1x1x16xf32>
        tpu.vector_store %arg10[%parallel_loop3A_1394, %parallel_loop3A_1395, %parallel_loop3A_1396], %parallel_loop3A_1399 {add = true, strides = array<i32>} : memref<4x16x768xf32, #tpu.memory_space<vmem>>, vector<1x1x16xf32>,
        %parallel_loop3A_1400 = arith.constant 3 : i32
        %parallel_loop3A_1401 = arith.index_cast %parallel_loop3A_1400 : i32 to index
        %parallel_loop3A_1402 = arith.index_cast %parallel_loop3A_250 : i32 to index
        %parallel_loop3A_1403 = arith.constant 560 : index
        %parallel_loop3A_1404 = tpu.vector_load %arg10[%parallel_loop3A_1401, %parallel_loop3A_1402, %parallel_loop3A_1403] {strides = array<i32>} : memref<4x16x768xf32, #tpu.memory_space<vmem>>, vector<1x1x16xf32>,
        %parallel_loop3A_1405 = vector.shape_cast %parallel_loop3A_1404 : vector<1x1x16xf32> to vector<16xf32>
        %parallel_loop3A_1406 = vector.shape_cast %parallel_loop3A_1346 : vector<16xf32> to vector<1x1x16xf32>
        tpu.vector_store %arg10[%parallel_loop3A_1401, %parallel_loop3A_1402, %parallel_loop3A_1403], %parallel_loop3A_1406 {add = true, strides = array<i32>} : memref<4x16x768xf32, #tpu.memory_space<vmem>>, vector<1x1x16xf32>,
        %parallel_loop3A_1407 = arith.index_cast %parallel_loop3A_250 : i32 to index
        %parallel_loop3A_1408 = arith.constant 592 : index
        %parallel_loop3A_1409 = tpu.vector_load %arg8[%parallel_loop3A_1407, %parallel_loop3A_1408] {strides = array<i32>} : memref<16x768xf32, #tpu.memory_space<vmem>>, vector<1x16xf32>,
        %parallel_loop3A_1410 = vector.shape_cast %parallel_loop3A_1409 : vector<1x16xf32> to vector<16xf32>
        %parallel_loop3A_1411 = arith.constant 0 : i32
        %parallel_loop3A_1412 = arith.index_cast %parallel_loop3A_1411 : i32 to index
        %parallel_loop3A_1413 = arith.index_cast %parallel_loop3A_250 : i32 to index
        %parallel_loop3A_1414 = arith.constant 576 : index
        %parallel_loop3A_1415 = tpu.vector_load %arg10[%parallel_loop3A_1412, %parallel_loop3A_1413, %parallel_loop3A_1414] {strides = array<i32>} : memref<4x16x768xf32, #tpu.memory_space<vmem>>, vector<1x1x16xf32>,
        %parallel_loop3A_1416 = vector.shape_cast %parallel_loop3A_1415 : vector<1x1x16xf32> to vector<16xf32>
        %parallel_loop3A_1417 = vector.shape_cast %parallel_loop3A_1378 : vector<16xf32> to vector<1x1x16xf32>
        tpu.vector_store %arg10[%parallel_loop3A_1412, %parallel_loop3A_1413, %parallel_loop3A_1414], %parallel_loop3A_1417 {add = true, strides = array<i32>} : memref<4x16x768xf32, #tpu.memory_space<vmem>>, vector<1x1x16xf32>,
        %parallel_loop3A_1418 = arith.constant 1 : i32
        %parallel_loop3A_1419 = arith.index_cast %parallel_loop3A_1418 : i32 to index
        %parallel_loop3A_1420 = arith.index_cast %parallel_loop3A_250 : i32 to index
        %parallel_loop3A_1421 = arith.constant 576 : index
        %parallel_loop3A_1422 = tpu.vector_load %arg10[%parallel_loop3A_1419, %parallel_loop3A_1420, %parallel_loop3A_1421] {strides = array<i32>} : memref<4x16x768xf32, #tpu.memory_space<vmem>>, vector<1x1x16xf32>,
        %parallel_loop3A_1423 = vector.shape_cast %parallel_loop3A_1422 : vector<1x1x16xf32> to vector<16xf32>
        %parallel_loop3A_1424 = vector.shape_cast %parallel_loop3A_1378 : vector<16xf32> to vector<1x1x16xf32>
        tpu.vector_store %arg10[%parallel_loop3A_1419, %parallel_loop3A_1420, %parallel_loop3A_1421], %parallel_loop3A_1424 {add = true, strides = array<i32>} : memref<4x16x768xf32, #tpu.memory_space<vmem>>, vector<1x1x16xf32>,
        %parallel_loop3A_1425 = arith.constant 2 : i32
        %parallel_loop3A_1426 = arith.index_cast %parallel_loop3A_1425 : i32 to index
        %parallel_loop3A_1427 = arith.index_cast %parallel_loop3A_250 : i32 to index
        %parallel_loop3A_1428 = arith.constant 576 : index
        %parallel_loop3A_1429 = tpu.vector_load %arg10[%parallel_loop3A_1426, %parallel_loop3A_1427, %parallel_loop3A_1428] {strides = array<i32>} : memref<4x16x768xf32, #tpu.memory_space<vmem>>, vector<1x1x16xf32>,
        %parallel_loop3A_1430 = vector.shape_cast %parallel_loop3A_1429 : vector<1x1x16xf32> to vector<16xf32>
        %parallel_loop3A_1431 = vector.shape_cast %parallel_loop3A_1378 : vector<16xf32> to vector<1x1x16xf32>
        tpu.vector_store %arg10[%parallel_loop3A_1426, %parallel_loop3A_1427, %parallel_loop3A_1428], %parallel_loop3A_1431 {add = true, strides = array<i32>} : memref<4x16x768xf32, #tpu.memory_space<vmem>>, vector<1x1x16xf32>,
        %parallel_loop3A_1432 = arith.constant 3 : i32
        %parallel_loop3A_1433 = arith.index_cast %parallel_loop3A_1432 : i32 to index
        %parallel_loop3A_1434 = arith.index_cast %parallel_loop3A_250 : i32 to index
        %parallel_loop3A_1435 = arith.constant 576 : index
        %parallel_loop3A_1436 = tpu.vector_load %arg10[%parallel_loop3A_1433, %parallel_loop3A_1434, %parallel_loop3A_1435] {strides = array<i32>} : memref<4x16x768xf32, #tpu.memory_space<vmem>>, vector<1x1x16xf32>,
        %parallel_loop3A_1437 = vector.shape_cast %parallel_loop3A_1436 : vector<1x1x16xf32> to vector<16xf32>
        %parallel_loop3A_1438 = vector.shape_cast %parallel_loop3A_1378 : vector<16xf32> to vector<1x1x16xf32>
        tpu.vector_store %arg10[%parallel_loop3A_1433, %parallel_loop3A_1434, %parallel_loop3A_1435], %parallel_loop3A_1438 {add = true, strides = array<i32>} : memref<4x16x768xf32, #tpu.memory_space<vmem>>, vector<1x1x16xf32>,
        %parallel_loop3A_1439 = arith.index_cast %parallel_loop3A_250 : i32 to index
        %parallel_loop3A_1440 = arith.constant 608 : index
        %parallel_loop3A_1441 = tpu.vector_load %arg8[%parallel_loop3A_1439, %parallel_loop3A_1440] {strides = array<i32>} : memref<16x768xf32, #tpu.memory_space<vmem>>, vector<1x16xf32>,
        %parallel_loop3A_1442 = vector.shape_cast %parallel_loop3A_1441 : vector<1x16xf32> to vector<16xf32>
        %parallel_loop3A_1443 = arith.constant 0 : i32
        %parallel_loop3A_1444 = arith.index_cast %parallel_loop3A_1443 : i32 to index
        %parallel_loop3A_1445 = arith.index_cast %parallel_loop3A_250 : i32 to index
        %parallel_loop3A_1446 = arith.constant 592 : index
        %parallel_loop3A_1447 = tpu.vector_load %arg10[%parallel_loop3A_1444, %parallel_loop3A_1445, %parallel_loop3A_1446] {strides = array<i32>} : memref<4x16x768xf32, #tpu.memory_space<vmem>>, vector<1x1x16xf32>,
        %parallel_loop3A_1448 = vector.shape_cast %parallel_loop3A_1447 : vector<1x1x16xf32> to vector<16xf32>
        %parallel_loop3A_1449 = vector.shape_cast %parallel_loop3A_1410 : vector<16xf32> to vector<1x1x16xf32>
        tpu.vector_store %arg10[%parallel_loop3A_1444, %parallel_loop3A_1445, %parallel_loop3A_1446], %parallel_loop3A_1449 {add = true, strides = array<i32>} : memref<4x16x768xf32, #tpu.memory_space<vmem>>, vector<1x1x16xf32>,
        %parallel_loop3A_1450 = arith.constant 1 : i32
        %parallel_loop3A_1451 = arith.index_cast %parallel_loop3A_1450 : i32 to index
        %parallel_loop3A_1452 = arith.index_cast %parallel_loop3A_250 : i32 to index
        %parallel_loop3A_1453 = arith.constant 592 : index
        %parallel_loop3A_1454 = tpu.vector_load %arg10[%parallel_loop3A_1451, %parallel_loop3A_1452, %parallel_loop3A_1453] {strides = array<i32>} : memref<4x16x768xf32, #tpu.memory_space<vmem>>, vector<1x1x16xf32>,
        %parallel_loop3A_1455 = vector.shape_cast %parallel_loop3A_1454 : vector<1x1x16xf32> to vector<16xf32>
        %parallel_loop3A_1456 = vector.shape_cast %parallel_loop3A_1410 : vector<16xf32> to vector<1x1x16xf32>
        tpu.vector_store %arg10[%parallel_loop3A_1451, %parallel_loop3A_1452, %parallel_loop3A_1453], %parallel_loop3A_1456 {add = true, strides = array<i32>} : memref<4x16x768xf32, #tpu.memory_space<vmem>>, vector<1x1x16xf32>,
        %parallel_loop3A_1457 = arith.constant 2 : i32
        %parallel_loop3A_1458 = arith.index_cast %parallel_loop3A_1457 : i32 to index
        %parallel_loop3A_1459 = arith.index_cast %parallel_loop3A_250 : i32 to index
        %parallel_loop3A_1460 = arith.constant 592 : index
        %parallel_loop3A_1461 = tpu.vector_load %arg10[%parallel_loop3A_1458, %parallel_loop3A_1459, %parallel_loop3A_1460] {strides = array<i32>} : memref<4x16x768xf32, #tpu.memory_space<vmem>>, vector<1x1x16xf32>,
        %parallel_loop3A_1462 = vector.shape_cast %parallel_loop3A_1461 : vector<1x1x16xf32> to vector<16xf32>
        %parallel_loop3A_1463 = vector.shape_cast %parallel_loop3A_1410 : vector<16xf32> to vector<1x1x16xf32>
        tpu.vector_store %arg10[%parallel_loop3A_1458, %parallel_loop3A_1459, %parallel_loop3A_1460], %parallel_loop3A_1463 {add = true, strides = array<i32>} : memref<4x16x768xf32, #tpu.memory_space<vmem>>, vector<1x1x16xf32>,
        %parallel_loop3A_1464 = arith.constant 3 : i32
        %parallel_loop3A_1465 = arith.index_cast %parallel_loop3A_1464 : i32 to index
        %parallel_loop3A_1466 = arith.index_cast %parallel_loop3A_250 : i32 to index
        %parallel_loop3A_1467 = arith.constant 592 : index
        %parallel_loop3A_1468 = tpu.vector_load %arg10[%parallel_loop3A_1465, %parallel_loop3A_1466, %parallel_loop3A_1467] {strides = array<i32>} : memref<4x16x768xf32, #tpu.memory_space<vmem>>, vector<1x1x16xf32>,
        %parallel_loop3A_1469 = vector.shape_cast %parallel_loop3A_1468 : vector<1x1x16xf32> to vector<16xf32>
        %parallel_loop3A_1470 = vector.shape_cast %parallel_loop3A_1410 : vector<16xf32> to vector<1x1x16xf32>
        tpu.vector_store %arg10[%parallel_loop3A_1465, %parallel_loop3A_1466, %parallel_loop3A_1467], %parallel_loop3A_1470 {add = true, strides = array<i32>} : memref<4x16x768xf32, #tpu.memory_space<vmem>>, vector<1x1x16xf32>,
        %parallel_loop3A_1471 = arith.index_cast %parallel_loop3A_250 : i32 to index
        %parallel_loop3A_1472 = arith.constant 624 : index
        %parallel_loop3A_1473 = tpu.vector_load %arg8[%parallel_loop3A_1471, %parallel_loop3A_1472] {strides = array<i32>} : memref<16x768xf32, #tpu.memory_space<vmem>>, vector<1x16xf32>,
        %parallel_loop3A_1474 = vector.shape_cast %parallel_loop3A_1473 : vector<1x16xf32> to vector<16xf32>
        %parallel_loop3A_1475 = arith.constant 0 : i32
        %parallel_loop3A_1476 = arith.index_cast %parallel_loop3A_1475 : i32 to index
        %parallel_loop3A_1477 = arith.index_cast %parallel_loop3A_250 : i32 to index
        %parallel_loop3A_1478 = arith.constant 608 : index
        %parallel_loop3A_1479 = tpu.vector_load %arg10[%parallel_loop3A_1476, %parallel_loop3A_1477, %parallel_loop3A_1478] {strides = array<i32>} : memref<4x16x768xf32, #tpu.memory_space<vmem>>, vector<1x1x16xf32>,
        %parallel_loop3A_1480 = vector.shape_cast %parallel_loop3A_1479 : vector<1x1x16xf32> to vector<16xf32>
        %parallel_loop3A_1481 = vector.shape_cast %parallel_loop3A_1442 : vector<16xf32> to vector<1x1x16xf32>
        tpu.vector_store %arg10[%parallel_loop3A_1476, %parallel_loop3A_1477, %parallel_loop3A_1478], %parallel_loop3A_1481 {add = true, strides = array<i32>} : memref<4x16x768xf32, #tpu.memory_space<vmem>>, vector<1x1x16xf32>,
        %parallel_loop3A_1482 = arith.constant 1 : i32
        %parallel_loop3A_1483 = arith.index_cast %parallel_loop3A_1482 : i32 to index
        %parallel_loop3A_1484 = arith.index_cast %parallel_loop3A_250 : i32 to index
        %parallel_loop3A_1485 = arith.constant 608 : index
        %parallel_loop3A_1486 = tpu.vector_load %arg10[%parallel_loop3A_1483, %parallel_loop3A_1484, %parallel_loop3A_1485] {strides = array<i32>} : memref<4x16x768xf32, #tpu.memory_space<vmem>>, vector<1x1x16xf32>,
        %parallel_loop3A_1487 = vector.shape_cast %parallel_loop3A_1486 : vector<1x1x16xf32> to vector<16xf32>
        %parallel_loop3A_1488 = vector.shape_cast %parallel_loop3A_1442 : vector<16xf32> to vector<1x1x16xf32>
        tpu.vector_store %arg10[%parallel_loop3A_1483, %parallel_loop3A_1484, %parallel_loop3A_1485], %parallel_loop3A_1488 {add = true, strides = array<i32>} : memref<4x16x768xf32, #tpu.memory_space<vmem>>, vector<1x1x16xf32>,
        %parallel_loop3A_1489 = arith.constant 2 : i32
        %parallel_loop3A_1490 = arith.index_cast %parallel_loop3A_1489 : i32 to index
        %parallel_loop3A_1491 = arith.index_cast %parallel_loop3A_250 : i32 to index
        %parallel_loop3A_1492 = arith.constant 608 : index
        %parallel_loop3A_1493 = tpu.vector_load %arg10[%parallel_loop3A_1490, %parallel_loop3A_1491, %parallel_loop3A_1492] {strides = array<i32>} : memref<4x16x768xf32, #tpu.memory_space<vmem>>, vector<1x1x16xf32>,
        %parallel_loop3A_1494 = vector.shape_cast %parallel_loop3A_1493 : vector<1x1x16xf32> to vector<16xf32>
        %parallel_loop3A_1495 = vector.shape_cast %parallel_loop3A_1442 : vector<16xf32> to vector<1x1x16xf32>
        tpu.vector_store %arg10[%parallel_loop3A_1490, %parallel_loop3A_1491, %parallel_loop3A_1492], %parallel_loop3A_1495 {add = true, strides = array<i32>} : memref<4x16x768xf32, #tpu.memory_space<vmem>>, vector<1x1x16xf32>,
        %parallel_loop3A_1496 = arith.constant 3 : i32
        %parallel_loop3A_1497 = arith.index_cast %parallel_loop3A_1496 : i32 to index
        %parallel_loop3A_1498 = arith.index_cast %parallel_loop3A_250 : i32 to index
        %parallel_loop3A_1499 = arith.constant 608 : index
        %parallel_loop3A_1500 = tpu.vector_load %arg10[%parallel_loop3A_1497, %parallel_loop3A_1498, %parallel_loop3A_1499] {strides = array<i32>} : memref<4x16x768xf32, #tpu.memory_space<vmem>>, vector<1x1x16xf32>,
        %parallel_loop3A_1501 = vector.shape_cast %parallel_loop3A_1500 : vector<1x1x16xf32> to vector<16xf32>
        %parallel_loop3A_1502 = vector.shape_cast %parallel_loop3A_1442 : vector<16xf32> to vector<1x1x16xf32>
        tpu.vector_store %arg10[%parallel_loop3A_1497, %parallel_loop3A_1498, %parallel_loop3A_1499], %parallel_loop3A_1502 {add = true, strides = array<i32>} : memref<4x16x768xf32, #tpu.memory_space<vmem>>, vector<1x1x16xf32>,
        %parallel_loop3A_1503 = arith.index_cast %parallel_loop3A_250 : i32 to index
        %parallel_loop3A_1504 = arith.constant 640 : index
        %parallel_loop3A_1505 = tpu.vector_load %arg8[%parallel_loop3A_1503, %parallel_loop3A_1504] {strides = array<i32>} : memref<16x768xf32, #tpu.memory_space<vmem>>, vector<1x16xf32>,
        %parallel_loop3A_1506 = vector.shape_cast %parallel_loop3A_1505 : vector<1x16xf32> to vector<16xf32>
        %parallel_loop3A_1507 = arith.constant 0 : i32
        %parallel_loop3A_1508 = arith.index_cast %parallel_loop3A_1507 : i32 to index
        %parallel_loop3A_1509 = arith.index_cast %parallel_loop3A_250 : i32 to index
        %parallel_loop3A_1510 = arith.constant 624 : index
        %parallel_loop3A_1511 = tpu.vector_load %arg10[%parallel_loop3A_1508, %parallel_loop3A_1509, %parallel_loop3A_1510] {strides = array<i32>} : memref<4x16x768xf32, #tpu.memory_space<vmem>>, vector<1x1x16xf32>,
        %parallel_loop3A_1512 = vector.shape_cast %parallel_loop3A_1511 : vector<1x1x16xf32> to vector<16xf32>
        %parallel_loop3A_1513 = vector.shape_cast %parallel_loop3A_1474 : vector<16xf32> to vector<1x1x16xf32>
        tpu.vector_store %arg10[%parallel_loop3A_1508, %parallel_loop3A_1509, %parallel_loop3A_1510], %parallel_loop3A_1513 {add = true, strides = array<i32>} : memref<4x16x768xf32, #tpu.memory_space<vmem>>, vector<1x1x16xf32>,
        %parallel_loop3A_1514 = arith.constant 1 : i32
        %parallel_loop3A_1515 = arith.index_cast %parallel_loop3A_1514 : i32 to index
        %parallel_loop3A_1516 = arith.index_cast %parallel_loop3A_250 : i32 to index
        %parallel_loop3A_1517 = arith.constant 624 : index
        %parallel_loop3A_1518 = tpu.vector_load %arg10[%parallel_loop3A_1515, %parallel_loop3A_1516, %parallel_loop3A_1517] {strides = array<i32>} : memref<4x16x768xf32, #tpu.memory_space<vmem>>, vector<1x1x16xf32>,
        %parallel_loop3A_1519 = vector.shape_cast %parallel_loop3A_1518 : vector<1x1x16xf32> to vector<16xf32>
        %parallel_loop3A_1520 = vector.shape_cast %parallel_loop3A_1474 : vector<16xf32> to vector<1x1x16xf32>
        tpu.vector_store %arg10[%parallel_loop3A_1515, %parallel_loop3A_1516, %parallel_loop3A_1517], %parallel_loop3A_1520 {add = true, strides = array<i32>} : memref<4x16x768xf32, #tpu.memory_space<vmem>>, vector<1x1x16xf32>,
        %parallel_loop3A_1521 = arith.constant 2 : i32
        %parallel_loop3A_1522 = arith.index_cast %parallel_loop3A_1521 : i32 to index
        %parallel_loop3A_1523 = arith.index_cast %parallel_loop3A_250 : i32 to index
        %parallel_loop3A_1524 = arith.constant 624 : index
        %parallel_loop3A_1525 = tpu.vector_load %arg10[%parallel_loop3A_1522, %parallel_loop3A_1523, %parallel_loop3A_1524] {strides = array<i32>} : memref<4x16x768xf32, #tpu.memory_space<vmem>>, vector<1x1x16xf32>,
        %parallel_loop3A_1526 = vector.shape_cast %parallel_loop3A_1525 : vector<1x1x16xf32> to vector<16xf32>
        %parallel_loop3A_1527 = vector.shape_cast %parallel_loop3A_1474 : vector<16xf32> to vector<1x1x16xf32>
        tpu.vector_store %arg10[%parallel_loop3A_1522, %parallel_loop3A_1523, %parallel_loop3A_1524], %parallel_loop3A_1527 {add = true, strides = array<i32>} : memref<4x16x768xf32, #tpu.memory_space<vmem>>, vector<1x1x16xf32>,
        %parallel_loop3A_1528 = arith.constant 3 : i32
        %parallel_loop3A_1529 = arith.index_cast %parallel_loop3A_1528 : i32 to index
        %parallel_loop3A_1530 = arith.index_cast %parallel_loop3A_250 : i32 to index
        %parallel_loop3A_1531 = arith.constant 624 : index
        %parallel_loop3A_1532 = tpu.vector_load %arg10[%parallel_loop3A_1529, %parallel_loop3A_1530, %parallel_loop3A_1531] {strides = array<i32>} : memref<4x16x768xf32, #tpu.memory_space<vmem>>, vector<1x1x16xf32>,
        %parallel_loop3A_1533 = vector.shape_cast %parallel_loop3A_1532 : vector<1x1x16xf32> to vector<16xf32>
        %parallel_loop3A_1534 = vector.shape_cast %parallel_loop3A_1474 : vector<16xf32> to vector<1x1x16xf32>
        tpu.vector_store %arg10[%parallel_loop3A_1529, %parallel_loop3A_1530, %parallel_loop3A_1531], %parallel_loop3A_1534 {add = true, strides = array<i32>} : memref<4x16x768xf32, #tpu.memory_space<vmem>>, vector<1x1x16xf32>,
        %parallel_loop3A_1535 = arith.index_cast %parallel_loop3A_250 : i32 to index
        %parallel_loop3A_1536 = arith.constant 656 : index
        %parallel_loop3A_1537 = tpu.vector_load %arg8[%parallel_loop3A_1535, %parallel_loop3A_1536] {strides = array<i32>} : memref<16x768xf32, #tpu.memory_space<vmem>>, vector<1x16xf32>,
        %parallel_loop3A_1538 = vector.shape_cast %parallel_loop3A_1537 : vector<1x16xf32> to vector<16xf32>
        %parallel_loop3A_1539 = arith.constant 0 : i32
        %parallel_loop3A_1540 = arith.index_cast %parallel_loop3A_1539 : i32 to index
        %parallel_loop3A_1541 = arith.index_cast %parallel_loop3A_250 : i32 to index
        %parallel_loop3A_1542 = arith.constant 640 : index
        %parallel_loop3A_1543 = tpu.vector_load %arg10[%parallel_loop3A_1540, %parallel_loop3A_1541, %parallel_loop3A_1542] {strides = array<i32>} : memref<4x16x768xf32, #tpu.memory_space<vmem>>, vector<1x1x16xf32>,
        %parallel_loop3A_1544 = vector.shape_cast %parallel_loop3A_1543 : vector<1x1x16xf32> to vector<16xf32>
        %parallel_loop3A_1545 = vector.shape_cast %parallel_loop3A_1506 : vector<16xf32> to vector<1x1x16xf32>
        tpu.vector_store %arg10[%parallel_loop3A_1540, %parallel_loop3A_1541, %parallel_loop3A_1542], %parallel_loop3A_1545 {add = true, strides = array<i32>} : memref<4x16x768xf32, #tpu.memory_space<vmem>>, vector<1x1x16xf32>,
        %parallel_loop3A_1546 = arith.constant 1 : i32
        %parallel_loop3A_1547 = arith.index_cast %parallel_loop3A_1546 : i32 to index
        %parallel_loop3A_1548 = arith.index_cast %parallel_loop3A_250 : i32 to index
        %parallel_loop3A_1549 = arith.constant 640 : index
        %parallel_loop3A_1550 = tpu.vector_load %arg10[%parallel_loop3A_1547, %parallel_loop3A_1548, %parallel_loop3A_1549] {strides = array<i32>} : memref<4x16x768xf32, #tpu.memory_space<vmem>>, vector<1x1x16xf32>,
        %parallel_loop3A_1551 = vector.shape_cast %parallel_loop3A_1550 : vector<1x1x16xf32> to vector<16xf32>
        %parallel_loop3A_1552 = vector.shape_cast %parallel_loop3A_1506 : vector<16xf32> to vector<1x1x16xf32>
        tpu.vector_store %arg10[%parallel_loop3A_1547, %parallel_loop3A_1548, %parallel_loop3A_1549], %parallel_loop3A_1552 {add = true, strides = array<i32>} : memref<4x16x768xf32, #tpu.memory_space<vmem>>, vector<1x1x16xf32>,
        %parallel_loop3A_1553 = arith.constant 2 : i32
        %parallel_loop3A_1554 = arith.index_cast %parallel_loop3A_1553 : i32 to index
        %parallel_loop3A_1555 = arith.index_cast %parallel_loop3A_250 : i32 to index
        %parallel_loop3A_1556 = arith.constant 640 : index
        %parallel_loop3A_1557 = tpu.vector_load %arg10[%parallel_loop3A_1554, %parallel_loop3A_1555, %parallel_loop3A_1556] {strides = array<i32>} : memref<4x16x768xf32, #tpu.memory_space<vmem>>, vector<1x1x16xf32>,
        %parallel_loop3A_1558 = vector.shape_cast %parallel_loop3A_1557 : vector<1x1x16xf32> to vector<16xf32>
        %parallel_loop3A_1559 = vector.shape_cast %parallel_loop3A_1506 : vector<16xf32> to vector<1x1x16xf32>
        tpu.vector_store %arg10[%parallel_loop3A_1554, %parallel_loop3A_1555, %parallel_loop3A_1556], %parallel_loop3A_1559 {add = true, strides = array<i32>} : memref<4x16x768xf32, #tpu.memory_space<vmem>>, vector<1x1x16xf32>,
        %parallel_loop3A_1560 = arith.constant 3 : i32
        %parallel_loop3A_1561 = arith.index_cast %parallel_loop3A_1560 : i32 to index
        %parallel_loop3A_1562 = arith.index_cast %parallel_loop3A_250 : i32 to index
        %parallel_loop3A_1563 = arith.constant 640 : index
        %parallel_loop3A_1564 = tpu.vector_load %arg10[%parallel_loop3A_1561, %parallel_loop3A_1562, %parallel_loop3A_1563] {strides = array<i32>} : memref<4x16x768xf32, #tpu.memory_space<vmem>>, vector<1x1x16xf32>,
        %parallel_loop3A_1565 = vector.shape_cast %parallel_loop3A_1564 : vector<1x1x16xf32> to vector<16xf32>
        %parallel_loop3A_1566 = vector.shape_cast %parallel_loop3A_1506 : vector<16xf32> to vector<1x1x16xf32>
        tpu.vector_store %arg10[%parallel_loop3A_1561, %parallel_loop3A_1562, %parallel_loop3A_1563], %parallel_loop3A_1566 {add = true, strides = array<i32>} : memref<4x16x768xf32, #tpu.memory_space<vmem>>, vector<1x1x16xf32>,
        %parallel_loop3A_1567 = arith.index_cast %parallel_loop3A_250 : i32 to index
        %parallel_loop3A_1568 = arith.constant 672 : index
        %parallel_loop3A_1569 = tpu.vector_load %arg8[%parallel_loop3A_1567, %parallel_loop3A_1568] {strides = array<i32>} : memref<16x768xf32, #tpu.memory_space<vmem>>, vector<1x16xf32>,
        %parallel_loop3A_1570 = vector.shape_cast %parallel_loop3A_1569 : vector<1x16xf32> to vector<16xf32>
        %parallel_loop3A_1571 = arith.constant 0 : i32
        %parallel_loop3A_1572 = arith.index_cast %parallel_loop3A_1571 : i32 to index
        %parallel_loop3A_1573 = arith.index_cast %parallel_loop3A_250 : i32 to index
        %parallel_loop3A_1574 = arith.constant 656 : index
        %parallel_loop3A_1575 = tpu.vector_load %arg10[%parallel_loop3A_1572, %parallel_loop3A_1573, %parallel_loop3A_1574] {strides = array<i32>} : memref<4x16x768xf32, #tpu.memory_space<vmem>>, vector<1x1x16xf32>,
        %parallel_loop3A_1576 = vector.shape_cast %parallel_loop3A_1575 : vector<1x1x16xf32> to vector<16xf32>
        %parallel_loop3A_1577 = vector.shape_cast %parallel_loop3A_1538 : vector<16xf32> to vector<1x1x16xf32>
        tpu.vector_store %arg10[%parallel_loop3A_1572, %parallel_loop3A_1573, %parallel_loop3A_1574], %parallel_loop3A_1577 {add = true, strides = array<i32>} : memref<4x16x768xf32, #tpu.memory_space<vmem>>, vector<1x1x16xf32>,
        %parallel_loop3A_1578 = arith.constant 1 : i32
        %parallel_loop3A_1579 = arith.index_cast %parallel_loop3A_1578 : i32 to index
        %parallel_loop3A_1580 = arith.index_cast %parallel_loop3A_250 : i32 to index
        %parallel_loop3A_1581 = arith.constant 656 : index
        %parallel_loop3A_1582 = tpu.vector_load %arg10[%parallel_loop3A_1579, %parallel_loop3A_1580, %parallel_loop3A_1581] {strides = array<i32>} : memref<4x16x768xf32, #tpu.memory_space<vmem>>, vector<1x1x16xf32>,
        %parallel_loop3A_1583 = vector.shape_cast %parallel_loop3A_1582 : vector<1x1x16xf32> to vector<16xf32>
        %parallel_loop3A_1584 = vector.shape_cast %parallel_loop3A_1538 : vector<16xf32> to vector<1x1x16xf32>
        tpu.vector_store %arg10[%parallel_loop3A_1579, %parallel_loop3A_1580, %parallel_loop3A_1581], %parallel_loop3A_1584 {add = true, strides = array<i32>} : memref<4x16x768xf32, #tpu.memory_space<vmem>>, vector<1x1x16xf32>,
        %parallel_loop3A_1585 = arith.constant 2 : i32
        %parallel_loop3A_1586 = arith.index_cast %parallel_loop3A_1585 : i32 to index
        %parallel_loop3A_1587 = arith.index_cast %parallel_loop3A_250 : i32 to index
        %parallel_loop3A_1588 = arith.constant 656 : index
        %parallel_loop3A_1589 = tpu.vector_load %arg10[%parallel_loop3A_1586, %parallel_loop3A_1587, %parallel_loop3A_1588] {strides = array<i32>} : memref<4x16x768xf32, #tpu.memory_space<vmem>>, vector<1x1x16xf32>,
        %parallel_loop3A_1590 = vector.shape_cast %parallel_loop3A_1589 : vector<1x1x16xf32> to vector<16xf32>
        %parallel_loop3A_1591 = vector.shape_cast %parallel_loop3A_1538 : vector<16xf32> to vector<1x1x16xf32>
        tpu.vector_store %arg10[%parallel_loop3A_1586, %parallel_loop3A_1587, %parallel_loop3A_1588], %parallel_loop3A_1591 {add = true, strides = array<i32>} : memref<4x16x768xf32, #tpu.memory_space<vmem>>, vector<1x1x16xf32>,
        %parallel_loop3A_1592 = arith.constant 3 : i32
        %parallel_loop3A_1593 = arith.index_cast %parallel_loop3A_1592 : i32 to index
        %parallel_loop3A_1594 = arith.index_cast %parallel_loop3A_250 : i32 to index
        %parallel_loop3A_1595 = arith.constant 656 : index
        %parallel_loop3A_1596 = tpu.vector_load %arg10[%parallel_loop3A_1593, %parallel_loop3A_1594, %parallel_loop3A_1595] {strides = array<i32>} : memref<4x16x768xf32, #tpu.memory_space<vmem>>, vector<1x1x16xf32>,
        %parallel_loop3A_1597 = vector.shape_cast %parallel_loop3A_1596 : vector<1x1x16xf32> to vector<16xf32>
        %parallel_loop3A_1598 = vector.shape_cast %parallel_loop3A_1538 : vector<16xf32> to vector<1x1x16xf32>
        tpu.vector_store %arg10[%parallel_loop3A_1593, %parallel_loop3A_1594, %parallel_loop3A_1595], %parallel_loop3A_1598 {add = true, strides = array<i32>} : memref<4x16x768xf32, #tpu.memory_space<vmem>>, vector<1x1x16xf32>,
        %parallel_loop3A_1599 = arith.index_cast %parallel_loop3A_250 : i32 to index
        %parallel_loop3A_1600 = arith.constant 688 : index
        %parallel_loop3A_1601 = tpu.vector_load %arg8[%parallel_loop3A_1599, %parallel_loop3A_1600] {strides = array<i32>} : memref<16x768xf32, #tpu.memory_space<vmem>>, vector<1x16xf32>,
        %parallel_loop3A_1602 = vector.shape_cast %parallel_loop3A_1601 : vector<1x16xf32> to vector<16xf32>
        %parallel_loop3A_1603 = arith.constant 0 : i32
        %parallel_loop3A_1604 = arith.index_cast %parallel_loop3A_1603 : i32 to index
        %parallel_loop3A_1605 = arith.index_cast %parallel_loop3A_250 : i32 to index
        %parallel_loop3A_1606 = arith.constant 672 : index
        %parallel_loop3A_1607 = tpu.vector_load %arg10[%parallel_loop3A_1604, %parallel_loop3A_1605, %parallel_loop3A_1606] {strides = array<i32>} : memref<4x16x768xf32, #tpu.memory_space<vmem>>, vector<1x1x16xf32>,
        %parallel_loop3A_1608 = vector.shape_cast %parallel_loop3A_1607 : vector<1x1x16xf32> to vector<16xf32>
        %parallel_loop3A_1609 = vector.shape_cast %parallel_loop3A_1570 : vector<16xf32> to vector<1x1x16xf32>
        tpu.vector_store %arg10[%parallel_loop3A_1604, %parallel_loop3A_1605, %parallel_loop3A_1606], %parallel_loop3A_1609 {add = true, strides = array<i32>} : memref<4x16x768xf32, #tpu.memory_space<vmem>>, vector<1x1x16xf32>,
        %parallel_loop3A_1610 = arith.constant 1 : i32
        %parallel_loop3A_1611 = arith.index_cast %parallel_loop3A_1610 : i32 to index
        %parallel_loop3A_1612 = arith.index_cast %parallel_loop3A_250 : i32 to index
        %parallel_loop3A_1613 = arith.constant 672 : index
        %parallel_loop3A_1614 = tpu.vector_load %arg10[%parallel_loop3A_1611, %parallel_loop3A_1612, %parallel_loop3A_1613] {strides = array<i32>} : memref<4x16x768xf32, #tpu.memory_space<vmem>>, vector<1x1x16xf32>,
        %parallel_loop3A_1615 = vector.shape_cast %parallel_loop3A_1614 : vector<1x1x16xf32> to vector<16xf32>
        %parallel_loop3A_1616 = vector.shape_cast %parallel_loop3A_1570 : vector<16xf32> to vector<1x1x16xf32>
        tpu.vector_store %arg10[%parallel_loop3A_1611, %parallel_loop3A_1612, %parallel_loop3A_1613], %parallel_loop3A_1616 {add = true, strides = array<i32>} : memref<4x16x768xf32, #tpu.memory_space<vmem>>, vector<1x1x16xf32>,
        %parallel_loop3A_1617 = arith.constant 2 : i32
        %parallel_loop3A_1618 = arith.index_cast %parallel_loop3A_1617 : i32 to index
        %parallel_loop3A_1619 = arith.index_cast %parallel_loop3A_250 : i32 to index
        %parallel_loop3A_1620 = arith.constant 672 : index
        %parallel_loop3A_1621 = tpu.vector_load %arg10[%parallel_loop3A_1618, %parallel_loop3A_1619, %parallel_loop3A_1620] {strides = array<i32>} : memref<4x16x768xf32, #tpu.memory_space<vmem>>, vector<1x1x16xf32>,
        %parallel_loop3A_1622 = vector.shape_cast %parallel_loop3A_1621 : vector<1x1x16xf32> to vector<16xf32>
        %parallel_loop3A_1623 = vector.shape_cast %parallel_loop3A_1570 : vector<16xf32> to vector<1x1x16xf32>
        tpu.vector_store %arg10[%parallel_loop3A_1618, %parallel_loop3A_1619, %parallel_loop3A_1620], %parallel_loop3A_1623 {add = true, strides = array<i32>} : memref<4x16x768xf32, #tpu.memory_space<vmem>>, vector<1x1x16xf32>,
        %parallel_loop3A_1624 = arith.constant 3 : i32
        %parallel_loop3A_1625 = arith.index_cast %parallel_loop3A_1624 : i32 to index
        %parallel_loop3A_1626 = arith.index_cast %parallel_loop3A_250 : i32 to index
        %parallel_loop3A_1627 = arith.constant 672 : index
        %parallel_loop3A_1628 = tpu.vector_load %arg10[%parallel_loop3A_1625, %parallel_loop3A_1626, %parallel_loop3A_1627] {strides = array<i32>} : memref<4x16x768xf32, #tpu.memory_space<vmem>>, vector<1x1x16xf32>,
        %parallel_loop3A_1629 = vector.shape_cast %parallel_loop3A_1628 : vector<1x1x16xf32> to vector<16xf32>
        %parallel_loop3A_1630 = vector.shape_cast %parallel_loop3A_1570 : vector<16xf32> to vector<1x1x16xf32>
        tpu.vector_store %arg10[%parallel_loop3A_1625, %parallel_loop3A_1626, %parallel_loop3A_1627], %parallel_loop3A_1630 {add = true, strides = array<i32>} : memref<4x16x768xf32, #tpu.memory_space<vmem>>, vector<1x1x16xf32>,
        %parallel_loop3A_1631 = arith.index_cast %parallel_loop3A_250 : i32 to index
        %parallel_loop3A_1632 = arith.constant 704 : index
        %parallel_loop3A_1633 = tpu.vector_load %arg8[%parallel_loop3A_1631, %parallel_loop3A_1632] {strides = array<i32>} : memref<16x768xf32, #tpu.memory_space<vmem>>, vector<1x16xf32>,
        %parallel_loop3A_1634 = vector.shape_cast %parallel_loop3A_1633 : vector<1x16xf32> to vector<16xf32>
        %parallel_loop3A_1635 = arith.constant 0 : i32
        %parallel_loop3A_1636 = arith.index_cast %parallel_loop3A_1635 : i32 to index
        %parallel_loop3A_1637 = arith.index_cast %parallel_loop3A_250 : i32 to index
        %parallel_loop3A_1638 = arith.constant 688 : index
        %parallel_loop3A_1639 = tpu.vector_load %arg10[%parallel_loop3A_1636, %parallel_loop3A_1637, %parallel_loop3A_1638] {strides = array<i32>} : memref<4x16x768xf32, #tpu.memory_space<vmem>>, vector<1x1x16xf32>,
        %parallel_loop3A_1640 = vector.shape_cast %parallel_loop3A_1639 : vector<1x1x16xf32> to vector<16xf32>
        %parallel_loop3A_1641 = vector.shape_cast %parallel_loop3A_1602 : vector<16xf32> to vector<1x1x16xf32>
        tpu.vector_store %arg10[%parallel_loop3A_1636, %parallel_loop3A_1637, %parallel_loop3A_1638], %parallel_loop3A_1641 {add = true, strides = array<i32>} : memref<4x16x768xf32, #tpu.memory_space<vmem>>, vector<1x1x16xf32>,
        %parallel_loop3A_1642 = arith.constant 1 : i32
        %parallel_loop3A_1643 = arith.index_cast %parallel_loop3A_1642 : i32 to index
        %parallel_loop3A_1644 = arith.index_cast %parallel_loop3A_250 : i32 to index
        %parallel_loop3A_1645 = arith.constant 688 : index
        %parallel_loop3A_1646 = tpu.vector_load %arg10[%parallel_loop3A_1643, %parallel_loop3A_1644, %parallel_loop3A_1645] {strides = array<i32>} : memref<4x16x768xf32, #tpu.memory_space<vmem>>, vector<1x1x16xf32>,
        %parallel_loop3A_1647 = vector.shape_cast %parallel_loop3A_1646 : vector<1x1x16xf32> to vector<16xf32>
        %parallel_loop3A_1648 = vector.shape_cast %parallel_loop3A_1602 : vector<16xf32> to vector<1x1x16xf32>
        tpu.vector_store %arg10[%parallel_loop3A_1643, %parallel_loop3A_1644, %parallel_loop3A_1645], %parallel_loop3A_1648 {add = true, strides = array<i32>} : memref<4x16x768xf32, #tpu.memory_space<vmem>>, vector<1x1x16xf32>,
        %parallel_loop3A_1649 = arith.constant 2 : i32
        %parallel_loop3A_1650 = arith.index_cast %parallel_loop3A_1649 : i32 to index
        %parallel_loop3A_1651 = arith.index_cast %parallel_loop3A_250 : i32 to index
        %parallel_loop3A_1652 = arith.constant 688 : index
        %parallel_loop3A_1653 = tpu.vector_load %arg10[%parallel_loop3A_1650, %parallel_loop3A_1651, %parallel_loop3A_1652] {strides = array<i32>} : memref<4x16x768xf32, #tpu.memory_space<vmem>>, vector<1x1x16xf32>,
        %parallel_loop3A_1654 = vector.shape_cast %parallel_loop3A_1653 : vector<1x1x16xf32> to vector<16xf32>
        %parallel_loop3A_1655 = vector.shape_cast %parallel_loop3A_1602 : vector<16xf32> to vector<1x1x16xf32>
        tpu.vector_store %arg10[%parallel_loop3A_1650, %parallel_loop3A_1651, %parallel_loop3A_1652], %parallel_loop3A_1655 {add = true, strides = array<i32>} : memref<4x16x768xf32, #tpu.memory_space<vmem>>, vector<1x1x16xf32>,
        %parallel_loop3A_1656 = arith.constant 3 : i32
        %parallel_loop3A_1657 = arith.index_cast %parallel_loop3A_1656 : i32 to index
        %parallel_loop3A_1658 = arith.index_cast %parallel_loop3A_250 : i32 to index
        %parallel_loop3A_1659 = arith.constant 688 : index
        %parallel_loop3A_1660 = tpu.vector_load %arg10[%parallel_loop3A_1657, %parallel_loop3A_1658, %parallel_loop3A_1659] {strides = array<i32>} : memref<4x16x768xf32, #tpu.memory_space<vmem>>, vector<1x1x16xf32>,
        %parallel_loop3A_1661 = vector.shape_cast %parallel_loop3A_1660 : vector<1x1x16xf32> to vector<16xf32>
        %parallel_loop3A_1662 = vector.shape_cast %parallel_loop3A_1602 : vector<16xf32> to vector<1x1x16xf32>
        tpu.vector_store %arg10[%parallel_loop3A_1657, %parallel_loop3A_1658, %parallel_loop3A_1659], %parallel_loop3A_1662 {add = true, strides = array<i32>} : memref<4x16x768xf32, #tpu.memory_space<vmem>>, vector<1x1x16xf32>,
        %parallel_loop3A_1663 = arith.index_cast %parallel_loop3A_250 : i32 to index
        %parallel_loop3A_1664 = arith.constant 720 : index
        %parallel_loop3A_1665 = tpu.vector_load %arg8[%parallel_loop3A_1663, %parallel_loop3A_1664] {strides = array<i32>} : memref<16x768xf32, #tpu.memory_space<vmem>>, vector<1x16xf32>,
        %parallel_loop3A_1666 = vector.shape_cast %parallel_loop3A_1665 : vector<1x16xf32> to vector<16xf32>
        %parallel_loop3A_1667 = arith.constant 0 : i32
        %parallel_loop3A_1668 = arith.index_cast %parallel_loop3A_1667 : i32 to index
        %parallel_loop3A_1669 = arith.index_cast %parallel_loop3A_250 : i32 to index
        %parallel_loop3A_1670 = arith.constant 704 : index
        %parallel_loop3A_1671 = tpu.vector_load %arg10[%parallel_loop3A_1668, %parallel_loop3A_1669, %parallel_loop3A_1670] {strides = array<i32>} : memref<4x16x768xf32, #tpu.memory_space<vmem>>, vector<1x1x16xf32>,
        %parallel_loop3A_1672 = vector.shape_cast %parallel_loop3A_1671 : vector<1x1x16xf32> to vector<16xf32>
        %parallel_loop3A_1673 = vector.shape_cast %parallel_loop3A_1634 : vector<16xf32> to vector<1x1x16xf32>
        tpu.vector_store %arg10[%parallel_loop3A_1668, %parallel_loop3A_1669, %parallel_loop3A_1670], %parallel_loop3A_1673 {add = true, strides = array<i32>} : memref<4x16x768xf32, #tpu.memory_space<vmem>>, vector<1x1x16xf32>,
        %parallel_loop3A_1674 = arith.constant 1 : i32
        %parallel_loop3A_1675 = arith.index_cast %parallel_loop3A_1674 : i32 to index
        %parallel_loop3A_1676 = arith.index_cast %parallel_loop3A_250 : i32 to index
        %parallel_loop3A_1677 = arith.constant 704 : index
        %parallel_loop3A_1678 = tpu.vector_load %arg10[%parallel_loop3A_1675, %parallel_loop3A_1676, %parallel_loop3A_1677] {strides = array<i32>} : memref<4x16x768xf32, #tpu.memory_space<vmem>>, vector<1x1x16xf32>,
        %parallel_loop3A_1679 = vector.shape_cast %parallel_loop3A_1678 : vector<1x1x16xf32> to vector<16xf32>
        %parallel_loop3A_1680 = vector.shape_cast %parallel_loop3A_1634 : vector<16xf32> to vector<1x1x16xf32>
        tpu.vector_store %arg10[%parallel_loop3A_1675, %parallel_loop3A_1676, %parallel_loop3A_1677], %parallel_loop3A_1680 {add = true, strides = array<i32>} : memref<4x16x768xf32, #tpu.memory_space<vmem>>, vector<1x1x16xf32>,
        %parallel_loop3A_1681 = arith.constant 2 : i32
        %parallel_loop3A_1682 = arith.index_cast %parallel_loop3A_1681 : i32 to index
        %parallel_loop3A_1683 = arith.index_cast %parallel_loop3A_250 : i32 to index
        %parallel_loop3A_1684 = arith.constant 704 : index
        %parallel_loop3A_1685 = tpu.vector_load %arg10[%parallel_loop3A_1682, %parallel_loop3A_1683, %parallel_loop3A_1684] {strides = array<i32>} : memref<4x16x768xf32, #tpu.memory_space<vmem>>, vector<1x1x16xf32>,
        %parallel_loop3A_1686 = vector.shape_cast %parallel_loop3A_1685 : vector<1x1x16xf32> to vector<16xf32>
        %parallel_loop3A_1687 = vector.shape_cast %parallel_loop3A_1634 : vector<16xf32> to vector<1x1x16xf32>
        tpu.vector_store %arg10[%parallel_loop3A_1682, %parallel_loop3A_1683, %parallel_loop3A_1684], %parallel_loop3A_1687 {add = true, strides = array<i32>} : memref<4x16x768xf32, #tpu.memory_space<vmem>>, vector<1x1x16xf32>,
        %parallel_loop3A_1688 = arith.constant 3 : i32
        %parallel_loop3A_1689 = arith.index_cast %parallel_loop3A_1688 : i32 to index
        %parallel_loop3A_1690 = arith.index_cast %parallel_loop3A_250 : i32 to index
        %parallel_loop3A_1691 = arith.constant 704 : index
        %parallel_loop3A_1692 = tpu.vector_load %arg10[%parallel_loop3A_1689, %parallel_loop3A_1690, %parallel_loop3A_1691] {strides = array<i32>} : memref<4x16x768xf32, #tpu.memory_space<vmem>>, vector<1x1x16xf32>,
        %parallel_loop3A_1693 = vector.shape_cast %parallel_loop3A_1692 : vector<1x1x16xf32> to vector<16xf32>
        %parallel_loop3A_1694 = vector.shape_cast %parallel_loop3A_1634 : vector<16xf32> to vector<1x1x16xf32>
        tpu.vector_store %arg10[%parallel_loop3A_1689, %parallel_loop3A_1690, %parallel_loop3A_1691], %parallel_loop3A_1694 {add = true, strides = array<i32>} : memref<4x16x768xf32, #tpu.memory_space<vmem>>, vector<1x1x16xf32>,
        %parallel_loop3A_1695 = arith.index_cast %parallel_loop3A_250 : i32 to index
        %parallel_loop3A_1696 = arith.constant 736 : index
        %parallel_loop3A_1697 = tpu.vector_load %arg8[%parallel_loop3A_1695, %parallel_loop3A_1696] {strides = array<i32>} : memref<16x768xf32, #tpu.memory_space<vmem>>, vector<1x16xf32>,
        %parallel_loop3A_1698 = vector.shape_cast %parallel_loop3A_1697 : vector<1x16xf32> to vector<16xf32>
        %parallel_loop3A_1699 = arith.constant 0 : i32
        %parallel_loop3A_1700 = arith.index_cast %parallel_loop3A_1699 : i32 to index
        %parallel_loop3A_1701 = arith.index_cast %parallel_loop3A_250 : i32 to index
        %parallel_loop3A_1702 = arith.constant 720 : index
        %parallel_loop3A_1703 = tpu.vector_load %arg10[%parallel_loop3A_1700, %parallel_loop3A_1701, %parallel_loop3A_1702] {strides = array<i32>} : memref<4x16x768xf32, #tpu.memory_space<vmem>>, vector<1x1x16xf32>,
        %parallel_loop3A_1704 = vector.shape_cast %parallel_loop3A_1703 : vector<1x1x16xf32> to vector<16xf32>
        %parallel_loop3A_1705 = vector.shape_cast %parallel_loop3A_1666 : vector<16xf32> to vector<1x1x16xf32>
        tpu.vector_store %arg10[%parallel_loop3A_1700, %parallel_loop3A_1701, %parallel_loop3A_1702], %parallel_loop3A_1705 {add = true, strides = array<i32>} : memref<4x16x768xf32, #tpu.memory_space<vmem>>, vector<1x1x16xf32>,
        %parallel_loop3A_1706 = arith.constant 1 : i32
        %parallel_loop3A_1707 = arith.index_cast %parallel_loop3A_1706 : i32 to index
        %parallel_loop3A_1708 = arith.index_cast %parallel_loop3A_250 : i32 to index
        %parallel_loop3A_1709 = arith.constant 720 : index
        %parallel_loop3A_1710 = tpu.vector_load %arg10[%parallel_loop3A_1707, %parallel_loop3A_1708, %parallel_loop3A_1709] {strides = array<i32>} : memref<4x16x768xf32, #tpu.memory_space<vmem>>, vector<1x1x16xf32>,
        %parallel_loop3A_1711 = vector.shape_cast %parallel_loop3A_1710 : vector<1x1x16xf32> to vector<16xf32>
        %parallel_loop3A_1712 = vector.shape_cast %parallel_loop3A_1666 : vector<16xf32> to vector<1x1x16xf32>
        tpu.vector_store %arg10[%parallel_loop3A_1707, %parallel_loop3A_1708, %parallel_loop3A_1709], %parallel_loop3A_1712 {add = true, strides = array<i32>} : memref<4x16x768xf32, #tpu.memory_space<vmem>>, vector<1x1x16xf32>,
        %parallel_loop3A_1713 = arith.constant 2 : i32
        %parallel_loop3A_1714 = arith.index_cast %parallel_loop3A_1713 : i32 to index
        %parallel_loop3A_1715 = arith.index_cast %parallel_loop3A_250 : i32 to index
        %parallel_loop3A_1716 = arith.constant 720 : index
        %parallel_loop3A_1717 = tpu.vector_load %arg10[%parallel_loop3A_1714, %parallel_loop3A_1715, %parallel_loop3A_1716] {strides = array<i32>} : memref<4x16x768xf32, #tpu.memory_space<vmem>>, vector<1x1x16xf32>,
        %parallel_loop3A_1718 = vector.shape_cast %parallel_loop3A_1717 : vector<1x1x16xf32> to vector<16xf32>
        %parallel_loop3A_1719 = vector.shape_cast %parallel_loop3A_1666 : vector<16xf32> to vector<1x1x16xf32>
        tpu.vector_store %arg10[%parallel_loop3A_1714, %parallel_loop3A_1715, %parallel_loop3A_1716], %parallel_loop3A_1719 {add = true, strides = array<i32>} : memref<4x16x768xf32, #tpu.memory_space<vmem>>, vector<1x1x16xf32>,
        %parallel_loop3A_1720 = arith.constant 3 : i32
        %parallel_loop3A_1721 = arith.index_cast %parallel_loop3A_1720 : i32 to index
        %parallel_loop3A_1722 = arith.index_cast %parallel_loop3A_250 : i32 to index
        %parallel_loop3A_1723 = arith.constant 720 : index
        %parallel_loop3A_1724 = tpu.vector_load %arg10[%parallel_loop3A_1721, %parallel_loop3A_1722, %parallel_loop3A_1723] {strides = array<i32>} : memref<4x16x768xf32, #tpu.memory_space<vmem>>, vector<1x1x16xf32>,
        %parallel_loop3A_1725 = vector.shape_cast %parallel_loop3A_1724 : vector<1x1x16xf32> to vector<16xf32>
        %parallel_loop3A_1726 = vector.shape_cast %parallel_loop3A_1666 : vector<16xf32> to vector<1x1x16xf32>
        tpu.vector_store %arg10[%parallel_loop3A_1721, %parallel_loop3A_1722, %parallel_loop3A_1723], %parallel_loop3A_1726 {add = true, strides = array<i32>} : memref<4x16x768xf32, #tpu.memory_space<vmem>>, vector<1x1x16xf32>,
        %parallel_loop3A_1727 = arith.index_cast %parallel_loop3A_250 : i32 to index
        %parallel_loop3A_1728 = arith.constant 752 : index
        %parallel_loop3A_1729 = tpu.vector_load %arg8[%parallel_loop3A_1727, %parallel_loop3A_1728] {strides = array<i32>} : memref<16x768xf32, #tpu.memory_space<vmem>>, vector<1x16xf32>,
        %parallel_loop3A_1730 = vector.shape_cast %parallel_loop3A_1729 : vector<1x16xf32> to vector<16xf32>
        %parallel_loop3A_1731 = arith.constant 0 : i32
        %parallel_loop3A_1732 = arith.index_cast %parallel_loop3A_1731 : i32 to index
        %parallel_loop3A_1733 = arith.index_cast %parallel_loop3A_250 : i32 to index
        %parallel_loop3A_1734 = arith.constant 736 : index
        %parallel_loop3A_1735 = tpu.vector_load %arg10[%parallel_loop3A_1732, %parallel_loop3A_1733, %parallel_loop3A_1734] {strides = array<i32>} : memref<4x16x768xf32, #tpu.memory_space<vmem>>, vector<1x1x16xf32>,
        %parallel_loop3A_1736 = vector.shape_cast %parallel_loop3A_1735 : vector<1x1x16xf32> to vector<16xf32>
        %parallel_loop3A_1737 = vector.shape_cast %parallel_loop3A_1698 : vector<16xf32> to vector<1x1x16xf32>
        tpu.vector_store %arg10[%parallel_loop3A_1732, %parallel_loop3A_1733, %parallel_loop3A_1734], %parallel_loop3A_1737 {add = true, strides = array<i32>} : memref<4x16x768xf32, #tpu.memory_space<vmem>>, vector<1x1x16xf32>,
        %parallel_loop3A_1738 = arith.constant 1 : i32
        %parallel_loop3A_1739 = arith.index_cast %parallel_loop3A_1738 : i32 to index
        %parallel_loop3A_1740 = arith.index_cast %parallel_loop3A_250 : i32 to index
        %parallel_loop3A_1741 = arith.constant 736 : index
        %parallel_loop3A_1742 = tpu.vector_load %arg10[%parallel_loop3A_1739, %parallel_loop3A_1740, %parallel_loop3A_1741] {strides = array<i32>} : memref<4x16x768xf32, #tpu.memory_space<vmem>>, vector<1x1x16xf32>,
        %parallel_loop3A_1743 = vector.shape_cast %parallel_loop3A_1742 : vector<1x1x16xf32> to vector<16xf32>
        %parallel_loop3A_1744 = vector.shape_cast %parallel_loop3A_1698 : vector<16xf32> to vector<1x1x16xf32>
        tpu.vector_store %arg10[%parallel_loop3A_1739, %parallel_loop3A_1740, %parallel_loop3A_1741], %parallel_loop3A_1744 {add = true, strides = array<i32>} : memref<4x16x768xf32, #tpu.memory_space<vmem>>, vector<1x1x16xf32>,
        %parallel_loop3A_1745 = arith.constant 2 : i32
        %parallel_loop3A_1746 = arith.index_cast %parallel_loop3A_1745 : i32 to index
        %parallel_loop3A_1747 = arith.index_cast %parallel_loop3A_250 : i32 to index
        %parallel_loop3A_1748 = arith.constant 736 : index
        %parallel_loop3A_1749 = tpu.vector_load %arg10[%parallel_loop3A_1746, %parallel_loop3A_1747, %parallel_loop3A_1748] {strides = array<i32>} : memref<4x16x768xf32, #tpu.memory_space<vmem>>, vector<1x1x16xf32>,
        %parallel_loop3A_1750 = vector.shape_cast %parallel_loop3A_1749 : vector<1x1x16xf32> to vector<16xf32>
        %parallel_loop3A_1751 = vector.shape_cast %parallel_loop3A_1698 : vector<16xf32> to vector<1x1x16xf32>
        tpu.vector_store %arg10[%parallel_loop3A_1746, %parallel_loop3A_1747, %parallel_loop3A_1748], %parallel_loop3A_1751 {add = true, strides = array<i32>} : memref<4x16x768xf32, #tpu.memory_space<vmem>>, vector<1x1x16xf32>,
        %parallel_loop3A_1752 = arith.constant 3 : i32
        %parallel_loop3A_1753 = arith.index_cast %parallel_loop3A_1752 : i32 to index
        %parallel_loop3A_1754 = arith.index_cast %parallel_loop3A_250 : i32 to index
        %parallel_loop3A_1755 = arith.constant 736 : index
        %parallel_loop3A_1756 = tpu.vector_load %arg10[%parallel_loop3A_1753, %parallel_loop3A_1754, %parallel_loop3A_1755] {strides = array<i32>} : memref<4x16x768xf32, #tpu.memory_space<vmem>>, vector<1x1x16xf32>,
        %parallel_loop3A_1757 = vector.shape_cast %parallel_loop3A_1756 : vector<1x1x16xf32> to vector<16xf32>
        %parallel_loop3A_1758 = vector.shape_cast %parallel_loop3A_1698 : vector<16xf32> to vector<1x1x16xf32>
        tpu.vector_store %arg10[%parallel_loop3A_1753, %parallel_loop3A_1754, %parallel_loop3A_1755], %parallel_loop3A_1758 {add = true, strides = array<i32>} : memref<4x16x768xf32, #tpu.memory_space<vmem>>, vector<1x1x16xf32>,
        %parallel_loop3A_1759 = arith.constant 0 : i32
        %parallel_loop3A_1760 = arith.index_cast %parallel_loop3A_1759 : i32 to index
        %parallel_loop3A_1761 = arith.index_cast %parallel_loop3A_250 : i32 to index
        %parallel_loop3A_1762 = arith.constant 752 : index
        %parallel_loop3A_1763 = tpu.vector_load %arg10[%parallel_loop3A_1760, %parallel_loop3A_1761, %parallel_loop3A_1762] {strides = array<i32>} : memref<4x16x768xf32, #tpu.memory_space<vmem>>, vector<1x1x16xf32>,
        %parallel_loop3A_1764 = vector.shape_cast %parallel_loop3A_1763 : vector<1x1x16xf32> to vector<16xf32>
        %parallel_loop3A_1765 = vector.shape_cast %parallel_loop3A_1730 : vector<16xf32> to vector<1x1x16xf32>
        tpu.vector_store %arg10[%parallel_loop3A_1760, %parallel_loop3A_1761, %parallel_loop3A_1762], %parallel_loop3A_1765 {add = true, strides = array<i32>} : memref<4x16x768xf32, #tpu.memory_space<vmem>>, vector<1x1x16xf32>,
        %parallel_loop3A_1766 = arith.constant 1 : i32
        %parallel_loop3A_1767 = arith.index_cast %parallel_loop3A_1766 : i32 to index
        %parallel_loop3A_1768 = arith.index_cast %parallel_loop3A_250 : i32 to index
        %parallel_loop3A_1769 = arith.constant 752 : index
        %parallel_loop3A_1770 = tpu.vector_load %arg10[%parallel_loop3A_1767, %parallel_loop3A_1768, %parallel_loop3A_1769] {strides = array<i32>} : memref<4x16x768xf32, #tpu.memory_space<vmem>>, vector<1x1x16xf32>,
        %parallel_loop3A_1771 = vector.shape_cast %parallel_loop3A_1770 : vector<1x1x16xf32> to vector<16xf32>
        %parallel_loop3A_1772 = vector.shape_cast %parallel_loop3A_1730 : vector<16xf32> to vector<1x1x16xf32>
        tpu.vector_store %arg10[%parallel_loop3A_1767, %parallel_loop3A_1768, %parallel_loop3A_1769], %parallel_loop3A_1772 {add = true, strides = array<i32>} : memref<4x16x768xf32, #tpu.memory_space<vmem>>, vector<1x1x16xf32>,
        %parallel_loop3A_1773 = arith.constant 2 : i32
        %parallel_loop3A_1774 = arith.index_cast %parallel_loop3A_1773 : i32 to index
        %parallel_loop3A_1775 = arith.index_cast %parallel_loop3A_250 : i32 to index
        %parallel_loop3A_1776 = arith.constant 752 : index
        %parallel_loop3A_1777 = tpu.vector_load %arg10[%parallel_loop3A_1774, %parallel_loop3A_1775, %parallel_loop3A_1776] {strides = array<i32>} : memref<4x16x768xf32, #tpu.memory_space<vmem>>, vector<1x1x16xf32>,
        %parallel_loop3A_1778 = vector.shape_cast %parallel_loop3A_1777 : vector<1x1x16xf32> to vector<16xf32>
        %parallel_loop3A_1779 = vector.shape_cast %parallel_loop3A_1730 : vector<16xf32> to vector<1x1x16xf32>
        tpu.vector_store %arg10[%parallel_loop3A_1774, %parallel_loop3A_1775, %parallel_loop3A_1776], %parallel_loop3A_1779 {add = true, strides = array<i32>} : memref<4x16x768xf32, #tpu.memory_space<vmem>>, vector<1x1x16xf32>,
        %parallel_loop3A_1780 = arith.constant 3 : i32
        %parallel_loop3A_1781 = arith.index_cast %parallel_loop3A_1780 : i32 to index
        %parallel_loop3A_1782 = arith.index_cast %parallel_loop3A_250 : i32 to index
        %parallel_loop3A_1783 = arith.constant 752 : index
        %parallel_loop3A_1784 = tpu.vector_load %arg10[%parallel_loop3A_1781, %parallel_loop3A_1782, %parallel_loop3A_1783] {strides = array<i32>} : memref<4x16x768xf32, #tpu.memory_space<vmem>>, vector<1x1x16xf32>,
        %parallel_loop3A_1785 = vector.shape_cast %parallel_loop3A_1784 : vector<1x1x16xf32> to vector<16xf32>
        %parallel_loop3A_1786 = vector.shape_cast %parallel_loop3A_1730 : vector<16xf32> to vector<1x1x16xf32>
        tpu.vector_store %arg10[%parallel_loop3A_1781, %parallel_loop3A_1782, %parallel_loop3A_1783], %parallel_loop3A_1786 {add = true, strides = array<i32>} : memref<4x16x768xf32, #tpu.memory_space<vmem>>, vector<1x1x16xf32>,
      } {sc.loop_unroll_factor = 1 : i64, sc.parallel_access}
      %mul3A_196 = arith.constant 16 : i32
      %mul3A_197 = arith.muli %add3A_168, %mul3A_196 : i32
      %add3A_198 = arith.addi %mul3A_2, %mul3A_197 : i32
      %dma_start3A_199 = arith.constant 0 : i32
      %dma_start3A_200 = arith.constant 0 : i32
      %dma_start3A_201 = tpu.memref_slice %arg5[%dma_start3A_199, %add3A_198, %dma_start3A_200] : memref<4x8192x768xf32, #tpu.memory_space<hbm>> -> memref<4x16x768xf32, #tpu.memory_space<hbm>>
      %dma_start3A_202 = arith.constant 0 : i32
      %dma_start3A_203 = arith.constant 0 : i32
      %dma_start3A_204 = tpu.memref_slice %arg5[%dma_start3A_202, %add3A_198, %dma_start3A_203] : memref<4x8192x768xf32, #tpu.memory_space<hbm>> -> memref<4x16x768xf32, #tpu.memory_space<hbm>>
      tpu.enqueue_dma source(%arg10 : memref<4x16x768xf32, #tpu.memory_space<vmem>>) target(%dma_start3A_204 : memref<4x16x768xf32, #tpu.memory_space<hbm>>) target_semaphore(%arg14 : memref<!tpu.dma_semaphore, #tpu.memory_space<semaphore_mem>>)
      %mul3A_205 = arith.constant 2 : i32
      %mul3A_206 = arith.muli %scan3A_163, %mul3A_205 : i32
      %add3A_207 = arith.constant 1 : i32
      %add3A_208 = arith.addi %mul3A_206, %add3A_207 : i32
      %dma_wait3A_209 = arith.constant 0 : i32
      %dma_wait3A_210 = arith.constant 0 : i32
      %dma_wait3A_211 = tpu.memref_slice %arg4[%dma_wait3A_209, %dma_wait3A_210] : memref<50000x768xf32, #tpu.memory_space<hbm>> -> memref<16x768xf32, #tpu.memory_space<hbm>>
      %dma_wait3A_212 = arith.constant 0 : i32
      %dma_wait3A_213 = arith.constant 0 : i32
      %dma_wait3A_214 = tpu.memref_slice %arg4[%dma_wait3A_212, %dma_wait3A_213] : memref<50000x768xf32, #tpu.memory_space<hbm>> -> memref<16x768xf32, #tpu.memory_space<hbm>>
      tpu.wait_dma2 semaphore(%arg13 : memref<!tpu.dma_semaphore, #tpu.memory_space<semaphore_mem>>) src(%dma_wait3A_214 : memref<16x768xf32, #tpu.memory_space<hbm>>) dst(%arg9 : memref<16x768xf32, #tpu.memory_space<vmem>>)
      %dma_wait3A_215 = arith.constant 0 : i32
      %dma_wait3A_216 = arith.constant 0 : i32
      %dma_wait3A_217 = arith.constant 0 : i32
      %dma_wait3A_218 = tpu.memref_slice %arg2[%dma_wait3A_215, %dma_wait3A_216, %dma_wait3A_217] : memref<4x8192x768xf32, #tpu.memory_space<hbm>> -> memref<4x16x768xf32, #tpu.memory_space<hbm>>
      %dma_wait3A_219 = arith.constant 0 : i32
      %dma_wait3A_220 = arith.constant 0 : i32
      %dma_wait3A_221 = arith.constant 0 : i32
      %dma_wait3A_222 = tpu.memref_slice %arg2[%dma_wait3A_219, %dma_wait3A_220, %dma_wait3A_221] : memref<4x8192x768xf32, #tpu.memory_space<hbm>> -> memref<4x16x768xf32, #tpu.memory_space<hbm>>
      tpu.wait_dma2 semaphore(%arg13 : memref<!tpu.dma_semaphore, #tpu.memory_space<semaphore_mem>>) src(%dma_wait3A_222 : memref<4x16x768xf32, #tpu.memory_space<hbm>>) dst(%arg11 : memref<4x16x768xf32, #tpu.memory_space<vmem>>)
      %ge3A_223 = arith.constant 1 : i32
      %ge3A_224 = arith.cmpi sge, %add3A_208, %ge3A_223 : i32
      %convert_element_type3A_225 = arith.extui %ge3A_224 : i1 to i32
      %cond3A_226 = arith.constant 0 : i32
      %cond3A_227 = arith.cmpi ne, %convert_element_type3A_225, %cond3A_226 : i32
      scf.if %cond3A_227 {
        %dma_wait3A_250 = arith.constant 0 : i32
        %dma_wait3A_251 = arith.constant 0 : i32
        %dma_wait3A_252 = arith.constant 0 : i32
        %dma_wait3A_253 = tpu.memref_slice %arg5[%dma_wait3A_250, %dma_wait3A_251, %dma_wait3A_252] : memref<4x8192x768xf32, #tpu.memory_space<hbm>> -> memref<4x16x768xf32, #tpu.memory_space<hbm>>
        %dma_wait3A_254 = arith.constant 0 : i32
        %dma_wait3A_255 = arith.constant 0 : i32
        %dma_wait3A_256 = arith.constant 0 : i32
        %dma_wait3A_257 = tpu.memref_slice %arg5[%dma_wait3A_254, %dma_wait3A_255, %dma_wait3A_256] : memref<4x8192x768xf32, #tpu.memory_space<hbm>> -> memref<4x16x768xf32, #tpu.memory_space<hbm>>
        tpu.wait_dma2 semaphore(%arg14 : memref<!tpu.dma_semaphore, #tpu.memory_space<semaphore_mem>>) src(%arg10 : memref<4x16x768xf32, #tpu.memory_space<vmem>>) dst(%dma_wait3A_257 : memref<4x16x768xf32, #tpu.memory_space<hbm>>)
      } else {
      }
      %add3A_228 = arith.constant 2 : i32
      %add3A_229 = arith.addi %add3A_208, %add3A_228 : i32
      %sub3A_230 = arith.constant 1 : i32
      %sub3A_231 = arith.subi %add3A_229, %sub3A_230 : i32
      %lt3A_232 = arith.constant 16 : i32
      %lt3A_233 = arith.cmpi slt, %sub3A_231, %lt3A_232 : i32
      %convert_element_type3A_234 = arith.extui %lt3A_233 : i1 to i32
      %cond3A_235 = arith.constant 0 : i32
      %cond3A_236 = arith.cmpi ne, %convert_element_type3A_234, %cond3A_235 : i32
      scf.if %cond3A_236 {
        %add3A_250 = arith.constant 2 : i32
        %add3A_251 = arith.addi %add3A_208, %add3A_250 : i32
        %sub3A_252 = arith.constant 1 : i32
        %sub3A_253 = arith.subi %add3A_251, %sub3A_252 : i32
        %mul3A_254 = arith.constant 16 : i32
        %mul3A_255 = arith.muli %sub3A_253, %mul3A_254 : i32
        %dma_start3A_256 = tpu.memref_slice %arg6[%mul3A_255] : memref<256xi32, #tpu.memory_space<vmem>> -> memref<16xi32, #tpu.memory_space<vmem>>
        %dma_start3A_257 = arith.constant 0 : i32
        %dma_start3A_258 = arith.constant 0 : i32
        %dma_start3A_259 = tpu.memref_slice %arg4[%dma_start3A_257, %dma_start3A_258] : memref<50000x768xf32, #tpu.memory_space<hbm>> -> memref<50000x768xf32, #tpu.memory_space<hbm>>
        tpu.enqueue_indirect_dma source(%dma_start3A_259 : memref<50000x768xf32, #tpu.memory_space<hbm>>) target(%arg8 : memref<16x768xf32, #tpu.memory_space<vmem>>) offsets(%dma_start3A_256 : memref<16xi32, #tpu.memory_space<vmem>>) semaphore(%arg12 : memref<!tpu.dma_semaphore, #tpu.memory_space<semaphore_mem>>)
        %add3A_260 = arith.addi %mul3A_2, %mul3A_255 : i32
        %dma_start3A_261 = arith.constant 0 : i32
        %dma_start3A_262 = arith.constant 0 : i32
        %dma_start3A_263 = tpu.memref_slice %arg2[%dma_start3A_261, %add3A_260, %dma_start3A_262] : memref<4x8192x768xf32, #tpu.memory_space<hbm>> -> memref<4x16x768xf32, #tpu.memory_space<hbm>>
        %dma_start3A_264 = arith.constant 0 : i32
        %dma_start3A_265 = arith.constant 0 : i32
        %dma_start3A_266 = tpu.memref_slice %arg2[%dma_start3A_264, %add3A_260, %dma_start3A_265] : memref<4x8192x768xf32, #tpu.memory_space<hbm>> -> memref<4x16x768xf32, #tpu.memory_space<hbm>>
        tpu.enqueue_dma source(%dma_start3A_266 : memref<4x16x768xf32, #tpu.memory_space<hbm>>) target(%arg10 : memref<4x16x768xf32, #tpu.memory_space<vmem>>) target_semaphore(%arg12 : memref<!tpu.dma_semaphore, #tpu.memory_space<semaphore_mem>>)
      } else {
      }
      %parallel_loop3A_237 = arith.constant 0 : i32
      %parallel_loop3A_238 = arith.constant 16 : i32
      %parallel_loop3A_239 = arith.constant 1 : i32
      scf.for %parallel_loop3A_250 = %parallel_loop3A_237 to %parallel_loop3A_238 step %parallel_loop3A_239  : i32 {
        %parallel_loop3A_251 = arith.index_cast %parallel_loop3A_250 : i32 to index
        %parallel_loop3A_252 = arith.constant 0 : index
        %parallel_loop3A_253 = tpu.vector_load %arg9[%parallel_loop3A_251, %parallel_loop3A_252] {strides = array<i32>} : memref<16x768xf32, #tpu.memory_space<vmem>>, vector<1x16xf32>,
        %parallel_loop3A_254 = vector.shape_cast %parallel_loop3A_253 : vector<1x16xf32> to vector<16xf32>
        %parallel_loop3A_255 = arith.index_cast %parallel_loop3A_250 : i32 to index
        %parallel_loop3A_256 = arith.constant 16 : index
        %parallel_loop3A_257 = tpu.vector_load %arg9[%parallel_loop3A_255, %parallel_loop3A_256] {strides = array<i32>} : memref<16x768xf32, #tpu.memory_space<vmem>>, vector<1x16xf32>,
        %parallel_loop3A_258 = vector.shape_cast %parallel_loop3A_257 : vector<1x16xf32> to vector<16xf32>
        %parallel_loop3A_259 = arith.constant 0 : i32
        %parallel_loop3A_260 = arith.index_cast %parallel_loop3A_259 : i32 to index
        %parallel_loop3A_261 = arith.index_cast %parallel_loop3A_250 : i32 to index
        %parallel_loop3A_262 = arith.constant 0 : index
        %parallel_loop3A_263 = tpu.vector_load %arg11[%parallel_loop3A_260, %parallel_loop3A_261, %parallel_loop3A_262] {strides = array<i32>} : memref<4x16x768xf32, #tpu.memory_space<vmem>>, vector<1x1x16xf32>,
        %parallel_loop3A_264 = vector.shape_cast %parallel_loop3A_263 : vector<1x1x16xf32> to vector<16xf32>
        %parallel_loop3A_265 = vector.shape_cast %parallel_loop3A_254 : vector<16xf32> to vector<1x1x16xf32>
        tpu.vector_store %arg11[%parallel_loop3A_260, %parallel_loop3A_261, %parallel_loop3A_262], %parallel_loop3A_265 {add = true, strides = array<i32>} : memref<4x16x768xf32, #tpu.memory_space<vmem>>, vector<1x1x16xf32>,
        %parallel_loop3A_266 = arith.constant 1 : i32
        %parallel_loop3A_267 = arith.index_cast %parallel_loop3A_266 : i32 to index
        %parallel_loop3A_268 = arith.index_cast %parallel_loop3A_250 : i32 to index
        %parallel_loop3A_269 = arith.constant 0 : index
        %parallel_loop3A_270 = tpu.vector_load %arg11[%parallel_loop3A_267, %parallel_loop3A_268, %parallel_loop3A_269] {strides = array<i32>} : memref<4x16x768xf32, #tpu.memory_space<vmem>>, vector<1x1x16xf32>,
        %parallel_loop3A_271 = vector.shape_cast %parallel_loop3A_270 : vector<1x1x16xf32> to vector<16xf32>
        %parallel_loop3A_272 = vector.shape_cast %parallel_loop3A_254 : vector<16xf32> to vector<1x1x16xf32>
        tpu.vector_store %arg11[%parallel_loop3A_267, %parallel_loop3A_268, %parallel_loop3A_269], %parallel_loop3A_272 {add = true, strides = array<i32>} : memref<4x16x768xf32, #tpu.memory_space<vmem>>, vector<1x1x16xf32>,
        %parallel_loop3A_273 = arith.constant 2 : i32
        %parallel_loop3A_274 = arith.index_cast %parallel_loop3A_273 : i32 to index
        %parallel_loop3A_275 = arith.index_cast %parallel_loop3A_250 : i32 to index
        %parallel_loop3A_276 = arith.constant 0 : index
        %parallel_loop3A_277 = tpu.vector_load %arg11[%parallel_loop3A_274, %parallel_loop3A_275, %parallel_loop3A_276] {strides = array<i32>} : memref<4x16x768xf32, #tpu.memory_space<vmem>>, vector<1x1x16xf32>,
        %parallel_loop3A_278 = vector.shape_cast %parallel_loop3A_277 : vector<1x1x16xf32> to vector<16xf32>
        %parallel_loop3A_279 = vector.shape_cast %parallel_loop3A_254 : vector<16xf32> to vector<1x1x16xf32>
        tpu.vector_store %arg11[%parallel_loop3A_274, %parallel_loop3A_275, %parallel_loop3A_276], %parallel_loop3A_279 {add = true, strides = array<i32>} : memref<4x16x768xf32, #tpu.memory_space<vmem>>, vector<1x1x16xf32>,
        %parallel_loop3A_280 = arith.constant 3 : i32
        %parallel_loop3A_281 = arith.index_cast %parallel_loop3A_280 : i32 to index
        %parallel_loop3A_282 = arith.index_cast %parallel_loop3A_250 : i32 to index
        %parallel_loop3A_283 = arith.constant 0 : index
        %parallel_loop3A_284 = tpu.vector_load %arg11[%parallel_loop3A_281, %parallel_loop3A_282, %parallel_loop3A_283] {strides = array<i32>} : memref<4x16x768xf32, #tpu.memory_space<vmem>>, vector<1x1x16xf32>,
        %parallel_loop3A_285 = vector.shape_cast %parallel_loop3A_284 : vector<1x1x16xf32> to vector<16xf32>
        %parallel_loop3A_286 = vector.shape_cast %parallel_loop3A_254 : vector<16xf32> to vector<1x1x16xf32>
        tpu.vector_store %arg11[%parallel_loop3A_281, %parallel_loop3A_282, %parallel_loop3A_283], %parallel_loop3A_286 {add = true, strides = array<i32>} : memref<4x16x768xf32, #tpu.memory_space<vmem>>, vector<1x1x16xf32>,
        %parallel_loop3A_287 = arith.index_cast %parallel_loop3A_250 : i32 to index
        %parallel_loop3A_288 = arith.constant 32 : index
        %parallel_loop3A_289 = tpu.vector_load %arg9[%parallel_loop3A_287, %parallel_loop3A_288] {strides = array<i32>} : memref<16x768xf32, #tpu.memory_space<vmem>>, vector<1x16xf32>,
        %parallel_loop3A_290 = vector.shape_cast %parallel_loop3A_289 : vector<1x16xf32> to vector<16xf32>
        %parallel_loop3A_291 = arith.constant 0 : i32
        %parallel_loop3A_292 = arith.index_cast %parallel_loop3A_291 : i32 to index
        %parallel_loop3A_293 = arith.index_cast %parallel_loop3A_250 : i32 to index
        %parallel_loop3A_294 = arith.constant 16 : index
        %parallel_loop3A_295 = tpu.vector_load %arg11[%parallel_loop3A_292, %parallel_loop3A_293, %parallel_loop3A_294] {strides = array<i32>} : memref<4x16x768xf32, #tpu.memory_space<vmem>>, vector<1x1x16xf32>,
        %parallel_loop3A_296 = vector.shape_cast %parallel_loop3A_295 : vector<1x1x16xf32> to vector<16xf32>
        %parallel_loop3A_297 = vector.shape_cast %parallel_loop3A_258 : vector<16xf32> to vector<1x1x16xf32>
        tpu.vector_store %arg11[%parallel_loop3A_292, %parallel_loop3A_293, %parallel_loop3A_294], %parallel_loop3A_297 {add = true, strides = array<i32>} : memref<4x16x768xf32, #tpu.memory_space<vmem>>, vector<1x1x16xf32>,
        %parallel_loop3A_298 = arith.constant 1 : i32
        %parallel_loop3A_299 = arith.index_cast %parallel_loop3A_298 : i32 to index
        %parallel_loop3A_300 = arith.index_cast %parallel_loop3A_250 : i32 to index
        %parallel_loop3A_301 = arith.constant 16 : index
        %parallel_loop3A_302 = tpu.vector_load %arg11[%parallel_loop3A_299, %parallel_loop3A_300, %parallel_loop3A_301] {strides = array<i32>} : memref<4x16x768xf32, #tpu.memory_space<vmem>>, vector<1x1x16xf32>,
        %parallel_loop3A_303 = vector.shape_cast %parallel_loop3A_302 : vector<1x1x16xf32> to vector<16xf32>
        %parallel_loop3A_304 = vector.shape_cast %parallel_loop3A_258 : vector<16xf32> to vector<1x1x16xf32>
        tpu.vector_store %arg11[%parallel_loop3A_299, %parallel_loop3A_300, %parallel_loop3A_301], %parallel_loop3A_304 {add = true, strides = array<i32>} : memref<4x16x768xf32, #tpu.memory_space<vmem>>, vector<1x1x16xf32>,
        %parallel_loop3A_305 = arith.constant 2 : i32
        %parallel_loop3A_306 = arith.index_cast %parallel_loop3A_305 : i32 to index
        %parallel_loop3A_307 = arith.index_cast %parallel_loop3A_250 : i32 to index
        %parallel_loop3A_308 = arith.constant 16 : index
        %parallel_loop3A_309 = tpu.vector_load %arg11[%parallel_loop3A_306, %parallel_loop3A_307, %parallel_loop3A_308] {strides = array<i32>} : memref<4x16x768xf32, #tpu.memory_space<vmem>>, vector<1x1x16xf32>,
        %parallel_loop3A_310 = vector.shape_cast %parallel_loop3A_309 : vector<1x1x16xf32> to vector<16xf32>
        %parallel_loop3A_311 = vector.shape_cast %parallel_loop3A_258 : vector<16xf32> to vector<1x1x16xf32>
        tpu.vector_store %arg11[%parallel_loop3A_306, %parallel_loop3A_307, %parallel_loop3A_308], %parallel_loop3A_311 {add = true, strides = array<i32>} : memref<4x16x768xf32, #tpu.memory_space<vmem>>, vector<1x1x16xf32>,
        %parallel_loop3A_312 = arith.constant 3 : i32
        %parallel_loop3A_313 = arith.index_cast %parallel_loop3A_312 : i32 to index
        %parallel_loop3A_314 = arith.index_cast %parallel_loop3A_250 : i32 to index
        %parallel_loop3A_315 = arith.constant 16 : index
        %parallel_loop3A_316 = tpu.vector_load %arg11[%parallel_loop3A_313, %parallel_loop3A_314, %parallel_loop3A_315] {strides = array<i32>} : memref<4x16x768xf32, #tpu.memory_space<vmem>>, vector<1x1x16xf32>,
        %parallel_loop3A_317 = vector.shape_cast %parallel_loop3A_316 : vector<1x1x16xf32> to vector<16xf32>
        %parallel_loop3A_318 = vector.shape_cast %parallel_loop3A_258 : vector<16xf32> to vector<1x1x16xf32>
        tpu.vector_store %arg11[%parallel_loop3A_313, %parallel_loop3A_314, %parallel_loop3A_315], %parallel_loop3A_318 {add = true, strides = array<i32>} : memref<4x16x768xf32, #tpu.memory_space<vmem>>, vector<1x1x16xf32>,
        %parallel_loop3A_319 = arith.index_cast %parallel_loop3A_250 : i32 to index
        %parallel_loop3A_320 = arith.constant 48 : index
        %parallel_loop3A_321 = tpu.vector_load %arg9[%parallel_loop3A_319, %parallel_loop3A_320] {strides = array<i32>} : memref<16x768xf32, #tpu.memory_space<vmem>>, vector<1x16xf32>,
        %parallel_loop3A_322 = vector.shape_cast %parallel_loop3A_321 : vector<1x16xf32> to vector<16xf32>
        %parallel_loop3A_323 = arith.constant 0 : i32
        %parallel_loop3A_324 = arith.index_cast %parallel_loop3A_323 : i32 to index
        %parallel_loop3A_325 = arith.index_cast %parallel_loop3A_250 : i32 to index
        %parallel_loop3A_326 = arith.constant 32 : index
        %parallel_loop3A_327 = tpu.vector_load %arg11[%parallel_loop3A_324, %parallel_loop3A_325, %parallel_loop3A_326] {strides = array<i32>} : memref<4x16x768xf32, #tpu.memory_space<vmem>>, vector<1x1x16xf32>,
        %parallel_loop3A_328 = vector.shape_cast %parallel_loop3A_327 : vector<1x1x16xf32> to vector<16xf32>
        %parallel_loop3A_329 = vector.shape_cast %parallel_loop3A_290 : vector<16xf32> to vector<1x1x16xf32>
        tpu.vector_store %arg11[%parallel_loop3A_324, %parallel_loop3A_325, %parallel_loop3A_326], %parallel_loop3A_329 {add = true, strides = array<i32>} : memref<4x16x768xf32, #tpu.memory_space<vmem>>, vector<1x1x16xf32>,
        %parallel_loop3A_330 = arith.constant 1 : i32
        %parallel_loop3A_331 = arith.index_cast %parallel_loop3A_330 : i32 to index
        %parallel_loop3A_332 = arith.index_cast %parallel_loop3A_250 : i32 to index
        %parallel_loop3A_333 = arith.constant 32 : index
        %parallel_loop3A_334 = tpu.vector_load %arg11[%parallel_loop3A_331, %parallel_loop3A_332, %parallel_loop3A_333] {strides = array<i32>} : memref<4x16x768xf32, #tpu.memory_space<vmem>>, vector<1x1x16xf32>,
        %parallel_loop3A_335 = vector.shape_cast %parallel_loop3A_334 : vector<1x1x16xf32> to vector<16xf32>
        %parallel_loop3A_336 = vector.shape_cast %parallel_loop3A_290 : vector<16xf32> to vector<1x1x16xf32>
        tpu.vector_store %arg11[%parallel_loop3A_331, %parallel_loop3A_332, %parallel_loop3A_333], %parallel_loop3A_336 {add = true, strides = array<i32>} : memref<4x16x768xf32, #tpu.memory_space<vmem>>, vector<1x1x16xf32>,
        %parallel_loop3A_337 = arith.constant 2 : i32
        %parallel_loop3A_338 = arith.index_cast %parallel_loop3A_337 : i32 to index
        %parallel_loop3A_339 = arith.index_cast %parallel_loop3A_250 : i32 to index
        %parallel_loop3A_340 = arith.constant 32 : index
        %parallel_loop3A_341 = tpu.vector_load %arg11[%parallel_loop3A_338, %parallel_loop3A_339, %parallel_loop3A_340] {strides = array<i32>} : memref<4x16x768xf32, #tpu.memory_space<vmem>>, vector<1x1x16xf32>,
        %parallel_loop3A_342 = vector.shape_cast %parallel_loop3A_341 : vector<1x1x16xf32> to vector<16xf32>
        %parallel_loop3A_343 = vector.shape_cast %parallel_loop3A_290 : vector<16xf32> to vector<1x1x16xf32>
        tpu.vector_store %arg11[%parallel_loop3A_338, %parallel_loop3A_339, %parallel_loop3A_340], %parallel_loop3A_343 {add = true, strides = array<i32>} : memref<4x16x768xf32, #tpu.memory_space<vmem>>, vector<1x1x16xf32>,
        %parallel_loop3A_344 = arith.constant 3 : i32
        %parallel_loop3A_345 = arith.index_cast %parallel_loop3A_344 : i32 to index
        %parallel_loop3A_346 = arith.index_cast %parallel_loop3A_250 : i32 to index
        %parallel_loop3A_347 = arith.constant 32 : index
        %parallel_loop3A_348 = tpu.vector_load %arg11[%parallel_loop3A_345, %parallel_loop3A_346, %parallel_loop3A_347] {strides = array<i32>} : memref<4x16x768xf32, #tpu.memory_space<vmem>>, vector<1x1x16xf32>,
        %parallel_loop3A_349 = vector.shape_cast %parallel_loop3A_348 : vector<1x1x16xf32> to vector<16xf32>
        %parallel_loop3A_350 = vector.shape_cast %parallel_loop3A_290 : vector<16xf32> to vector<1x1x16xf32>
        tpu.vector_store %arg11[%parallel_loop3A_345, %parallel_loop3A_346, %parallel_loop3A_347], %parallel_loop3A_350 {add = true, strides = array<i32>} : memref<4x16x768xf32, #tpu.memory_space<vmem>>, vector<1x1x16xf32>,
        %parallel_loop3A_351 = arith.index_cast %parallel_loop3A_250 : i32 to index
        %parallel_loop3A_352 = arith.constant 64 : index
        %parallel_loop3A_353 = tpu.vector_load %arg9[%parallel_loop3A_351, %parallel_loop3A_352] {strides = array<i32>} : memref<16x768xf32, #tpu.memory_space<vmem>>, vector<1x16xf32>,
        %parallel_loop3A_354 = vector.shape_cast %parallel_loop3A_353 : vector<1x16xf32> to vector<16xf32>
        %parallel_loop3A_355 = arith.constant 0 : i32
        %parallel_loop3A_356 = arith.index_cast %parallel_loop3A_355 : i32 to index
        %parallel_loop3A_357 = arith.index_cast %parallel_loop3A_250 : i32 to index
        %parallel_loop3A_358 = arith.constant 48 : index
        %parallel_loop3A_359 = tpu.vector_load %arg11[%parallel_loop3A_356, %parallel_loop3A_357, %parallel_loop3A_358] {strides = array<i32>} : memref<4x16x768xf32, #tpu.memory_space<vmem>>, vector<1x1x16xf32>,
        %parallel_loop3A_360 = vector.shape_cast %parallel_loop3A_359 : vector<1x1x16xf32> to vector<16xf32>
        %parallel_loop3A_361 = vector.shape_cast %parallel_loop3A_322 : vector<16xf32> to vector<1x1x16xf32>
        tpu.vector_store %arg11[%parallel_loop3A_356, %parallel_loop3A_357, %parallel_loop3A_358], %parallel_loop3A_361 {add = true, strides = array<i32>} : memref<4x16x768xf32, #tpu.memory_space<vmem>>, vector<1x1x16xf32>,
        %parallel_loop3A_362 = arith.constant 1 : i32
        %parallel_loop3A_363 = arith.index_cast %parallel_loop3A_362 : i32 to index
        %parallel_loop3A_364 = arith.index_cast %parallel_loop3A_250 : i32 to index
        %parallel_loop3A_365 = arith.constant 48 : index
        %parallel_loop3A_366 = tpu.vector_load %arg11[%parallel_loop3A_363, %parallel_loop3A_364, %parallel_loop3A_365] {strides = array<i32>} : memref<4x16x768xf32, #tpu.memory_space<vmem>>, vector<1x1x16xf32>,
        %parallel_loop3A_367 = vector.shape_cast %parallel_loop3A_366 : vector<1x1x16xf32> to vector<16xf32>
        %parallel_loop3A_368 = vector.shape_cast %parallel_loop3A_322 : vector<16xf32> to vector<1x1x16xf32>
        tpu.vector_store %arg11[%parallel_loop3A_363, %parallel_loop3A_364, %parallel_loop3A_365], %parallel_loop3A_368 {add = true, strides = array<i32>} : memref<4x16x768xf32, #tpu.memory_space<vmem>>, vector<1x1x16xf32>,
        %parallel_loop3A_369 = arith.constant 2 : i32
        %parallel_loop3A_370 = arith.index_cast %parallel_loop3A_369 : i32 to index
        %parallel_loop3A_371 = arith.index_cast %parallel_loop3A_250 : i32 to index
        %parallel_loop3A_372 = arith.constant 48 : index
        %parallel_loop3A_373 = tpu.vector_load %arg11[%parallel_loop3A_370, %parallel_loop3A_371, %parallel_loop3A_372] {strides = array<i32>} : memref<4x16x768xf32, #tpu.memory_space<vmem>>, vector<1x1x16xf32>,
        %parallel_loop3A_374 = vector.shape_cast %parallel_loop3A_373 : vector<1x1x16xf32> to vector<16xf32>
        %parallel_loop3A_375 = vector.shape_cast %parallel_loop3A_322 : vector<16xf32> to vector<1x1x16xf32>
        tpu.vector_store %arg11[%parallel_loop3A_370, %parallel_loop3A_371, %parallel_loop3A_372], %parallel_loop3A_375 {add = true, strides = array<i32>} : memref<4x16x768xf32, #tpu.memory_space<vmem>>, vector<1x1x16xf32>,
        %parallel_loop3A_376 = arith.constant 3 : i32
        %parallel_loop3A_377 = arith.index_cast %parallel_loop3A_376 : i32 to index
        %parallel_loop3A_378 = arith.index_cast %parallel_loop3A_250 : i32 to index
        %parallel_loop3A_379 = arith.constant 48 : index
        %parallel_loop3A_380 = tpu.vector_load %arg11[%parallel_loop3A_377, %parallel_loop3A_378, %parallel_loop3A_379] {strides = array<i32>} : memref<4x16x768xf32, #tpu.memory_space<vmem>>, vector<1x1x16xf32>,
        %parallel_loop3A_381 = vector.shape_cast %parallel_loop3A_380 : vector<1x1x16xf32> to vector<16xf32>
        %parallel_loop3A_382 = vector.shape_cast %parallel_loop3A_322 : vector<16xf32> to vector<1x1x16xf32>
        tpu.vector_store %arg11[%parallel_loop3A_377, %parallel_loop3A_378, %parallel_loop3A_379], %parallel_loop3A_382 {add = true, strides = array<i32>} : memref<4x16x768xf32, #tpu.memory_space<vmem>>, vector<1x1x16xf32>,
        %parallel_loop3A_383 = arith.index_cast %parallel_loop3A_250 : i32 to index
        %parallel_loop3A_384 = arith.constant 80 : index
        %parallel_loop3A_385 = tpu.vector_load %arg9[%parallel_loop3A_383, %parallel_loop3A_384] {strides = array<i32>} : memref<16x768xf32, #tpu.memory_space<vmem>>, vector<1x16xf32>,
        %parallel_loop3A_386 = vector.shape_cast %parallel_loop3A_385 : vector<1x16xf32> to vector<16xf32>
        %parallel_loop3A_387 = arith.constant 0 : i32
        %parallel_loop3A_388 = arith.index_cast %parallel_loop3A_387 : i32 to index
        %parallel_loop3A_389 = arith.index_cast %parallel_loop3A_250 : i32 to index
        %parallel_loop3A_390 = arith.constant 64 : index
        %parallel_loop3A_391 = tpu.vector_load %arg11[%parallel_loop3A_388, %parallel_loop3A_389, %parallel_loop3A_390] {strides = array<i32>} : memref<4x16x768xf32, #tpu.memory_space<vmem>>, vector<1x1x16xf32>,
        %parallel_loop3A_392 = vector.shape_cast %parallel_loop3A_391 : vector<1x1x16xf32> to vector<16xf32>
        %parallel_loop3A_393 = vector.shape_cast %parallel_loop3A_354 : vector<16xf32> to vector<1x1x16xf32>
        tpu.vector_store %arg11[%parallel_loop3A_388, %parallel_loop3A_389, %parallel_loop3A_390], %parallel_loop3A_393 {add = true, strides = array<i32>} : memref<4x16x768xf32, #tpu.memory_space<vmem>>, vector<1x1x16xf32>,
        %parallel_loop3A_394 = arith.constant 1 : i32
        %parallel_loop3A_395 = arith.index_cast %parallel_loop3A_394 : i32 to index
        %parallel_loop3A_396 = arith.index_cast %parallel_loop3A_250 : i32 to index
        %parallel_loop3A_397 = arith.constant 64 : index
        %parallel_loop3A_398 = tpu.vector_load %arg11[%parallel_loop3A_395, %parallel_loop3A_396, %parallel_loop3A_397] {strides = array<i32>} : memref<4x16x768xf32, #tpu.memory_space<vmem>>, vector<1x1x16xf32>,
        %parallel_loop3A_399 = vector.shape_cast %parallel_loop3A_398 : vector<1x1x16xf32> to vector<16xf32>
        %parallel_loop3A_400 = vector.shape_cast %parallel_loop3A_354 : vector<16xf32> to vector<1x1x16xf32>
        tpu.vector_store %arg11[%parallel_loop3A_395, %parallel_loop3A_396, %parallel_loop3A_397], %parallel_loop3A_400 {add = true, strides = array<i32>} : memref<4x16x768xf32, #tpu.memory_space<vmem>>, vector<1x1x16xf32>,
        %parallel_loop3A_401 = arith.constant 2 : i32
        %parallel_loop3A_402 = arith.index_cast %parallel_loop3A_401 : i32 to index
        %parallel_loop3A_403 = arith.index_cast %parallel_loop3A_250 : i32 to index
        %parallel_loop3A_404 = arith.constant 64 : index
        %parallel_loop3A_405 = tpu.vector_load %arg11[%parallel_loop3A_402, %parallel_loop3A_403, %parallel_loop3A_404] {strides = array<i32>} : memref<4x16x768xf32, #tpu.memory_space<vmem>>, vector<1x1x16xf32>,
        %parallel_loop3A_406 = vector.shape_cast %parallel_loop3A_405 : vector<1x1x16xf32> to vector<16xf32>
        %parallel_loop3A_407 = vector.shape_cast %parallel_loop3A_354 : vector<16xf32> to vector<1x1x16xf32>
        tpu.vector_store %arg11[%parallel_loop3A_402, %parallel_loop3A_403, %parallel_loop3A_404], %parallel_loop3A_407 {add = true, strides = array<i32>} : memref<4x16x768xf32, #tpu.memory_space<vmem>>, vector<1x1x16xf32>,
        %parallel_loop3A_408 = arith.constant 3 : i32
        %parallel_loop3A_409 = arith.index_cast %parallel_loop3A_408 : i32 to index
        %parallel_loop3A_410 = arith.index_cast %parallel_loop3A_250 : i32 to index
        %parallel_loop3A_411 = arith.constant 64 : index
        %parallel_loop3A_412 = tpu.vector_load %arg11[%parallel_loop3A_409, %parallel_loop3A_410, %parallel_loop3A_411] {strides = array<i32>} : memref<4x16x768xf32, #tpu.memory_space<vmem>>, vector<1x1x16xf32>,
        %parallel_loop3A_413 = vector.shape_cast %parallel_loop3A_412 : vector<1x1x16xf32> to vector<16xf32>
        %parallel_loop3A_414 = vector.shape_cast %parallel_loop3A_354 : vector<16xf32> to vector<1x1x16xf32>
        tpu.vector_store %arg11[%parallel_loop3A_409, %parallel_loop3A_410, %parallel_loop3A_411], %parallel_loop3A_414 {add = true, strides = array<i32>} : memref<4x16x768xf32, #tpu.memory_space<vmem>>, vector<1x1x16xf32>,
        %parallel_loop3A_415 = arith.index_cast %parallel_loop3A_250 : i32 to index
        %parallel_loop3A_416 = arith.constant 96 : index
        %parallel_loop3A_417 = tpu.vector_load %arg9[%parallel_loop3A_415, %parallel_loop3A_416] {strides = array<i32>} : memref<16x768xf32, #tpu.memory_space<vmem>>, vector<1x16xf32>,
        %parallel_loop3A_418 = vector.shape_cast %parallel_loop3A_417 : vector<1x16xf32> to vector<16xf32>
        %parallel_loop3A_419 = arith.constant 0 : i32
        %parallel_loop3A_420 = arith.index_cast %parallel_loop3A_419 : i32 to index
        %parallel_loop3A_421 = arith.index_cast %parallel_loop3A_250 : i32 to index
        %parallel_loop3A_422 = arith.constant 80 : index
        %parallel_loop3A_423 = tpu.vector_load %arg11[%parallel_loop3A_420, %parallel_loop3A_421, %parallel_loop3A_422] {strides = array<i32>} : memref<4x16x768xf32, #tpu.memory_space<vmem>>, vector<1x1x16xf32>,
        %parallel_loop3A_424 = vector.shape_cast %parallel_loop3A_423 : vector<1x1x16xf32> to vector<16xf32>
        %parallel_loop3A_425 = vector.shape_cast %parallel_loop3A_386 : vector<16xf32> to vector<1x1x16xf32>
        tpu.vector_store %arg11[%parallel_loop3A_420, %parallel_loop3A_421, %parallel_loop3A_422], %parallel_loop3A_425 {add = true, strides = array<i32>} : memref<4x16x768xf32, #tpu.memory_space<vmem>>, vector<1x1x16xf32>,
        %parallel_loop3A_426 = arith.constant 1 : i32
        %parallel_loop3A_427 = arith.index_cast %parallel_loop3A_426 : i32 to index
        %parallel_loop3A_428 = arith.index_cast %parallel_loop3A_250 : i32 to index
        %parallel_loop3A_429 = arith.constant 80 : index
        %parallel_loop3A_430 = tpu.vector_load %arg11[%parallel_loop3A_427, %parallel_loop3A_428, %parallel_loop3A_429] {strides = array<i32>} : memref<4x16x768xf32, #tpu.memory_space<vmem>>, vector<1x1x16xf32>,
        %parallel_loop3A_431 = vector.shape_cast %parallel_loop3A_430 : vector<1x1x16xf32> to vector<16xf32>
        %parallel_loop3A_432 = vector.shape_cast %parallel_loop3A_386 : vector<16xf32> to vector<1x1x16xf32>
        tpu.vector_store %arg11[%parallel_loop3A_427, %parallel_loop3A_428, %parallel_loop3A_429], %parallel_loop3A_432 {add = true, strides = array<i32>} : memref<4x16x768xf32, #tpu.memory_space<vmem>>, vector<1x1x16xf32>,
        %parallel_loop3A_433 = arith.constant 2 : i32
        %parallel_loop3A_434 = arith.index_cast %parallel_loop3A_433 : i32 to index
        %parallel_loop3A_435 = arith.index_cast %parallel_loop3A_250 : i32 to index
        %parallel_loop3A_436 = arith.constant 80 : index
        %parallel_loop3A_437 = tpu.vector_load %arg11[%parallel_loop3A_434, %parallel_loop3A_435, %parallel_loop3A_436] {strides = array<i32>} : memref<4x16x768xf32, #tpu.memory_space<vmem>>, vector<1x1x16xf32>,
        %parallel_loop3A_438 = vector.shape_cast %parallel_loop3A_437 : vector<1x1x16xf32> to vector<16xf32>
        %parallel_loop3A_439 = vector.shape_cast %parallel_loop3A_386 : vector<16xf32> to vector<1x1x16xf32>
        tpu.vector_store %arg11[%parallel_loop3A_434, %parallel_loop3A_435, %parallel_loop3A_436], %parallel_loop3A_439 {add = true, strides = array<i32>} : memref<4x16x768xf32, #tpu.memory_space<vmem>>, vector<1x1x16xf32>,
        %parallel_loop3A_440 = arith.constant 3 : i32
        %parallel_loop3A_441 = arith.index_cast %parallel_loop3A_440 : i32 to index
        %parallel_loop3A_442 = arith.index_cast %parallel_loop3A_250 : i32 to index
        %parallel_loop3A_443 = arith.constant 80 : index
        %parallel_loop3A_444 = tpu.vector_load %arg11[%parallel_loop3A_441, %parallel_loop3A_442, %parallel_loop3A_443] {strides = array<i32>} : memref<4x16x768xf32, #tpu.memory_space<vmem>>, vector<1x1x16xf32>,
        %parallel_loop3A_445 = vector.shape_cast %parallel_loop3A_444 : vector<1x1x16xf32> to vector<16xf32>
        %parallel_loop3A_446 = vector.shape_cast %parallel_loop3A_386 : vector<16xf32> to vector<1x1x16xf32>
        tpu.vector_store %arg11[%parallel_loop3A_441, %parallel_loop3A_442, %parallel_loop3A_443], %parallel_loop3A_446 {add = true, strides = array<i32>} : memref<4x16x768xf32, #tpu.memory_space<vmem>>, vector<1x1x16xf32>,
        %parallel_loop3A_447 = arith.index_cast %parallel_loop3A_250 : i32 to index
        %parallel_loop3A_448 = arith.constant 112 : index
        %parallel_loop3A_449 = tpu.vector_load %arg9[%parallel_loop3A_447, %parallel_loop3A_448] {strides = array<i32>} : memref<16x768xf32, #tpu.memory_space<vmem>>, vector<1x16xf32>,
        %parallel_loop3A_450 = vector.shape_cast %parallel_loop3A_449 : vector<1x16xf32> to vector<16xf32>
        %parallel_loop3A_451 = arith.constant 0 : i32
        %parallel_loop3A_452 = arith.index_cast %parallel_loop3A_451 : i32 to index
        %parallel_loop3A_453 = arith.index_cast %parallel_loop3A_250 : i32 to index
        %parallel_loop3A_454 = arith.constant 96 : index
        %parallel_loop3A_455 = tpu.vector_load %arg11[%parallel_loop3A_452, %parallel_loop3A_453, %parallel_loop3A_454] {strides = array<i32>} : memref<4x16x768xf32, #tpu.memory_space<vmem>>, vector<1x1x16xf32>,
        %parallel_loop3A_456 = vector.shape_cast %parallel_loop3A_455 : vector<1x1x16xf32> to vector<16xf32>
        %parallel_loop3A_457 = vector.shape_cast %parallel_loop3A_418 : vector<16xf32> to vector<1x1x16xf32>
        tpu.vector_store %arg11[%parallel_loop3A_452, %parallel_loop3A_453, %parallel_loop3A_454], %parallel_loop3A_457 {add = true, strides = array<i32>} : memref<4x16x768xf32, #tpu.memory_space<vmem>>, vector<1x1x16xf32>,
        %parallel_loop3A_458 = arith.constant 1 : i32
        %parallel_loop3A_459 = arith.index_cast %parallel_loop3A_458 : i32 to index
        %parallel_loop3A_460 = arith.index_cast %parallel_loop3A_250 : i32 to index
        %parallel_loop3A_461 = arith.constant 96 : index
        %parallel_loop3A_462 = tpu.vector_load %arg11[%parallel_loop3A_459, %parallel_loop3A_460, %parallel_loop3A_461] {strides = array<i32>} : memref<4x16x768xf32, #tpu.memory_space<vmem>>, vector<1x1x16xf32>,
        %parallel_loop3A_463 = vector.shape_cast %parallel_loop3A_462 : vector<1x1x16xf32> to vector<16xf32>
        %parallel_loop3A_464 = vector.shape_cast %parallel_loop3A_418 : vector<16xf32> to vector<1x1x16xf32>
        tpu.vector_store %arg11[%parallel_loop3A_459, %parallel_loop3A_460, %parallel_loop3A_461], %parallel_loop3A_464 {add = true, strides = array<i32>} : memref<4x16x768xf32, #tpu.memory_space<vmem>>, vector<1x1x16xf32>,
        %parallel_loop3A_465 = arith.constant 2 : i32
        %parallel_loop3A_466 = arith.index_cast %parallel_loop3A_465 : i32 to index
        %parallel_loop3A_467 = arith.index_cast %parallel_loop3A_250 : i32 to index
        %parallel_loop3A_468 = arith.constant 96 : index
        %parallel_loop3A_469 = tpu.vector_load %arg11[%parallel_loop3A_466, %parallel_loop3A_467, %parallel_loop3A_468] {strides = array<i32>} : memref<4x16x768xf32, #tpu.memory_space<vmem>>, vector<1x1x16xf32>,
        %parallel_loop3A_470 = vector.shape_cast %parallel_loop3A_469 : vector<1x1x16xf32> to vector<16xf32>
        %parallel_loop3A_471 = vector.shape_cast %parallel_loop3A_418 : vector<16xf32> to vector<1x1x16xf32>
        tpu.vector_store %arg11[%parallel_loop3A_466, %parallel_loop3A_467, %parallel_loop3A_468], %parallel_loop3A_471 {add = true, strides = array<i32>} : memref<4x16x768xf32, #tpu.memory_space<vmem>>, vector<1x1x16xf32>,
        %parallel_loop3A_472 = arith.constant 3 : i32
        %parallel_loop3A_473 = arith.index_cast %parallel_loop3A_472 : i32 to index
        %parallel_loop3A_474 = arith.index_cast %parallel_loop3A_250 : i32 to index
        %parallel_loop3A_475 = arith.constant 96 : index
        %parallel_loop3A_476 = tpu.vector_load %arg11[%parallel_loop3A_473, %parallel_loop3A_474, %parallel_loop3A_475] {strides = array<i32>} : memref<4x16x768xf32, #tpu.memory_space<vmem>>, vector<1x1x16xf32>,
        %parallel_loop3A_477 = vector.shape_cast %parallel_loop3A_476 : vector<1x1x16xf32> to vector<16xf32>
        %parallel_loop3A_478 = vector.shape_cast %parallel_loop3A_418 : vector<16xf32> to vector<1x1x16xf32>
        tpu.vector_store %arg11[%parallel_loop3A_473, %parallel_loop3A_474, %parallel_loop3A_475], %parallel_loop3A_478 {add = true, strides = array<i32>} : memref<4x16x768xf32, #tpu.memory_space<vmem>>, vector<1x1x16xf32>,
        %parallel_loop3A_479 = arith.index_cast %parallel_loop3A_250 : i32 to index
        %parallel_loop3A_480 = arith.constant 128 : index
        %parallel_loop3A_481 = tpu.vector_load %arg9[%parallel_loop3A_479, %parallel_loop3A_480] {strides = array<i32>} : memref<16x768xf32, #tpu.memory_space<vmem>>, vector<1x16xf32>,
        %parallel_loop3A_482 = vector.shape_cast %parallel_loop3A_481 : vector<1x16xf32> to vector<16xf32>
        %parallel_loop3A_483 = arith.constant 0 : i32
        %parallel_loop3A_484 = arith.index_cast %parallel_loop3A_483 : i32 to index
        %parallel_loop3A_485 = arith.index_cast %parallel_loop3A_250 : i32 to index
        %parallel_loop3A_486 = arith.constant 112 : index
        %parallel_loop3A_487 = tpu.vector_load %arg11[%parallel_loop3A_484, %parallel_loop3A_485, %parallel_loop3A_486] {strides = array<i32>} : memref<4x16x768xf32, #tpu.memory_space<vmem>>, vector<1x1x16xf32>,
        %parallel_loop3A_488 = vector.shape_cast %parallel_loop3A_487 : vector<1x1x16xf32> to vector<16xf32>
        %parallel_loop3A_489 = vector.shape_cast %parallel_loop3A_450 : vector<16xf32> to vector<1x1x16xf32>
        tpu.vector_store %arg11[%parallel_loop3A_484, %parallel_loop3A_485, %parallel_loop3A_486], %parallel_loop3A_489 {add = true, strides = array<i32>} : memref<4x16x768xf32, #tpu.memory_space<vmem>>, vector<1x1x16xf32>,
        %parallel_loop3A_490 = arith.constant 1 : i32
        %parallel_loop3A_491 = arith.index_cast %parallel_loop3A_490 : i32 to index
        %parallel_loop3A_492 = arith.index_cast %parallel_loop3A_250 : i32 to index
        %parallel_loop3A_493 = arith.constant 112 : index
        %parallel_loop3A_494 = tpu.vector_load %arg11[%parallel_loop3A_491, %parallel_loop3A_492, %parallel_loop3A_493] {strides = array<i32>} : memref<4x16x768xf32, #tpu.memory_space<vmem>>, vector<1x1x16xf32>,
        %parallel_loop3A_495 = vector.shape_cast %parallel_loop3A_494 : vector<1x1x16xf32> to vector<16xf32>
        %parallel_loop3A_496 = vector.shape_cast %parallel_loop3A_450 : vector<16xf32> to vector<1x1x16xf32>
        tpu.vector_store %arg11[%parallel_loop3A_491, %parallel_loop3A_492, %parallel_loop3A_493], %parallel_loop3A_496 {add = true, strides = array<i32>} : memref<4x16x768xf32, #tpu.memory_space<vmem>>, vector<1x1x16xf32>,
        %parallel_loop3A_497 = arith.constant 2 : i32
        %parallel_loop3A_498 = arith.index_cast %parallel_loop3A_497 : i32 to index
        %parallel_loop3A_499 = arith.index_cast %parallel_loop3A_250 : i32 to index
        %parallel_loop3A_500 = arith.constant 112 : index
        %parallel_loop3A_501 = tpu.vector_load %arg11[%parallel_loop3A_498, %parallel_loop3A_499, %parallel_loop3A_500] {strides = array<i32>} : memref<4x16x768xf32, #tpu.memory_space<vmem>>, vector<1x1x16xf32>,
        %parallel_loop3A_502 = vector.shape_cast %parallel_loop3A_501 : vector<1x1x16xf32> to vector<16xf32>
        %parallel_loop3A_503 = vector.shape_cast %parallel_loop3A_450 : vector<16xf32> to vector<1x1x16xf32>
        tpu.vector_store %arg11[%parallel_loop3A_498, %parallel_loop3A_499, %parallel_loop3A_500], %parallel_loop3A_503 {add = true, strides = array<i32>} : memref<4x16x768xf32, #tpu.memory_space<vmem>>, vector<1x1x16xf32>,
        %parallel_loop3A_504 = arith.constant 3 : i32
        %parallel_loop3A_505 = arith.index_cast %parallel_loop3A_504 : i32 to index
        %parallel_loop3A_506 = arith.index_cast %parallel_loop3A_250 : i32 to index
        %parallel_loop3A_507 = arith.constant 112 : index
        %parallel_loop3A_508 = tpu.vector_load %arg11[%parallel_loop3A_505, %parallel_loop3A_506, %parallel_loop3A_507] {strides = array<i32>} : memref<4x16x768xf32, #tpu.memory_space<vmem>>, vector<1x1x16xf32>,
        %parallel_loop3A_509 = vector.shape_cast %parallel_loop3A_508 : vector<1x1x16xf32> to vector<16xf32>
        %parallel_loop3A_510 = vector.shape_cast %parallel_loop3A_450 : vector<16xf32> to vector<1x1x16xf32>
        tpu.vector_store %arg11[%parallel_loop3A_505, %parallel_loop3A_506, %parallel_loop3A_507], %parallel_loop3A_510 {add = true, strides = array<i32>} : memref<4x16x768xf32, #tpu.memory_space<vmem>>, vector<1x1x16xf32>,
        %parallel_loop3A_511 = arith.index_cast %parallel_loop3A_250 : i32 to index
        %parallel_loop3A_512 = arith.constant 144 : index
        %parallel_loop3A_513 = tpu.vector_load %arg9[%parallel_loop3A_511, %parallel_loop3A_512] {strides = array<i32>} : memref<16x768xf32, #tpu.memory_space<vmem>>, vector<1x16xf32>,
        %parallel_loop3A_514 = vector.shape_cast %parallel_loop3A_513 : vector<1x16xf32> to vector<16xf32>
        %parallel_loop3A_515 = arith.constant 0 : i32
        %parallel_loop3A_516 = arith.index_cast %parallel_loop3A_515 : i32 to index
        %parallel_loop3A_517 = arith.index_cast %parallel_loop3A_250 : i32 to index
        %parallel_loop3A_518 = arith.constant 128 : index
        %parallel_loop3A_519 = tpu.vector_load %arg11[%parallel_loop3A_516, %parallel_loop3A_517, %parallel_loop3A_518] {strides = array<i32>} : memref<4x16x768xf32, #tpu.memory_space<vmem>>, vector<1x1x16xf32>,
        %parallel_loop3A_520 = vector.shape_cast %parallel_loop3A_519 : vector<1x1x16xf32> to vector<16xf32>
        %parallel_loop3A_521 = vector.shape_cast %parallel_loop3A_482 : vector<16xf32> to vector<1x1x16xf32>
        tpu.vector_store %arg11[%parallel_loop3A_516, %parallel_loop3A_517, %parallel_loop3A_518], %parallel_loop3A_521 {add = true, strides = array<i32>} : memref<4x16x768xf32, #tpu.memory_space<vmem>>, vector<1x1x16xf32>,
        %parallel_loop3A_522 = arith.constant 1 : i32
        %parallel_loop3A_523 = arith.index_cast %parallel_loop3A_522 : i32 to index
        %parallel_loop3A_524 = arith.index_cast %parallel_loop3A_250 : i32 to index
        %parallel_loop3A_525 = arith.constant 128 : index
        %parallel_loop3A_526 = tpu.vector_load %arg11[%parallel_loop3A_523, %parallel_loop3A_524, %parallel_loop3A_525] {strides = array<i32>} : memref<4x16x768xf32, #tpu.memory_space<vmem>>, vector<1x1x16xf32>,
        %parallel_loop3A_527 = vector.shape_cast %parallel_loop3A_526 : vector<1x1x16xf32> to vector<16xf32>
        %parallel_loop3A_528 = vector.shape_cast %parallel_loop3A_482 : vector<16xf32> to vector<1x1x16xf32>
        tpu.vector_store %arg11[%parallel_loop3A_523, %parallel_loop3A_524, %parallel_loop3A_525], %parallel_loop3A_528 {add = true, strides = array<i32>} : memref<4x16x768xf32, #tpu.memory_space<vmem>>, vector<1x1x16xf32>,
        %parallel_loop3A_529 = arith.constant 2 : i32
        %parallel_loop3A_530 = arith.index_cast %parallel_loop3A_529 : i32 to index
        %parallel_loop3A_531 = arith.index_cast %parallel_loop3A_250 : i32 to index
        %parallel_loop3A_532 = arith.constant 128 : index
        %parallel_loop3A_533 = tpu.vector_load %arg11[%parallel_loop3A_530, %parallel_loop3A_531, %parallel_loop3A_532] {strides = array<i32>} : memref<4x16x768xf32, #tpu.memory_space<vmem>>, vector<1x1x16xf32>,
        %parallel_loop3A_534 = vector.shape_cast %parallel_loop3A_533 : vector<1x1x16xf32> to vector<16xf32>
        %parallel_loop3A_535 = vector.shape_cast %parallel_loop3A_482 : vector<16xf32> to vector<1x1x16xf32>
        tpu.vector_store %arg11[%parallel_loop3A_530, %parallel_loop3A_531, %parallel_loop3A_532], %parallel_loop3A_535 {add = true, strides = array<i32>} : memref<4x16x768xf32, #tpu.memory_space<vmem>>, vector<1x1x16xf32>,
        %parallel_loop3A_536 = arith.constant 3 : i32
        %parallel_loop3A_537 = arith.index_cast %parallel_loop3A_536 : i32 to index
        %parallel_loop3A_538 = arith.index_cast %parallel_loop3A_250 : i32 to index
        %parallel_loop3A_539 = arith.constant 128 : index
        %parallel_loop3A_540 = tpu.vector_load %arg11[%parallel_loop3A_537, %parallel_loop3A_538, %parallel_loop3A_539] {strides = array<i32>} : memref<4x16x768xf32, #tpu.memory_space<vmem>>, vector<1x1x16xf32>,
        %parallel_loop3A_541 = vector.shape_cast %parallel_loop3A_540 : vector<1x1x16xf32> to vector<16xf32>
        %parallel_loop3A_542 = vector.shape_cast %parallel_loop3A_482 : vector<16xf32> to vector<1x1x16xf32>
        tpu.vector_store %arg11[%parallel_loop3A_537, %parallel_loop3A_538, %parallel_loop3A_539], %parallel_loop3A_542 {add = true, strides = array<i32>} : memref<4x16x768xf32, #tpu.memory_space<vmem>>, vector<1x1x16xf32>,
        %parallel_loop3A_543 = arith.index_cast %parallel_loop3A_250 : i32 to index
        %parallel_loop3A_544 = arith.constant 160 : index
        %parallel_loop3A_545 = tpu.vector_load %arg9[%parallel_loop3A_543, %parallel_loop3A_544] {strides = array<i32>} : memref<16x768xf32, #tpu.memory_space<vmem>>, vector<1x16xf32>,
        %parallel_loop3A_546 = vector.shape_cast %parallel_loop3A_545 : vector<1x16xf32> to vector<16xf32>
        %parallel_loop3A_547 = arith.constant 0 : i32
        %parallel_loop3A_548 = arith.index_cast %parallel_loop3A_547 : i32 to index
        %parallel_loop3A_549 = arith.index_cast %parallel_loop3A_250 : i32 to index
        %parallel_loop3A_550 = arith.constant 144 : index
        %parallel_loop3A_551 = tpu.vector_load %arg11[%parallel_loop3A_548, %parallel_loop3A_549, %parallel_loop3A_550] {strides = array<i32>} : memref<4x16x768xf32, #tpu.memory_space<vmem>>, vector<1x1x16xf32>,
        %parallel_loop3A_552 = vector.shape_cast %parallel_loop3A_551 : vector<1x1x16xf32> to vector<16xf32>
        %parallel_loop3A_553 = vector.shape_cast %parallel_loop3A_514 : vector<16xf32> to vector<1x1x16xf32>
        tpu.vector_store %arg11[%parallel_loop3A_548, %parallel_loop3A_549, %parallel_loop3A_550], %parallel_loop3A_553 {add = true, strides = array<i32>} : memref<4x16x768xf32, #tpu.memory_space<vmem>>, vector<1x1x16xf32>,
        %parallel_loop3A_554 = arith.constant 1 : i32
        %parallel_loop3A_555 = arith.index_cast %parallel_loop3A_554 : i32 to index
        %parallel_loop3A_556 = arith.index_cast %parallel_loop3A_250 : i32 to index
        %parallel_loop3A_557 = arith.constant 144 : index
        %parallel_loop3A_558 = tpu.vector_load %arg11[%parallel_loop3A_555, %parallel_loop3A_556, %parallel_loop3A_557] {strides = array<i32>} : memref<4x16x768xf32, #tpu.memory_space<vmem>>, vector<1x1x16xf32>,
        %parallel_loop3A_559 = vector.shape_cast %parallel_loop3A_558 : vector<1x1x16xf32> to vector<16xf32>
        %parallel_loop3A_560 = vector.shape_cast %parallel_loop3A_514 : vector<16xf32> to vector<1x1x16xf32>
        tpu.vector_store %arg11[%parallel_loop3A_555, %parallel_loop3A_556, %parallel_loop3A_557], %parallel_loop3A_560 {add = true, strides = array<i32>} : memref<4x16x768xf32, #tpu.memory_space<vmem>>, vector<1x1x16xf32>,
        %parallel_loop3A_561 = arith.constant 2 : i32
        %parallel_loop3A_562 = arith.index_cast %parallel_loop3A_561 : i32 to index
        %parallel_loop3A_563 = arith.index_cast %parallel_loop3A_250 : i32 to index
        %parallel_loop3A_564 = arith.constant 144 : index
        %parallel_loop3A_565 = tpu.vector_load %arg11[%parallel_loop3A_562, %parallel_loop3A_563, %parallel_loop3A_564] {strides = array<i32>} : memref<4x16x768xf32, #tpu.memory_space<vmem>>, vector<1x1x16xf32>,
        %parallel_loop3A_566 = vector.shape_cast %parallel_loop3A_565 : vector<1x1x16xf32> to vector<16xf32>
        %parallel_loop3A_567 = vector.shape_cast %parallel_loop3A_514 : vector<16xf32> to vector<1x1x16xf32>
        tpu.vector_store %arg11[%parallel_loop3A_562, %parallel_loop3A_563, %parallel_loop3A_564], %parallel_loop3A_567 {add = true, strides = array<i32>} : memref<4x16x768xf32, #tpu.memory_space<vmem>>, vector<1x1x16xf32>,
        %parallel_loop3A_568 = arith.constant 3 : i32
        %parallel_loop3A_569 = arith.index_cast %parallel_loop3A_568 : i32 to index
        %parallel_loop3A_570 = arith.index_cast %parallel_loop3A_250 : i32 to index
        %parallel_loop3A_571 = arith.constant 144 : index
        %parallel_loop3A_572 = tpu.vector_load %arg11[%parallel_loop3A_569, %parallel_loop3A_570, %parallel_loop3A_571] {strides = array<i32>} : memref<4x16x768xf32, #tpu.memory_space<vmem>>, vector<1x1x16xf32>,
        %parallel_loop3A_573 = vector.shape_cast %parallel_loop3A_572 : vector<1x1x16xf32> to vector<16xf32>
        %parallel_loop3A_574 = vector.shape_cast %parallel_loop3A_514 : vector<16xf32> to vector<1x1x16xf32>
        tpu.vector_store %arg11[%parallel_loop3A_569, %parallel_loop3A_570, %parallel_loop3A_571], %parallel_loop3A_574 {add = true, strides = array<i32>} : memref<4x16x768xf32, #tpu.memory_space<vmem>>, vector<1x1x16xf32>,
        %parallel_loop3A_575 = arith.index_cast %parallel_loop3A_250 : i32 to index
        %parallel_loop3A_576 = arith.constant 176 : index
        %parallel_loop3A_577 = tpu.vector_load %arg9[%parallel_loop3A_575, %parallel_loop3A_576] {strides = array<i32>} : memref<16x768xf32, #tpu.memory_space<vmem>>, vector<1x16xf32>,
        %parallel_loop3A_578 = vector.shape_cast %parallel_loop3A_577 : vector<1x16xf32> to vector<16xf32>
        %parallel_loop3A_579 = arith.constant 0 : i32
        %parallel_loop3A_580 = arith.index_cast %parallel_loop3A_579 : i32 to index
        %parallel_loop3A_581 = arith.index_cast %parallel_loop3A_250 : i32 to index
        %parallel_loop3A_582 = arith.constant 160 : index
        %parallel_loop3A_583 = tpu.vector_load %arg11[%parallel_loop3A_580, %parallel_loop3A_581, %parallel_loop3A_582] {strides = array<i32>} : memref<4x16x768xf32, #tpu.memory_space<vmem>>, vector<1x1x16xf32>,
        %parallel_loop3A_584 = vector.shape_cast %parallel_loop3A_583 : vector<1x1x16xf32> to vector<16xf32>
        %parallel_loop3A_585 = vector.shape_cast %parallel_loop3A_546 : vector<16xf32> to vector<1x1x16xf32>
        tpu.vector_store %arg11[%parallel_loop3A_580, %parallel_loop3A_581, %parallel_loop3A_582], %parallel_loop3A_585 {add = true, strides = array<i32>} : memref<4x16x768xf32, #tpu.memory_space<vmem>>, vector<1x1x16xf32>,
        %parallel_loop3A_586 = arith.constant 1 : i32
        %parallel_loop3A_587 = arith.index_cast %parallel_loop3A_586 : i32 to index
        %parallel_loop3A_588 = arith.index_cast %parallel_loop3A_250 : i32 to index
        %parallel_loop3A_589 = arith.constant 160 : index
        %parallel_loop3A_590 = tpu.vector_load %arg11[%parallel_loop3A_587, %parallel_loop3A_588, %parallel_loop3A_589] {strides = array<i32>} : memref<4x16x768xf32, #tpu.memory_space<vmem>>, vector<1x1x16xf32>,
        %parallel_loop3A_591 = vector.shape_cast %parallel_loop3A_590 : vector<1x1x16xf32> to vector<16xf32>
        %parallel_loop3A_592 = vector.shape_cast %parallel_loop3A_546 : vector<16xf32> to vector<1x1x16xf32>
        tpu.vector_store %arg11[%parallel_loop3A_587, %parallel_loop3A_588, %parallel_loop3A_589], %parallel_loop3A_592 {add = true, strides = array<i32>} : memref<4x16x768xf32, #tpu.memory_space<vmem>>, vector<1x1x16xf32>,
        %parallel_loop3A_593 = arith.constant 2 : i32
        %parallel_loop3A_594 = arith.index_cast %parallel_loop3A_593 : i32 to index
        %parallel_loop3A_595 = arith.index_cast %parallel_loop3A_250 : i32 to index
        %parallel_loop3A_596 = arith.constant 160 : index
        %parallel_loop3A_597 = tpu.vector_load %arg11[%parallel_loop3A_594, %parallel_loop3A_595, %parallel_loop3A_596] {strides = array<i32>} : memref<4x16x768xf32, #tpu.memory_space<vmem>>, vector<1x1x16xf32>,
        %parallel_loop3A_598 = vector.shape_cast %parallel_loop3A_597 : vector<1x1x16xf32> to vector<16xf32>
        %parallel_loop3A_599 = vector.shape_cast %parallel_loop3A_546 : vector<16xf32> to vector<1x1x16xf32>
        tpu.vector_store %arg11[%parallel_loop3A_594, %parallel_loop3A_595, %parallel_loop3A_596], %parallel_loop3A_599 {add = true, strides = array<i32>} : memref<4x16x768xf32, #tpu.memory_space<vmem>>, vector<1x1x16xf32>,
        %parallel_loop3A_600 = arith.constant 3 : i32
        %parallel_loop3A_601 = arith.index_cast %parallel_loop3A_600 : i32 to index
        %parallel_loop3A_602 = arith.index_cast %parallel_loop3A_250 : i32 to index
        %parallel_loop3A_603 = arith.constant 160 : index
        %parallel_loop3A_604 = tpu.vector_load %arg11[%parallel_loop3A_601, %parallel_loop3A_602, %parallel_loop3A_603] {strides = array<i32>} : memref<4x16x768xf32, #tpu.memory_space<vmem>>, vector<1x1x16xf32>,
        %parallel_loop3A_605 = vector.shape_cast %parallel_loop3A_604 : vector<1x1x16xf32> to vector<16xf32>
        %parallel_loop3A_606 = vector.shape_cast %parallel_loop3A_546 : vector<16xf32> to vector<1x1x16xf32>
        tpu.vector_store %arg11[%parallel_loop3A_601, %parallel_loop3A_602, %parallel_loop3A_603], %parallel_loop3A_606 {add = true, strides = array<i32>} : memref<4x16x768xf32, #tpu.memory_space<vmem>>, vector<1x1x16xf32>,
        %parallel_loop3A_607 = arith.index_cast %parallel_loop3A_250 : i32 to index
        %parallel_loop3A_608 = arith.constant 192 : index
        %parallel_loop3A_609 = tpu.vector_load %arg9[%parallel_loop3A_607, %parallel_loop3A_608] {strides = array<i32>} : memref<16x768xf32, #tpu.memory_space<vmem>>, vector<1x16xf32>,
        %parallel_loop3A_610 = vector.shape_cast %parallel_loop3A_609 : vector<1x16xf32> to vector<16xf32>
        %parallel_loop3A_611 = arith.constant 0 : i32
        %parallel_loop3A_612 = arith.index_cast %parallel_loop3A_611 : i32 to index
        %parallel_loop3A_613 = arith.index_cast %parallel_loop3A_250 : i32 to index
        %parallel_loop3A_614 = arith.constant 176 : index
        %parallel_loop3A_615 = tpu.vector_load %arg11[%parallel_loop3A_612, %parallel_loop3A_613, %parallel_loop3A_614] {strides = array<i32>} : memref<4x16x768xf32, #tpu.memory_space<vmem>>, vector<1x1x16xf32>,
        %parallel_loop3A_616 = vector.shape_cast %parallel_loop3A_615 : vector<1x1x16xf32> to vector<16xf32>
        %parallel_loop3A_617 = vector.shape_cast %parallel_loop3A_578 : vector<16xf32> to vector<1x1x16xf32>
        tpu.vector_store %arg11[%parallel_loop3A_612, %parallel_loop3A_613, %parallel_loop3A_614], %parallel_loop3A_617 {add = true, strides = array<i32>} : memref<4x16x768xf32, #tpu.memory_space<vmem>>, vector<1x1x16xf32>,
        %parallel_loop3A_618 = arith.constant 1 : i32
        %parallel_loop3A_619 = arith.index_cast %parallel_loop3A_618 : i32 to index
        %parallel_loop3A_620 = arith.index_cast %parallel_loop3A_250 : i32 to index
        %parallel_loop3A_621 = arith.constant 176 : index
        %parallel_loop3A_622 = tpu.vector_load %arg11[%parallel_loop3A_619, %parallel_loop3A_620, %parallel_loop3A_621] {strides = array<i32>} : memref<4x16x768xf32, #tpu.memory_space<vmem>>, vector<1x1x16xf32>,
        %parallel_loop3A_623 = vector.shape_cast %parallel_loop3A_622 : vector<1x1x16xf32> to vector<16xf32>
        %parallel_loop3A_624 = vector.shape_cast %parallel_loop3A_578 : vector<16xf32> to vector<1x1x16xf32>
        tpu.vector_store %arg11[%parallel_loop3A_619, %parallel_loop3A_620, %parallel_loop3A_621], %parallel_loop3A_624 {add = true, strides = array<i32>} : memref<4x16x768xf32, #tpu.memory_space<vmem>>, vector<1x1x16xf32>,
        %parallel_loop3A_625 = arith.constant 2 : i32
        %parallel_loop3A_626 = arith.index_cast %parallel_loop3A_625 : i32 to index
        %parallel_loop3A_627 = arith.index_cast %parallel_loop3A_250 : i32 to index
        %parallel_loop3A_628 = arith.constant 176 : index
        %parallel_loop3A_629 = tpu.vector_load %arg11[%parallel_loop3A_626, %parallel_loop3A_627, %parallel_loop3A_628] {strides = array<i32>} : memref<4x16x768xf32, #tpu.memory_space<vmem>>, vector<1x1x16xf32>,
        %parallel_loop3A_630 = vector.shape_cast %parallel_loop3A_629 : vector<1x1x16xf32> to vector<16xf32>
        %parallel_loop3A_631 = vector.shape_cast %parallel_loop3A_578 : vector<16xf32> to vector<1x1x16xf32>
        tpu.vector_store %arg11[%parallel_loop3A_626, %parallel_loop3A_627, %parallel_loop3A_628], %parallel_loop3A_631 {add = true, strides = array<i32>} : memref<4x16x768xf32, #tpu.memory_space<vmem>>, vector<1x1x16xf32>,
        %parallel_loop3A_632 = arith.constant 3 : i32
        %parallel_loop3A_633 = arith.index_cast %parallel_loop3A_632 : i32 to index
        %parallel_loop3A_634 = arith.index_cast %parallel_loop3A_250 : i32 to index
        %parallel_loop3A_635 = arith.constant 176 : index
        %parallel_loop3A_636 = tpu.vector_load %arg11[%parallel_loop3A_633, %parallel_loop3A_634, %parallel_loop3A_635] {strides = array<i32>} : memref<4x16x768xf32, #tpu.memory_space<vmem>>, vector<1x1x16xf32>,
        %parallel_loop3A_637 = vector.shape_cast %parallel_loop3A_636 : vector<1x1x16xf32> to vector<16xf32>
        %parallel_loop3A_638 = vector.shape_cast %parallel_loop3A_578 : vector<16xf32> to vector<1x1x16xf32>
        tpu.vector_store %arg11[%parallel_loop3A_633, %parallel_loop3A_634, %parallel_loop3A_635], %parallel_loop3A_638 {add = true, strides = array<i32>} : memref<4x16x768xf32, #tpu.memory_space<vmem>>, vector<1x1x16xf32>,
        %parallel_loop3A_639 = arith.index_cast %parallel_loop3A_250 : i32 to index
        %parallel_loop3A_640 = arith.constant 208 : index
        %parallel_loop3A_641 = tpu.vector_load %arg9[%parallel_loop3A_639, %parallel_loop3A_640] {strides = array<i32>} : memref<16x768xf32, #tpu.memory_space<vmem>>, vector<1x16xf32>,
        %parallel_loop3A_642 = vector.shape_cast %parallel_loop3A_641 : vector<1x16xf32> to vector<16xf32>
        %parallel_loop3A_643 = arith.constant 0 : i32
        %parallel_loop3A_644 = arith.index_cast %parallel_loop3A_643 : i32 to index
        %parallel_loop3A_645 = arith.index_cast %parallel_loop3A_250 : i32 to index
        %parallel_loop3A_646 = arith.constant 192 : index
        %parallel_loop3A_647 = tpu.vector_load %arg11[%parallel_loop3A_644, %parallel_loop3A_645, %parallel_loop3A_646] {strides = array<i32>} : memref<4x16x768xf32, #tpu.memory_space<vmem>>, vector<1x1x16xf32>,
        %parallel_loop3A_648 = vector.shape_cast %parallel_loop3A_647 : vector<1x1x16xf32> to vector<16xf32>
        %parallel_loop3A_649 = vector.shape_cast %parallel_loop3A_610 : vector<16xf32> to vector<1x1x16xf32>
        tpu.vector_store %arg11[%parallel_loop3A_644, %parallel_loop3A_645, %parallel_loop3A_646], %parallel_loop3A_649 {add = true, strides = array<i32>} : memref<4x16x768xf32, #tpu.memory_space<vmem>>, vector<1x1x16xf32>,
        %parallel_loop3A_650 = arith.constant 1 : i32
        %parallel_loop3A_651 = arith.index_cast %parallel_loop3A_650 : i32 to index
        %parallel_loop3A_652 = arith.index_cast %parallel_loop3A_250 : i32 to index
        %parallel_loop3A_653 = arith.constant 192 : index
        %parallel_loop3A_654 = tpu.vector_load %arg11[%parallel_loop3A_651, %parallel_loop3A_652, %parallel_loop3A_653] {strides = array<i32>} : memref<4x16x768xf32, #tpu.memory_space<vmem>>, vector<1x1x16xf32>,
        %parallel_loop3A_655 = vector.shape_cast %parallel_loop3A_654 : vector<1x1x16xf32> to vector<16xf32>
        %parallel_loop3A_656 = vector.shape_cast %parallel_loop3A_610 : vector<16xf32> to vector<1x1x16xf32>
        tpu.vector_store %arg11[%parallel_loop3A_651, %parallel_loop3A_652, %parallel_loop3A_653], %parallel_loop3A_656 {add = true, strides = array<i32>} : memref<4x16x768xf32, #tpu.memory_space<vmem>>, vector<1x1x16xf32>,
        %parallel_loop3A_657 = arith.constant 2 : i32
        %parallel_loop3A_658 = arith.index_cast %parallel_loop3A_657 : i32 to index
        %parallel_loop3A_659 = arith.index_cast %parallel_loop3A_250 : i32 to index
        %parallel_loop3A_660 = arith.constant 192 : index
        %parallel_loop3A_661 = tpu.vector_load %arg11[%parallel_loop3A_658, %parallel_loop3A_659, %parallel_loop3A_660] {strides = array<i32>} : memref<4x16x768xf32, #tpu.memory_space<vmem>>, vector<1x1x16xf32>,
        %parallel_loop3A_662 = vector.shape_cast %parallel_loop3A_661 : vector<1x1x16xf32> to vector<16xf32>
        %parallel_loop3A_663 = vector.shape_cast %parallel_loop3A_610 : vector<16xf32> to vector<1x1x16xf32>
        tpu.vector_store %arg11[%parallel_loop3A_658, %parallel_loop3A_659, %parallel_loop3A_660], %parallel_loop3A_663 {add = true, strides = array<i32>} : memref<4x16x768xf32, #tpu.memory_space<vmem>>, vector<1x1x16xf32>,
        %parallel_loop3A_664 = arith.constant 3 : i32
        %parallel_loop3A_665 = arith.index_cast %parallel_loop3A_664 : i32 to index
        %parallel_loop3A_666 = arith.index_cast %parallel_loop3A_250 : i32 to index
        %parallel_loop3A_667 = arith.constant 192 : index
        %parallel_loop3A_668 = tpu.vector_load %arg11[%parallel_loop3A_665, %parallel_loop3A_666, %parallel_loop3A_667] {strides = array<i32>} : memref<4x16x768xf32, #tpu.memory_space<vmem>>, vector<1x1x16xf32>,
        %parallel_loop3A_669 = vector.shape_cast %parallel_loop3A_668 : vector<1x1x16xf32> to vector<16xf32>
        %parallel_loop3A_670 = vector.shape_cast %parallel_loop3A_610 : vector<16xf32> to vector<1x1x16xf32>
        tpu.vector_store %arg11[%parallel_loop3A_665, %parallel_loop3A_666, %parallel_loop3A_667], %parallel_loop3A_670 {add = true, strides = array<i32>} : memref<4x16x768xf32, #tpu.memory_space<vmem>>, vector<1x1x16xf32>,
        %parallel_loop3A_671 = arith.index_cast %parallel_loop3A_250 : i32 to index
        %parallel_loop3A_672 = arith.constant 224 : index
        %parallel_loop3A_673 = tpu.vector_load %arg9[%parallel_loop3A_671, %parallel_loop3A_672] {strides = array<i32>} : memref<16x768xf32, #tpu.memory_space<vmem>>, vector<1x16xf32>,
        %parallel_loop3A_674 = vector.shape_cast %parallel_loop3A_673 : vector<1x16xf32> to vector<16xf32>
        %parallel_loop3A_675 = arith.constant 0 : i32
        %parallel_loop3A_676 = arith.index_cast %parallel_loop3A_675 : i32 to index
        %parallel_loop3A_677 = arith.index_cast %parallel_loop3A_250 : i32 to index
        %parallel_loop3A_678 = arith.constant 208 : index
        %parallel_loop3A_679 = tpu.vector_load %arg11[%parallel_loop3A_676, %parallel_loop3A_677, %parallel_loop3A_678] {strides = array<i32>} : memref<4x16x768xf32, #tpu.memory_space<vmem>>, vector<1x1x16xf32>,
        %parallel_loop3A_680 = vector.shape_cast %parallel_loop3A_679 : vector<1x1x16xf32> to vector<16xf32>
        %parallel_loop3A_681 = vector.shape_cast %parallel_loop3A_642 : vector<16xf32> to vector<1x1x16xf32>
        tpu.vector_store %arg11[%parallel_loop3A_676, %parallel_loop3A_677, %parallel_loop3A_678], %parallel_loop3A_681 {add = true, strides = array<i32>} : memref<4x16x768xf32, #tpu.memory_space<vmem>>, vector<1x1x16xf32>,
        %parallel_loop3A_682 = arith.constant 1 : i32
        %parallel_loop3A_683 = arith.index_cast %parallel_loop3A_682 : i32 to index
        %parallel_loop3A_684 = arith.index_cast %parallel_loop3A_250 : i32 to index
        %parallel_loop3A_685 = arith.constant 208 : index
        %parallel_loop3A_686 = tpu.vector_load %arg11[%parallel_loop3A_683, %parallel_loop3A_684, %parallel_loop3A_685] {strides = array<i32>} : memref<4x16x768xf32, #tpu.memory_space<vmem>>, vector<1x1x16xf32>,
        %parallel_loop3A_687 = vector.shape_cast %parallel_loop3A_686 : vector<1x1x16xf32> to vector<16xf32>
        %parallel_loop3A_688 = vector.shape_cast %parallel_loop3A_642 : vector<16xf32> to vector<1x1x16xf32>
        tpu.vector_store %arg11[%parallel_loop3A_683, %parallel_loop3A_684, %parallel_loop3A_685], %parallel_loop3A_688 {add = true, strides = array<i32>} : memref<4x16x768xf32, #tpu.memory_space<vmem>>, vector<1x1x16xf32>,
        %parallel_loop3A_689 = arith.constant 2 : i32
        %parallel_loop3A_690 = arith.index_cast %parallel_loop3A_689 : i32 to index
        %parallel_loop3A_691 = arith.index_cast %parallel_loop3A_250 : i32 to index
        %parallel_loop3A_692 = arith.constant 208 : index
        %parallel_loop3A_693 = tpu.vector_load %arg11[%parallel_loop3A_690, %parallel_loop3A_691, %parallel_loop3A_692] {strides = array<i32>} : memref<4x16x768xf32, #tpu.memory_space<vmem>>, vector<1x1x16xf32>,
        %parallel_loop3A_694 = vector.shape_cast %parallel_loop3A_693 : vector<1x1x16xf32> to vector<16xf32>
        %parallel_loop3A_695 = vector.shape_cast %parallel_loop3A_642 : vector<16xf32> to vector<1x1x16xf32>
        tpu.vector_store %arg11[%parallel_loop3A_690, %parallel_loop3A_691, %parallel_loop3A_692], %parallel_loop3A_695 {add = true, strides = array<i32>} : memref<4x16x768xf32, #tpu.memory_space<vmem>>, vector<1x1x16xf32>,
        %parallel_loop3A_696 = arith.constant 3 : i32
        %parallel_loop3A_697 = arith.index_cast %parallel_loop3A_696 : i32 to index
        %parallel_loop3A_698 = arith.index_cast %parallel_loop3A_250 : i32 to index
        %parallel_loop3A_699 = arith.constant 208 : index
        %parallel_loop3A_700 = tpu.vector_load %arg11[%parallel_loop3A_697, %parallel_loop3A_698, %parallel_loop3A_699] {strides = array<i32>} : memref<4x16x768xf32, #tpu.memory_space<vmem>>, vector<1x1x16xf32>,
        %parallel_loop3A_701 = vector.shape_cast %parallel_loop3A_700 : vector<1x1x16xf32> to vector<16xf32>
        %parallel_loop3A_702 = vector.shape_cast %parallel_loop3A_642 : vector<16xf32> to vector<1x1x16xf32>
        tpu.vector_store %arg11[%parallel_loop3A_697, %parallel_loop3A_698, %parallel_loop3A_699], %parallel_loop3A_702 {add = true, strides = array<i32>} : memref<4x16x768xf32, #tpu.memory_space<vmem>>, vector<1x1x16xf32>,
        %parallel_loop3A_703 = arith.index_cast %parallel_loop3A_250 : i32 to index
        %parallel_loop3A_704 = arith.constant 240 : index
        %parallel_loop3A_705 = tpu.vector_load %arg9[%parallel_loop3A_703, %parallel_loop3A_704] {strides = array<i32>} : memref<16x768xf32, #tpu.memory_space<vmem>>, vector<1x16xf32>,
        %parallel_loop3A_706 = vector.shape_cast %parallel_loop3A_705 : vector<1x16xf32> to vector<16xf32>
        %parallel_loop3A_707 = arith.constant 0 : i32
        %parallel_loop3A_708 = arith.index_cast %parallel_loop3A_707 : i32 to index
        %parallel_loop3A_709 = arith.index_cast %parallel_loop3A_250 : i32 to index
        %parallel_loop3A_710 = arith.constant 224 : index
        %parallel_loop3A_711 = tpu.vector_load %arg11[%parallel_loop3A_708, %parallel_loop3A_709, %parallel_loop3A_710] {strides = array<i32>} : memref<4x16x768xf32, #tpu.memory_space<vmem>>, vector<1x1x16xf32>,
        %parallel_loop3A_712 = vector.shape_cast %parallel_loop3A_711 : vector<1x1x16xf32> to vector<16xf32>
        %parallel_loop3A_713 = vector.shape_cast %parallel_loop3A_674 : vector<16xf32> to vector<1x1x16xf32>
        tpu.vector_store %arg11[%parallel_loop3A_708, %parallel_loop3A_709, %parallel_loop3A_710], %parallel_loop3A_713 {add = true, strides = array<i32>} : memref<4x16x768xf32, #tpu.memory_space<vmem>>, vector<1x1x16xf32>,
        %parallel_loop3A_714 = arith.constant 1 : i32
        %parallel_loop3A_715 = arith.index_cast %parallel_loop3A_714 : i32 to index
        %parallel_loop3A_716 = arith.index_cast %parallel_loop3A_250 : i32 to index
        %parallel_loop3A_717 = arith.constant 224 : index
        %parallel_loop3A_718 = tpu.vector_load %arg11[%parallel_loop3A_715, %parallel_loop3A_716, %parallel_loop3A_717] {strides = array<i32>} : memref<4x16x768xf32, #tpu.memory_space<vmem>>, vector<1x1x16xf32>,
        %parallel_loop3A_719 = vector.shape_cast %parallel_loop3A_718 : vector<1x1x16xf32> to vector<16xf32>
        %parallel_loop3A_720 = vector.shape_cast %parallel_loop3A_674 : vector<16xf32> to vector<1x1x16xf32>
        tpu.vector_store %arg11[%parallel_loop3A_715, %parallel_loop3A_716, %parallel_loop3A_717], %parallel_loop3A_720 {add = true, strides = array<i32>} : memref<4x16x768xf32, #tpu.memory_space<vmem>>, vector<1x1x16xf32>,
        %parallel_loop3A_721 = arith.constant 2 : i32
        %parallel_loop3A_722 = arith.index_cast %parallel_loop3A_721 : i32 to index
        %parallel_loop3A_723 = arith.index_cast %parallel_loop3A_250 : i32 to index
        %parallel_loop3A_724 = arith.constant 224 : index
        %parallel_loop3A_725 = tpu.vector_load %arg11[%parallel_loop3A_722, %parallel_loop3A_723, %parallel_loop3A_724] {strides = array<i32>} : memref<4x16x768xf32, #tpu.memory_space<vmem>>, vector<1x1x16xf32>,
        %parallel_loop3A_726 = vector.shape_cast %parallel_loop3A_725 : vector<1x1x16xf32> to vector<16xf32>
        %parallel_loop3A_727 = vector.shape_cast %parallel_loop3A_674 : vector<16xf32> to vector<1x1x16xf32>
        tpu.vector_store %arg11[%parallel_loop3A_722, %parallel_loop3A_723, %parallel_loop3A_724], %parallel_loop3A_727 {add = true, strides = array<i32>} : memref<4x16x768xf32, #tpu.memory_space<vmem>>, vector<1x1x16xf32>,
        %parallel_loop3A_728 = arith.constant 3 : i32
        %parallel_loop3A_729 = arith.index_cast %parallel_loop3A_728 : i32 to index
        %parallel_loop3A_730 = arith.index_cast %parallel_loop3A_250 : i32 to index
        %parallel_loop3A_731 = arith.constant 224 : index
        %parallel_loop3A_732 = tpu.vector_load %arg11[%parallel_loop3A_729, %parallel_loop3A_730, %parallel_loop3A_731] {strides = array<i32>} : memref<4x16x768xf32, #tpu.memory_space<vmem>>, vector<1x1x16xf32>,
        %parallel_loop3A_733 = vector.shape_cast %parallel_loop3A_732 : vector<1x1x16xf32> to vector<16xf32>
        %parallel_loop3A_734 = vector.shape_cast %parallel_loop3A_674 : vector<16xf32> to vector<1x1x16xf32>
        tpu.vector_store %arg11[%parallel_loop3A_729, %parallel_loop3A_730, %parallel_loop3A_731], %parallel_loop3A_734 {add = true, strides = array<i32>} : memref<4x16x768xf32, #tpu.memory_space<vmem>>, vector<1x1x16xf32>,
        %parallel_loop3A_735 = arith.index_cast %parallel_loop3A_250 : i32 to index
        %parallel_loop3A_736 = arith.constant 256 : index
        %parallel_loop3A_737 = tpu.vector_load %arg9[%parallel_loop3A_735, %parallel_loop3A_736] {strides = array<i32>} : memref<16x768xf32, #tpu.memory_space<vmem>>, vector<1x16xf32>,
        %parallel_loop3A_738 = vector.shape_cast %parallel_loop3A_737 : vector<1x16xf32> to vector<16xf32>
        %parallel_loop3A_739 = arith.constant 0 : i32
        %parallel_loop3A_740 = arith.index_cast %parallel_loop3A_739 : i32 to index
        %parallel_loop3A_741 = arith.index_cast %parallel_loop3A_250 : i32 to index
        %parallel_loop3A_742 = arith.constant 240 : index
        %parallel_loop3A_743 = tpu.vector_load %arg11[%parallel_loop3A_740, %parallel_loop3A_741, %parallel_loop3A_742] {strides = array<i32>} : memref<4x16x768xf32, #tpu.memory_space<vmem>>, vector<1x1x16xf32>,
        %parallel_loop3A_744 = vector.shape_cast %parallel_loop3A_743 : vector<1x1x16xf32> to vector<16xf32>
        %parallel_loop3A_745 = vector.shape_cast %parallel_loop3A_706 : vector<16xf32> to vector<1x1x16xf32>
        tpu.vector_store %arg11[%parallel_loop3A_740, %parallel_loop3A_741, %parallel_loop3A_742], %parallel_loop3A_745 {add = true, strides = array<i32>} : memref<4x16x768xf32, #tpu.memory_space<vmem>>, vector<1x1x16xf32>,
        %parallel_loop3A_746 = arith.constant 1 : i32
        %parallel_loop3A_747 = arith.index_cast %parallel_loop3A_746 : i32 to index
        %parallel_loop3A_748 = arith.index_cast %parallel_loop3A_250 : i32 to index
        %parallel_loop3A_749 = arith.constant 240 : index
        %parallel_loop3A_750 = tpu.vector_load %arg11[%parallel_loop3A_747, %parallel_loop3A_748, %parallel_loop3A_749] {strides = array<i32>} : memref<4x16x768xf32, #tpu.memory_space<vmem>>, vector<1x1x16xf32>,
        %parallel_loop3A_751 = vector.shape_cast %parallel_loop3A_750 : vector<1x1x16xf32> to vector<16xf32>
        %parallel_loop3A_752 = vector.shape_cast %parallel_loop3A_706 : vector<16xf32> to vector<1x1x16xf32>
        tpu.vector_store %arg11[%parallel_loop3A_747, %parallel_loop3A_748, %parallel_loop3A_749], %parallel_loop3A_752 {add = true, strides = array<i32>} : memref<4x16x768xf32, #tpu.memory_space<vmem>>, vector<1x1x16xf32>,
        %parallel_loop3A_753 = arith.constant 2 : i32
        %parallel_loop3A_754 = arith.index_cast %parallel_loop3A_753 : i32 to index
        %parallel_loop3A_755 = arith.index_cast %parallel_loop3A_250 : i32 to index
        %parallel_loop3A_756 = arith.constant 240 : index
        %parallel_loop3A_757 = tpu.vector_load %arg11[%parallel_loop3A_754, %parallel_loop3A_755, %parallel_loop3A_756] {strides = array<i32>} : memref<4x16x768xf32, #tpu.memory_space<vmem>>, vector<1x1x16xf32>,
        %parallel_loop3A_758 = vector.shape_cast %parallel_loop3A_757 : vector<1x1x16xf32> to vector<16xf32>
        %parallel_loop3A_759 = vector.shape_cast %parallel_loop3A_706 : vector<16xf32> to vector<1x1x16xf32>
        tpu.vector_store %arg11[%parallel_loop3A_754, %parallel_loop3A_755, %parallel_loop3A_756], %parallel_loop3A_759 {add = true, strides = array<i32>} : memref<4x16x768xf32, #tpu.memory_space<vmem>>, vector<1x1x16xf32>,
        %parallel_loop3A_760 = arith.constant 3 : i32
        %parallel_loop3A_761 = arith.index_cast %parallel_loop3A_760 : i32 to index
        %parallel_loop3A_762 = arith.index_cast %parallel_loop3A_250 : i32 to index
        %parallel_loop3A_763 = arith.constant 240 : index
        %parallel_loop3A_764 = tpu.vector_load %arg11[%parallel_loop3A_761, %parallel_loop3A_762, %parallel_loop3A_763] {strides = array<i32>} : memref<4x16x768xf32, #tpu.memory_space<vmem>>, vector<1x1x16xf32>,
        %parallel_loop3A_765 = vector.shape_cast %parallel_loop3A_764 : vector<1x1x16xf32> to vector<16xf32>
        %parallel_loop3A_766 = vector.shape_cast %parallel_loop3A_706 : vector<16xf32> to vector<1x1x16xf32>
        tpu.vector_store %arg11[%parallel_loop3A_761, %parallel_loop3A_762, %parallel_loop3A_763], %parallel_loop3A_766 {add = true, strides = array<i32>} : memref<4x16x768xf32, #tpu.memory_space<vmem>>, vector<1x1x16xf32>,
        %parallel_loop3A_767 = arith.index_cast %parallel_loop3A_250 : i32 to index
        %parallel_loop3A_768 = arith.constant 272 : index
        %parallel_loop3A_769 = tpu.vector_load %arg9[%parallel_loop3A_767, %parallel_loop3A_768] {strides = array<i32>} : memref<16x768xf32, #tpu.memory_space<vmem>>, vector<1x16xf32>,
        %parallel_loop3A_770 = vector.shape_cast %parallel_loop3A_769 : vector<1x16xf32> to vector<16xf32>
        %parallel_loop3A_771 = arith.constant 0 : i32
        %parallel_loop3A_772 = arith.index_cast %parallel_loop3A_771 : i32 to index
        %parallel_loop3A_773 = arith.index_cast %parallel_loop3A_250 : i32 to index
        %parallel_loop3A_774 = arith.constant 256 : index
        %parallel_loop3A_775 = tpu.vector_load %arg11[%parallel_loop3A_772, %parallel_loop3A_773, %parallel_loop3A_774] {strides = array<i32>} : memref<4x16x768xf32, #tpu.memory_space<vmem>>, vector<1x1x16xf32>,
        %parallel_loop3A_776 = vector.shape_cast %parallel_loop3A_775 : vector<1x1x16xf32> to vector<16xf32>
        %parallel_loop3A_777 = vector.shape_cast %parallel_loop3A_738 : vector<16xf32> to vector<1x1x16xf32>
        tpu.vector_store %arg11[%parallel_loop3A_772, %parallel_loop3A_773, %parallel_loop3A_774], %parallel_loop3A_777 {add = true, strides = array<i32>} : memref<4x16x768xf32, #tpu.memory_space<vmem>>, vector<1x1x16xf32>,
        %parallel_loop3A_778 = arith.constant 1 : i32
        %parallel_loop3A_779 = arith.index_cast %parallel_loop3A_778 : i32 to index
        %parallel_loop3A_780 = arith.index_cast %parallel_loop3A_250 : i32 to index
        %parallel_loop3A_781 = arith.constant 256 : index
        %parallel_loop3A_782 = tpu.vector_load %arg11[%parallel_loop3A_779, %parallel_loop3A_780, %parallel_loop3A_781] {strides = array<i32>} : memref<4x16x768xf32, #tpu.memory_space<vmem>>, vector<1x1x16xf32>,
        %parallel_loop3A_783 = vector.shape_cast %parallel_loop3A_782 : vector<1x1x16xf32> to vector<16xf32>
        %parallel_loop3A_784 = vector.shape_cast %parallel_loop3A_738 : vector<16xf32> to vector<1x1x16xf32>
        tpu.vector_store %arg11[%parallel_loop3A_779, %parallel_loop3A_780, %parallel_loop3A_781], %parallel_loop3A_784 {add = true, strides = array<i32>} : memref<4x16x768xf32, #tpu.memory_space<vmem>>, vector<1x1x16xf32>,
        %parallel_loop3A_785 = arith.constant 2 : i32
        %parallel_loop3A_786 = arith.index_cast %parallel_loop3A_785 : i32 to index
        %parallel_loop3A_787 = arith.index_cast %parallel_loop3A_250 : i32 to index
        %parallel_loop3A_788 = arith.constant 256 : index
        %parallel_loop3A_789 = tpu.vector_load %arg11[%parallel_loop3A_786, %parallel_loop3A_787, %parallel_loop3A_788] {strides = array<i32>} : memref<4x16x768xf32, #tpu.memory_space<vmem>>, vector<1x1x16xf32>,
        %parallel_loop3A_790 = vector.shape_cast %parallel_loop3A_789 : vector<1x1x16xf32> to vector<16xf32>
        %parallel_loop3A_791 = vector.shape_cast %parallel_loop3A_738 : vector<16xf32> to vector<1x1x16xf32>
        tpu.vector_store %arg11[%parallel_loop3A_786, %parallel_loop3A_787, %parallel_loop3A_788], %parallel_loop3A_791 {add = true, strides = array<i32>} : memref<4x16x768xf32, #tpu.memory_space<vmem>>, vector<1x1x16xf32>,
        %parallel_loop3A_792 = arith.constant 3 : i32
        %parallel_loop3A_793 = arith.index_cast %parallel_loop3A_792 : i32 to index
        %parallel_loop3A_794 = arith.index_cast %parallel_loop3A_250 : i32 to index
        %parallel_loop3A_795 = arith.constant 256 : index
        %parallel_loop3A_796 = tpu.vector_load %arg11[%parallel_loop3A_793, %parallel_loop3A_794, %parallel_loop3A_795] {strides = array<i32>} : memref<4x16x768xf32, #tpu.memory_space<vmem>>, vector<1x1x16xf32>,
        %parallel_loop3A_797 = vector.shape_cast %parallel_loop3A_796 : vector<1x1x16xf32> to vector<16xf32>
        %parallel_loop3A_798 = vector.shape_cast %parallel_loop3A_738 : vector<16xf32> to vector<1x1x16xf32>
        tpu.vector_store %arg11[%parallel_loop3A_793, %parallel_loop3A_794, %parallel_loop3A_795], %parallel_loop3A_798 {add = true, strides = array<i32>} : memref<4x16x768xf32, #tpu.memory_space<vmem>>, vector<1x1x16xf32>,
        %parallel_loop3A_799 = arith.index_cast %parallel_loop3A_250 : i32 to index
        %parallel_loop3A_800 = arith.constant 288 : index
        %parallel_loop3A_801 = tpu.vector_load %arg9[%parallel_loop3A_799, %parallel_loop3A_800] {strides = array<i32>} : memref<16x768xf32, #tpu.memory_space<vmem>>, vector<1x16xf32>,
        %parallel_loop3A_802 = vector.shape_cast %parallel_loop3A_801 : vector<1x16xf32> to vector<16xf32>
        %parallel_loop3A_803 = arith.constant 0 : i32
        %parallel_loop3A_804 = arith.index_cast %parallel_loop3A_803 : i32 to index
        %parallel_loop3A_805 = arith.index_cast %parallel_loop3A_250 : i32 to index
        %parallel_loop3A_806 = arith.constant 272 : index
        %parallel_loop3A_807 = tpu.vector_load %arg11[%parallel_loop3A_804, %parallel_loop3A_805, %parallel_loop3A_806] {strides = array<i32>} : memref<4x16x768xf32, #tpu.memory_space<vmem>>, vector<1x1x16xf32>,
        %parallel_loop3A_808 = vector.shape_cast %parallel_loop3A_807 : vector<1x1x16xf32> to vector<16xf32>
        %parallel_loop3A_809 = vector.shape_cast %parallel_loop3A_770 : vector<16xf32> to vector<1x1x16xf32>
        tpu.vector_store %arg11[%parallel_loop3A_804, %parallel_loop3A_805, %parallel_loop3A_806], %parallel_loop3A_809 {add = true, strides = array<i32>} : memref<4x16x768xf32, #tpu.memory_space<vmem>>, vector<1x1x16xf32>,
        %parallel_loop3A_810 = arith.constant 1 : i32
        %parallel_loop3A_811 = arith.index_cast %parallel_loop3A_810 : i32 to index
        %parallel_loop3A_812 = arith.index_cast %parallel_loop3A_250 : i32 to index
        %parallel_loop3A_813 = arith.constant 272 : index
        %parallel_loop3A_814 = tpu.vector_load %arg11[%parallel_loop3A_811, %parallel_loop3A_812, %parallel_loop3A_813] {strides = array<i32>} : memref<4x16x768xf32, #tpu.memory_space<vmem>>, vector<1x1x16xf32>,
        %parallel_loop3A_815 = vector.shape_cast %parallel_loop3A_814 : vector<1x1x16xf32> to vector<16xf32>
        %parallel_loop3A_816 = vector.shape_cast %parallel_loop3A_770 : vector<16xf32> to vector<1x1x16xf32>
        tpu.vector_store %arg11[%parallel_loop3A_811, %parallel_loop3A_812, %parallel_loop3A_813], %parallel_loop3A_816 {add = true, strides = array<i32>} : memref<4x16x768xf32, #tpu.memory_space<vmem>>, vector<1x1x16xf32>,
        %parallel_loop3A_817 = arith.constant 2 : i32
        %parallel_loop3A_818 = arith.index_cast %parallel_loop3A_817 : i32 to index
        %parallel_loop3A_819 = arith.index_cast %parallel_loop3A_250 : i32 to index
        %parallel_loop3A_820 = arith.constant 272 : index
        %parallel_loop3A_821 = tpu.vector_load %arg11[%parallel_loop3A_818, %parallel_loop3A_819, %parallel_loop3A_820] {strides = array<i32>} : memref<4x16x768xf32, #tpu.memory_space<vmem>>, vector<1x1x16xf32>,
        %parallel_loop3A_822 = vector.shape_cast %parallel_loop3A_821 : vector<1x1x16xf32> to vector<16xf32>
        %parallel_loop3A_823 = vector.shape_cast %parallel_loop3A_770 : vector<16xf32> to vector<1x1x16xf32>
        tpu.vector_store %arg11[%parallel_loop3A_818, %parallel_loop3A_819, %parallel_loop3A_820], %parallel_loop3A_823 {add = true, strides = array<i32>} : memref<4x16x768xf32, #tpu.memory_space<vmem>>, vector<1x1x16xf32>,
        %parallel_loop3A_824 = arith.constant 3 : i32
        %parallel_loop3A_825 = arith.index_cast %parallel_loop3A_824 : i32 to index
        %parallel_loop3A_826 = arith.index_cast %parallel_loop3A_250 : i32 to index
        %parallel_loop3A_827 = arith.constant 272 : index
        %parallel_loop3A_828 = tpu.vector_load %arg11[%parallel_loop3A_825, %parallel_loop3A_826, %parallel_loop3A_827] {strides = array<i32>} : memref<4x16x768xf32, #tpu.memory_space<vmem>>, vector<1x1x16xf32>,
        %parallel_loop3A_829 = vector.shape_cast %parallel_loop3A_828 : vector<1x1x16xf32> to vector<16xf32>
        %parallel_loop3A_830 = vector.shape_cast %parallel_loop3A_770 : vector<16xf32> to vector<1x1x16xf32>
        tpu.vector_store %arg11[%parallel_loop3A_825, %parallel_loop3A_826, %parallel_loop3A_827], %parallel_loop3A_830 {add = true, strides = array<i32>} : memref<4x16x768xf32, #tpu.memory_space<vmem>>, vector<1x1x16xf32>,
        %parallel_loop3A_831 = arith.index_cast %parallel_loop3A_250 : i32 to index
        %parallel_loop3A_832 = arith.constant 304 : index
        %parallel_loop3A_833 = tpu.vector_load %arg9[%parallel_loop3A_831, %parallel_loop3A_832] {strides = array<i32>} : memref<16x768xf32, #tpu.memory_space<vmem>>, vector<1x16xf32>,
        %parallel_loop3A_834 = vector.shape_cast %parallel_loop3A_833 : vector<1x16xf32> to vector<16xf32>
        %parallel_loop3A_835 = arith.constant 0 : i32
        %parallel_loop3A_836 = arith.index_cast %parallel_loop3A_835 : i32 to index
        %parallel_loop3A_837 = arith.index_cast %parallel_loop3A_250 : i32 to index
        %parallel_loop3A_838 = arith.constant 288 : index
        %parallel_loop3A_839 = tpu.vector_load %arg11[%parallel_loop3A_836, %parallel_loop3A_837, %parallel_loop3A_838] {strides = array<i32>} : memref<4x16x768xf32, #tpu.memory_space<vmem>>, vector<1x1x16xf32>,
        %parallel_loop3A_840 = vector.shape_cast %parallel_loop3A_839 : vector<1x1x16xf32> to vector<16xf32>
        %parallel_loop3A_841 = vector.shape_cast %parallel_loop3A_802 : vector<16xf32> to vector<1x1x16xf32>
        tpu.vector_store %arg11[%parallel_loop3A_836, %parallel_loop3A_837, %parallel_loop3A_838], %parallel_loop3A_841 {add = true, strides = array<i32>} : memref<4x16x768xf32, #tpu.memory_space<vmem>>, vector<1x1x16xf32>,
        %parallel_loop3A_842 = arith.constant 1 : i32
        %parallel_loop3A_843 = arith.index_cast %parallel_loop3A_842 : i32 to index
        %parallel_loop3A_844 = arith.index_cast %parallel_loop3A_250 : i32 to index
        %parallel_loop3A_845 = arith.constant 288 : index
        %parallel_loop3A_846 = tpu.vector_load %arg11[%parallel_loop3A_843, %parallel_loop3A_844, %parallel_loop3A_845] {strides = array<i32>} : memref<4x16x768xf32, #tpu.memory_space<vmem>>, vector<1x1x16xf32>,
        %parallel_loop3A_847 = vector.shape_cast %parallel_loop3A_846 : vector<1x1x16xf32> to vector<16xf32>
        %parallel_loop3A_848 = vector.shape_cast %parallel_loop3A_802 : vector<16xf32> to vector<1x1x16xf32>
        tpu.vector_store %arg11[%parallel_loop3A_843, %parallel_loop3A_844, %parallel_loop3A_845], %parallel_loop3A_848 {add = true, strides = array<i32>} : memref<4x16x768xf32, #tpu.memory_space<vmem>>, vector<1x1x16xf32>,
        %parallel_loop3A_849 = arith.constant 2 : i32
        %parallel_loop3A_850 = arith.index_cast %parallel_loop3A_849 : i32 to index
        %parallel_loop3A_851 = arith.index_cast %parallel_loop3A_250 : i32 to index
        %parallel_loop3A_852 = arith.constant 288 : index
        %parallel_loop3A_853 = tpu.vector_load %arg11[%parallel_loop3A_850, %parallel_loop3A_851, %parallel_loop3A_852] {strides = array<i32>} : memref<4x16x768xf32, #tpu.memory_space<vmem>>, vector<1x1x16xf32>,
        %parallel_loop3A_854 = vector.shape_cast %parallel_loop3A_853 : vector<1x1x16xf32> to vector<16xf32>
        %parallel_loop3A_855 = vector.shape_cast %parallel_loop3A_802 : vector<16xf32> to vector<1x1x16xf32>
        tpu.vector_store %arg11[%parallel_loop3A_850, %parallel_loop3A_851, %parallel_loop3A_852], %parallel_loop3A_855 {add = true, strides = array<i32>} : memref<4x16x768xf32, #tpu.memory_space<vmem>>, vector<1x1x16xf32>,
        %parallel_loop3A_856 = arith.constant 3 : i32
        %parallel_loop3A_857 = arith.index_cast %parallel_loop3A_856 : i32 to index
        %parallel_loop3A_858 = arith.index_cast %parallel_loop3A_250 : i32 to index
        %parallel_loop3A_859 = arith.constant 288 : index
        %parallel_loop3A_860 = tpu.vector_load %arg11[%parallel_loop3A_857, %parallel_loop3A_858, %parallel_loop3A_859] {strides = array<i32>} : memref<4x16x768xf32, #tpu.memory_space<vmem>>, vector<1x1x16xf32>,
        %parallel_loop3A_861 = vector.shape_cast %parallel_loop3A_860 : vector<1x1x16xf32> to vector<16xf32>
        %parallel_loop3A_862 = vector.shape_cast %parallel_loop3A_802 : vector<16xf32> to vector<1x1x16xf32>
        tpu.vector_store %arg11[%parallel_loop3A_857, %parallel_loop3A_858, %parallel_loop3A_859], %parallel_loop3A_862 {add = true, strides = array<i32>} : memref<4x16x768xf32, #tpu.memory_space<vmem>>, vector<1x1x16xf32>,
        %parallel_loop3A_863 = arith.index_cast %parallel_loop3A_250 : i32 to index
        %parallel_loop3A_864 = arith.constant 320 : index
        %parallel_loop3A_865 = tpu.vector_load %arg9[%parallel_loop3A_863, %parallel_loop3A_864] {strides = array<i32>} : memref<16x768xf32, #tpu.memory_space<vmem>>, vector<1x16xf32>,
        %parallel_loop3A_866 = vector.shape_cast %parallel_loop3A_865 : vector<1x16xf32> to vector<16xf32>
        %parallel_loop3A_867 = arith.constant 0 : i32
        %parallel_loop3A_868 = arith.index_cast %parallel_loop3A_867 : i32 to index
        %parallel_loop3A_869 = arith.index_cast %parallel_loop3A_250 : i32 to index
        %parallel_loop3A_870 = arith.constant 304 : index
        %parallel_loop3A_871 = tpu.vector_load %arg11[%parallel_loop3A_868, %parallel_loop3A_869, %parallel_loop3A_870] {strides = array<i32>} : memref<4x16x768xf32, #tpu.memory_space<vmem>>, vector<1x1x16xf32>,
        %parallel_loop3A_872 = vector.shape_cast %parallel_loop3A_871 : vector<1x1x16xf32> to vector<16xf32>
        %parallel_loop3A_873 = vector.shape_cast %parallel_loop3A_834 : vector<16xf32> to vector<1x1x16xf32>
        tpu.vector_store %arg11[%parallel_loop3A_868, %parallel_loop3A_869, %parallel_loop3A_870], %parallel_loop3A_873 {add = true, strides = array<i32>} : memref<4x16x768xf32, #tpu.memory_space<vmem>>, vector<1x1x16xf32>,
        %parallel_loop3A_874 = arith.constant 1 : i32
        %parallel_loop3A_875 = arith.index_cast %parallel_loop3A_874 : i32 to index
        %parallel_loop3A_876 = arith.index_cast %parallel_loop3A_250 : i32 to index
        %parallel_loop3A_877 = arith.constant 304 : index
        %parallel_loop3A_878 = tpu.vector_load %arg11[%parallel_loop3A_875, %parallel_loop3A_876, %parallel_loop3A_877] {strides = array<i32>} : memref<4x16x768xf32, #tpu.memory_space<vmem>>, vector<1x1x16xf32>,
        %parallel_loop3A_879 = vector.shape_cast %parallel_loop3A_878 : vector<1x1x16xf32> to vector<16xf32>
        %parallel_loop3A_880 = vector.shape_cast %parallel_loop3A_834 : vector<16xf32> to vector<1x1x16xf32>
        tpu.vector_store %arg11[%parallel_loop3A_875, %parallel_loop3A_876, %parallel_loop3A_877], %parallel_loop3A_880 {add = true, strides = array<i32>} : memref<4x16x768xf32, #tpu.memory_space<vmem>>, vector<1x1x16xf32>,
        %parallel_loop3A_881 = arith.constant 2 : i32
        %parallel_loop3A_882 = arith.index_cast %parallel_loop3A_881 : i32 to index
        %parallel_loop3A_883 = arith.index_cast %parallel_loop3A_250 : i32 to index
        %parallel_loop3A_884 = arith.constant 304 : index
        %parallel_loop3A_885 = tpu.vector_load %arg11[%parallel_loop3A_882, %parallel_loop3A_883, %parallel_loop3A_884] {strides = array<i32>} : memref<4x16x768xf32, #tpu.memory_space<vmem>>, vector<1x1x16xf32>,
        %parallel_loop3A_886 = vector.shape_cast %parallel_loop3A_885 : vector<1x1x16xf32> to vector<16xf32>
        %parallel_loop3A_887 = vector.shape_cast %parallel_loop3A_834 : vector<16xf32> to vector<1x1x16xf32>
        tpu.vector_store %arg11[%parallel_loop3A_882, %parallel_loop3A_883, %parallel_loop3A_884], %parallel_loop3A_887 {add = true, strides = array<i32>} : memref<4x16x768xf32, #tpu.memory_space<vmem>>, vector<1x1x16xf32>,
        %parallel_loop3A_888 = arith.constant 3 : i32
        %parallel_loop3A_889 = arith.index_cast %parallel_loop3A_888 : i32 to index
        %parallel_loop3A_890 = arith.index_cast %parallel_loop3A_250 : i32 to index
        %parallel_loop3A_891 = arith.constant 304 : index
        %parallel_loop3A_892 = tpu.vector_load %arg11[%parallel_loop3A_889, %parallel_loop3A_890, %parallel_loop3A_891] {strides = array<i32>} : memref<4x16x768xf32, #tpu.memory_space<vmem>>, vector<1x1x16xf32>,
        %parallel_loop3A_893 = vector.shape_cast %parallel_loop3A_892 : vector<1x1x16xf32> to vector<16xf32>
        %parallel_loop3A_894 = vector.shape_cast %parallel_loop3A_834 : vector<16xf32> to vector<1x1x16xf32>
        tpu.vector_store %arg11[%parallel_loop3A_889, %parallel_loop3A_890, %parallel_loop3A_891], %parallel_loop3A_894 {add = true, strides = array<i32>} : memref<4x16x768xf32, #tpu.memory_space<vmem>>, vector<1x1x16xf32>,
        %parallel_loop3A_895 = arith.index_cast %parallel_loop3A_250 : i32 to index
        %parallel_loop3A_896 = arith.constant 336 : index
        %parallel_loop3A_897 = tpu.vector_load %arg9[%parallel_loop3A_895, %parallel_loop3A_896] {strides = array<i32>} : memref<16x768xf32, #tpu.memory_space<vmem>>, vector<1x16xf32>,
        %parallel_loop3A_898 = vector.shape_cast %parallel_loop3A_897 : vector<1x16xf32> to vector<16xf32>
        %parallel_loop3A_899 = arith.constant 0 : i32
        %parallel_loop3A_900 = arith.index_cast %parallel_loop3A_899 : i32 to index
        %parallel_loop3A_901 = arith.index_cast %parallel_loop3A_250 : i32 to index
        %parallel_loop3A_902 = arith.constant 320 : index
        %parallel_loop3A_903 = tpu.vector_load %arg11[%parallel_loop3A_900, %parallel_loop3A_901, %parallel_loop3A_902] {strides = array<i32>} : memref<4x16x768xf32, #tpu.memory_space<vmem>>, vector<1x1x16xf32>,
        %parallel_loop3A_904 = vector.shape_cast %parallel_loop3A_903 : vector<1x1x16xf32> to vector<16xf32>
        %parallel_loop3A_905 = vector.shape_cast %parallel_loop3A_866 : vector<16xf32> to vector<1x1x16xf32>
        tpu.vector_store %arg11[%parallel_loop3A_900, %parallel_loop3A_901, %parallel_loop3A_902], %parallel_loop3A_905 {add = true, strides = array<i32>} : memref<4x16x768xf32, #tpu.memory_space<vmem>>, vector<1x1x16xf32>,
        %parallel_loop3A_906 = arith.constant 1 : i32
        %parallel_loop3A_907 = arith.index_cast %parallel_loop3A_906 : i32 to index
        %parallel_loop3A_908 = arith.index_cast %parallel_loop3A_250 : i32 to index
        %parallel_loop3A_909 = arith.constant 320 : index
        %parallel_loop3A_910 = tpu.vector_load %arg11[%parallel_loop3A_907, %parallel_loop3A_908, %parallel_loop3A_909] {strides = array<i32>} : memref<4x16x768xf32, #tpu.memory_space<vmem>>, vector<1x1x16xf32>,
        %parallel_loop3A_911 = vector.shape_cast %parallel_loop3A_910 : vector<1x1x16xf32> to vector<16xf32>
        %parallel_loop3A_912 = vector.shape_cast %parallel_loop3A_866 : vector<16xf32> to vector<1x1x16xf32>
        tpu.vector_store %arg11[%parallel_loop3A_907, %parallel_loop3A_908, %parallel_loop3A_909], %parallel_loop3A_912 {add = true, strides = array<i32>} : memref<4x16x768xf32, #tpu.memory_space<vmem>>, vector<1x1x16xf32>,
        %parallel_loop3A_913 = arith.constant 2 : i32
        %parallel_loop3A_914 = arith.index_cast %parallel_loop3A_913 : i32 to index
        %parallel_loop3A_915 = arith.index_cast %parallel_loop3A_250 : i32 to index
        %parallel_loop3A_916 = arith.constant 320 : index
        %parallel_loop3A_917 = tpu.vector_load %arg11[%parallel_loop3A_914, %parallel_loop3A_915, %parallel_loop3A_916] {strides = array<i32>} : memref<4x16x768xf32, #tpu.memory_space<vmem>>, vector<1x1x16xf32>,
        %parallel_loop3A_918 = vector.shape_cast %parallel_loop3A_917 : vector<1x1x16xf32> to vector<16xf32>
        %parallel_loop3A_919 = vector.shape_cast %parallel_loop3A_866 : vector<16xf32> to vector<1x1x16xf32>
        tpu.vector_store %arg11[%parallel_loop3A_914, %parallel_loop3A_915, %parallel_loop3A_916], %parallel_loop3A_919 {add = true, strides = array<i32>} : memref<4x16x768xf32, #tpu.memory_space<vmem>>, vector<1x1x16xf32>,
        %parallel_loop3A_920 = arith.constant 3 : i32
        %parallel_loop3A_921 = arith.index_cast %parallel_loop3A_920 : i32 to index
        %parallel_loop3A_922 = arith.index_cast %parallel_loop3A_250 : i32 to index
        %parallel_loop3A_923 = arith.constant 320 : index
        %parallel_loop3A_924 = tpu.vector_load %arg11[%parallel_loop3A_921, %parallel_loop3A_922, %parallel_loop3A_923] {strides = array<i32>} : memref<4x16x768xf32, #tpu.memory_space<vmem>>, vector<1x1x16xf32>,
        %parallel_loop3A_925 = vector.shape_cast %parallel_loop3A_924 : vector<1x1x16xf32> to vector<16xf32>
        %parallel_loop3A_926 = vector.shape_cast %parallel_loop3A_866 : vector<16xf32> to vector<1x1x16xf32>
        tpu.vector_store %arg11[%parallel_loop3A_921, %parallel_loop3A_922, %parallel_loop3A_923], %parallel_loop3A_926 {add = true, strides = array<i32>} : memref<4x16x768xf32, #tpu.memory_space<vmem>>, vector<1x1x16xf32>,
        %parallel_loop3A_927 = arith.index_cast %parallel_loop3A_250 : i32 to index
        %parallel_loop3A_928 = arith.constant 352 : index
        %parallel_loop3A_929 = tpu.vector_load %arg9[%parallel_loop3A_927, %parallel_loop3A_928] {strides = array<i32>} : memref<16x768xf32, #tpu.memory_space<vmem>>, vector<1x16xf32>,
        %parallel_loop3A_930 = vector.shape_cast %parallel_loop3A_929 : vector<1x16xf32> to vector<16xf32>
        %parallel_loop3A_931 = arith.constant 0 : i32
        %parallel_loop3A_932 = arith.index_cast %parallel_loop3A_931 : i32 to index
        %parallel_loop3A_933 = arith.index_cast %parallel_loop3A_250 : i32 to index
        %parallel_loop3A_934 = arith.constant 336 : index
        %parallel_loop3A_935 = tpu.vector_load %arg11[%parallel_loop3A_932, %parallel_loop3A_933, %parallel_loop3A_934] {strides = array<i32>} : memref<4x16x768xf32, #tpu.memory_space<vmem>>, vector<1x1x16xf32>,
        %parallel_loop3A_936 = vector.shape_cast %parallel_loop3A_935 : vector<1x1x16xf32> to vector<16xf32>
        %parallel_loop3A_937 = vector.shape_cast %parallel_loop3A_898 : vector<16xf32> to vector<1x1x16xf32>
        tpu.vector_store %arg11[%parallel_loop3A_932, %parallel_loop3A_933, %parallel_loop3A_934], %parallel_loop3A_937 {add = true, strides = array<i32>} : memref<4x16x768xf32, #tpu.memory_space<vmem>>, vector<1x1x16xf32>,
        %parallel_loop3A_938 = arith.constant 1 : i32
        %parallel_loop3A_939 = arith.index_cast %parallel_loop3A_938 : i32 to index
        %parallel_loop3A_940 = arith.index_cast %parallel_loop3A_250 : i32 to index
        %parallel_loop3A_941 = arith.constant 336 : index
        %parallel_loop3A_942 = tpu.vector_load %arg11[%parallel_loop3A_939, %parallel_loop3A_940, %parallel_loop3A_941] {strides = array<i32>} : memref<4x16x768xf32, #tpu.memory_space<vmem>>, vector<1x1x16xf32>,
        %parallel_loop3A_943 = vector.shape_cast %parallel_loop3A_942 : vector<1x1x16xf32> to vector<16xf32>
        %parallel_loop3A_944 = vector.shape_cast %parallel_loop3A_898 : vector<16xf32> to vector<1x1x16xf32>
        tpu.vector_store %arg11[%parallel_loop3A_939, %parallel_loop3A_940, %parallel_loop3A_941], %parallel_loop3A_944 {add = true, strides = array<i32>} : memref<4x16x768xf32, #tpu.memory_space<vmem>>, vector<1x1x16xf32>,
        %parallel_loop3A_945 = arith.constant 2 : i32
        %parallel_loop3A_946 = arith.index_cast %parallel_loop3A_945 : i32 to index
        %parallel_loop3A_947 = arith.index_cast %parallel_loop3A_250 : i32 to index
        %parallel_loop3A_948 = arith.constant 336 : index
        %parallel_loop3A_949 = tpu.vector_load %arg11[%parallel_loop3A_946, %parallel_loop3A_947, %parallel_loop3A_948] {strides = array<i32>} : memref<4x16x768xf32, #tpu.memory_space<vmem>>, vector<1x1x16xf32>,
        %parallel_loop3A_950 = vector.shape_cast %parallel_loop3A_949 : vector<1x1x16xf32> to vector<16xf32>
        %parallel_loop3A_951 = vector.shape_cast %parallel_loop3A_898 : vector<16xf32> to vector<1x1x16xf32>
        tpu.vector_store %arg11[%parallel_loop3A_946, %parallel_loop3A_947, %parallel_loop3A_948], %parallel_loop3A_951 {add = true, strides = array<i32>} : memref<4x16x768xf32, #tpu.memory_space<vmem>>, vector<1x1x16xf32>,
        %parallel_loop3A_952 = arith.constant 3 : i32
        %parallel_loop3A_953 = arith.index_cast %parallel_loop3A_952 : i32 to index
        %parallel_loop3A_954 = arith.index_cast %parallel_loop3A_250 : i32 to index
        %parallel_loop3A_955 = arith.constant 336 : index
        %parallel_loop3A_956 = tpu.vector_load %arg11[%parallel_loop3A_953, %parallel_loop3A_954, %parallel_loop3A_955] {strides = array<i32>} : memref<4x16x768xf32, #tpu.memory_space<vmem>>, vector<1x1x16xf32>,
        %parallel_loop3A_957 = vector.shape_cast %parallel_loop3A_956 : vector<1x1x16xf32> to vector<16xf32>
        %parallel_loop3A_958 = vector.shape_cast %parallel_loop3A_898 : vector<16xf32> to vector<1x1x16xf32>
        tpu.vector_store %arg11[%parallel_loop3A_953, %parallel_loop3A_954, %parallel_loop3A_955], %parallel_loop3A_958 {add = true, strides = array<i32>} : memref<4x16x768xf32, #tpu.memory_space<vmem>>, vector<1x1x16xf32>,
        %parallel_loop3A_959 = arith.index_cast %parallel_loop3A_250 : i32 to index
        %parallel_loop3A_960 = arith.constant 368 : index
        %parallel_loop3A_961 = tpu.vector_load %arg9[%parallel_loop3A_959, %parallel_loop3A_960] {strides = array<i32>} : memref<16x768xf32, #tpu.memory_space<vmem>>, vector<1x16xf32>,
        %parallel_loop3A_962 = vector.shape_cast %parallel_loop3A_961 : vector<1x16xf32> to vector<16xf32>
        %parallel_loop3A_963 = arith.constant 0 : i32
        %parallel_loop3A_964 = arith.index_cast %parallel_loop3A_963 : i32 to index
        %parallel_loop3A_965 = arith.index_cast %parallel_loop3A_250 : i32 to index
        %parallel_loop3A_966 = arith.constant 352 : index
        %parallel_loop3A_967 = tpu.vector_load %arg11[%parallel_loop3A_964, %parallel_loop3A_965, %parallel_loop3A_966] {strides = array<i32>} : memref<4x16x768xf32, #tpu.memory_space<vmem>>, vector<1x1x16xf32>,
        %parallel_loop3A_968 = vector.shape_cast %parallel_loop3A_967 : vector<1x1x16xf32> to vector<16xf32>
        %parallel_loop3A_969 = vector.shape_cast %parallel_loop3A_930 : vector<16xf32> to vector<1x1x16xf32>
        tpu.vector_store %arg11[%parallel_loop3A_964, %parallel_loop3A_965, %parallel_loop3A_966], %parallel_loop3A_969 {add = true, strides = array<i32>} : memref<4x16x768xf32, #tpu.memory_space<vmem>>, vector<1x1x16xf32>,
        %parallel_loop3A_970 = arith.constant 1 : i32
        %parallel_loop3A_971 = arith.index_cast %parallel_loop3A_970 : i32 to index
        %parallel_loop3A_972 = arith.index_cast %parallel_loop3A_250 : i32 to index
        %parallel_loop3A_973 = arith.constant 352 : index
        %parallel_loop3A_974 = tpu.vector_load %arg11[%parallel_loop3A_971, %parallel_loop3A_972, %parallel_loop3A_973] {strides = array<i32>} : memref<4x16x768xf32, #tpu.memory_space<vmem>>, vector<1x1x16xf32>,
        %parallel_loop3A_975 = vector.shape_cast %parallel_loop3A_974 : vector<1x1x16xf32> to vector<16xf32>
        %parallel_loop3A_976 = vector.shape_cast %parallel_loop3A_930 : vector<16xf32> to vector<1x1x16xf32>
        tpu.vector_store %arg11[%parallel_loop3A_971, %parallel_loop3A_972, %parallel_loop3A_973], %parallel_loop3A_976 {add = true, strides = array<i32>} : memref<4x16x768xf32, #tpu.memory_space<vmem>>, vector<1x1x16xf32>,
        %parallel_loop3A_977 = arith.constant 2 : i32
        %parallel_loop3A_978 = arith.index_cast %parallel_loop3A_977 : i32 to index
        %parallel_loop3A_979 = arith.index_cast %parallel_loop3A_250 : i32 to index
        %parallel_loop3A_980 = arith.constant 352 : index
        %parallel_loop3A_981 = tpu.vector_load %arg11[%parallel_loop3A_978, %parallel_loop3A_979, %parallel_loop3A_980] {strides = array<i32>} : memref<4x16x768xf32, #tpu.memory_space<vmem>>, vector<1x1x16xf32>,
        %parallel_loop3A_982 = vector.shape_cast %parallel_loop3A_981 : vector<1x1x16xf32> to vector<16xf32>
        %parallel_loop3A_983 = vector.shape_cast %parallel_loop3A_930 : vector<16xf32> to vector<1x1x16xf32>
        tpu.vector_store %arg11[%parallel_loop3A_978, %parallel_loop3A_979, %parallel_loop3A_980], %parallel_loop3A_983 {add = true, strides = array<i32>} : memref<4x16x768xf32, #tpu.memory_space<vmem>>, vector<1x1x16xf32>,
        %parallel_loop3A_984 = arith.constant 3 : i32
        %parallel_loop3A_985 = arith.index_cast %parallel_loop3A_984 : i32 to index
        %parallel_loop3A_986 = arith.index_cast %parallel_loop3A_250 : i32 to index
        %parallel_loop3A_987 = arith.constant 352 : index
        %parallel_loop3A_988 = tpu.vector_load %arg11[%parallel_loop3A_985, %parallel_loop3A_986, %parallel_loop3A_987] {strides = array<i32>} : memref<4x16x768xf32, #tpu.memory_space<vmem>>, vector<1x1x16xf32>,
        %parallel_loop3A_989 = vector.shape_cast %parallel_loop3A_988 : vector<1x1x16xf32> to vector<16xf32>
        %parallel_loop3A_990 = vector.shape_cast %parallel_loop3A_930 : vector<16xf32> to vector<1x1x16xf32>
        tpu.vector_store %arg11[%parallel_loop3A_985, %parallel_loop3A_986, %parallel_loop3A_987], %parallel_loop3A_990 {add = true, strides = array<i32>} : memref<4x16x768xf32, #tpu.memory_space<vmem>>, vector<1x1x16xf32>,
        %parallel_loop3A_991 = arith.index_cast %parallel_loop3A_250 : i32 to index
        %parallel_loop3A_992 = arith.constant 384 : index
        %parallel_loop3A_993 = tpu.vector_load %arg9[%parallel_loop3A_991, %parallel_loop3A_992] {strides = array<i32>} : memref<16x768xf32, #tpu.memory_space<vmem>>, vector<1x16xf32>,
        %parallel_loop3A_994 = vector.shape_cast %parallel_loop3A_993 : vector<1x16xf32> to vector<16xf32>
        %parallel_loop3A_995 = arith.constant 0 : i32
        %parallel_loop3A_996 = arith.index_cast %parallel_loop3A_995 : i32 to index
        %parallel_loop3A_997 = arith.index_cast %parallel_loop3A_250 : i32 to index
        %parallel_loop3A_998 = arith.constant 368 : index
        %parallel_loop3A_999 = tpu.vector_load %arg11[%parallel_loop3A_996, %parallel_loop3A_997, %parallel_loop3A_998] {strides = array<i32>} : memref<4x16x768xf32, #tpu.memory_space<vmem>>, vector<1x1x16xf32>,
        %parallel_loop3A_1000 = vector.shape_cast %parallel_loop3A_999 : vector<1x1x16xf32> to vector<16xf32>
        %parallel_loop3A_1001 = vector.shape_cast %parallel_loop3A_962 : vector<16xf32> to vector<1x1x16xf32>
        tpu.vector_store %arg11[%parallel_loop3A_996, %parallel_loop3A_997, %parallel_loop3A_998], %parallel_loop3A_1001 {add = true, strides = array<i32>} : memref<4x16x768xf32, #tpu.memory_space<vmem>>, vector<1x1x16xf32>,
        %parallel_loop3A_1002 = arith.constant 1 : i32
        %parallel_loop3A_1003 = arith.index_cast %parallel_loop3A_1002 : i32 to index
        %parallel_loop3A_1004 = arith.index_cast %parallel_loop3A_250 : i32 to index
        %parallel_loop3A_1005 = arith.constant 368 : index
        %parallel_loop3A_1006 = tpu.vector_load %arg11[%parallel_loop3A_1003, %parallel_loop3A_1004, %parallel_loop3A_1005] {strides = array<i32>} : memref<4x16x768xf32, #tpu.memory_space<vmem>>, vector<1x1x16xf32>,
        %parallel_loop3A_1007 = vector.shape_cast %parallel_loop3A_1006 : vector<1x1x16xf32> to vector<16xf32>
        %parallel_loop3A_1008 = vector.shape_cast %parallel_loop3A_962 : vector<16xf32> to vector<1x1x16xf32>
        tpu.vector_store %arg11[%parallel_loop3A_1003, %parallel_loop3A_1004, %parallel_loop3A_1005], %parallel_loop3A_1008 {add = true, strides = array<i32>} : memref<4x16x768xf32, #tpu.memory_space<vmem>>, vector<1x1x16xf32>,
        %parallel_loop3A_1009 = arith.constant 2 : i32
        %parallel_loop3A_1010 = arith.index_cast %parallel_loop3A_1009 : i32 to index
        %parallel_loop3A_1011 = arith.index_cast %parallel_loop3A_250 : i32 to index
        %parallel_loop3A_1012 = arith.constant 368 : index
        %parallel_loop3A_1013 = tpu.vector_load %arg11[%parallel_loop3A_1010, %parallel_loop3A_1011, %parallel_loop3A_1012] {strides = array<i32>} : memref<4x16x768xf32, #tpu.memory_space<vmem>>, vector<1x1x16xf32>,
        %parallel_loop3A_1014 = vector.shape_cast %parallel_loop3A_1013 : vector<1x1x16xf32> to vector<16xf32>
        %parallel_loop3A_1015 = vector.shape_cast %parallel_loop3A_962 : vector<16xf32> to vector<1x1x16xf32>
        tpu.vector_store %arg11[%parallel_loop3A_1010, %parallel_loop3A_1011, %parallel_loop3A_1012], %parallel_loop3A_1015 {add = true, strides = array<i32>} : memref<4x16x768xf32, #tpu.memory_space<vmem>>, vector<1x1x16xf32>,
        %parallel_loop3A_1016 = arith.constant 3 : i32
        %parallel_loop3A_1017 = arith.index_cast %parallel_loop3A_1016 : i32 to index
        %parallel_loop3A_1018 = arith.index_cast %parallel_loop3A_250 : i32 to index
        %parallel_loop3A_1019 = arith.constant 368 : index
        %parallel_loop3A_1020 = tpu.vector_load %arg11[%parallel_loop3A_1017, %parallel_loop3A_1018, %parallel_loop3A_1019] {strides = array<i32>} : memref<4x16x768xf32, #tpu.memory_space<vmem>>, vector<1x1x16xf32>,
        %parallel_loop3A_1021 = vector.shape_cast %parallel_loop3A_1020 : vector<1x1x16xf32> to vector<16xf32>
        %parallel_loop3A_1022 = vector.shape_cast %parallel_loop3A_962 : vector<16xf32> to vector<1x1x16xf32>
        tpu.vector_store %arg11[%parallel_loop3A_1017, %parallel_loop3A_1018, %parallel_loop3A_1019], %parallel_loop3A_1022 {add = true, strides = array<i32>} : memref<4x16x768xf32, #tpu.memory_space<vmem>>, vector<1x1x16xf32>,
        %parallel_loop3A_1023 = arith.index_cast %parallel_loop3A_250 : i32 to index
        %parallel_loop3A_1024 = arith.constant 400 : index
        %parallel_loop3A_1025 = tpu.vector_load %arg9[%parallel_loop3A_1023, %parallel_loop3A_1024] {strides = array<i32>} : memref<16x768xf32, #tpu.memory_space<vmem>>, vector<1x16xf32>,
        %parallel_loop3A_1026 = vector.shape_cast %parallel_loop3A_1025 : vector<1x16xf32> to vector<16xf32>
        %parallel_loop3A_1027 = arith.constant 0 : i32
        %parallel_loop3A_1028 = arith.index_cast %parallel_loop3A_1027 : i32 to index
        %parallel_loop3A_1029 = arith.index_cast %parallel_loop3A_250 : i32 to index
        %parallel_loop3A_1030 = arith.constant 384 : index
        %parallel_loop3A_1031 = tpu.vector_load %arg11[%parallel_loop3A_1028, %parallel_loop3A_1029, %parallel_loop3A_1030] {strides = array<i32>} : memref<4x16x768xf32, #tpu.memory_space<vmem>>, vector<1x1x16xf32>,
        %parallel_loop3A_1032 = vector.shape_cast %parallel_loop3A_1031 : vector<1x1x16xf32> to vector<16xf32>
        %parallel_loop3A_1033 = vector.shape_cast %parallel_loop3A_994 : vector<16xf32> to vector<1x1x16xf32>
        tpu.vector_store %arg11[%parallel_loop3A_1028, %parallel_loop3A_1029, %parallel_loop3A_1030], %parallel_loop3A_1033 {add = true, strides = array<i32>} : memref<4x16x768xf32, #tpu.memory_space<vmem>>, vector<1x1x16xf32>,
        %parallel_loop3A_1034 = arith.constant 1 : i32
        %parallel_loop3A_1035 = arith.index_cast %parallel_loop3A_1034 : i32 to index
        %parallel_loop3A_1036 = arith.index_cast %parallel_loop3A_250 : i32 to index
        %parallel_loop3A_1037 = arith.constant 384 : index
        %parallel_loop3A_1038 = tpu.vector_load %arg11[%parallel_loop3A_1035, %parallel_loop3A_1036, %parallel_loop3A_1037] {strides = array<i32>} : memref<4x16x768xf32, #tpu.memory_space<vmem>>, vector<1x1x16xf32>,
        %parallel_loop3A_1039 = vector.shape_cast %parallel_loop3A_1038 : vector<1x1x16xf32> to vector<16xf32>
        %parallel_loop3A_1040 = vector.shape_cast %parallel_loop3A_994 : vector<16xf32> to vector<1x1x16xf32>
        tpu.vector_store %arg11[%parallel_loop3A_1035, %parallel_loop3A_1036, %parallel_loop3A_1037], %parallel_loop3A_1040 {add = true, strides = array<i32>} : memref<4x16x768xf32, #tpu.memory_space<vmem>>, vector<1x1x16xf32>,
        %parallel_loop3A_1041 = arith.constant 2 : i32
        %parallel_loop3A_1042 = arith.index_cast %parallel_loop3A_1041 : i32 to index
        %parallel_loop3A_1043 = arith.index_cast %parallel_loop3A_250 : i32 to index
        %parallel_loop3A_1044 = arith.constant 384 : index
        %parallel_loop3A_1045 = tpu.vector_load %arg11[%parallel_loop3A_1042, %parallel_loop3A_1043, %parallel_loop3A_1044] {strides = array<i32>} : memref<4x16x768xf32, #tpu.memory_space<vmem>>, vector<1x1x16xf32>,
        %parallel_loop3A_1046 = vector.shape_cast %parallel_loop3A_1045 : vector<1x1x16xf32> to vector<16xf32>
        %parallel_loop3A_1047 = vector.shape_cast %parallel_loop3A_994 : vector<16xf32> to vector<1x1x16xf32>
        tpu.vector_store %arg11[%parallel_loop3A_1042, %parallel_loop3A_1043, %parallel_loop3A_1044], %parallel_loop3A_1047 {add = true, strides = array<i32>} : memref<4x16x768xf32, #tpu.memory_space<vmem>>, vector<1x1x16xf32>,
        %parallel_loop3A_1048 = arith.constant 3 : i32
        %parallel_loop3A_1049 = arith.index_cast %parallel_loop3A_1048 : i32 to index
        %parallel_loop3A_1050 = arith.index_cast %parallel_loop3A_250 : i32 to index
        %parallel_loop3A_1051 = arith.constant 384 : index
        %parallel_loop3A_1052 = tpu.vector_load %arg11[%parallel_loop3A_1049, %parallel_loop3A_1050, %parallel_loop3A_1051] {strides = array<i32>} : memref<4x16x768xf32, #tpu.memory_space<vmem>>, vector<1x1x16xf32>,
        %parallel_loop3A_1053 = vector.shape_cast %parallel_loop3A_1052 : vector<1x1x16xf32> to vector<16xf32>
        %parallel_loop3A_1054 = vector.shape_cast %parallel_loop3A_994 : vector<16xf32> to vector<1x1x16xf32>
        tpu.vector_store %arg11[%parallel_loop3A_1049, %parallel_loop3A_1050, %parallel_loop3A_1051], %parallel_loop3A_1054 {add = true, strides = array<i32>} : memref<4x16x768xf32, #tpu.memory_space<vmem>>, vector<1x1x16xf32>,
        %parallel_loop3A_1055 = arith.index_cast %parallel_loop3A_250 : i32 to index
        %parallel_loop3A_1056 = arith.constant 416 : index
        %parallel_loop3A_1057 = tpu.vector_load %arg9[%parallel_loop3A_1055, %parallel_loop3A_1056] {strides = array<i32>} : memref<16x768xf32, #tpu.memory_space<vmem>>, vector<1x16xf32>,
        %parallel_loop3A_1058 = vector.shape_cast %parallel_loop3A_1057 : vector<1x16xf32> to vector<16xf32>
        %parallel_loop3A_1059 = arith.constant 0 : i32
        %parallel_loop3A_1060 = arith.index_cast %parallel_loop3A_1059 : i32 to index
        %parallel_loop3A_1061 = arith.index_cast %parallel_loop3A_250 : i32 to index
        %parallel_loop3A_1062 = arith.constant 400 : index
        %parallel_loop3A_1063 = tpu.vector_load %arg11[%parallel_loop3A_1060, %parallel_loop3A_1061, %parallel_loop3A_1062] {strides = array<i32>} : memref<4x16x768xf32, #tpu.memory_space<vmem>>, vector<1x1x16xf32>,
        %parallel_loop3A_1064 = vector.shape_cast %parallel_loop3A_1063 : vector<1x1x16xf32> to vector<16xf32>
        %parallel_loop3A_1065 = vector.shape_cast %parallel_loop3A_1026 : vector<16xf32> to vector<1x1x16xf32>
        tpu.vector_store %arg11[%parallel_loop3A_1060, %parallel_loop3A_1061, %parallel_loop3A_1062], %parallel_loop3A_1065 {add = true, strides = array<i32>} : memref<4x16x768xf32, #tpu.memory_space<vmem>>, vector<1x1x16xf32>,
        %parallel_loop3A_1066 = arith.constant 1 : i32
        %parallel_loop3A_1067 = arith.index_cast %parallel_loop3A_1066 : i32 to index
        %parallel_loop3A_1068 = arith.index_cast %parallel_loop3A_250 : i32 to index
        %parallel_loop3A_1069 = arith.constant 400 : index
        %parallel_loop3A_1070 = tpu.vector_load %arg11[%parallel_loop3A_1067, %parallel_loop3A_1068, %parallel_loop3A_1069] {strides = array<i32>} : memref<4x16x768xf32, #tpu.memory_space<vmem>>, vector<1x1x16xf32>,
        %parallel_loop3A_1071 = vector.shape_cast %parallel_loop3A_1070 : vector<1x1x16xf32> to vector<16xf32>
        %parallel_loop3A_1072 = vector.shape_cast %parallel_loop3A_1026 : vector<16xf32> to vector<1x1x16xf32>
        tpu.vector_store %arg11[%parallel_loop3A_1067, %parallel_loop3A_1068, %parallel_loop3A_1069], %parallel_loop3A_1072 {add = true, strides = array<i32>} : memref<4x16x768xf32, #tpu.memory_space<vmem>>, vector<1x1x16xf32>,
        %parallel_loop3A_1073 = arith.constant 2 : i32
        %parallel_loop3A_1074 = arith.index_cast %parallel_loop3A_1073 : i32 to index
        %parallel_loop3A_1075 = arith.index_cast %parallel_loop3A_250 : i32 to index
        %parallel_loop3A_1076 = arith.constant 400 : index
        %parallel_loop3A_1077 = tpu.vector_load %arg11[%parallel_loop3A_1074, %parallel_loop3A_1075, %parallel_loop3A_1076] {strides = array<i32>} : memref<4x16x768xf32, #tpu.memory_space<vmem>>, vector<1x1x16xf32>,
        %parallel_loop3A_1078 = vector.shape_cast %parallel_loop3A_1077 : vector<1x1x16xf32> to vector<16xf32>
        %parallel_loop3A_1079 = vector.shape_cast %parallel_loop3A_1026 : vector<16xf32> to vector<1x1x16xf32>
        tpu.vector_store %arg11[%parallel_loop3A_1074, %parallel_loop3A_1075, %parallel_loop3A_1076], %parallel_loop3A_1079 {add = true, strides = array<i32>} : memref<4x16x768xf32, #tpu.memory_space<vmem>>, vector<1x1x16xf32>,
        %parallel_loop3A_1080 = arith.constant 3 : i32
        %parallel_loop3A_1081 = arith.index_cast %parallel_loop3A_1080 : i32 to index
        %parallel_loop3A_1082 = arith.index_cast %parallel_loop3A_250 : i32 to index
        %parallel_loop3A_1083 = arith.constant 400 : index
        %parallel_loop3A_1084 = tpu.vector_load %arg11[%parallel_loop3A_1081, %parallel_loop3A_1082, %parallel_loop3A_1083] {strides = array<i32>} : memref<4x16x768xf32, #tpu.memory_space<vmem>>, vector<1x1x16xf32>,
        %parallel_loop3A_1085 = vector.shape_cast %parallel_loop3A_1084 : vector<1x1x16xf32> to vector<16xf32>
        %parallel_loop3A_1086 = vector.shape_cast %parallel_loop3A_1026 : vector<16xf32> to vector<1x1x16xf32>
        tpu.vector_store %arg11[%parallel_loop3A_1081, %parallel_loop3A_1082, %parallel_loop3A_1083], %parallel_loop3A_1086 {add = true, strides = array<i32>} : memref<4x16x768xf32, #tpu.memory_space<vmem>>, vector<1x1x16xf32>,
        %parallel_loop3A_1087 = arith.index_cast %parallel_loop3A_250 : i32 to index
        %parallel_loop3A_1088 = arith.constant 432 : index
        %parallel_loop3A_1089 = tpu.vector_load %arg9[%parallel_loop3A_1087, %parallel_loop3A_1088] {strides = array<i32>} : memref<16x768xf32, #tpu.memory_space<vmem>>, vector<1x16xf32>,
        %parallel_loop3A_1090 = vector.shape_cast %parallel_loop3A_1089 : vector<1x16xf32> to vector<16xf32>
        %parallel_loop3A_1091 = arith.constant 0 : i32
        %parallel_loop3A_1092 = arith.index_cast %parallel_loop3A_1091 : i32 to index
        %parallel_loop3A_1093 = arith.index_cast %parallel_loop3A_250 : i32 to index
        %parallel_loop3A_1094 = arith.constant 416 : index
        %parallel_loop3A_1095 = tpu.vector_load %arg11[%parallel_loop3A_1092, %parallel_loop3A_1093, %parallel_loop3A_1094] {strides = array<i32>} : memref<4x16x768xf32, #tpu.memory_space<vmem>>, vector<1x1x16xf32>,
        %parallel_loop3A_1096 = vector.shape_cast %parallel_loop3A_1095 : vector<1x1x16xf32> to vector<16xf32>
        %parallel_loop3A_1097 = vector.shape_cast %parallel_loop3A_1058 : vector<16xf32> to vector<1x1x16xf32>
        tpu.vector_store %arg11[%parallel_loop3A_1092, %parallel_loop3A_1093, %parallel_loop3A_1094], %parallel_loop3A_1097 {add = true, strides = array<i32>} : memref<4x16x768xf32, #tpu.memory_space<vmem>>, vector<1x1x16xf32>,
        %parallel_loop3A_1098 = arith.constant 1 : i32
        %parallel_loop3A_1099 = arith.index_cast %parallel_loop3A_1098 : i32 to index
        %parallel_loop3A_1100 = arith.index_cast %parallel_loop3A_250 : i32 to index
        %parallel_loop3A_1101 = arith.constant 416 : index
        %parallel_loop3A_1102 = tpu.vector_load %arg11[%parallel_loop3A_1099, %parallel_loop3A_1100, %parallel_loop3A_1101] {strides = array<i32>} : memref<4x16x768xf32, #tpu.memory_space<vmem>>, vector<1x1x16xf32>,
        %parallel_loop3A_1103 = vector.shape_cast %parallel_loop3A_1102 : vector<1x1x16xf32> to vector<16xf32>
        %parallel_loop3A_1104 = vector.shape_cast %parallel_loop3A_1058 : vector<16xf32> to vector<1x1x16xf32>
        tpu.vector_store %arg11[%parallel_loop3A_1099, %parallel_loop3A_1100, %parallel_loop3A_1101], %parallel_loop3A_1104 {add = true, strides = array<i32>} : memref<4x16x768xf32, #tpu.memory_space<vmem>>, vector<1x1x16xf32>,
        %parallel_loop3A_1105 = arith.constant 2 : i32
        %parallel_loop3A_1106 = arith.index_cast %parallel_loop3A_1105 : i32 to index
        %parallel_loop3A_1107 = arith.index_cast %parallel_loop3A_250 : i32 to index
        %parallel_loop3A_1108 = arith.constant 416 : index
        %parallel_loop3A_1109 = tpu.vector_load %arg11[%parallel_loop3A_1106, %parallel_loop3A_1107, %parallel_loop3A_1108] {strides = array<i32>} : memref<4x16x768xf32, #tpu.memory_space<vmem>>, vector<1x1x16xf32>,
        %parallel_loop3A_1110 = vector.shape_cast %parallel_loop3A_1109 : vector<1x1x16xf32> to vector<16xf32>
        %parallel_loop3A_1111 = vector.shape_cast %parallel_loop3A_1058 : vector<16xf32> to vector<1x1x16xf32>
        tpu.vector_store %arg11[%parallel_loop3A_1106, %parallel_loop3A_1107, %parallel_loop3A_1108], %parallel_loop3A_1111 {add = true, strides = array<i32>} : memref<4x16x768xf32, #tpu.memory_space<vmem>>, vector<1x1x16xf32>,
        %parallel_loop3A_1112 = arith.constant 3 : i32
        %parallel_loop3A_1113 = arith.index_cast %parallel_loop3A_1112 : i32 to index
        %parallel_loop3A_1114 = arith.index_cast %parallel_loop3A_250 : i32 to index
        %parallel_loop3A_1115 = arith.constant 416 : index
        %parallel_loop3A_1116 = tpu.vector_load %arg11[%parallel_loop3A_1113, %parallel_loop3A_1114, %parallel_loop3A_1115] {strides = array<i32>} : memref<4x16x768xf32, #tpu.memory_space<vmem>>, vector<1x1x16xf32>,
        %parallel_loop3A_1117 = vector.shape_cast %parallel_loop3A_1116 : vector<1x1x16xf32> to vector<16xf32>
        %parallel_loop3A_1118 = vector.shape_cast %parallel_loop3A_1058 : vector<16xf32> to vector<1x1x16xf32>
        tpu.vector_store %arg11[%parallel_loop3A_1113, %parallel_loop3A_1114, %parallel_loop3A_1115], %parallel_loop3A_1118 {add = true, strides = array<i32>} : memref<4x16x768xf32, #tpu.memory_space<vmem>>, vector<1x1x16xf32>,
        %parallel_loop3A_1119 = arith.index_cast %parallel_loop3A_250 : i32 to index
        %parallel_loop3A_1120 = arith.constant 448 : index
        %parallel_loop3A_1121 = tpu.vector_load %arg9[%parallel_loop3A_1119, %parallel_loop3A_1120] {strides = array<i32>} : memref<16x768xf32, #tpu.memory_space<vmem>>, vector<1x16xf32>,
        %parallel_loop3A_1122 = vector.shape_cast %parallel_loop3A_1121 : vector<1x16xf32> to vector<16xf32>
        %parallel_loop3A_1123 = arith.constant 0 : i32
        %parallel_loop3A_1124 = arith.index_cast %parallel_loop3A_1123 : i32 to index
        %parallel_loop3A_1125 = arith.index_cast %parallel_loop3A_250 : i32 to index
        %parallel_loop3A_1126 = arith.constant 432 : index
        %parallel_loop3A_1127 = tpu.vector_load %arg11[%parallel_loop3A_1124, %parallel_loop3A_1125, %parallel_loop3A_1126] {strides = array<i32>} : memref<4x16x768xf32, #tpu.memory_space<vmem>>, vector<1x1x16xf32>,
        %parallel_loop3A_1128 = vector.shape_cast %parallel_loop3A_1127 : vector<1x1x16xf32> to vector<16xf32>
        %parallel_loop3A_1129 = vector.shape_cast %parallel_loop3A_1090 : vector<16xf32> to vector<1x1x16xf32>
        tpu.vector_store %arg11[%parallel_loop3A_1124, %parallel_loop3A_1125, %parallel_loop3A_1126], %parallel_loop3A_1129 {add = true, strides = array<i32>} : memref<4x16x768xf32, #tpu.memory_space<vmem>>, vector<1x1x16xf32>,
        %parallel_loop3A_1130 = arith.constant 1 : i32
        %parallel_loop3A_1131 = arith.index_cast %parallel_loop3A_1130 : i32 to index
        %parallel_loop3A_1132 = arith.index_cast %parallel_loop3A_250 : i32 to index
        %parallel_loop3A_1133 = arith.constant 432 : index
        %parallel_loop3A_1134 = tpu.vector_load %arg11[%parallel_loop3A_1131, %parallel_loop3A_1132, %parallel_loop3A_1133] {strides = array<i32>} : memref<4x16x768xf32, #tpu.memory_space<vmem>>, vector<1x1x16xf32>,
        %parallel_loop3A_1135 = vector.shape_cast %parallel_loop3A_1134 : vector<1x1x16xf32> to vector<16xf32>
        %parallel_loop3A_1136 = vector.shape_cast %parallel_loop3A_1090 : vector<16xf32> to vector<1x1x16xf32>
        tpu.vector_store %arg11[%parallel_loop3A_1131, %parallel_loop3A_1132, %parallel_loop3A_1133], %parallel_loop3A_1136 {add = true, strides = array<i32>} : memref<4x16x768xf32, #tpu.memory_space<vmem>>, vector<1x1x16xf32>,
        %parallel_loop3A_1137 = arith.constant 2 : i32
        %parallel_loop3A_1138 = arith.index_cast %parallel_loop3A_1137 : i32 to index
        %parallel_loop3A_1139 = arith.index_cast %parallel_loop3A_250 : i32 to index
        %parallel_loop3A_1140 = arith.constant 432 : index
        %parallel_loop3A_1141 = tpu.vector_load %arg11[%parallel_loop3A_1138, %parallel_loop3A_1139, %parallel_loop3A_1140] {strides = array<i32>} : memref<4x16x768xf32, #tpu.memory_space<vmem>>, vector<1x1x16xf32>,
        %parallel_loop3A_1142 = vector.shape_cast %parallel_loop3A_1141 : vector<1x1x16xf32> to vector<16xf32>
        %parallel_loop3A_1143 = vector.shape_cast %parallel_loop3A_1090 : vector<16xf32> to vector<1x1x16xf32>
        tpu.vector_store %arg11[%parallel_loop3A_1138, %parallel_loop3A_1139, %parallel_loop3A_1140], %parallel_loop3A_1143 {add = true, strides = array<i32>} : memref<4x16x768xf32, #tpu.memory_space<vmem>>, vector<1x1x16xf32>,
        %parallel_loop3A_1144 = arith.constant 3 : i32
        %parallel_loop3A_1145 = arith.index_cast %parallel_loop3A_1144 : i32 to index
        %parallel_loop3A_1146 = arith.index_cast %parallel_loop3A_250 : i32 to index
        %parallel_loop3A_1147 = arith.constant 432 : index
        %parallel_loop3A_1148 = tpu.vector_load %arg11[%parallel_loop3A_1145, %parallel_loop3A_1146, %parallel_loop3A_1147] {strides = array<i32>} : memref<4x16x768xf32, #tpu.memory_space<vmem>>, vector<1x1x16xf32>,
        %parallel_loop3A_1149 = vector.shape_cast %parallel_loop3A_1148 : vector<1x1x16xf32> to vector<16xf32>
        %parallel_loop3A_1150 = vector.shape_cast %parallel_loop3A_1090 : vector<16xf32> to vector<1x1x16xf32>
        tpu.vector_store %arg11[%parallel_loop3A_1145, %parallel_loop3A_1146, %parallel_loop3A_1147], %parallel_loop3A_1150 {add = true, strides = array<i32>} : memref<4x16x768xf32, #tpu.memory_space<vmem>>, vector<1x1x16xf32>,
        %parallel_loop3A_1151 = arith.index_cast %parallel_loop3A_250 : i32 to index
        %parallel_loop3A_1152 = arith.constant 464 : index
        %parallel_loop3A_1153 = tpu.vector_load %arg9[%parallel_loop3A_1151, %parallel_loop3A_1152] {strides = array<i32>} : memref<16x768xf32, #tpu.memory_space<vmem>>, vector<1x16xf32>,
        %parallel_loop3A_1154 = vector.shape_cast %parallel_loop3A_1153 : vector<1x16xf32> to vector<16xf32>
        %parallel_loop3A_1155 = arith.constant 0 : i32
        %parallel_loop3A_1156 = arith.index_cast %parallel_loop3A_1155 : i32 to index
        %parallel_loop3A_1157 = arith.index_cast %parallel_loop3A_250 : i32 to index
        %parallel_loop3A_1158 = arith.constant 448 : index
        %parallel_loop3A_1159 = tpu.vector_load %arg11[%parallel_loop3A_1156, %parallel_loop3A_1157, %parallel_loop3A_1158] {strides = array<i32>} : memref<4x16x768xf32, #tpu.memory_space<vmem>>, vector<1x1x16xf32>,
        %parallel_loop3A_1160 = vector.shape_cast %parallel_loop3A_1159 : vector<1x1x16xf32> to vector<16xf32>
        %parallel_loop3A_1161 = vector.shape_cast %parallel_loop3A_1122 : vector<16xf32> to vector<1x1x16xf32>
        tpu.vector_store %arg11[%parallel_loop3A_1156, %parallel_loop3A_1157, %parallel_loop3A_1158], %parallel_loop3A_1161 {add = true, strides = array<i32>} : memref<4x16x768xf32, #tpu.memory_space<vmem>>, vector<1x1x16xf32>,
        %parallel_loop3A_1162 = arith.constant 1 : i32
        %parallel_loop3A_1163 = arith.index_cast %parallel_loop3A_1162 : i32 to index
        %parallel_loop3A_1164 = arith.index_cast %parallel_loop3A_250 : i32 to index
        %parallel_loop3A_1165 = arith.constant 448 : index
        %parallel_loop3A_1166 = tpu.vector_load %arg11[%parallel_loop3A_1163, %parallel_loop3A_1164, %parallel_loop3A_1165] {strides = array<i32>} : memref<4x16x768xf32, #tpu.memory_space<vmem>>, vector<1x1x16xf32>,
        %parallel_loop3A_1167 = vector.shape_cast %parallel_loop3A_1166 : vector<1x1x16xf32> to vector<16xf32>
        %parallel_loop3A_1168 = vector.shape_cast %parallel_loop3A_1122 : vector<16xf32> to vector<1x1x16xf32>
        tpu.vector_store %arg11[%parallel_loop3A_1163, %parallel_loop3A_1164, %parallel_loop3A_1165], %parallel_loop3A_1168 {add = true, strides = array<i32>} : memref<4x16x768xf32, #tpu.memory_space<vmem>>, vector<1x1x16xf32>,
        %parallel_loop3A_1169 = arith.constant 2 : i32
        %parallel_loop3A_1170 = arith.index_cast %parallel_loop3A_1169 : i32 to index
        %parallel_loop3A_1171 = arith.index_cast %parallel_loop3A_250 : i32 to index
        %parallel_loop3A_1172 = arith.constant 448 : index
        %parallel_loop3A_1173 = tpu.vector_load %arg11[%parallel_loop3A_1170, %parallel_loop3A_1171, %parallel_loop3A_1172] {strides = array<i32>} : memref<4x16x768xf32, #tpu.memory_space<vmem>>, vector<1x1x16xf32>,
        %parallel_loop3A_1174 = vector.shape_cast %parallel_loop3A_1173 : vector<1x1x16xf32> to vector<16xf32>
        %parallel_loop3A_1175 = vector.shape_cast %parallel_loop3A_1122 : vector<16xf32> to vector<1x1x16xf32>
        tpu.vector_store %arg11[%parallel_loop3A_1170, %parallel_loop3A_1171, %parallel_loop3A_1172], %parallel_loop3A_1175 {add = true, strides = array<i32>} : memref<4x16x768xf32, #tpu.memory_space<vmem>>, vector<1x1x16xf32>,
        %parallel_loop3A_1176 = arith.constant 3 : i32
        %parallel_loop3A_1177 = arith.index_cast %parallel_loop3A_1176 : i32 to index
        %parallel_loop3A_1178 = arith.index_cast %parallel_loop3A_250 : i32 to index
        %parallel_loop3A_1179 = arith.constant 448 : index
        %parallel_loop3A_1180 = tpu.vector_load %arg11[%parallel_loop3A_1177, %parallel_loop3A_1178, %parallel_loop3A_1179] {strides = array<i32>} : memref<4x16x768xf32, #tpu.memory_space<vmem>>, vector<1x1x16xf32>,
        %parallel_loop3A_1181 = vector.shape_cast %parallel_loop3A_1180 : vector<1x1x16xf32> to vector<16xf32>
        %parallel_loop3A_1182 = vector.shape_cast %parallel_loop3A_1122 : vector<16xf32> to vector<1x1x16xf32>
        tpu.vector_store %arg11[%parallel_loop3A_1177, %parallel_loop3A_1178, %parallel_loop3A_1179], %parallel_loop3A_1182 {add = true, strides = array<i32>} : memref<4x16x768xf32, #tpu.memory_space<vmem>>, vector<1x1x16xf32>,
        %parallel_loop3A_1183 = arith.index_cast %parallel_loop3A_250 : i32 to index
        %parallel_loop3A_1184 = arith.constant 480 : index
        %parallel_loop3A_1185 = tpu.vector_load %arg9[%parallel_loop3A_1183, %parallel_loop3A_1184] {strides = array<i32>} : memref<16x768xf32, #tpu.memory_space<vmem>>, vector<1x16xf32>,
        %parallel_loop3A_1186 = vector.shape_cast %parallel_loop3A_1185 : vector<1x16xf32> to vector<16xf32>
        %parallel_loop3A_1187 = arith.constant 0 : i32
        %parallel_loop3A_1188 = arith.index_cast %parallel_loop3A_1187 : i32 to index
        %parallel_loop3A_1189 = arith.index_cast %parallel_loop3A_250 : i32 to index
        %parallel_loop3A_1190 = arith.constant 464 : index
        %parallel_loop3A_1191 = tpu.vector_load %arg11[%parallel_loop3A_1188, %parallel_loop3A_1189, %parallel_loop3A_1190] {strides = array<i32>} : memref<4x16x768xf32, #tpu.memory_space<vmem>>, vector<1x1x16xf32>,
        %parallel_loop3A_1192 = vector.shape_cast %parallel_loop3A_1191 : vector<1x1x16xf32> to vector<16xf32>
        %parallel_loop3A_1193 = vector.shape_cast %parallel_loop3A_1154 : vector<16xf32> to vector<1x1x16xf32>
        tpu.vector_store %arg11[%parallel_loop3A_1188, %parallel_loop3A_1189, %parallel_loop3A_1190], %parallel_loop3A_1193 {add = true, strides = array<i32>} : memref<4x16x768xf32, #tpu.memory_space<vmem>>, vector<1x1x16xf32>,
        %parallel_loop3A_1194 = arith.constant 1 : i32
        %parallel_loop3A_1195 = arith.index_cast %parallel_loop3A_1194 : i32 to index
        %parallel_loop3A_1196 = arith.index_cast %parallel_loop3A_250 : i32 to index
        %parallel_loop3A_1197 = arith.constant 464 : index
        %parallel_loop3A_1198 = tpu.vector_load %arg11[%parallel_loop3A_1195, %parallel_loop3A_1196, %parallel_loop3A_1197] {strides = array<i32>} : memref<4x16x768xf32, #tpu.memory_space<vmem>>, vector<1x1x16xf32>,
        %parallel_loop3A_1199 = vector.shape_cast %parallel_loop3A_1198 : vector<1x1x16xf32> to vector<16xf32>
        %parallel_loop3A_1200 = vector.shape_cast %parallel_loop3A_1154 : vector<16xf32> to vector<1x1x16xf32>
        tpu.vector_store %arg11[%parallel_loop3A_1195, %parallel_loop3A_1196, %parallel_loop3A_1197], %parallel_loop3A_1200 {add = true, strides = array<i32>} : memref<4x16x768xf32, #tpu.memory_space<vmem>>, vector<1x1x16xf32>,
        %parallel_loop3A_1201 = arith.constant 2 : i32
        %parallel_loop3A_1202 = arith.index_cast %parallel_loop3A_1201 : i32 to index
        %parallel_loop3A_1203 = arith.index_cast %parallel_loop3A_250 : i32 to index
        %parallel_loop3A_1204 = arith.constant 464 : index
        %parallel_loop3A_1205 = tpu.vector_load %arg11[%parallel_loop3A_1202, %parallel_loop3A_1203, %parallel_loop3A_1204] {strides = array<i32>} : memref<4x16x768xf32, #tpu.memory_space<vmem>>, vector<1x1x16xf32>,
        %parallel_loop3A_1206 = vector.shape_cast %parallel_loop3A_1205 : vector<1x1x16xf32> to vector<16xf32>
        %parallel_loop3A_1207 = vector.shape_cast %parallel_loop3A_1154 : vector<16xf32> to vector<1x1x16xf32>
        tpu.vector_store %arg11[%parallel_loop3A_1202, %parallel_loop3A_1203, %parallel_loop3A_1204], %parallel_loop3A_1207 {add = true, strides = array<i32>} : memref<4x16x768xf32, #tpu.memory_space<vmem>>, vector<1x1x16xf32>,
        %parallel_loop3A_1208 = arith.constant 3 : i32
        %parallel_loop3A_1209 = arith.index_cast %parallel_loop3A_1208 : i32 to index
        %parallel_loop3A_1210 = arith.index_cast %parallel_loop3A_250 : i32 to index
        %parallel_loop3A_1211 = arith.constant 464 : index
        %parallel_loop3A_1212 = tpu.vector_load %arg11[%parallel_loop3A_1209, %parallel_loop3A_1210, %parallel_loop3A_1211] {strides = array<i32>} : memref<4x16x768xf32, #tpu.memory_space<vmem>>, vector<1x1x16xf32>,
        %parallel_loop3A_1213 = vector.shape_cast %parallel_loop3A_1212 : vector<1x1x16xf32> to vector<16xf32>
        %parallel_loop3A_1214 = vector.shape_cast %parallel_loop3A_1154 : vector<16xf32> to vector<1x1x16xf32>
        tpu.vector_store %arg11[%parallel_loop3A_1209, %parallel_loop3A_1210, %parallel_loop3A_1211], %parallel_loop3A_1214 {add = true, strides = array<i32>} : memref<4x16x768xf32, #tpu.memory_space<vmem>>, vector<1x1x16xf32>,
        %parallel_loop3A_1215 = arith.index_cast %parallel_loop3A_250 : i32 to index
        %parallel_loop3A_1216 = arith.constant 496 : index
        %parallel_loop3A_1217 = tpu.vector_load %arg9[%parallel_loop3A_1215, %parallel_loop3A_1216] {strides = array<i32>} : memref<16x768xf32, #tpu.memory_space<vmem>>, vector<1x16xf32>,
        %parallel_loop3A_1218 = vector.shape_cast %parallel_loop3A_1217 : vector<1x16xf32> to vector<16xf32>
        %parallel_loop3A_1219 = arith.constant 0 : i32
        %parallel_loop3A_1220 = arith.index_cast %parallel_loop3A_1219 : i32 to index
        %parallel_loop3A_1221 = arith.index_cast %parallel_loop3A_250 : i32 to index
        %parallel_loop3A_1222 = arith.constant 480 : index
        %parallel_loop3A_1223 = tpu.vector_load %arg11[%parallel_loop3A_1220, %parallel_loop3A_1221, %parallel_loop3A_1222] {strides = array<i32>} : memref<4x16x768xf32, #tpu.memory_space<vmem>>, vector<1x1x16xf32>,
        %parallel_loop3A_1224 = vector.shape_cast %parallel_loop3A_1223 : vector<1x1x16xf32> to vector<16xf32>
        %parallel_loop3A_1225 = vector.shape_cast %parallel_loop3A_1186 : vector<16xf32> to vector<1x1x16xf32>
        tpu.vector_store %arg11[%parallel_loop3A_1220, %parallel_loop3A_1221, %parallel_loop3A_1222], %parallel_loop3A_1225 {add = true, strides = array<i32>} : memref<4x16x768xf32, #tpu.memory_space<vmem>>, vector<1x1x16xf32>,
        %parallel_loop3A_1226 = arith.constant 1 : i32
        %parallel_loop3A_1227 = arith.index_cast %parallel_loop3A_1226 : i32 to index
        %parallel_loop3A_1228 = arith.index_cast %parallel_loop3A_250 : i32 to index
        %parallel_loop3A_1229 = arith.constant 480 : index
        %parallel_loop3A_1230 = tpu.vector_load %arg11[%parallel_loop3A_1227, %parallel_loop3A_1228, %parallel_loop3A_1229] {strides = array<i32>} : memref<4x16x768xf32, #tpu.memory_space<vmem>>, vector<1x1x16xf32>,
        %parallel_loop3A_1231 = vector.shape_cast %parallel_loop3A_1230 : vector<1x1x16xf32> to vector<16xf32>
        %parallel_loop3A_1232 = vector.shape_cast %parallel_loop3A_1186 : vector<16xf32> to vector<1x1x16xf32>
        tpu.vector_store %arg11[%parallel_loop3A_1227, %parallel_loop3A_1228, %parallel_loop3A_1229], %parallel_loop3A_1232 {add = true, strides = array<i32>} : memref<4x16x768xf32, #tpu.memory_space<vmem>>, vector<1x1x16xf32>,
        %parallel_loop3A_1233 = arith.constant 2 : i32
        %parallel_loop3A_1234 = arith.index_cast %parallel_loop3A_1233 : i32 to index
        %parallel_loop3A_1235 = arith.index_cast %parallel_loop3A_250 : i32 to index
        %parallel_loop3A_1236 = arith.constant 480 : index
        %parallel_loop3A_1237 = tpu.vector_load %arg11[%parallel_loop3A_1234, %parallel_loop3A_1235, %parallel_loop3A_1236] {strides = array<i32>} : memref<4x16x768xf32, #tpu.memory_space<vmem>>, vector<1x1x16xf32>,
        %parallel_loop3A_1238 = vector.shape_cast %parallel_loop3A_1237 : vector<1x1x16xf32> to vector<16xf32>
        %parallel_loop3A_1239 = vector.shape_cast %parallel_loop3A_1186 : vector<16xf32> to vector<1x1x16xf32>
        tpu.vector_store %arg11[%parallel_loop3A_1234, %parallel_loop3A_1235, %parallel_loop3A_1236], %parallel_loop3A_1239 {add = true, strides = array<i32>} : memref<4x16x768xf32, #tpu.memory_space<vmem>>, vector<1x1x16xf32>,
        %parallel_loop3A_1240 = arith.constant 3 : i32
        %parallel_loop3A_1241 = arith.index_cast %parallel_loop3A_1240 : i32 to index
        %parallel_loop3A_1242 = arith.index_cast %parallel_loop3A_250 : i32 to index
        %parallel_loop3A_1243 = arith.constant 480 : index
        %parallel_loop3A_1244 = tpu.vector_load %arg11[%parallel_loop3A_1241, %parallel_loop3A_1242, %parallel_loop3A_1243] {strides = array<i32>} : memref<4x16x768xf32, #tpu.memory_space<vmem>>, vector<1x1x16xf32>,
        %parallel_loop3A_1245 = vector.shape_cast %parallel_loop3A_1244 : vector<1x1x16xf32> to vector<16xf32>
        %parallel_loop3A_1246 = vector.shape_cast %parallel_loop3A_1186 : vector<16xf32> to vector<1x1x16xf32>
        tpu.vector_store %arg11[%parallel_loop3A_1241, %parallel_loop3A_1242, %parallel_loop3A_1243], %parallel_loop3A_1246 {add = true, strides = array<i32>} : memref<4x16x768xf32, #tpu.memory_space<vmem>>, vector<1x1x16xf32>,
        %parallel_loop3A_1247 = arith.index_cast %parallel_loop3A_250 : i32 to index
        %parallel_loop3A_1248 = arith.constant 512 : index
        %parallel_loop3A_1249 = tpu.vector_load %arg9[%parallel_loop3A_1247, %parallel_loop3A_1248] {strides = array<i32>} : memref<16x768xf32, #tpu.memory_space<vmem>>, vector<1x16xf32>,
        %parallel_loop3A_1250 = vector.shape_cast %parallel_loop3A_1249 : vector<1x16xf32> to vector<16xf32>
        %parallel_loop3A_1251 = arith.constant 0 : i32
        %parallel_loop3A_1252 = arith.index_cast %parallel_loop3A_1251 : i32 to index
        %parallel_loop3A_1253 = arith.index_cast %parallel_loop3A_250 : i32 to index
        %parallel_loop3A_1254 = arith.constant 496 : index
        %parallel_loop3A_1255 = tpu.vector_load %arg11[%parallel_loop3A_1252, %parallel_loop3A_1253, %parallel_loop3A_1254] {strides = array<i32>} : memref<4x16x768xf32, #tpu.memory_space<vmem>>, vector<1x1x16xf32>,
        %parallel_loop3A_1256 = vector.shape_cast %parallel_loop3A_1255 : vector<1x1x16xf32> to vector<16xf32>
        %parallel_loop3A_1257 = vector.shape_cast %parallel_loop3A_1218 : vector<16xf32> to vector<1x1x16xf32>
        tpu.vector_store %arg11[%parallel_loop3A_1252, %parallel_loop3A_1253, %parallel_loop3A_1254], %parallel_loop3A_1257 {add = true, strides = array<i32>} : memref<4x16x768xf32, #tpu.memory_space<vmem>>, vector<1x1x16xf32>,
        %parallel_loop3A_1258 = arith.constant 1 : i32
        %parallel_loop3A_1259 = arith.index_cast %parallel_loop3A_1258 : i32 to index
        %parallel_loop3A_1260 = arith.index_cast %parallel_loop3A_250 : i32 to index
        %parallel_loop3A_1261 = arith.constant 496 : index
        %parallel_loop3A_1262 = tpu.vector_load %arg11[%parallel_loop3A_1259, %parallel_loop3A_1260, %parallel_loop3A_1261] {strides = array<i32>} : memref<4x16x768xf32, #tpu.memory_space<vmem>>, vector<1x1x16xf32>,
        %parallel_loop3A_1263 = vector.shape_cast %parallel_loop3A_1262 : vector<1x1x16xf32> to vector<16xf32>
        %parallel_loop3A_1264 = vector.shape_cast %parallel_loop3A_1218 : vector<16xf32> to vector<1x1x16xf32>
        tpu.vector_store %arg11[%parallel_loop3A_1259, %parallel_loop3A_1260, %parallel_loop3A_1261], %parallel_loop3A_1264 {add = true, strides = array<i32>} : memref<4x16x768xf32, #tpu.memory_space<vmem>>, vector<1x1x16xf32>,
        %parallel_loop3A_1265 = arith.constant 2 : i32
        %parallel_loop3A_1266 = arith.index_cast %parallel_loop3A_1265 : i32 to index
        %parallel_loop3A_1267 = arith.index_cast %parallel_loop3A_250 : i32 to index
        %parallel_loop3A_1268 = arith.constant 496 : index
        %parallel_loop3A_1269 = tpu.vector_load %arg11[%parallel_loop3A_1266, %parallel_loop3A_1267, %parallel_loop3A_1268] {strides = array<i32>} : memref<4x16x768xf32, #tpu.memory_space<vmem>>, vector<1x1x16xf32>,
        %parallel_loop3A_1270 = vector.shape_cast %parallel_loop3A_1269 : vector<1x1x16xf32> to vector<16xf32>
        %parallel_loop3A_1271 = vector.shape_cast %parallel_loop3A_1218 : vector<16xf32> to vector<1x1x16xf32>
        tpu.vector_store %arg11[%parallel_loop3A_1266, %parallel_loop3A_1267, %parallel_loop3A_1268], %parallel_loop3A_1271 {add = true, strides = array<i32>} : memref<4x16x768xf32, #tpu.memory_space<vmem>>, vector<1x1x16xf32>,
        %parallel_loop3A_1272 = arith.constant 3 : i32
        %parallel_loop3A_1273 = arith.index_cast %parallel_loop3A_1272 : i32 to index
        %parallel_loop3A_1274 = arith.index_cast %parallel_loop3A_250 : i32 to index
        %parallel_loop3A_1275 = arith.constant 496 : index
        %parallel_loop3A_1276 = tpu.vector_load %arg11[%parallel_loop3A_1273, %parallel_loop3A_1274, %parallel_loop3A_1275] {strides = array<i32>} : memref<4x16x768xf32, #tpu.memory_space<vmem>>, vector<1x1x16xf32>,
        %parallel_loop3A_1277 = vector.shape_cast %parallel_loop3A_1276 : vector<1x1x16xf32> to vector<16xf32>
        %parallel_loop3A_1278 = vector.shape_cast %parallel_loop3A_1218 : vector<16xf32> to vector<1x1x16xf32>
        tpu.vector_store %arg11[%parallel_loop3A_1273, %parallel_loop3A_1274, %parallel_loop3A_1275], %parallel_loop3A_1278 {add = true, strides = array<i32>} : memref<4x16x768xf32, #tpu.memory_space<vmem>>, vector<1x1x16xf32>,
        %parallel_loop3A_1279 = arith.index_cast %parallel_loop3A_250 : i32 to index
        %parallel_loop3A_1280 = arith.constant 528 : index
        %parallel_loop3A_1281 = tpu.vector_load %arg9[%parallel_loop3A_1279, %parallel_loop3A_1280] {strides = array<i32>} : memref<16x768xf32, #tpu.memory_space<vmem>>, vector<1x16xf32>,
        %parallel_loop3A_1282 = vector.shape_cast %parallel_loop3A_1281 : vector<1x16xf32> to vector<16xf32>
        %parallel_loop3A_1283 = arith.constant 0 : i32
        %parallel_loop3A_1284 = arith.index_cast %parallel_loop3A_1283 : i32 to index
        %parallel_loop3A_1285 = arith.index_cast %parallel_loop3A_250 : i32 to index
        %parallel_loop3A_1286 = arith.constant 512 : index
        %parallel_loop3A_1287 = tpu.vector_load %arg11[%parallel_loop3A_1284, %parallel_loop3A_1285, %parallel_loop3A_1286] {strides = array<i32>} : memref<4x16x768xf32, #tpu.memory_space<vmem>>, vector<1x1x16xf32>,
        %parallel_loop3A_1288 = vector.shape_cast %parallel_loop3A_1287 : vector<1x1x16xf32> to vector<16xf32>
        %parallel_loop3A_1289 = vector.shape_cast %parallel_loop3A_1250 : vector<16xf32> to vector<1x1x16xf32>
        tpu.vector_store %arg11[%parallel_loop3A_1284, %parallel_loop3A_1285, %parallel_loop3A_1286], %parallel_loop3A_1289 {add = true, strides = array<i32>} : memref<4x16x768xf32, #tpu.memory_space<vmem>>, vector<1x1x16xf32>,
        %parallel_loop3A_1290 = arith.constant 1 : i32
        %parallel_loop3A_1291 = arith.index_cast %parallel_loop3A_1290 : i32 to index
        %parallel_loop3A_1292 = arith.index_cast %parallel_loop3A_250 : i32 to index
        %parallel_loop3A_1293 = arith.constant 512 : index
        %parallel_loop3A_1294 = tpu.vector_load %arg11[%parallel_loop3A_1291, %parallel_loop3A_1292, %parallel_loop3A_1293] {strides = array<i32>} : memref<4x16x768xf32, #tpu.memory_space<vmem>>, vector<1x1x16xf32>,
        %parallel_loop3A_1295 = vector.shape_cast %parallel_loop3A_1294 : vector<1x1x16xf32> to vector<16xf32>
        %parallel_loop3A_1296 = vector.shape_cast %parallel_loop3A_1250 : vector<16xf32> to vector<1x1x16xf32>
        tpu.vector_store %arg11[%parallel_loop3A_1291, %parallel_loop3A_1292, %parallel_loop3A_1293], %parallel_loop3A_1296 {add = true, strides = array<i32>} : memref<4x16x768xf32, #tpu.memory_space<vmem>>, vector<1x1x16xf32>,
        %parallel_loop3A_1297 = arith.constant 2 : i32
        %parallel_loop3A_1298 = arith.index_cast %parallel_loop3A_1297 : i32 to index
        %parallel_loop3A_1299 = arith.index_cast %parallel_loop3A_250 : i32 to index
        %parallel_loop3A_1300 = arith.constant 512 : index
        %parallel_loop3A_1301 = tpu.vector_load %arg11[%parallel_loop3A_1298, %parallel_loop3A_1299, %parallel_loop3A_1300] {strides = array<i32>} : memref<4x16x768xf32, #tpu.memory_space<vmem>>, vector<1x1x16xf32>,
        %parallel_loop3A_1302 = vector.shape_cast %parallel_loop3A_1301 : vector<1x1x16xf32> to vector<16xf32>
        %parallel_loop3A_1303 = vector.shape_cast %parallel_loop3A_1250 : vector<16xf32> to vector<1x1x16xf32>
        tpu.vector_store %arg11[%parallel_loop3A_1298, %parallel_loop3A_1299, %parallel_loop3A_1300], %parallel_loop3A_1303 {add = true, strides = array<i32>} : memref<4x16x768xf32, #tpu.memory_space<vmem>>, vector<1x1x16xf32>,
        %parallel_loop3A_1304 = arith.constant 3 : i32
        %parallel_loop3A_1305 = arith.index_cast %parallel_loop3A_1304 : i32 to index
        %parallel_loop3A_1306 = arith.index_cast %parallel_loop3A_250 : i32 to index
        %parallel_loop3A_1307 = arith.constant 512 : index
        %parallel_loop3A_1308 = tpu.vector_load %arg11[%parallel_loop3A_1305, %parallel_loop3A_1306, %parallel_loop3A_1307] {strides = array<i32>} : memref<4x16x768xf32, #tpu.memory_space<vmem>>, vector<1x1x16xf32>,
        %parallel_loop3A_1309 = vector.shape_cast %parallel_loop3A_1308 : vector<1x1x16xf32> to vector<16xf32>
        %parallel_loop3A_1310 = vector.shape_cast %parallel_loop3A_1250 : vector<16xf32> to vector<1x1x16xf32>
        tpu.vector_store %arg11[%parallel_loop3A_1305, %parallel_loop3A_1306, %parallel_loop3A_1307], %parallel_loop3A_1310 {add = true, strides = array<i32>} : memref<4x16x768xf32, #tpu.memory_space<vmem>>, vector<1x1x16xf32>,
        %parallel_loop3A_1311 = arith.index_cast %parallel_loop3A_250 : i32 to index
        %parallel_loop3A_1312 = arith.constant 544 : index
        %parallel_loop3A_1313 = tpu.vector_load %arg9[%parallel_loop3A_1311, %parallel_loop3A_1312] {strides = array<i32>} : memref<16x768xf32, #tpu.memory_space<vmem>>, vector<1x16xf32>,
        %parallel_loop3A_1314 = vector.shape_cast %parallel_loop3A_1313 : vector<1x16xf32> to vector<16xf32>
        %parallel_loop3A_1315 = arith.constant 0 : i32
        %parallel_loop3A_1316 = arith.index_cast %parallel_loop3A_1315 : i32 to index
        %parallel_loop3A_1317 = arith.index_cast %parallel_loop3A_250 : i32 to index
        %parallel_loop3A_1318 = arith.constant 528 : index
        %parallel_loop3A_1319 = tpu.vector_load %arg11[%parallel_loop3A_1316, %parallel_loop3A_1317, %parallel_loop3A_1318] {strides = array<i32>} : memref<4x16x768xf32, #tpu.memory_space<vmem>>, vector<1x1x16xf32>,
        %parallel_loop3A_1320 = vector.shape_cast %parallel_loop3A_1319 : vector<1x1x16xf32> to vector<16xf32>
        %parallel_loop3A_1321 = vector.shape_cast %parallel_loop3A_1282 : vector<16xf32> to vector<1x1x16xf32>
        tpu.vector_store %arg11[%parallel_loop3A_1316, %parallel_loop3A_1317, %parallel_loop3A_1318], %parallel_loop3A_1321 {add = true, strides = array<i32>} : memref<4x16x768xf32, #tpu.memory_space<vmem>>, vector<1x1x16xf32>,
        %parallel_loop3A_1322 = arith.constant 1 : i32
        %parallel_loop3A_1323 = arith.index_cast %parallel_loop3A_1322 : i32 to index
        %parallel_loop3A_1324 = arith.index_cast %parallel_loop3A_250 : i32 to index
        %parallel_loop3A_1325 = arith.constant 528 : index
        %parallel_loop3A_1326 = tpu.vector_load %arg11[%parallel_loop3A_1323, %parallel_loop3A_1324, %parallel_loop3A_1325] {strides = array<i32>} : memref<4x16x768xf32, #tpu.memory_space<vmem>>, vector<1x1x16xf32>,
        %parallel_loop3A_1327 = vector.shape_cast %parallel_loop3A_1326 : vector<1x1x16xf32> to vector<16xf32>
        %parallel_loop3A_1328 = vector.shape_cast %parallel_loop3A_1282 : vector<16xf32> to vector<1x1x16xf32>
        tpu.vector_store %arg11[%parallel_loop3A_1323, %parallel_loop3A_1324, %parallel_loop3A_1325], %parallel_loop3A_1328 {add = true, strides = array<i32>} : memref<4x16x768xf32, #tpu.memory_space<vmem>>, vector<1x1x16xf32>,
        %parallel_loop3A_1329 = arith.constant 2 : i32
        %parallel_loop3A_1330 = arith.index_cast %parallel_loop3A_1329 : i32 to index
        %parallel_loop3A_1331 = arith.index_cast %parallel_loop3A_250 : i32 to index
        %parallel_loop3A_1332 = arith.constant 528 : index
        %parallel_loop3A_1333 = tpu.vector_load %arg11[%parallel_loop3A_1330, %parallel_loop3A_1331, %parallel_loop3A_1332] {strides = array<i32>} : memref<4x16x768xf32, #tpu.memory_space<vmem>>, vector<1x1x16xf32>,
        %parallel_loop3A_1334 = vector.shape_cast %parallel_loop3A_1333 : vector<1x1x16xf32> to vector<16xf32>
        %parallel_loop3A_1335 = vector.shape_cast %parallel_loop3A_1282 : vector<16xf32> to vector<1x1x16xf32>
        tpu.vector_store %arg11[%parallel_loop3A_1330, %parallel_loop3A_1331, %parallel_loop3A_1332], %parallel_loop3A_1335 {add = true, strides = array<i32>} : memref<4x16x768xf32, #tpu.memory_space<vmem>>, vector<1x1x16xf32>,
        %parallel_loop3A_1336 = arith.constant 3 : i32
        %parallel_loop3A_1337 = arith.index_cast %parallel_loop3A_1336 : i32 to index
        %parallel_loop3A_1338 = arith.index_cast %parallel_loop3A_250 : i32 to index
        %parallel_loop3A_1339 = arith.constant 528 : index
        %parallel_loop3A_1340 = tpu.vector_load %arg11[%parallel_loop3A_1337, %parallel_loop3A_1338, %parallel_loop3A_1339] {strides = array<i32>} : memref<4x16x768xf32, #tpu.memory_space<vmem>>, vector<1x1x16xf32>,
        %parallel_loop3A_1341 = vector.shape_cast %parallel_loop3A_1340 : vector<1x1x16xf32> to vector<16xf32>
        %parallel_loop3A_1342 = vector.shape_cast %parallel_loop3A_1282 : vector<16xf32> to vector<1x1x16xf32>
        tpu.vector_store %arg11[%parallel_loop3A_1337, %parallel_loop3A_1338, %parallel_loop3A_1339], %parallel_loop3A_1342 {add = true, strides = array<i32>} : memref<4x16x768xf32, #tpu.memory_space<vmem>>, vector<1x1x16xf32>,
        %parallel_loop3A_1343 = arith.index_cast %parallel_loop3A_250 : i32 to index
        %parallel_loop3A_1344 = arith.constant 560 : index
        %parallel_loop3A_1345 = tpu.vector_load %arg9[%parallel_loop3A_1343, %parallel_loop3A_1344] {strides = array<i32>} : memref<16x768xf32, #tpu.memory_space<vmem>>, vector<1x16xf32>,
        %parallel_loop3A_1346 = vector.shape_cast %parallel_loop3A_1345 : vector<1x16xf32> to vector<16xf32>
        %parallel_loop3A_1347 = arith.constant 0 : i32
        %parallel_loop3A_1348 = arith.index_cast %parallel_loop3A_1347 : i32 to index
        %parallel_loop3A_1349 = arith.index_cast %parallel_loop3A_250 : i32 to index
        %parallel_loop3A_1350 = arith.constant 544 : index
        %parallel_loop3A_1351 = tpu.vector_load %arg11[%parallel_loop3A_1348, %parallel_loop3A_1349, %parallel_loop3A_1350] {strides = array<i32>} : memref<4x16x768xf32, #tpu.memory_space<vmem>>, vector<1x1x16xf32>,
        %parallel_loop3A_1352 = vector.shape_cast %parallel_loop3A_1351 : vector<1x1x16xf32> to vector<16xf32>
        %parallel_loop3A_1353 = vector.shape_cast %parallel_loop3A_1314 : vector<16xf32> to vector<1x1x16xf32>
        tpu.vector_store %arg11[%parallel_loop3A_1348, %parallel_loop3A_1349, %parallel_loop3A_1350], %parallel_loop3A_1353 {add = true, strides = array<i32>} : memref<4x16x768xf32, #tpu.memory_space<vmem>>, vector<1x1x16xf32>,
        %parallel_loop3A_1354 = arith.constant 1 : i32
        %parallel_loop3A_1355 = arith.index_cast %parallel_loop3A_1354 : i32 to index
        %parallel_loop3A_1356 = arith.index_cast %parallel_loop3A_250 : i32 to index
        %parallel_loop3A_1357 = arith.constant 544 : index
        %parallel_loop3A_1358 = tpu.vector_load %arg11[%parallel_loop3A_1355, %parallel_loop3A_1356, %parallel_loop3A_1357] {strides = array<i32>} : memref<4x16x768xf32, #tpu.memory_space<vmem>>, vector<1x1x16xf32>,
        %parallel_loop3A_1359 = vector.shape_cast %parallel_loop3A_1358 : vector<1x1x16xf32> to vector<16xf32>
        %parallel_loop3A_1360 = vector.shape_cast %parallel_loop3A_1314 : vector<16xf32> to vector<1x1x16xf32>
        tpu.vector_store %arg11[%parallel_loop3A_1355, %parallel_loop3A_1356, %parallel_loop3A_1357], %parallel_loop3A_1360 {add = true, strides = array<i32>} : memref<4x16x768xf32, #tpu.memory_space<vmem>>, vector<1x1x16xf32>,
        %parallel_loop3A_1361 = arith.constant 2 : i32
        %parallel_loop3A_1362 = arith.index_cast %parallel_loop3A_1361 : i32 to index
        %parallel_loop3A_1363 = arith.index_cast %parallel_loop3A_250 : i32 to index
        %parallel_loop3A_1364 = arith.constant 544 : index
        %parallel_loop3A_1365 = tpu.vector_load %arg11[%parallel_loop3A_1362, %parallel_loop3A_1363, %parallel_loop3A_1364] {strides = array<i32>} : memref<4x16x768xf32, #tpu.memory_space<vmem>>, vector<1x1x16xf32>,
        %parallel_loop3A_1366 = vector.shape_cast %parallel_loop3A_1365 : vector<1x1x16xf32> to vector<16xf32>
        %parallel_loop3A_1367 = vector.shape_cast %parallel_loop3A_1314 : vector<16xf32> to vector<1x1x16xf32>
        tpu.vector_store %arg11[%parallel_loop3A_1362, %parallel_loop3A_1363, %parallel_loop3A_1364], %parallel_loop3A_1367 {add = true, strides = array<i32>} : memref<4x16x768xf32, #tpu.memory_space<vmem>>, vector<1x1x16xf32>,
        %parallel_loop3A_1368 = arith.constant 3 : i32
        %parallel_loop3A_1369 = arith.index_cast %parallel_loop3A_1368 : i32 to index
        %parallel_loop3A_1370 = arith.index_cast %parallel_loop3A_250 : i32 to index
        %parallel_loop3A_1371 = arith.constant 544 : index
        %parallel_loop3A_1372 = tpu.vector_load %arg11[%parallel_loop3A_1369, %parallel_loop3A_1370, %parallel_loop3A_1371] {strides = array<i32>} : memref<4x16x768xf32, #tpu.memory_space<vmem>>, vector<1x1x16xf32>,
        %parallel_loop3A_1373 = vector.shape_cast %parallel_loop3A_1372 : vector<1x1x16xf32> to vector<16xf32>
        %parallel_loop3A_1374 = vector.shape_cast %parallel_loop3A_1314 : vector<16xf32> to vector<1x1x16xf32>
        tpu.vector_store %arg11[%parallel_loop3A_1369, %parallel_loop3A_1370, %parallel_loop3A_1371], %parallel_loop3A_1374 {add = true, strides = array<i32>} : memref<4x16x768xf32, #tpu.memory_space<vmem>>, vector<1x1x16xf32>,
        %parallel_loop3A_1375 = arith.index_cast %parallel_loop3A_250 : i32 to index
        %parallel_loop3A_1376 = arith.constant 576 : index
        %parallel_loop3A_1377 = tpu.vector_load %arg9[%parallel_loop3A_1375, %parallel_loop3A_1376] {strides = array<i32>} : memref<16x768xf32, #tpu.memory_space<vmem>>, vector<1x16xf32>,
        %parallel_loop3A_1378 = vector.shape_cast %parallel_loop3A_1377 : vector<1x16xf32> to vector<16xf32>
        %parallel_loop3A_1379 = arith.constant 0 : i32
        %parallel_loop3A_1380 = arith.index_cast %parallel_loop3A_1379 : i32 to index
        %parallel_loop3A_1381 = arith.index_cast %parallel_loop3A_250 : i32 to index
        %parallel_loop3A_1382 = arith.constant 560 : index
        %parallel_loop3A_1383 = tpu.vector_load %arg11[%parallel_loop3A_1380, %parallel_loop3A_1381, %parallel_loop3A_1382] {strides = array<i32>} : memref<4x16x768xf32, #tpu.memory_space<vmem>>, vector<1x1x16xf32>,
        %parallel_loop3A_1384 = vector.shape_cast %parallel_loop3A_1383 : vector<1x1x16xf32> to vector<16xf32>
        %parallel_loop3A_1385 = vector.shape_cast %parallel_loop3A_1346 : vector<16xf32> to vector<1x1x16xf32>
        tpu.vector_store %arg11[%parallel_loop3A_1380, %parallel_loop3A_1381, %parallel_loop3A_1382], %parallel_loop3A_1385 {add = true, strides = array<i32>} : memref<4x16x768xf32, #tpu.memory_space<vmem>>, vector<1x1x16xf32>,
        %parallel_loop3A_1386 = arith.constant 1 : i32
        %parallel_loop3A_1387 = arith.index_cast %parallel_loop3A_1386 : i32 to index
        %parallel_loop3A_1388 = arith.index_cast %parallel_loop3A_250 : i32 to index
        %parallel_loop3A_1389 = arith.constant 560 : index
        %parallel_loop3A_1390 = tpu.vector_load %arg11[%parallel_loop3A_1387, %parallel_loop3A_1388, %parallel_loop3A_1389] {strides = array<i32>} : memref<4x16x768xf32, #tpu.memory_space<vmem>>, vector<1x1x16xf32>,
        %parallel_loop3A_1391 = vector.shape_cast %parallel_loop3A_1390 : vector<1x1x16xf32> to vector<16xf32>
        %parallel_loop3A_1392 = vector.shape_cast %parallel_loop3A_1346 : vector<16xf32> to vector<1x1x16xf32>
        tpu.vector_store %arg11[%parallel_loop3A_1387, %parallel_loop3A_1388, %parallel_loop3A_1389], %parallel_loop3A_1392 {add = true, strides = array<i32>} : memref<4x16x768xf32, #tpu.memory_space<vmem>>, vector<1x1x16xf32>,
        %parallel_loop3A_1393 = arith.constant 2 : i32
        %parallel_loop3A_1394 = arith.index_cast %parallel_loop3A_1393 : i32 to index
        %parallel_loop3A_1395 = arith.index_cast %parallel_loop3A_250 : i32 to index
        %parallel_loop3A_1396 = arith.constant 560 : index
        %parallel_loop3A_1397 = tpu.vector_load %arg11[%parallel_loop3A_1394, %parallel_loop3A_1395, %parallel_loop3A_1396] {strides = array<i32>} : memref<4x16x768xf32, #tpu.memory_space<vmem>>, vector<1x1x16xf32>,
        %parallel_loop3A_1398 = vector.shape_cast %parallel_loop3A_1397 : vector<1x1x16xf32> to vector<16xf32>
        %parallel_loop3A_1399 = vector.shape_cast %parallel_loop3A_1346 : vector<16xf32> to vector<1x1x16xf32>
        tpu.vector_store %arg11[%parallel_loop3A_1394, %parallel_loop3A_1395, %parallel_loop3A_1396], %parallel_loop3A_1399 {add = true, strides = array<i32>} : memref<4x16x768xf32, #tpu.memory_space<vmem>>, vector<1x1x16xf32>,
        %parallel_loop3A_1400 = arith.constant 3 : i32
        %parallel_loop3A_1401 = arith.index_cast %parallel_loop3A_1400 : i32 to index
        %parallel_loop3A_1402 = arith.index_cast %parallel_loop3A_250 : i32 to index
        %parallel_loop3A_1403 = arith.constant 560 : index
        %parallel_loop3A_1404 = tpu.vector_load %arg11[%parallel_loop3A_1401, %parallel_loop3A_1402, %parallel_loop3A_1403] {strides = array<i32>} : memref<4x16x768xf32, #tpu.memory_space<vmem>>, vector<1x1x16xf32>,
        %parallel_loop3A_1405 = vector.shape_cast %parallel_loop3A_1404 : vector<1x1x16xf32> to vector<16xf32>
        %parallel_loop3A_1406 = vector.shape_cast %parallel_loop3A_1346 : vector<16xf32> to vector<1x1x16xf32>
        tpu.vector_store %arg11[%parallel_loop3A_1401, %parallel_loop3A_1402, %parallel_loop3A_1403], %parallel_loop3A_1406 {add = true, strides = array<i32>} : memref<4x16x768xf32, #tpu.memory_space<vmem>>, vector<1x1x16xf32>,
        %parallel_loop3A_1407 = arith.index_cast %parallel_loop3A_250 : i32 to index
        %parallel_loop3A_1408 = arith.constant 592 : index
        %parallel_loop3A_1409 = tpu.vector_load %arg9[%parallel_loop3A_1407, %parallel_loop3A_1408] {strides = array<i32>} : memref<16x768xf32, #tpu.memory_space<vmem>>, vector<1x16xf32>,
        %parallel_loop3A_1410 = vector.shape_cast %parallel_loop3A_1409 : vector<1x16xf32> to vector<16xf32>
        %parallel_loop3A_1411 = arith.constant 0 : i32
        %parallel_loop3A_1412 = arith.index_cast %parallel_loop3A_1411 : i32 to index
        %parallel_loop3A_1413 = arith.index_cast %parallel_loop3A_250 : i32 to index
        %parallel_loop3A_1414 = arith.constant 576 : index
        %parallel_loop3A_1415 = tpu.vector_load %arg11[%parallel_loop3A_1412, %parallel_loop3A_1413, %parallel_loop3A_1414] {strides = array<i32>} : memref<4x16x768xf32, #tpu.memory_space<vmem>>, vector<1x1x16xf32>,
        %parallel_loop3A_1416 = vector.shape_cast %parallel_loop3A_1415 : vector<1x1x16xf32> to vector<16xf32>
        %parallel_loop3A_1417 = vector.shape_cast %parallel_loop3A_1378 : vector<16xf32> to vector<1x1x16xf32>
        tpu.vector_store %arg11[%parallel_loop3A_1412, %parallel_loop3A_1413, %parallel_loop3A_1414], %parallel_loop3A_1417 {add = true, strides = array<i32>} : memref<4x16x768xf32, #tpu.memory_space<vmem>>, vector<1x1x16xf32>,
        %parallel_loop3A_1418 = arith.constant 1 : i32
        %parallel_loop3A_1419 = arith.index_cast %parallel_loop3A_1418 : i32 to index
        %parallel_loop3A_1420 = arith.index_cast %parallel_loop3A_250 : i32 to index
        %parallel_loop3A_1421 = arith.constant 576 : index
        %parallel_loop3A_1422 = tpu.vector_load %arg11[%parallel_loop3A_1419, %parallel_loop3A_1420, %parallel_loop3A_1421] {strides = array<i32>} : memref<4x16x768xf32, #tpu.memory_space<vmem>>, vector<1x1x16xf32>,
        %parallel_loop3A_1423 = vector.shape_cast %parallel_loop3A_1422 : vector<1x1x16xf32> to vector<16xf32>
        %parallel_loop3A_1424 = vector.shape_cast %parallel_loop3A_1378 : vector<16xf32> to vector<1x1x16xf32>
        tpu.vector_store %arg11[%parallel_loop3A_1419, %parallel_loop3A_1420, %parallel_loop3A_1421], %parallel_loop3A_1424 {add = true, strides = array<i32>} : memref<4x16x768xf32, #tpu.memory_space<vmem>>, vector<1x1x16xf32>,
        %parallel_loop3A_1425 = arith.constant 2 : i32
        %parallel_loop3A_1426 = arith.index_cast %parallel_loop3A_1425 : i32 to index
        %parallel_loop3A_1427 = arith.index_cast %parallel_loop3A_250 : i32 to index
        %parallel_loop3A_1428 = arith.constant 576 : index
        %parallel_loop3A_1429 = tpu.vector_load %arg11[%parallel_loop3A_1426, %parallel_loop3A_1427, %parallel_loop3A_1428] {strides = array<i32>} : memref<4x16x768xf32, #tpu.memory_space<vmem>>, vector<1x1x16xf32>,
        %parallel_loop3A_1430 = vector.shape_cast %parallel_loop3A_1429 : vector<1x1x16xf32> to vector<16xf32>
        %parallel_loop3A_1431 = vector.shape_cast %parallel_loop3A_1378 : vector<16xf32> to vector<1x1x16xf32>
        tpu.vector_store %arg11[%parallel_loop3A_1426, %parallel_loop3A_1427, %parallel_loop3A_1428], %parallel_loop3A_1431 {add = true, strides = array<i32>} : memref<4x16x768xf32, #tpu.memory_space<vmem>>, vector<1x1x16xf32>,
        %parallel_loop3A_1432 = arith.constant 3 : i32
        %parallel_loop3A_1433 = arith.index_cast %parallel_loop3A_1432 : i32 to index
        %parallel_loop3A_1434 = arith.index_cast %parallel_loop3A_250 : i32 to index
        %parallel_loop3A_1435 = arith.constant 576 : index
        %parallel_loop3A_1436 = tpu.vector_load %arg11[%parallel_loop3A_1433, %parallel_loop3A_1434, %parallel_loop3A_1435] {strides = array<i32>} : memref<4x16x768xf32, #tpu.memory_space<vmem>>, vector<1x1x16xf32>,
        %parallel_loop3A_1437 = vector.shape_cast %parallel_loop3A_1436 : vector<1x1x16xf32> to vector<16xf32>
        %parallel_loop3A_1438 = vector.shape_cast %parallel_loop3A_1378 : vector<16xf32> to vector<1x1x16xf32>
        tpu.vector_store %arg11[%parallel_loop3A_1433, %parallel_loop3A_1434, %parallel_loop3A_1435], %parallel_loop3A_1438 {add = true, strides = array<i32>} : memref<4x16x768xf32, #tpu.memory_space<vmem>>, vector<1x1x16xf32>,
        %parallel_loop3A_1439 = arith.index_cast %parallel_loop3A_250 : i32 to index
        %parallel_loop3A_1440 = arith.constant 608 : index
        %parallel_loop3A_1441 = tpu.vector_load %arg9[%parallel_loop3A_1439, %parallel_loop3A_1440] {strides = array<i32>} : memref<16x768xf32, #tpu.memory_space<vmem>>, vector<1x16xf32>,
        %parallel_loop3A_1442 = vector.shape_cast %parallel_loop3A_1441 : vector<1x16xf32> to vector<16xf32>
        %parallel_loop3A_1443 = arith.constant 0 : i32
        %parallel_loop3A_1444 = arith.index_cast %parallel_loop3A_1443 : i32 to index
        %parallel_loop3A_1445 = arith.index_cast %parallel_loop3A_250 : i32 to index
        %parallel_loop3A_1446 = arith.constant 592 : index
        %parallel_loop3A_1447 = tpu.vector_load %arg11[%parallel_loop3A_1444, %parallel_loop3A_1445, %parallel_loop3A_1446] {strides = array<i32>} : memref<4x16x768xf32, #tpu.memory_space<vmem>>, vector<1x1x16xf32>,
        %parallel_loop3A_1448 = vector.shape_cast %parallel_loop3A_1447 : vector<1x1x16xf32> to vector<16xf32>
        %parallel_loop3A_1449 = vector.shape_cast %parallel_loop3A_1410 : vector<16xf32> to vector<1x1x16xf32>
        tpu.vector_store %arg11[%parallel_loop3A_1444, %parallel_loop3A_1445, %parallel_loop3A_1446], %parallel_loop3A_1449 {add = true, strides = array<i32>} : memref<4x16x768xf32, #tpu.memory_space<vmem>>, vector<1x1x16xf32>,
        %parallel_loop3A_1450 = arith.constant 1 : i32
        %parallel_loop3A_1451 = arith.index_cast %parallel_loop3A_1450 : i32 to index
        %parallel_loop3A_1452 = arith.index_cast %parallel_loop3A_250 : i32 to index
        %parallel_loop3A_1453 = arith.constant 592 : index
        %parallel_loop3A_1454 = tpu.vector_load %arg11[%parallel_loop3A_1451, %parallel_loop3A_1452, %parallel_loop3A_1453] {strides = array<i32>} : memref<4x16x768xf32, #tpu.memory_space<vmem>>, vector<1x1x16xf32>,
        %parallel_loop3A_1455 = vector.shape_cast %parallel_loop3A_1454 : vector<1x1x16xf32> to vector<16xf32>
        %parallel_loop3A_1456 = vector.shape_cast %parallel_loop3A_1410 : vector<16xf32> to vector<1x1x16xf32>
        tpu.vector_store %arg11[%parallel_loop3A_1451, %parallel_loop3A_1452, %parallel_loop3A_1453], %parallel_loop3A_1456 {add = true, strides = array<i32>} : memref<4x16x768xf32, #tpu.memory_space<vmem>>, vector<1x1x16xf32>,
        %parallel_loop3A_1457 = arith.constant 2 : i32
        %parallel_loop3A_1458 = arith.index_cast %parallel_loop3A_1457 : i32 to index
        %parallel_loop3A_1459 = arith.index_cast %parallel_loop3A_250 : i32 to index
        %parallel_loop3A_1460 = arith.constant 592 : index
        %parallel_loop3A_1461 = tpu.vector_load %arg11[%parallel_loop3A_1458, %parallel_loop3A_1459, %parallel_loop3A_1460] {strides = array<i32>} : memref<4x16x768xf32, #tpu.memory_space<vmem>>, vector<1x1x16xf32>,
        %parallel_loop3A_1462 = vector.shape_cast %parallel_loop3A_1461 : vector<1x1x16xf32> to vector<16xf32>
        %parallel_loop3A_1463 = vector.shape_cast %parallel_loop3A_1410 : vector<16xf32> to vector<1x1x16xf32>
        tpu.vector_store %arg11[%parallel_loop3A_1458, %parallel_loop3A_1459, %parallel_loop3A_1460], %parallel_loop3A_1463 {add = true, strides = array<i32>} : memref<4x16x768xf32, #tpu.memory_space<vmem>>, vector<1x1x16xf32>,
        %parallel_loop3A_1464 = arith.constant 3 : i32
        %parallel_loop3A_1465 = arith.index_cast %parallel_loop3A_1464 : i32 to index
        %parallel_loop3A_1466 = arith.index_cast %parallel_loop3A_250 : i32 to index
        %parallel_loop3A_1467 = arith.constant 592 : index
        %parallel_loop3A_1468 = tpu.vector_load %arg11[%parallel_loop3A_1465, %parallel_loop3A_1466, %parallel_loop3A_1467] {strides = array<i32>} : memref<4x16x768xf32, #tpu.memory_space<vmem>>, vector<1x1x16xf32>,
        %parallel_loop3A_1469 = vector.shape_cast %parallel_loop3A_1468 : vector<1x1x16xf32> to vector<16xf32>
        %parallel_loop3A_1470 = vector.shape_cast %parallel_loop3A_1410 : vector<16xf32> to vector<1x1x16xf32>
        tpu.vector_store %arg11[%parallel_loop3A_1465, %parallel_loop3A_1466, %parallel_loop3A_1467], %parallel_loop3A_1470 {add = true, strides = array<i32>} : memref<4x16x768xf32, #tpu.memory_space<vmem>>, vector<1x1x16xf32>,
        %parallel_loop3A_1471 = arith.index_cast %parallel_loop3A_250 : i32 to index
        %parallel_loop3A_1472 = arith.constant 624 : index
        %parallel_loop3A_1473 = tpu.vector_load %arg9[%parallel_loop3A_1471, %parallel_loop3A_1472] {strides = array<i32>} : memref<16x768xf32, #tpu.memory_space<vmem>>, vector<1x16xf32>,
        %parallel_loop3A_1474 = vector.shape_cast %parallel_loop3A_1473 : vector<1x16xf32> to vector<16xf32>
        %parallel_loop3A_1475 = arith.constant 0 : i32
        %parallel_loop3A_1476 = arith.index_cast %parallel_loop3A_1475 : i32 to index
        %parallel_loop3A_1477 = arith.index_cast %parallel_loop3A_250 : i32 to index
        %parallel_loop3A_1478 = arith.constant 608 : index
        %parallel_loop3A_1479 = tpu.vector_load %arg11[%parallel_loop3A_1476, %parallel_loop3A_1477, %parallel_loop3A_1478] {strides = array<i32>} : memref<4x16x768xf32, #tpu.memory_space<vmem>>, vector<1x1x16xf32>,
        %parallel_loop3A_1480 = vector.shape_cast %parallel_loop3A_1479 : vector<1x1x16xf32> to vector<16xf32>
        %parallel_loop3A_1481 = vector.shape_cast %parallel_loop3A_1442 : vector<16xf32> to vector<1x1x16xf32>
        tpu.vector_store %arg11[%parallel_loop3A_1476, %parallel_loop3A_1477, %parallel_loop3A_1478], %parallel_loop3A_1481 {add = true, strides = array<i32>} : memref<4x16x768xf32, #tpu.memory_space<vmem>>, vector<1x1x16xf32>,
        %parallel_loop3A_1482 = arith.constant 1 : i32
        %parallel_loop3A_1483 = arith.index_cast %parallel_loop3A_1482 : i32 to index
        %parallel_loop3A_1484 = arith.index_cast %parallel_loop3A_250 : i32 to index
        %parallel_loop3A_1485 = arith.constant 608 : index
        %parallel_loop3A_1486 = tpu.vector_load %arg11[%parallel_loop3A_1483, %parallel_loop3A_1484, %parallel_loop3A_1485] {strides = array<i32>} : memref<4x16x768xf32, #tpu.memory_space<vmem>>, vector<1x1x16xf32>,
        %parallel_loop3A_1487 = vector.shape_cast %parallel_loop3A_1486 : vector<1x1x16xf32> to vector<16xf32>
        %parallel_loop3A_1488 = vector.shape_cast %parallel_loop3A_1442 : vector<16xf32> to vector<1x1x16xf32>
        tpu.vector_store %arg11[%parallel_loop3A_1483, %parallel_loop3A_1484, %parallel_loop3A_1485], %parallel_loop3A_1488 {add = true, strides = array<i32>} : memref<4x16x768xf32, #tpu.memory_space<vmem>>, vector<1x1x16xf32>,
        %parallel_loop3A_1489 = arith.constant 2 : i32
        %parallel_loop3A_1490 = arith.index_cast %parallel_loop3A_1489 : i32 to index
        %parallel_loop3A_1491 = arith.index_cast %parallel_loop3A_250 : i32 to index
        %parallel_loop3A_1492 = arith.constant 608 : index
        %parallel_loop3A_1493 = tpu.vector_load %arg11[%parallel_loop3A_1490, %parallel_loop3A_1491, %parallel_loop3A_1492] {strides = array<i32>} : memref<4x16x768xf32, #tpu.memory_space<vmem>>, vector<1x1x16xf32>,
        %parallel_loop3A_1494 = vector.shape_cast %parallel_loop3A_1493 : vector<1x1x16xf32> to vector<16xf32>
        %parallel_loop3A_1495 = vector.shape_cast %parallel_loop3A_1442 : vector<16xf32> to vector<1x1x16xf32>
        tpu.vector_store %arg11[%parallel_loop3A_1490, %parallel_loop3A_1491, %parallel_loop3A_1492], %parallel_loop3A_1495 {add = true, strides = array<i32>} : memref<4x16x768xf32, #tpu.memory_space<vmem>>, vector<1x1x16xf32>,
        %parallel_loop3A_1496 = arith.constant 3 : i32
        %parallel_loop3A_1497 = arith.index_cast %parallel_loop3A_1496 : i32 to index
        %parallel_loop3A_1498 = arith.index_cast %parallel_loop3A_250 : i32 to index
        %parallel_loop3A_1499 = arith.constant 608 : index
        %parallel_loop3A_1500 = tpu.vector_load %arg11[%parallel_loop3A_1497, %parallel_loop3A_1498, %parallel_loop3A_1499] {strides = array<i32>} : memref<4x16x768xf32, #tpu.memory_space<vmem>>, vector<1x1x16xf32>,
        %parallel_loop3A_1501 = vector.shape_cast %parallel_loop3A_1500 : vector<1x1x16xf32> to vector<16xf32>
        %parallel_loop3A_1502 = vector.shape_cast %parallel_loop3A_1442 : vector<16xf32> to vector<1x1x16xf32>
        tpu.vector_store %arg11[%parallel_loop3A_1497, %parallel_loop3A_1498, %parallel_loop3A_1499], %parallel_loop3A_1502 {add = true, strides = array<i32>} : memref<4x16x768xf32, #tpu.memory_space<vmem>>, vector<1x1x16xf32>,
        %parallel_loop3A_1503 = arith.index_cast %parallel_loop3A_250 : i32 to index
        %parallel_loop3A_1504 = arith.constant 640 : index
        %parallel_loop3A_1505 = tpu.vector_load %arg9[%parallel_loop3A_1503, %parallel_loop3A_1504] {strides = array<i32>} : memref<16x768xf32, #tpu.memory_space<vmem>>, vector<1x16xf32>,
        %parallel_loop3A_1506 = vector.shape_cast %parallel_loop3A_1505 : vector<1x16xf32> to vector<16xf32>
        %parallel_loop3A_1507 = arith.constant 0 : i32
        %parallel_loop3A_1508 = arith.index_cast %parallel_loop3A_1507 : i32 to index
        %parallel_loop3A_1509 = arith.index_cast %parallel_loop3A_250 : i32 to index
        %parallel_loop3A_1510 = arith.constant 624 : index
        %parallel_loop3A_1511 = tpu.vector_load %arg11[%parallel_loop3A_1508, %parallel_loop3A_1509, %parallel_loop3A_1510] {strides = array<i32>} : memref<4x16x768xf32, #tpu.memory_space<vmem>>, vector<1x1x16xf32>,
        %parallel_loop3A_1512 = vector.shape_cast %parallel_loop3A_1511 : vector<1x1x16xf32> to vector<16xf32>
        %parallel_loop3A_1513 = vector.shape_cast %parallel_loop3A_1474 : vector<16xf32> to vector<1x1x16xf32>
        tpu.vector_store %arg11[%parallel_loop3A_1508, %parallel_loop3A_1509, %parallel_loop3A_1510], %parallel_loop3A_1513 {add = true, strides = array<i32>} : memref<4x16x768xf32, #tpu.memory_space<vmem>>, vector<1x1x16xf32>,
        %parallel_loop3A_1514 = arith.constant 1 : i32
        %parallel_loop3A_1515 = arith.index_cast %parallel_loop3A_1514 : i32 to index
        %parallel_loop3A_1516 = arith.index_cast %parallel_loop3A_250 : i32 to index
        %parallel_loop3A_1517 = arith.constant 624 : index
        %parallel_loop3A_1518 = tpu.vector_load %arg11[%parallel_loop3A_1515, %parallel_loop3A_1516, %parallel_loop3A_1517] {strides = array<i32>} : memref<4x16x768xf32, #tpu.memory_space<vmem>>, vector<1x1x16xf32>,
        %parallel_loop3A_1519 = vector.shape_cast %parallel_loop3A_1518 : vector<1x1x16xf32> to vector<16xf32>
        %parallel_loop3A_1520 = vector.shape_cast %parallel_loop3A_1474 : vector<16xf32> to vector<1x1x16xf32>
        tpu.vector_store %arg11[%parallel_loop3A_1515, %parallel_loop3A_1516, %parallel_loop3A_1517], %parallel_loop3A_1520 {add = true, strides = array<i32>} : memref<4x16x768xf32, #tpu.memory_space<vmem>>, vector<1x1x16xf32>,
        %parallel_loop3A_1521 = arith.constant 2 : i32
        %parallel_loop3A_1522 = arith.index_cast %parallel_loop3A_1521 : i32 to index
        %parallel_loop3A_1523 = arith.index_cast %parallel_loop3A_250 : i32 to index
        %parallel_loop3A_1524 = arith.constant 624 : index
        %parallel_loop3A_1525 = tpu.vector_load %arg11[%parallel_loop3A_1522, %parallel_loop3A_1523, %parallel_loop3A_1524] {strides = array<i32>} : memref<4x16x768xf32, #tpu.memory_space<vmem>>, vector<1x1x16xf32>,
        %parallel_loop3A_1526 = vector.shape_cast %parallel_loop3A_1525 : vector<1x1x16xf32> to vector<16xf32>
        %parallel_loop3A_1527 = vector.shape_cast %parallel_loop3A_1474 : vector<16xf32> to vector<1x1x16xf32>
        tpu.vector_store %arg11[%parallel_loop3A_1522, %parallel_loop3A_1523, %parallel_loop3A_1524], %parallel_loop3A_1527 {add = true, strides = array<i32>} : memref<4x16x768xf32, #tpu.memory_space<vmem>>, vector<1x1x16xf32>,
        %parallel_loop3A_1528 = arith.constant 3 : i32
        %parallel_loop3A_1529 = arith.index_cast %parallel_loop3A_1528 : i32 to index
        %parallel_loop3A_1530 = arith.index_cast %parallel_loop3A_250 : i32 to index
        %parallel_loop3A_1531 = arith.constant 624 : index
        %parallel_loop3A_1532 = tpu.vector_load %arg11[%parallel_loop3A_1529, %parallel_loop3A_1530, %parallel_loop3A_1531] {strides = array<i32>} : memref<4x16x768xf32, #tpu.memory_space<vmem>>, vector<1x1x16xf32>,
        %parallel_loop3A_1533 = vector.shape_cast %parallel_loop3A_1532 : vector<1x1x16xf32> to vector<16xf32>
        %parallel_loop3A_1534 = vector.shape_cast %parallel_loop3A_1474 : vector<16xf32> to vector<1x1x16xf32>
        tpu.vector_store %arg11[%parallel_loop3A_1529, %parallel_loop3A_1530, %parallel_loop3A_1531], %parallel_loop3A_1534 {add = true, strides = array<i32>} : memref<4x16x768xf32, #tpu.memory_space<vmem>>, vector<1x1x16xf32>,
        %parallel_loop3A_1535 = arith.index_cast %parallel_loop3A_250 : i32 to index
        %parallel_loop3A_1536 = arith.constant 656 : index
        %parallel_loop3A_1537 = tpu.vector_load %arg9[%parallel_loop3A_1535, %parallel_loop3A_1536] {strides = array<i32>} : memref<16x768xf32, #tpu.memory_space<vmem>>, vector<1x16xf32>,
        %parallel_loop3A_1538 = vector.shape_cast %parallel_loop3A_1537 : vector<1x16xf32> to vector<16xf32>
        %parallel_loop3A_1539 = arith.constant 0 : i32
        %parallel_loop3A_1540 = arith.index_cast %parallel_loop3A_1539 : i32 to index
        %parallel_loop3A_1541 = arith.index_cast %parallel_loop3A_250 : i32 to index
        %parallel_loop3A_1542 = arith.constant 640 : index
        %parallel_loop3A_1543 = tpu.vector_load %arg11[%parallel_loop3A_1540, %parallel_loop3A_1541, %parallel_loop3A_1542] {strides = array<i32>} : memref<4x16x768xf32, #tpu.memory_space<vmem>>, vector<1x1x16xf32>,
        %parallel_loop3A_1544 = vector.shape_cast %parallel_loop3A_1543 : vector<1x1x16xf32> to vector<16xf32>
        %parallel_loop3A_1545 = vector.shape_cast %parallel_loop3A_1506 : vector<16xf32> to vector<1x1x16xf32>
        tpu.vector_store %arg11[%parallel_loop3A_1540, %parallel_loop3A_1541, %parallel_loop3A_1542], %parallel_loop3A_1545 {add = true, strides = array<i32>} : memref<4x16x768xf32, #tpu.memory_space<vmem>>, vector<1x1x16xf32>,
        %parallel_loop3A_1546 = arith.constant 1 : i32
        %parallel_loop3A_1547 = arith.index_cast %parallel_loop3A_1546 : i32 to index
        %parallel_loop3A_1548 = arith.index_cast %parallel_loop3A_250 : i32 to index
        %parallel_loop3A_1549 = arith.constant 640 : index
        %parallel_loop3A_1550 = tpu.vector_load %arg11[%parallel_loop3A_1547, %parallel_loop3A_1548, %parallel_loop3A_1549] {strides = array<i32>} : memref<4x16x768xf32, #tpu.memory_space<vmem>>, vector<1x1x16xf32>,
        %parallel_loop3A_1551 = vector.shape_cast %parallel_loop3A_1550 : vector<1x1x16xf32> to vector<16xf32>
        %parallel_loop3A_1552 = vector.shape_cast %parallel_loop3A_1506 : vector<16xf32> to vector<1x1x16xf32>
        tpu.vector_store %arg11[%parallel_loop3A_1547, %parallel_loop3A_1548, %parallel_loop3A_1549], %parallel_loop3A_1552 {add = true, strides = array<i32>} : memref<4x16x768xf32, #tpu.memory_space<vmem>>, vector<1x1x16xf32>,
        %parallel_loop3A_1553 = arith.constant 2 : i32
        %parallel_loop3A_1554 = arith.index_cast %parallel_loop3A_1553 : i32 to index
        %parallel_loop3A_1555 = arith.index_cast %parallel_loop3A_250 : i32 to index
        %parallel_loop3A_1556 = arith.constant 640 : index
        %parallel_loop3A_1557 = tpu.vector_load %arg11[%parallel_loop3A_1554, %parallel_loop3A_1555, %parallel_loop3A_1556] {strides = array<i32>} : memref<4x16x768xf32, #tpu.memory_space<vmem>>, vector<1x1x16xf32>,
        %parallel_loop3A_1558 = vector.shape_cast %parallel_loop3A_1557 : vector<1x1x16xf32> to vector<16xf32>
        %parallel_loop3A_1559 = vector.shape_cast %parallel_loop3A_1506 : vector<16xf32> to vector<1x1x16xf32>
        tpu.vector_store %arg11[%parallel_loop3A_1554, %parallel_loop3A_1555, %parallel_loop3A_1556], %parallel_loop3A_1559 {add = true, strides = array<i32>} : memref<4x16x768xf32, #tpu.memory_space<vmem>>, vector<1x1x16xf32>,
        %parallel_loop3A_1560 = arith.constant 3 : i32
        %parallel_loop3A_1561 = arith.index_cast %parallel_loop3A_1560 : i32 to index
        %parallel_loop3A_1562 = arith.index_cast %parallel_loop3A_250 : i32 to index
        %parallel_loop3A_1563 = arith.constant 640 : index
        %parallel_loop3A_1564 = tpu.vector_load %arg11[%parallel_loop3A_1561, %parallel_loop3A_1562, %parallel_loop3A_1563] {strides = array<i32>} : memref<4x16x768xf32, #tpu.memory_space<vmem>>, vector<1x1x16xf32>,
        %parallel_loop3A_1565 = vector.shape_cast %parallel_loop3A_1564 : vector<1x1x16xf32> to vector<16xf32>
        %parallel_loop3A_1566 = vector.shape_cast %parallel_loop3A_1506 : vector<16xf32> to vector<1x1x16xf32>
        tpu.vector_store %arg11[%parallel_loop3A_1561, %parallel_loop3A_1562, %parallel_loop3A_1563], %parallel_loop3A_1566 {add = true, strides = array<i32>} : memref<4x16x768xf32, #tpu.memory_space<vmem>>, vector<1x1x16xf32>,
        %parallel_loop3A_1567 = arith.index_cast %parallel_loop3A_250 : i32 to index
        %parallel_loop3A_1568 = arith.constant 672 : index
        %parallel_loop3A_1569 = tpu.vector_load %arg9[%parallel_loop3A_1567, %parallel_loop3A_1568] {strides = array<i32>} : memref<16x768xf32, #tpu.memory_space<vmem>>, vector<1x16xf32>,
        %parallel_loop3A_1570 = vector.shape_cast %parallel_loop3A_1569 : vector<1x16xf32> to vector<16xf32>
        %parallel_loop3A_1571 = arith.constant 0 : i32
        %parallel_loop3A_1572 = arith.index_cast %parallel_loop3A_1571 : i32 to index
        %parallel_loop3A_1573 = arith.index_cast %parallel_loop3A_250 : i32 to index
        %parallel_loop3A_1574 = arith.constant 656 : index
        %parallel_loop3A_1575 = tpu.vector_load %arg11[%parallel_loop3A_1572, %parallel_loop3A_1573, %parallel_loop3A_1574] {strides = array<i32>} : memref<4x16x768xf32, #tpu.memory_space<vmem>>, vector<1x1x16xf32>,
        %parallel_loop3A_1576 = vector.shape_cast %parallel_loop3A_1575 : vector<1x1x16xf32> to vector<16xf32>
        %parallel_loop3A_1577 = vector.shape_cast %parallel_loop3A_1538 : vector<16xf32> to vector<1x1x16xf32>
        tpu.vector_store %arg11[%parallel_loop3A_1572, %parallel_loop3A_1573, %parallel_loop3A_1574], %parallel_loop3A_1577 {add = true, strides = array<i32>} : memref<4x16x768xf32, #tpu.memory_space<vmem>>, vector<1x1x16xf32>,
        %parallel_loop3A_1578 = arith.constant 1 : i32
        %parallel_loop3A_1579 = arith.index_cast %parallel_loop3A_1578 : i32 to index
        %parallel_loop3A_1580 = arith.index_cast %parallel_loop3A_250 : i32 to index
        %parallel_loop3A_1581 = arith.constant 656 : index
        %parallel_loop3A_1582 = tpu.vector_load %arg11[%parallel_loop3A_1579, %parallel_loop3A_1580, %parallel_loop3A_1581] {strides = array<i32>} : memref<4x16x768xf32, #tpu.memory_space<vmem>>, vector<1x1x16xf32>,
        %parallel_loop3A_1583 = vector.shape_cast %parallel_loop3A_1582 : vector<1x1x16xf32> to vector<16xf32>
        %parallel_loop3A_1584 = vector.shape_cast %parallel_loop3A_1538 : vector<16xf32> to vector<1x1x16xf32>
        tpu.vector_store %arg11[%parallel_loop3A_1579, %parallel_loop3A_1580, %parallel_loop3A_1581], %parallel_loop3A_1584 {add = true, strides = array<i32>} : memref<4x16x768xf32, #tpu.memory_space<vmem>>, vector<1x1x16xf32>,
        %parallel_loop3A_1585 = arith.constant 2 : i32
        %parallel_loop3A_1586 = arith.index_cast %parallel_loop3A_1585 : i32 to index
        %parallel_loop3A_1587 = arith.index_cast %parallel_loop3A_250 : i32 to index
        %parallel_loop3A_1588 = arith.constant 656 : index
        %parallel_loop3A_1589 = tpu.vector_load %arg11[%parallel_loop3A_1586, %parallel_loop3A_1587, %parallel_loop3A_1588] {strides = array<i32>} : memref<4x16x768xf32, #tpu.memory_space<vmem>>, vector<1x1x16xf32>,
        %parallel_loop3A_1590 = vector.shape_cast %parallel_loop3A_1589 : vector<1x1x16xf32> to vector<16xf32>
        %parallel_loop3A_1591 = vector.shape_cast %parallel_loop3A_1538 : vector<16xf32> to vector<1x1x16xf32>
        tpu.vector_store %arg11[%parallel_loop3A_1586, %parallel_loop3A_1587, %parallel_loop3A_1588], %parallel_loop3A_1591 {add = true, strides = array<i32>} : memref<4x16x768xf32, #tpu.memory_space<vmem>>, vector<1x1x16xf32>,
        %parallel_loop3A_1592 = arith.constant 3 : i32
        %parallel_loop3A_1593 = arith.index_cast %parallel_loop3A_1592 : i32 to index
        %parallel_loop3A_1594 = arith.index_cast %parallel_loop3A_250 : i32 to index
        %parallel_loop3A_1595 = arith.constant 656 : index
        %parallel_loop3A_1596 = tpu.vector_load %arg11[%parallel_loop3A_1593, %parallel_loop3A_1594, %parallel_loop3A_1595] {strides = array<i32>} : memref<4x16x768xf32, #tpu.memory_space<vmem>>, vector<1x1x16xf32>,
        %parallel_loop3A_1597 = vector.shape_cast %parallel_loop3A_1596 : vector<1x1x16xf32> to vector<16xf32>
        %parallel_loop3A_1598 = vector.shape_cast %parallel_loop3A_1538 : vector<16xf32> to vector<1x1x16xf32>
        tpu.vector_store %arg11[%parallel_loop3A_1593, %parallel_loop3A_1594, %parallel_loop3A_1595], %parallel_loop3A_1598 {add = true, strides = array<i32>} : memref<4x16x768xf32, #tpu.memory_space<vmem>>, vector<1x1x16xf32>,
        %parallel_loop3A_1599 = arith.index_cast %parallel_loop3A_250 : i32 to index
        %parallel_loop3A_1600 = arith.constant 688 : index
        %parallel_loop3A_1601 = tpu.vector_load %arg9[%parallel_loop3A_1599, %parallel_loop3A_1600] {strides = array<i32>} : memref<16x768xf32, #tpu.memory_space<vmem>>, vector<1x16xf32>,
        %parallel_loop3A_1602 = vector.shape_cast %parallel_loop3A_1601 : vector<1x16xf32> to vector<16xf32>
        %parallel_loop3A_1603 = arith.constant 0 : i32
        %parallel_loop3A_1604 = arith.index_cast %parallel_loop3A_1603 : i32 to index
        %parallel_loop3A_1605 = arith.index_cast %parallel_loop3A_250 : i32 to index
        %parallel_loop3A_1606 = arith.constant 672 : index
        %parallel_loop3A_1607 = tpu.vector_load %arg11[%parallel_loop3A_1604, %parallel_loop3A_1605, %parallel_loop3A_1606] {strides = array<i32>} : memref<4x16x768xf32, #tpu.memory_space<vmem>>, vector<1x1x16xf32>,
        %parallel_loop3A_1608 = vector.shape_cast %parallel_loop3A_1607 : vector<1x1x16xf32> to vector<16xf32>
        %parallel_loop3A_1609 = vector.shape_cast %parallel_loop3A_1570 : vector<16xf32> to vector<1x1x16xf32>
        tpu.vector_store %arg11[%parallel_loop3A_1604, %parallel_loop3A_1605, %parallel_loop3A_1606], %parallel_loop3A_1609 {add = true, strides = array<i32>} : memref<4x16x768xf32, #tpu.memory_space<vmem>>, vector<1x1x16xf32>,
        %parallel_loop3A_1610 = arith.constant 1 : i32
        %parallel_loop3A_1611 = arith.index_cast %parallel_loop3A_1610 : i32 to index
        %parallel_loop3A_1612 = arith.index_cast %parallel_loop3A_250 : i32 to index
        %parallel_loop3A_1613 = arith.constant 672 : index
        %parallel_loop3A_1614 = tpu.vector_load %arg11[%parallel_loop3A_1611, %parallel_loop3A_1612, %parallel_loop3A_1613] {strides = array<i32>} : memref<4x16x768xf32, #tpu.memory_space<vmem>>, vector<1x1x16xf32>,
        %parallel_loop3A_1615 = vector.shape_cast %parallel_loop3A_1614 : vector<1x1x16xf32> to vector<16xf32>
        %parallel_loop3A_1616 = vector.shape_cast %parallel_loop3A_1570 : vector<16xf32> to vector<1x1x16xf32>
        tpu.vector_store %arg11[%parallel_loop3A_1611, %parallel_loop3A_1612, %parallel_loop3A_1613], %parallel_loop3A_1616 {add = true, strides = array<i32>} : memref<4x16x768xf32, #tpu.memory_space<vmem>>, vector<1x1x16xf32>,
        %parallel_loop3A_1617 = arith.constant 2 : i32
        %parallel_loop3A_1618 = arith.index_cast %parallel_loop3A_1617 : i32 to index
        %parallel_loop3A_1619 = arith.index_cast %parallel_loop3A_250 : i32 to index
        %parallel_loop3A_1620 = arith.constant 672 : index
        %parallel_loop3A_1621 = tpu.vector_load %arg11[%parallel_loop3A_1618, %parallel_loop3A_1619, %parallel_loop3A_1620] {strides = array<i32>} : memref<4x16x768xf32, #tpu.memory_space<vmem>>, vector<1x1x16xf32>,
        %parallel_loop3A_1622 = vector.shape_cast %parallel_loop3A_1621 : vector<1x1x16xf32> to vector<16xf32>
        %parallel_loop3A_1623 = vector.shape_cast %parallel_loop3A_1570 : vector<16xf32> to vector<1x1x16xf32>
        tpu.vector_store %arg11[%parallel_loop3A_1618, %parallel_loop3A_1619, %parallel_loop3A_1620], %parallel_loop3A_1623 {add = true, strides = array<i32>} : memref<4x16x768xf32, #tpu.memory_space<vmem>>, vector<1x1x16xf32>,
        %parallel_loop3A_1624 = arith.constant 3 : i32
        %parallel_loop3A_1625 = arith.index_cast %parallel_loop3A_1624 : i32 to index
        %parallel_loop3A_1626 = arith.index_cast %parallel_loop3A_250 : i32 to index
        %parallel_loop3A_1627 = arith.constant 672 : index
        %parallel_loop3A_1628 = tpu.vector_load %arg11[%parallel_loop3A_1625, %parallel_loop3A_1626, %parallel_loop3A_1627] {strides = array<i32>} : memref<4x16x768xf32, #tpu.memory_space<vmem>>, vector<1x1x16xf32>,
        %parallel_loop3A_1629 = vector.shape_cast %parallel_loop3A_1628 : vector<1x1x16xf32> to vector<16xf32>
        %parallel_loop3A_1630 = vector.shape_cast %parallel_loop3A_1570 : vector<16xf32> to vector<1x1x16xf32>
        tpu.vector_store %arg11[%parallel_loop3A_1625, %parallel_loop3A_1626, %parallel_loop3A_1627], %parallel_loop3A_1630 {add = true, strides = array<i32>} : memref<4x16x768xf32, #tpu.memory_space<vmem>>, vector<1x1x16xf32>,
        %parallel_loop3A_1631 = arith.index_cast %parallel_loop3A_250 : i32 to index
        %parallel_loop3A_1632 = arith.constant 704 : index
        %parallel_loop3A_1633 = tpu.vector_load %arg9[%parallel_loop3A_1631, %parallel_loop3A_1632] {strides = array<i32>} : memref<16x768xf32, #tpu.memory_space<vmem>>, vector<1x16xf32>,
        %parallel_loop3A_1634 = vector.shape_cast %parallel_loop3A_1633 : vector<1x16xf32> to vector<16xf32>
        %parallel_loop3A_1635 = arith.constant 0 : i32
        %parallel_loop3A_1636 = arith.index_cast %parallel_loop3A_1635 : i32 to index
        %parallel_loop3A_1637 = arith.index_cast %parallel_loop3A_250 : i32 to index
        %parallel_loop3A_1638 = arith.constant 688 : index
        %parallel_loop3A_1639 = tpu.vector_load %arg11[%parallel_loop3A_1636, %parallel_loop3A_1637, %parallel_loop3A_1638] {strides = array<i32>} : memref<4x16x768xf32, #tpu.memory_space<vmem>>, vector<1x1x16xf32>,
        %parallel_loop3A_1640 = vector.shape_cast %parallel_loop3A_1639 : vector<1x1x16xf32> to vector<16xf32>
        %parallel_loop3A_1641 = vector.shape_cast %parallel_loop3A_1602 : vector<16xf32> to vector<1x1x16xf32>
        tpu.vector_store %arg11[%parallel_loop3A_1636, %parallel_loop3A_1637, %parallel_loop3A_1638], %parallel_loop3A_1641 {add = true, strides = array<i32>} : memref<4x16x768xf32, #tpu.memory_space<vmem>>, vector<1x1x16xf32>,
        %parallel_loop3A_1642 = arith.constant 1 : i32
        %parallel_loop3A_1643 = arith.index_cast %parallel_loop3A_1642 : i32 to index
        %parallel_loop3A_1644 = arith.index_cast %parallel_loop3A_250 : i32 to index
        %parallel_loop3A_1645 = arith.constant 688 : index
        %parallel_loop3A_1646 = tpu.vector_load %arg11[%parallel_loop3A_1643, %parallel_loop3A_1644, %parallel_loop3A_1645] {strides = array<i32>} : memref<4x16x768xf32, #tpu.memory_space<vmem>>, vector<1x1x16xf32>,
        %parallel_loop3A_1647 = vector.shape_cast %parallel_loop3A_1646 : vector<1x1x16xf32> to vector<16xf32>
        %parallel_loop3A_1648 = vector.shape_cast %parallel_loop3A_1602 : vector<16xf32> to vector<1x1x16xf32>
        tpu.vector_store %arg11[%parallel_loop3A_1643, %parallel_loop3A_1644, %parallel_loop3A_1645], %parallel_loop3A_1648 {add = true, strides = array<i32>} : memref<4x16x768xf32, #tpu.memory_space<vmem>>, vector<1x1x16xf32>,
        %parallel_loop3A_1649 = arith.constant 2 : i32
        %parallel_loop3A_1650 = arith.index_cast %parallel_loop3A_1649 : i32 to index
        %parallel_loop3A_1651 = arith.index_cast %parallel_loop3A_250 : i32 to index
        %parallel_loop3A_1652 = arith.constant 688 : index
        %parallel_loop3A_1653 = tpu.vector_load %arg11[%parallel_loop3A_1650, %parallel_loop3A_1651, %parallel_loop3A_1652] {strides = array<i32>} : memref<4x16x768xf32, #tpu.memory_space<vmem>>, vector<1x1x16xf32>,
        %parallel_loop3A_1654 = vector.shape_cast %parallel_loop3A_1653 : vector<1x1x16xf32> to vector<16xf32>
        %parallel_loop3A_1655 = vector.shape_cast %parallel_loop3A_1602 : vector<16xf32> to vector<1x1x16xf32>
        tpu.vector_store %arg11[%parallel_loop3A_1650, %parallel_loop3A_1651, %parallel_loop3A_1652], %parallel_loop3A_1655 {add = true, strides = array<i32>} : memref<4x16x768xf32, #tpu.memory_space<vmem>>, vector<1x1x16xf32>,
        %parallel_loop3A_1656 = arith.constant 3 : i32
        %parallel_loop3A_1657 = arith.index_cast %parallel_loop3A_1656 : i32 to index
        %parallel_loop3A_1658 = arith.index_cast %parallel_loop3A_250 : i32 to index
        %parallel_loop3A_1659 = arith.constant 688 : index
        %parallel_loop3A_1660 = tpu.vector_load %arg11[%parallel_loop3A_1657, %parallel_loop3A_1658, %parallel_loop3A_1659] {strides = array<i32>} : memref<4x16x768xf32, #tpu.memory_space<vmem>>, vector<1x1x16xf32>,
        %parallel_loop3A_1661 = vector.shape_cast %parallel_loop3A_1660 : vector<1x1x16xf32> to vector<16xf32>
        %parallel_loop3A_1662 = vector.shape_cast %parallel_loop3A_1602 : vector<16xf32> to vector<1x1x16xf32>
        tpu.vector_store %arg11[%parallel_loop3A_1657, %parallel_loop3A_1658, %parallel_loop3A_1659], %parallel_loop3A_1662 {add = true, strides = array<i32>} : memref<4x16x768xf32, #tpu.memory_space<vmem>>, vector<1x1x16xf32>,
        %parallel_loop3A_1663 = arith.index_cast %parallel_loop3A_250 : i32 to index
        %parallel_loop3A_1664 = arith.constant 720 : index
        %parallel_loop3A_1665 = tpu.vector_load %arg9[%parallel_loop3A_1663, %parallel_loop3A_1664] {strides = array<i32>} : memref<16x768xf32, #tpu.memory_space<vmem>>, vector<1x16xf32>,
        %parallel_loop3A_1666 = vector.shape_cast %parallel_loop3A_1665 : vector<1x16xf32> to vector<16xf32>
        %parallel_loop3A_1667 = arith.constant 0 : i32
        %parallel_loop3A_1668 = arith.index_cast %parallel_loop3A_1667 : i32 to index
        %parallel_loop3A_1669 = arith.index_cast %parallel_loop3A_250 : i32 to index
        %parallel_loop3A_1670 = arith.constant 704 : index
        %parallel_loop3A_1671 = tpu.vector_load %arg11[%parallel_loop3A_1668, %parallel_loop3A_1669, %parallel_loop3A_1670] {strides = array<i32>} : memref<4x16x768xf32, #tpu.memory_space<vmem>>, vector<1x1x16xf32>,
        %parallel_loop3A_1672 = vector.shape_cast %parallel_loop3A_1671 : vector<1x1x16xf32> to vector<16xf32>
        %parallel_loop3A_1673 = vector.shape_cast %parallel_loop3A_1634 : vector<16xf32> to vector<1x1x16xf32>
        tpu.vector_store %arg11[%parallel_loop3A_1668, %parallel_loop3A_1669, %parallel_loop3A_1670], %parallel_loop3A_1673 {add = true, strides = array<i32>} : memref<4x16x768xf32, #tpu.memory_space<vmem>>, vector<1x1x16xf32>,
        %parallel_loop3A_1674 = arith.constant 1 : i32
        %parallel_loop3A_1675 = arith.index_cast %parallel_loop3A_1674 : i32 to index
        %parallel_loop3A_1676 = arith.index_cast %parallel_loop3A_250 : i32 to index
        %parallel_loop3A_1677 = arith.constant 704 : index
        %parallel_loop3A_1678 = tpu.vector_load %arg11[%parallel_loop3A_1675, %parallel_loop3A_1676, %parallel_loop3A_1677] {strides = array<i32>} : memref<4x16x768xf32, #tpu.memory_space<vmem>>, vector<1x1x16xf32>,
        %parallel_loop3A_1679 = vector.shape_cast %parallel_loop3A_1678 : vector<1x1x16xf32> to vector<16xf32>
        %parallel_loop3A_1680 = vector.shape_cast %parallel_loop3A_1634 : vector<16xf32> to vector<1x1x16xf32>
        tpu.vector_store %arg11[%parallel_loop3A_1675, %parallel_loop3A_1676, %parallel_loop3A_1677], %parallel_loop3A_1680 {add = true, strides = array<i32>} : memref<4x16x768xf32, #tpu.memory_space<vmem>>, vector<1x1x16xf32>,
        %parallel_loop3A_1681 = arith.constant 2 : i32
        %parallel_loop3A_1682 = arith.index_cast %parallel_loop3A_1681 : i32 to index
        %parallel_loop3A_1683 = arith.index_cast %parallel_loop3A_250 : i32 to index
        %parallel_loop3A_1684 = arith.constant 704 : index
        %parallel_loop3A_1685 = tpu.vector_load %arg11[%parallel_loop3A_1682, %parallel_loop3A_1683, %parallel_loop3A_1684] {strides = array<i32>} : memref<4x16x768xf32, #tpu.memory_space<vmem>>, vector<1x1x16xf32>,
        %parallel_loop3A_1686 = vector.shape_cast %parallel_loop3A_1685 : vector<1x1x16xf32> to vector<16xf32>
        %parallel_loop3A_1687 = vector.shape_cast %parallel_loop3A_1634 : vector<16xf32> to vector<1x1x16xf32>
        tpu.vector_store %arg11[%parallel_loop3A_1682, %parallel_loop3A_1683, %parallel_loop3A_1684], %parallel_loop3A_1687 {add = true, strides = array<i32>} : memref<4x16x768xf32, #tpu.memory_space<vmem>>, vector<1x1x16xf32>,
        %parallel_loop3A_1688 = arith.constant 3 : i32
        %parallel_loop3A_1689 = arith.index_cast %parallel_loop3A_1688 : i32 to index
        %parallel_loop3A_1690 = arith.index_cast %parallel_loop3A_250 : i32 to index
        %parallel_loop3A_1691 = arith.constant 704 : index
        %parallel_loop3A_1692 = tpu.vector_load %arg11[%parallel_loop3A_1689, %parallel_loop3A_1690, %parallel_loop3A_1691] {strides = array<i32>} : memref<4x16x768xf32, #tpu.memory_space<vmem>>, vector<1x1x16xf32>,
        %parallel_loop3A_1693 = vector.shape_cast %parallel_loop3A_1692 : vector<1x1x16xf32> to vector<16xf32>
        %parallel_loop3A_1694 = vector.shape_cast %parallel_loop3A_1634 : vector<16xf32> to vector<1x1x16xf32>
        tpu.vector_store %arg11[%parallel_loop3A_1689, %parallel_loop3A_1690, %parallel_loop3A_1691], %parallel_loop3A_1694 {add = true, strides = array<i32>} : memref<4x16x768xf32, #tpu.memory_space<vmem>>, vector<1x1x16xf32>,
        %parallel_loop3A_1695 = arith.index_cast %parallel_loop3A_250 : i32 to index
        %parallel_loop3A_1696 = arith.constant 736 : index
        %parallel_loop3A_1697 = tpu.vector_load %arg9[%parallel_loop3A_1695, %parallel_loop3A_1696] {strides = array<i32>} : memref<16x768xf32, #tpu.memory_space<vmem>>, vector<1x16xf32>,
        %parallel_loop3A_1698 = vector.shape_cast %parallel_loop3A_1697 : vector<1x16xf32> to vector<16xf32>
        %parallel_loop3A_1699 = arith.constant 0 : i32
        %parallel_loop3A_1700 = arith.index_cast %parallel_loop3A_1699 : i32 to index
        %parallel_loop3A_1701 = arith.index_cast %parallel_loop3A_250 : i32 to index
        %parallel_loop3A_1702 = arith.constant 720 : index
        %parallel_loop3A_1703 = tpu.vector_load %arg11[%parallel_loop3A_1700, %parallel_loop3A_1701, %parallel_loop3A_1702] {strides = array<i32>} : memref<4x16x768xf32, #tpu.memory_space<vmem>>, vector<1x1x16xf32>,
        %parallel_loop3A_1704 = vector.shape_cast %parallel_loop3A_1703 : vector<1x1x16xf32> to vector<16xf32>
        %parallel_loop3A_1705 = vector.shape_cast %parallel_loop3A_1666 : vector<16xf32> to vector<1x1x16xf32>
        tpu.vector_store %arg11[%parallel_loop3A_1700, %parallel_loop3A_1701, %parallel_loop3A_1702], %parallel_loop3A_1705 {add = true, strides = array<i32>} : memref<4x16x768xf32, #tpu.memory_space<vmem>>, vector<1x1x16xf32>,
        %parallel_loop3A_1706 = arith.constant 1 : i32
        %parallel_loop3A_1707 = arith.index_cast %parallel_loop3A_1706 : i32 to index
        %parallel_loop3A_1708 = arith.index_cast %parallel_loop3A_250 : i32 to index
        %parallel_loop3A_1709 = arith.constant 720 : index
        %parallel_loop3A_1710 = tpu.vector_load %arg11[%parallel_loop3A_1707, %parallel_loop3A_1708, %parallel_loop3A_1709] {strides = array<i32>} : memref<4x16x768xf32, #tpu.memory_space<vmem>>, vector<1x1x16xf32>,
        %parallel_loop3A_1711 = vector.shape_cast %parallel_loop3A_1710 : vector<1x1x16xf32> to vector<16xf32>
        %parallel_loop3A_1712 = vector.shape_cast %parallel_loop3A_1666 : vector<16xf32> to vector<1x1x16xf32>
        tpu.vector_store %arg11[%parallel_loop3A_1707, %parallel_loop3A_1708, %parallel_loop3A_1709], %parallel_loop3A_1712 {add = true, strides = array<i32>} : memref<4x16x768xf32, #tpu.memory_space<vmem>>, vector<1x1x16xf32>,
        %parallel_loop3A_1713 = arith.constant 2 : i32
        %parallel_loop3A_1714 = arith.index_cast %parallel_loop3A_1713 : i32 to index
        %parallel_loop3A_1715 = arith.index_cast %parallel_loop3A_250 : i32 to index
        %parallel_loop3A_1716 = arith.constant 720 : index
        %parallel_loop3A_1717 = tpu.vector_load %arg11[%parallel_loop3A_1714, %parallel_loop3A_1715, %parallel_loop3A_1716] {strides = array<i32>} : memref<4x16x768xf32, #tpu.memory_space<vmem>>, vector<1x1x16xf32>,
        %parallel_loop3A_1718 = vector.shape_cast %parallel_loop3A_1717 : vector<1x1x16xf32> to vector<16xf32>
        %parallel_loop3A_1719 = vector.shape_cast %parallel_loop3A_1666 : vector<16xf32> to vector<1x1x16xf32>
        tpu.vector_store %arg11[%parallel_loop3A_1714, %parallel_loop3A_1715, %parallel_loop3A_1716], %parallel_loop3A_1719 {add = true, strides = array<i32>} : memref<4x16x768xf32, #tpu.memory_space<vmem>>, vector<1x1x16xf32>,
        %parallel_loop3A_1720 = arith.constant 3 : i32
        %parallel_loop3A_1721 = arith.index_cast %parallel_loop3A_1720 : i32 to index
        %parallel_loop3A_1722 = arith.index_cast %parallel_loop3A_250 : i32 to index
        %parallel_loop3A_1723 = arith.constant 720 : index
        %parallel_loop3A_1724 = tpu.vector_load %arg11[%parallel_loop3A_1721, %parallel_loop3A_1722, %parallel_loop3A_1723] {strides = array<i32>} : memref<4x16x768xf32, #tpu.memory_space<vmem>>, vector<1x1x16xf32>,
        %parallel_loop3A_1725 = vector.shape_cast %parallel_loop3A_1724 : vector<1x1x16xf32> to vector<16xf32>
        %parallel_loop3A_1726 = vector.shape_cast %parallel_loop3A_1666 : vector<16xf32> to vector<1x1x16xf32>
        tpu.vector_store %arg11[%parallel_loop3A_1721, %parallel_loop3A_1722, %parallel_loop3A_1723], %parallel_loop3A_1726 {add = true, strides = array<i32>} : memref<4x16x768xf32, #tpu.memory_space<vmem>>, vector<1x1x16xf32>,
        %parallel_loop3A_1727 = arith.index_cast %parallel_loop3A_250 : i32 to index
        %parallel_loop3A_1728 = arith.constant 752 : index
        %parallel_loop3A_1729 = tpu.vector_load %arg9[%parallel_loop3A_1727, %parallel_loop3A_1728] {strides = array<i32>} : memref<16x768xf32, #tpu.memory_space<vmem>>, vector<1x16xf32>,
        %parallel_loop3A_1730 = vector.shape_cast %parallel_loop3A_1729 : vector<1x16xf32> to vector<16xf32>
        %parallel_loop3A_1731 = arith.constant 0 : i32
        %parallel_loop3A_1732 = arith.index_cast %parallel_loop3A_1731 : i32 to index
        %parallel_loop3A_1733 = arith.index_cast %parallel_loop3A_250 : i32 to index
        %parallel_loop3A_1734 = arith.constant 736 : index
        %parallel_loop3A_1735 = tpu.vector_load %arg11[%parallel_loop3A_1732, %parallel_loop3A_1733, %parallel_loop3A_1734] {strides = array<i32>} : memref<4x16x768xf32, #tpu.memory_space<vmem>>, vector<1x1x16xf32>,
        %parallel_loop3A_1736 = vector.shape_cast %parallel_loop3A_1735 : vector<1x1x16xf32> to vector<16xf32>
        %parallel_loop3A_1737 = vector.shape_cast %parallel_loop3A_1698 : vector<16xf32> to vector<1x1x16xf32>
        tpu.vector_store %arg11[%parallel_loop3A_1732, %parallel_loop3A_1733, %parallel_loop3A_1734], %parallel_loop3A_1737 {add = true, strides = array<i32>} : memref<4x16x768xf32, #tpu.memory_space<vmem>>, vector<1x1x16xf32>,
        %parallel_loop3A_1738 = arith.constant 1 : i32
        %parallel_loop3A_1739 = arith.index_cast %parallel_loop3A_1738 : i32 to index
        %parallel_loop3A_1740 = arith.index_cast %parallel_loop3A_250 : i32 to index
        %parallel_loop3A_1741 = arith.constant 736 : index
        %parallel_loop3A_1742 = tpu.vector_load %arg11[%parallel_loop3A_1739, %parallel_loop3A_1740, %parallel_loop3A_1741] {strides = array<i32>} : memref<4x16x768xf32, #tpu.memory_space<vmem>>, vector<1x1x16xf32>,
        %parallel_loop3A_1743 = vector.shape_cast %parallel_loop3A_1742 : vector<1x1x16xf32> to vector<16xf32>
        %parallel_loop3A_1744 = vector.shape_cast %parallel_loop3A_1698 : vector<16xf32> to vector<1x1x16xf32>
        tpu.vector_store %arg11[%parallel_loop3A_1739, %parallel_loop3A_1740, %parallel_loop3A_1741], %parallel_loop3A_1744 {add = true, strides = array<i32>} : memref<4x16x768xf32, #tpu.memory_space<vmem>>, vector<1x1x16xf32>,
        %parallel_loop3A_1745 = arith.constant 2 : i32
        %parallel_loop3A_1746 = arith.index_cast %parallel_loop3A_1745 : i32 to index
        %parallel_loop3A_1747 = arith.index_cast %parallel_loop3A_250 : i32 to index
        %parallel_loop3A_1748 = arith.constant 736 : index
        %parallel_loop3A_1749 = tpu.vector_load %arg11[%parallel_loop3A_1746, %parallel_loop3A_1747, %parallel_loop3A_1748] {strides = array<i32>} : memref<4x16x768xf32, #tpu.memory_space<vmem>>, vector<1x1x16xf32>,
        %parallel_loop3A_1750 = vector.shape_cast %parallel_loop3A_1749 : vector<1x1x16xf32> to vector<16xf32>
        %parallel_loop3A_1751 = vector.shape_cast %parallel_loop3A_1698 : vector<16xf32> to vector<1x1x16xf32>
        tpu.vector_store %arg11[%parallel_loop3A_1746, %parallel_loop3A_1747, %parallel_loop3A_1748], %parallel_loop3A_1751 {add = true, strides = array<i32>} : memref<4x16x768xf32, #tpu.memory_space<vmem>>, vector<1x1x16xf32>,
        %parallel_loop3A_1752 = arith.constant 3 : i32
        %parallel_loop3A_1753 = arith.index_cast %parallel_loop3A_1752 : i32 to index
        %parallel_loop3A_1754 = arith.index_cast %parallel_loop3A_250 : i32 to index
        %parallel_loop3A_1755 = arith.constant 736 : index
        %parallel_loop3A_1756 = tpu.vector_load %arg11[%parallel_loop3A_1753, %parallel_loop3A_1754, %parallel_loop3A_1755] {strides = array<i32>} : memref<4x16x768xf32, #tpu.memory_space<vmem>>, vector<1x1x16xf32>,
        %parallel_loop3A_1757 = vector.shape_cast %parallel_loop3A_1756 : vector<1x1x16xf32> to vector<16xf32>
        %parallel_loop3A_1758 = vector.shape_cast %parallel_loop3A_1698 : vector<16xf32> to vector<1x1x16xf32>
        tpu.vector_store %arg11[%parallel_loop3A_1753, %parallel_loop3A_1754, %parallel_loop3A_1755], %parallel_loop3A_1758 {add = true, strides = array<i32>} : memref<4x16x768xf32, #tpu.memory_space<vmem>>, vector<1x1x16xf32>,
        %parallel_loop3A_1759 = arith.constant 0 : i32
        %parallel_loop3A_1760 = arith.index_cast %parallel_loop3A_1759 : i32 to index
        %parallel_loop3A_1761 = arith.index_cast %parallel_loop3A_250 : i32 to index
        %parallel_loop3A_1762 = arith.constant 752 : index
        %parallel_loop3A_1763 = tpu.vector_load %arg11[%parallel_loop3A_1760, %parallel_loop3A_1761, %parallel_loop3A_1762] {strides = array<i32>} : memref<4x16x768xf32, #tpu.memory_space<vmem>>, vector<1x1x16xf32>,
        %parallel_loop3A_1764 = vector.shape_cast %parallel_loop3A_1763 : vector<1x1x16xf32> to vector<16xf32>
        %parallel_loop3A_1765 = vector.shape_cast %parallel_loop3A_1730 : vector<16xf32> to vector<1x1x16xf32>
        tpu.vector_store %arg11[%parallel_loop3A_1760, %parallel_loop3A_1761, %parallel_loop3A_1762], %parallel_loop3A_1765 {add = true, strides = array<i32>} : memref<4x16x768xf32, #tpu.memory_space<vmem>>, vector<1x1x16xf32>,
        %parallel_loop3A_1766 = arith.constant 1 : i32
        %parallel_loop3A_1767 = arith.index_cast %parallel_loop3A_1766 : i32 to index
        %parallel_loop3A_1768 = arith.index_cast %parallel_loop3A_250 : i32 to index
        %parallel_loop3A_1769 = arith.constant 752 : index
        %parallel_loop3A_1770 = tpu.vector_load %arg11[%parallel_loop3A_1767, %parallel_loop3A_1768, %parallel_loop3A_1769] {strides = array<i32>} : memref<4x16x768xf32, #tpu.memory_space<vmem>>, vector<1x1x16xf32>,
        %parallel_loop3A_1771 = vector.shape_cast %parallel_loop3A_1770 : vector<1x1x16xf32> to vector<16xf32>
        %parallel_loop3A_1772 = vector.shape_cast %parallel_loop3A_1730 : vector<16xf32> to vector<1x1x16xf32>
        tpu.vector_store %arg11[%parallel_loop3A_1767, %parallel_loop3A_1768, %parallel_loop3A_1769], %parallel_loop3A_1772 {add = true, strides = array<i32>} : memref<4x16x768xf32, #tpu.memory_space<vmem>>, vector<1x1x16xf32>,
        %parallel_loop3A_1773 = arith.constant 2 : i32
        %parallel_loop3A_1774 = arith.index_cast %parallel_loop3A_1773 : i32 to index
        %parallel_loop3A_1775 = arith.index_cast %parallel_loop3A_250 : i32 to index
        %parallel_loop3A_1776 = arith.constant 752 : index
        %parallel_loop3A_1777 = tpu.vector_load %arg11[%parallel_loop3A_1774, %parallel_loop3A_1775, %parallel_loop3A_1776] {strides = array<i32>} : memref<4x16x768xf32, #tpu.memory_space<vmem>>, vector<1x1x16xf32>,
        %parallel_loop3A_1778 = vector.shape_cast %parallel_loop3A_1777 : vector<1x1x16xf32> to vector<16xf32>
        %parallel_loop3A_1779 = vector.shape_cast %parallel_loop3A_1730 : vector<16xf32> to vector<1x1x16xf32>
        tpu.vector_store %arg11[%parallel_loop3A_1774, %parallel_loop3A_1775, %parallel_loop3A_1776], %parallel_loop3A_1779 {add = true, strides = array<i32>} : memref<4x16x768xf32, #tpu.memory_space<vmem>>, vector<1x1x16xf32>,
        %parallel_loop3A_1780 = arith.constant 3 : i32
        %parallel_loop3A_1781 = arith.index_cast %parallel_loop3A_1780 : i32 to index
        %parallel_loop3A_1782 = arith.index_cast %parallel_loop3A_250 : i32 to index
        %parallel_loop3A_1783 = arith.constant 752 : index
        %parallel_loop3A_1784 = tpu.vector_load %arg11[%parallel_loop3A_1781, %parallel_loop3A_1782, %parallel_loop3A_1783] {strides = array<i32>} : memref<4x16x768xf32, #tpu.memory_space<vmem>>, vector<1x1x16xf32>,
        %parallel_loop3A_1785 = vector.shape_cast %parallel_loop3A_1784 : vector<1x1x16xf32> to vector<16xf32>
        %parallel_loop3A_1786 = vector.shape_cast %parallel_loop3A_1730 : vector<16xf32> to vector<1x1x16xf32>
        tpu.vector_store %arg11[%parallel_loop3A_1781, %parallel_loop3A_1782, %parallel_loop3A_1783], %parallel_loop3A_1786 {add = true, strides = array<i32>} : memref<4x16x768xf32, #tpu.memory_space<vmem>>, vector<1x1x16xf32>,
      } {sc.loop_unroll_factor = 1 : i64, sc.parallel_access}
      %mul3A_240 = arith.constant 16 : i32
      %mul3A_241 = arith.muli %add3A_208, %mul3A_240 : i32
      %add3A_242 = arith.addi %mul3A_2, %mul3A_241 : i32
      %dma_start3A_243 = arith.constant 0 : i32
      %dma_start3A_244 = arith.constant 0 : i32
      %dma_start3A_245 = tpu.memref_slice %arg5[%dma_start3A_243, %add3A_242, %dma_start3A_244] : memref<4x8192x768xf32, #tpu.memory_space<hbm>> -> memref<4x16x768xf32, #tpu.memory_space<hbm>>
      %dma_start3A_246 = arith.constant 0 : i32
      %dma_start3A_247 = arith.constant 0 : i32
      %dma_start3A_248 = tpu.memref_slice %arg5[%dma_start3A_246, %add3A_242, %dma_start3A_247] : memref<4x8192x768xf32, #tpu.memory_space<hbm>> -> memref<4x16x768xf32, #tpu.memory_space<hbm>>
      tpu.enqueue_dma source(%arg11 : memref<4x16x768xf32, #tpu.memory_space<vmem>>) target(%dma_start3A_248 : memref<4x16x768xf32, #tpu.memory_space<hbm>>) target_semaphore(%arg15 : memref<!tpu.dma_semaphore, #tpu.memory_space<semaphore_mem>>)
      %scan3A_249 = arith.constant 0 : i32
      scf.yield %scan3A_249 : i32
    }
    %scan3A_155 = arith.constant 8 : i32
    %dma_wait3A = arith.constant 0 : i32
    %dma_wait3A_156 = arith.constant 0 : i32
    %dma_wait3A_157 = arith.constant 0 : i32
    %dma_wait3A_158 = tpu.memref_slice %arg5[%dma_wait3A, %dma_wait3A_156, %dma_wait3A_157] : memref<4x8192x768xf32, #tpu.memory_space<hbm>> -> memref<4x16x768xf32, #tpu.memory_space<hbm>>
    %dma_wait3A_159 = arith.constant 0 : i32
    %dma_wait3A_160 = arith.constant 0 : i32
    %dma_wait3A_161 = arith.constant 0 : i32
    %dma_wait3A_162 = tpu.memref_slice %arg5[%dma_wait3A_159, %dma_wait3A_160, %dma_wait3A_161] : memref<4x8192x768xf32, #tpu.memory_space<hbm>> -> memref<4x16x768xf32, #tpu.memory_space<hbm>>
    tpu.wait_dma2 semaphore(%arg15 : memref<!tpu.dma_semaphore, #tpu.memory_space<semaphore_mem>>) src(%arg11 : memref<4x16x768xf32, #tpu.memory_space<vmem>>) dst(%dma_wait3A_162 : memref<4x16x768xf32, #tpu.memory_space<hbm>>)
    return
  }
}

</mosaic_0001>

<sc_bundles>
// kernel: kernel.3.cloned.1.call-start
scs
__scs_entry_jumppad:
0x0: {  	(pc) =	sbr.rel $0x88, $3  }
0x1: {  	(tag) =	ssettag $0x0;
	lr =	simm.s32 $0x1  }
0x2: {  	[smem:$0x3F9E] =	sst lr;
	_ =	strace $0xD0000000  }
0x3: {  	_ = 	snop  }
0x4: {  	_ = 	snop  }
0x5: {  	_ = 	snop  }
0x6: {  	_ = 	snop  }
0x7: {  	_ = 	snop  }
__scs_overlays_trampoline_lowered:
0x8: {  	[smem:$0x3FAD] =	sst s0  }
0x9: {  	[smem:$0x3FAE] =	sst s1  }
0xa: {  	[smem:$0x3FAF] =	sst s2  }
0xb: {  	[smem:$0x3FB0] =	sst s3  }
0xc: {  	[smem:$0x3FB1] =	sst s4  }
0xd: {  	[smem:$0x3FB2] =	sst s5  }
0xe: {  	[smem:$0x3FB3] =	sst s6  }
0xf: {  	[smem:$0x3FB4] =	sst s7  }
0x10: {  	[smem:$0x3FB5] =	sst s8  }
0x11: {  	[smem:$0x3FB6] =	sst s9;
	s0 =	simm.s32 @!p0 $0x0  }
0x12: {  	s1 =	sld [smem:$0x3F9C];
	s0 =	simm.s32 @p0 $0x1  }
0x13: {  	[smem:$0x3FB7] =	sst s0;
	s0 =	simm.s32 @!p1 $0x0  }
0x14: {  	s2 =	sld [smem:$0x3F9B];
	s0 =	simm.s32 @p1 $0x1  }
0x15: {  	[smem:$0x3FB8] =	sst s0;
	s0 =	simm.s32 @!p2 $0x0  }
0x16: {  	s3 =	sld [smem:$0x3FDB];
	s0 =	simm.s32 @p2 $0x1  }
0x17: {  	s4 =	simm.s32 $0x1BF5;
	[smem:$0x3FBA] =	sst s0  }
0x18: {  	s0 =	sld [smem:$0x3F9D];
	_ =	swait.ge [sflag:s4], $0x0  }
0x19: {  	s7 =	sld [smem:$0x3F9E]  }
0x1a: {  	s8 =	sadd.s32 $0xFFFFE003, lr  }
0x1b: {  	s9 =	sadd.s32 $0xFFFFFEF7, lr;
	s5 =	simm.s32 $0xFFFFFFFF;
	p2 =	slt.u32 s8, $0xFFFFF086  }
0x1c: {  	p1 =	slt.u32 s9, $0xF7A;
	s5 =	simm.s32 @!p2 $0x0  }
0x1d: {  	s5 =	simm.s32 @p1 $0x1;
	p0 =	seq.s32 s7, s2  }
0x1e: {  	s7 =	smul.u32 @!p0 $0xF7A, s2;
	p2 =	seq.s32 @!p0 s5, $0x0  }
0x1f: {  	s9 =	smul.u32 $0xF7A, s1;
	s8 =	simm.s32 @!p0 $0x1BF5;
	p2 =	por !p2, p0  }
0x20: {  	[sflag:s8] =	ssyncset.s32 @!p0 $0xFFFFF086;
	s6 =	sadd.s32 @!p0 s3, s7;
	s7 =	simm.s32 @!p0 $0x108  }
0x21: {  	s3 =	sadd.s32 s3, s9;
	s6 =	sadd.s32 @!p0 $0x88, s6;
	s7 =	simm.s32 @p2 $0x1082  }
0x22: {  	[simem:s7], [sflag:s8] =	dma.local @!p0 [hbm:s6], $0xF7A  }
0x23: {  	s9 =	sor.u32 $0xD0000000, s2;
	s6 =	simm.s32 $0x108;
	_ =	swait.ge @!p0 [sflag:s8], $0x0  }
0x24: {  	s3 =	sadd.s32 $0x88, s3;
	s6 =	simm.s32 @!p1 $0x1082;
	[sflag:s4] =	ssyncset.s32 $0xFFFFF086  }
0x25: {  	[simem:s6], [sflag:s4] =	dma.local [hbm:s3], $0xF7A  }
0x26: {  	[smem:$0x3F9E] =	sst s1;
	(tag) =	ssettag s2;
	_ =	strace s9  }
0x27: {  	s1 =	sld [smem:$0x3FAE]  }
0x28: {  	s2 =	sld [smem:$0x3FAF]  }
0x29: {  	s4 =	sld [smem:$0x3FB1]  }
0x2a: {  	p0 =	seq.s32 s5, $0x0;
	s5 =	sld [smem:$0x3FB2]  }
0x2b: {  	s6 =	sld [smem:$0x3FB3]  }
0x2c: {  	s7 =	sld [smem:$0x3FB4]  }
0x2d: {  	s3 =	simm.s32 $0x108;
	s8 =	sld [smem:$0x3FB5]  }
0x2e: {  	s3 =	simm.s32 @!p0 $0x1082;
	s9 =	sld [smem:$0x3FB6]  }
0x2f: {  	lr =	sadd.s32 s0, s3;
	s0 =	sld [smem:$0x3FAD]  }
0x30: {  	s3 =	sld [smem:$0x3FB0]  }
0x31: {  	[smem:$0x3FB9] =	sst s10  }
0x32: {  	s10 =	sld [smem:$0x3FB7];
	_ =	sdelay $0x3  }
0x33: {  	p0 =	seq.s32 s10, $0x1;
	s10 =	sld [smem:$0x3FB9];
	_ =	sdelay $0x3  }
0x34: {  	[smem:$0x3FB9] =	sst s10  }
0x35: {  	s10 =	sld [smem:$0x3FB8];
	_ =	sdelay $0x3  }
0x36: {  	p1 =	seq.s32 s10, $0x1;
	s10 =	sld [smem:$0x3FB9];
	_ =	sdelay $0x3  }
0x37: {  	[smem:$0x3FB9] =	sst s10  }
0x38: {  	s10 =	sld [smem:$0x3FBA]  }
0x39: {  	_ = 	snop;
	(pc) =	sbr.ind lr, $3  }
0x3a: {  	_ = 	snop  }
0x3b: {  	_ = 	snop  }
0x3c: {  	p2 =	seq.s32 s10, $0x1;
	s10 =	sld [smem:$0x3FB9]  }
0x3d: {  	_ =	shalt  }
0x3e: {  	_ =	shalt  }
0x3f: {  	_ =	shalt  }
0x40: {  	_ =	shalt  }
0x41: {  	_ =	shalt  }
0x42: {  	_ =	shalt  }
0x43: {  	_ =	shalt  }
0x44: {  	_ =	shalt  }
0x45: {  	_ =	shalt  }
0x46: {  	_ =	shalt  }
0x47: {  	_ =	shalt  }
0x48: {  	_ =	shalt  }
0x49: {  	_ =	shalt  }
0x4a: {  	_ =	shalt  }
0x4b: {  	_ =	shalt  }
0x4c: {  	_ =	shalt  }
0x4d: {  	_ =	shalt  }
0x4e: {  	_ =	shalt  }
0x4f: {  	_ =	shalt  }
0x50: {  	_ =	shalt  }
0x51: {  	_ =	shalt  }
0x52: {  	_ =	shalt  }
0x53: {  	_ =	shalt  }
0x54: {  	_ =	shalt  }
0x55: {  	_ =	shalt  }
0x56: {  	_ =	shalt  }
0x57: {  	_ =	shalt  }
0x58: {  	_ =	shalt  }
0x59: {  	_ =	shalt  }
0x5a: {  	_ =	shalt  }
0x5b: {  	_ =	shalt  }
0x5c: {  	_ =	shalt  }
0x5d: {  	_ =	shalt  }
0x5e: {  	_ =	shalt  }
0x5f: {  	_ =	shalt  }
0x60: {  	_ =	shalt  }
0x61: {  	_ =	shalt  }
0x62: {  	_ =	shalt  }
0x63: {  	_ =	shalt  }
0x64: {  	_ =	shalt  }
0x65: {  	_ =	shalt  }
0x66: {  	_ =	shalt  }
0x67: {  	_ =	shalt  }
0x68: {  	_ =	shalt  }
0x69: {  	_ =	shalt  }
0x6a: {  	_ =	shalt  }
0x6b: {  	_ =	shalt  }
0x6c: {  	_ =	shalt  }
0x6d: {  	_ =	shalt  }
0x6e: {  	_ =	shalt  }
0x6f: {  	_ =	shalt  }
0x70: {  	_ =	shalt  }
0x71: {  	_ =	shalt  }
0x72: {  	_ =	shalt  }
0x73: {  	_ =	shalt  }
0x74: {  	_ =	shalt  }
0x75: {  	_ =	shalt  }
0x76: {  	_ =	shalt  }
0x77: {  	_ =	shalt  }
0x78: {  	_ =	shalt  }
0x79: {  	_ =	shalt  }
0x7a: {  	_ =	shalt  }
0x7b: {  	_ =	shalt  }
0x7c: {  	_ =	shalt  }
0x7d: {  	_ =	shalt  }
0x7e: {  	_ =	shalt  }
0x7f: {  	_ =	shalt  }
0x80: {  	_ =	shalt  }
0x81: {  	_ =	shalt  }
0x82: {  	_ =	shalt  }
0x83: {  	_ =	shalt  }
0x84: {  	_ =	shalt  }
0x85: {  	_ =	shalt  }
0x86: {  	_ =	shalt  }
0x87: {  	_ =	shalt  }
.Lfunc_end0:
.L_simem_size_0:
called_computation_lowered:
.L_overlay_start_0:
0x88: {  	s2 =	sld [smem:$0x3FD9]  }
0x89: {  	s3 =	sld [smem:$0x3FFE];
	_ =	sdelay $0x1  }
0x8a: {  	s1 =	srdreg.scid  }
0x8b: {  	s0 =	sand.u32 $0x1, s1  }
0x8c: {  	s18 =	sshll.u32 s0, $0xA;
	s2 =	sadd.s32 s3, s2  }
0x8d: {  	s2 =	sadd.s32 s2, s18  }
0x8e: {  	[smem:$0x3FC5] =	sst s2  }
0x8f: {  	_ = 	snop  }
0x90: {  	s2 =	sld [smem:$0x3FC9]  }
0x91: {  	s19 =	sld [smem:$0x3FC8]  }
0x92: {  	s4 =	sld [smem:$0x3FC7]  }
0x93: {  	s5 =	sld [smem:$0x3FD0];
	(tm) =	ssettm $0x1  }
0x94: {  	s6 =	sld [smem:$0x3FFB];
	_ =	sdelay $0x3  }
0x95: {  	_ =	strace s6  }
0x96: {  	s6 =	sld [smem:$0x3FFC];
	_ =	sdelay $0x3  }
0x97: {  	_ =	strace s6  }
0x98: {  	s6 =	sld [smem:$0x3FFD];
	_ =	sdelay $0x3  }
0x99: {  	_ =	strace s6  }
0x9a: {  	_ =	strace $0x8FFFFFFF  }
0x9b: {  	s20 =	sld [smem:$0x3FDB];
	_ =	sdelay $0x1  }
0x9c: {  	s7 =	simm.s32 $_scs_section_size  }
0x9d: {  	s8 =	simm.s32 $_size__tile_overlayer_lowered;
	s9 =	simm.s32 $_tile_overlayer_lowered  }
0x9e: {  	s23 =	simm.s32 $0x1BFF;
	s22 =	sshll.u32 s9, $0x1;
	s6 =	sadd.s32 s7, s20  }
0x9f: {  	s10 =	simm.s32 $0x0;
	s21 =	sshll.u32 s8, $0x1;
	s8 =	sadd.s32 s22, s6  }
0xa0: {  	[timem:s10], [sflag:s23] =	dma.local [hbm:s8], s21  }
0xa1: {  	_ =	swait.ge [sflag:s23], s21  }
0xa2: {  	s7 =	ssub.s32 $0x0, s21;
	[sflag:s23] =	ssyncset.done $0x0  }
0xa3: {  	[sflag:s23] =	ssyncadd.s32 s7;
	_ =	sdelay $0x1  }
0xa4: {  	s24 =	simm.s32 $0x1B8B  }
0xa5: {  	_ =	swait.ge [sflag:s24], $0x1  }
0xa6: {  	[sflag:s24] =	ssyncset.done $0x0  }
0xa7: {  	s25 =	simm.s32 $0x1B8E;
	[sflag:s24] =	ssyncadd.s32 $0xFFFFFFFF  }
0xa8: {  	s26 =	simm.s32 $execute0_lowered;
	[smem:$0x3FD2] =	sst s25  }
0xa9: {  	s7 =	sshll.u32 s26, $0x1;
	_ =	strace $0x80000046;
	[dreg:$0x1] =	wrdreg $0xFFFFFFFF  }
0xaa: {  	s28 =	simm.s32 $_size_execute0_lowered;
	s6 =	sadd.s32 s6, s7;
	[dreg:$0x0] =	wrdreg $0x0  }
0xab: {  	s7 =	sshll.u32 s28, $0x1;
	[dreg:$0x2] =	wrdreg s6  }
0xac: {  	[dreg:$0x3] =	wrdreg s7  }
0xad: {  	[dreg:$0x4] =	wrdreg $0xC0  }
0xae: {  	_ =	task [dreg:s10], $0x5FFFF  }
0xaf: {  	[dreg:$0x1] =	wrdreg $0xFFFFFFFF  }
0xb0: {  	[dreg:$0x0] =	wrdreg $0x60  }
0xb1: {  	[dreg:$0x2] =	wrdreg s2  }
0xb2: {  	[dreg:$0x3] =	wrdreg s19  }
0xb3: {  	[dreg:$0x4] =	wrdreg s4  }
0xb4: {  	[dreg:$0x5] =	wrdreg s5  }
0xb5: {  	[dreg:$0x6] =	wrdreg $0x9  }
0xb6: {  	_ =	task.clear_ibuf [dreg:s10], $0x7FFFF;
	_ =	strace $0x90000046  }
0xb7: {  	s29 =	simm.s32 $0x9;
	_ =	strace $0x80000048  }
0xb8: {  	_ =	swait.ge [sflag:s29], $0x1  }
0xb9: {  	[sflag:s29] =	ssyncadd.s32 $0xFFFFFFFF  }
0xba: {  	_ =	strace $0x90000048  }
0xbb: {  	_ =	sfence  }
0xbc: {  	s30 =	sld [smem:$0x0];
	_ =	sdelay $0x2  }
0xbd: {  	s31 =	sshll.u32 s1, $0xD;
	s1 =	sshrl.u32 s1, $0x2  }
0xbe: {  	s3 =	sand.u32 $0x4000, s31;
	s1 =	sadd.s32 s1, s30  }
0xbf: {  	s0 =	sor.u32 s3, s0;
	s1 =	sshll.u32 s1, $0x11  }
0xc0: {  	s0 =	sor.u32 s1, s0  }
0xc1: {  	s0 =	sadd.s32 $0x8F2B, s0  }
0xc2: {  	[sflag:s0] =	ssyncadd.remote.s32 $0x1  }
0xc3: {  	_ =	sfence.sel $0xFFFF  }
0xc4: {  	[dreg:$0x0] =	wrdreg $0xFFFFFFFF;
	(pc) =	sbr.abs _section_cstart, $3  }
0xc5: {  	[dreg:$0x1] =	wrdreg $0xFFFFFFFF  }
0xc6: {  	_ =	task.clear_ibuf [dreg:s10], $0x2FFFF;
	_ =	strace $0x9FFFFFFF  }
0xc7: {  	(tm) =	ssettm $0x7FFFFFFF  }
tec
execute0_lowered:
.L_overlay_start_1:
0x0: {  	(tag) =	ssettag $0x1  }
0x1: {  	s1 =	rddreg [dreg:$0x0]  }
0x2: {  	s9 =	rddreg [dreg:$0x1]  }
0x3: {  	s0 =	srdreg.scid;
	s4 =	rddreg [dreg:$0x2]  }
0x4: {  	s2 =	stileid.u32;
	s5 =	rddreg [dreg:$0x3];
	s7 =	simm.s32 $0x0  }
0x5: {  	s13 =	simm.s32 $0x3000;
	s14 =	simm.s32 $0x600000;
	s15 =	simm.s32 $0x6180  }
0x6: {  	s24 =	simm.s32 $0x1;
	s25 =	simm.s32 $0x3180;
	s28 =	simm.s32 $0x4180  }
0x7: {  	s29 =	simm.s32 $0x4980;
	s30 =	simm.s32 $0x5180;
	s31 =	simm.s32 $0x5980  }
0x8: {  	s17 =	simm.s32 $0x3;
	s19 =	simm.s32 $0x0;
	s0 =	sand.u32 $0x1, s0  }
0x9: {  	s2 =	sshll.u32 s2, $0x9;
	[smem:$0x7FF] =	sst s7;
	s3 =	sshll.u32 s0, $0x8  }
0xa: {  	s10 =	sadd.s32 $0x100, s4;
	s0 =	ssub.s32 $0x2, s0;
	s6 =	sor.u32 s3, s2  }
0xb: {  	s11 =	sadd.s32 $0x200, s4;
	s8 =	sshrl.u32 s0, $0x1;
	s2 =	sshrl.u32 s6, $0x3  }
0xc: {  	s0 =	ssub.s32 s0, s8;
	s26 =	smul.u32 $0x300, s2;
	s2 =	sadd.s32 s9, s2  }
0xd: {  	v3 =	vlaneseq.u32;
	_ =	strace $0x80000047;
	s0 =	smax.u32 s0, $0x1;
	[dreg:$0x6] =	wrdreg s2  }
0xe: {  	v0 =	vimm.s32 $0x0;
	vm0 =	vmmov $0xffff;
	v2 =	vshrl.u32 v3, $0x3;
	[dreg:$0x7] =	wrdreg s0;
	s0 =	simm.s32 $0x2;
	s3 =	sadd.s32 s1, s26  }
0xf: {  	v1 =	vand.u32 $0x7, v3;
	v3 =	vor.u32 $0x8, v3;
	v2 =	vmul.u32 $0x8, v2;
	s26 =	simm.s32 $0x3980;
	[dreg:$0x5] =	wrdreg s3;
	s3 =	simm.s32 $0x12180  }
.LBB2_1:
0x10: {  	s2 =	rddreg [dreg:$0x5]  }
0x11: {  	[tilespmem:s15], [sflag:$0x1] =	stream.strided.gather [hbm4b:s2+s13], $0xC000, s14, s13, $0x38;
	[tilespmem:$0x1E180] =	vst v63  }
0x12: {  	s9 =	rddreg [dreg:$0x6];
	s8 =	simm.s32 $0x5  }
0x13: {  	[tilespmem:s7], [sflag:$0x5] =	stream.linear.gather [hbm4b:s9+s7], $0x100, $0x38;
	[tilespmem:$0x1E180] =	vst v63  }
0x14: {  	_ =	swait.ge [sflag:s8], $0x100  }
0x15: {  	[sflag:s8] =	ssyncset.done $0x0  }
0x16: {  	[sflag:s8] =	ssyncadd.s32 $0xFFFFFF00  }
0x17: {  	s9 =	simm.s32 $0x100;
	s12 =	rddreg [dreg:$0x1]  }
0x18: {  	[tilespmem:s9], [sflag:$0x5] =	stream.linear.gather [hbm4b:s12+s7], $0x10, $0x38;
	[tilespmem:$0x1E180] =	vst v63  }
0x19: {  	_ =	swait.ge [sflag:s8], $0x10  }
0x1a: {  	[sflag:s8] =	ssyncset.done $0x0  }
0x1b: {  	[sflag:s8] =	ssyncadd.s32 $0xFFFFFFF0  }
0x1c: {  	v4 =	vld [tilespmem:$0x100];
	_ =	sdelay $0x1  }
0x1d: {  	v5 =	vld [tilespmem:$0x0]  }
0x1e: {  	v6 =	vld [tilespmem:$0x10]  }
0x1f: {  	v7 =	vld [tilespmem:$0x20]  }
0x20: {  	v8 =	vld [tilespmem:$0x30];
	v4 =	vperm.xlane v4, v0  }
0x21: {  	v9 =	vld [tilespmem:$0x40]  }
0x22: {  	v10 =	vld [tilespmem:$0x50];
	v5 =	vsub.s32 v5, v4  }
0x23: {  	v11 =	vld [tilespmem:$0x60];
	v6 =	vsub.s32 v6, v4;
	[tilespmem:$0x0] =	vst v5  }
0x24: {  	v42 =	vld [tilespmem:$0x70];
	v41 =	vsub.s32 v7, v4;
	[tilespmem:$0x10] =	vst v6  }
0x25: {  	v44 =	vld [tilespmem:$0x80];
	v43 =	vsub.s32 v8, v4;
	[tilespmem:$0x20] =	vst v41  }
0x26: {  	v46 =	vld [tilespmem:$0x90];
	v45 =	vsub.s32 v9, v4;
	[tilespmem:$0x30] =	vst v43  }
0x27: {  	v48 =	vld [tilespmem:$0xA0];
	v47 =	vsub.s32 v10, v4;
	[tilespmem:$0x40] =	vst v45  }
0x28: {  	v50 =	vld [tilespmem:$0xB0];
	v49 =	vsub.s32 v11, v4;
	[tilespmem:$0x50] =	vst v47;
	v12 =	vshrl.u32 v5, $0x3  }
0x29: {  	v52 =	vld [tilespmem:$0xC0];
	v51 =	vsub.s32 v42, v4;
	[tilespmem:$0x60] =	vst v49;
	v12 =	vmul.u32 $0x30, v12  }
0x2a: {  	v54 =	vld [tilespmem:$0xD0];
	v53 =	vsub.s32 v44, v4;
	[tilespmem:$0x70] =	vst v51;
	v5 =	vand.u32 $0x7, v5  }
0x2b: {  	v56 =	vld [tilespmem:$0xE0];
	v55 =	vsub.s32 v46, v4;
	[tilespmem:$0x80] =	vst v53;
	v5 =	vor.u32 v5, v12  }
0x2c: {  	v58 =	vld [tilespmem:$0xF0];
	v57 =	vsub.s32 v48, v4;
	[tilespmem:$0x90] =	vst v55;
	v12 =	vperm.xlane v5, v1  }
0x2d: {  	v59 =	vsub.s32 v50, v4;
	[tilespmem:$0xA0] =	vst v57  }
0x2e: {  	v60 =	vsub.s32 v52, v4;
	[tilespmem:$0xB0] =	vst v59;
	v61 =	vadd.s32 v2, v12  }
0x2f: {  	v62 =	vsub.s32 v54, v4;
	[tilespmem:$0xC0] =	vst v60  }
0x30: {  	v63 =	vsub.s32 v56, v4;
	[tilespmem:$0xD0] =	vst v62  }
0x31: {  	v4 =	vsub.s32 v58, v4;
	[tilespmem:$0xE0] =	vst v63  }
0x32: {  	s16 =	simm.s32 $0x180;
	[tilespmem:$0xF0] =	vst v4;
	v4 =	vperm.xlane v5, v3  }
0x33: {  	[tilespmem:s16], [sflag:$0x1] =	stream.indirect_vreg.gather [hbm4b:s4+s7], $0x80, v61, vm0, $0xb8;
	[tilespmem:$0x1E180] =	vst v63  }
0x34: {  	s18 =	simm.s32 $0x980;
	v4 =	vadd.s32 v2, v4  }
0x35: {  	[tilespmem:s18], [sflag:$0x1] =	stream.indirect_vreg.gather [hbm4b:s10+s7], $0x80, v61, vm0, $0xb8;
	[tilespmem:$0x1E180] =	vst v63  }
0x36: {  	s20 =	simm.s32 $0x1180  }
0x37: {  	[tilespmem:s20], [sflag:$0x1] =	stream.indirect_vreg.gather [hbm4b:s11+s7], $0x80, v61, vm0, $0xb8;
	[tilespmem:$0x1E180] =	vst v63  }
0x38: {  	s21 =	simm.s32 $0x1980  }
0x39: {  	[tilespmem:s21], [sflag:$0x1] =	stream.indirect_vreg.gather [hbm4b:s4+s7], $0x80, v4, vm0, $0xb8;
	[tilespmem:$0x1E180] =	vst v63  }
0x3a: {  	s22 =	simm.s32 $0x2180  }
0x3b: {  	[tilespmem:s22], [sflag:$0x1] =	stream.indirect_vreg.gather [hbm4b:s10+s7], $0x80, v4, vm0, $0xb8;
	[tilespmem:$0x1E180] =	vst v63  }
0x3c: {  	s23 =	simm.s32 $0x2980;
	s20 =	simm.s32 $0x0  }
0x3d: {  	[tilespmem:s23], [sflag:$0x1] =	stream.indirect_vreg.gather [hbm4b:s11+s7], $0x80, v4, vm0, $0xb8;
	[tilespmem:$0x1E180] =	vst v63  }
.LBB2_2:
0x3e: {  	_ =	swait.ge [sflag:s24], $0x3000  }
0x3f: {  	[sflag:s24] =	ssyncset.done $0x0  }
0x40: {  	[sflag:s24] =	ssyncadd.s32 $0xFFFFD000  }
0x41: {  	_ =	swait.ge [sflag:s24], $0xC000  }
0x42: {  	p0 =	seq.s32 s20, $0x0;
	[sflag:s24] =	ssyncset.done $0x0  }
0x43: {  	s2 =	simm.s32 @!p0 $0x4;
	[sflag:s24] =	ssyncadd.s32 $0xFFFF4000  }
0x44: {  	_ =	swait.ge @!p0 [sflag:s2], $0xC000  }
0x45: {  	s22 =	sshll.u32 s20, $0x5;
	[sflag:s2] =	ssyncset.done @!p0 $0x0  }
0x46: {  	s8 =	sor.u32 $0x10, s22;
	[sflag:s2] =	ssyncadd.s32 @!p0 $0xFFFF4000  }
0x47: {  	v4 =	vld [tilespmem:s8+$0x0];
	_ =	sdelay $0x4  }
0x48: {  	v5 =	vshrl.u32 v4, $0x3  }
0x49: {  	v5 =	vmul.u32 $0x30, v5  }
0x4a: {  	v4 =	vand.u32 $0x7, v4  }
0x4b: {  	v4 =	vor.u32 v4, v5  }
0x4c: {  	v5 =	vperm.xlane v4, v1;
	_ =	sdelay $0x1  }
0x4d: {  	v5 =	vadd.s32 v2, v5;
	_ =	sdelay $0x3  }
0x4e: {  	s2 =	simm.s32 $0x0;
	v4 =	vperm.xlane v4, v3  }
0x4f: {  	[tilespmem:s25], [sflag:$0x2] =	stream.indirect_vreg.gather [hbm4b:s4+s2], $0x80, v5, vm0, $0xb8;
	[tilespmem:$0x1E180] =	vst v63  }
0x50: {  	v4 =	vadd.s32 v2, v4  }
0x51: {  	[tilespmem:s26], [sflag:$0x2] =	stream.indirect_vreg.gather [hbm4b:s10+s2], $0x80, v5, vm0, $0xb8;
	[tilespmem:$0x1E180] =	vst v63  }
0x52: {  	_ = 	snop  }
0x53: {  	[tilespmem:s28], [sflag:$0x2] =	stream.indirect_vreg.gather [hbm4b:s11+s2], $0x80, v5, vm0, $0xb8;
	[tilespmem:$0x1E180] =	vst v63  }
0x54: {  	s8 =	sor.u32 s6, s8  }
0x55: {  	[tilespmem:s29], [sflag:$0x2] =	stream.indirect_vreg.gather [hbm4b:s4+s2], $0x80, v4, vm0, $0xb8;
	[tilespmem:$0x1E180] =	vst v63  }
0x56: {  	s8 =	sshrl.u32 s8, $0x3  }
0x57: {  	[tilespmem:s30], [sflag:$0x2] =	stream.indirect_vreg.gather [hbm4b:s10+s2], $0x80, v4, vm0, $0xb8;
	[tilespmem:$0x1E180] =	vst v63  }
0x58: {  	s21 =	smul.u32 $0x300, s8  }
0x59: {  	[tilespmem:s31], [sflag:$0x2] =	stream.indirect_vreg.gather [hbm4b:s11+s2], $0x80, v4, vm0, $0xb8;
	[tilespmem:$0x1E180] =	vst v63  }
0x5a: {  	s16 =	simm.s32 $0x0;
	s8 =	sadd.s32 s1, s21  }
0x5b: {  	[tilespmem:s3], [sflag:$0x2] =	stream.strided.gather [hbm4b:s8+s13], $0xC000, s14, s13, $0x38;
	[tilespmem:$0x1E180] =	vst v63  }
0x5c: {  	s8 =	smul.u32 $0x1800, s16  }
0x5d: {  	s9 =	sand.u32 $0x380, s2  }
0x5e: {  	s23 =	sor.u32 s9, s8  }
0x5f: {  	v4 =	vld [tilespmem:s23+$0x590]  }
0x60: {  	v5 =	vld [tilespmem:s23+$0x180]  }
0x61: {  	v6 =	vld [tilespmem:s23+$0x190]  }
0x62: {  	v7 =	vld [tilespmem:s23+$0x1A0]  }
0x63: {  	v8 =	vld [tilespmem:s23+$0x1B0]  }
0x64: {  	v9 =	vld [tilespmem:s23+$0x1C0]  }
0x65: {  	v10 =	vld [tilespmem:s23+$0x1D0]  }
0x66: {  	v11 =	vld [tilespmem:s23+$0x1E0]  }
0x67: {  	v12 =	vld [tilespmem:s23+$0x1F0]  }
0x68: {  	v13 =	vld [tilespmem:s23+$0x580]  }
0x69: {  	[tilespmem:s23+$0x6180] =	vst.add.f32.msk $0xffff, v5  }
0x6a: {  	[tilespmem:s23+$0x9180] =	vst.add.f32.msk $0xffff, v5  }
0x6b: {  	[tilespmem:s23+$0xC180] =	vst.add.f32.msk $0xffff, v5  }
0x6c: {  	[tilespmem:s23+$0xF180] =	vst.add.f32.msk $0xffff, v5  }
0x6d: {  	[tilespmem:s23+$0x6190] =	vst.add.f32.msk $0xffff, v6  }
0x6e: {  	[tilespmem:s23+$0x9190] =	vst.add.f32.msk $0xffff, v6  }
0x6f: {  	[tilespmem:s23+$0xC190] =	vst.add.f32.msk $0xffff, v6  }
0x70: {  	[tilespmem:s23+$0xF190] =	vst.add.f32.msk $0xffff, v6  }
0x71: {  	[tilespmem:s23+$0x61A0] =	vst.add.f32.msk $0xffff, v7  }
0x72: {  	[tilespmem:s23+$0x91A0] =	vst.add.f32.msk $0xffff, v7  }
0x73: {  	[tilespmem:s23+$0xC1A0] =	vst.add.f32.msk $0xffff, v7  }
0x74: {  	[tilespmem:s23+$0xF1A0] =	vst.add.f32.msk $0xffff, v7  }
0x75: {  	[tilespmem:s23+$0x61B0] =	vst.add.f32.msk $0xffff, v8  }
0x76: {  	[tilespmem:s23+$0x91B0] =	vst.add.f32.msk $0xffff, v8  }
0x77: {  	[tilespmem:s23+$0xC1B0] =	vst.add.f32.msk $0xffff, v8  }
0x78: {  	[tilespmem:s23+$0xF1B0] =	vst.add.f32.msk $0xffff, v8  }
0x79: {  	[tilespmem:s23+$0x61C0] =	vst.add.f32.msk $0xffff, v9  }
0x7a: {  	[tilespmem:s23+$0x91C0] =	vst.add.f32.msk $0xffff, v9  }
0x7b: {  	[tilespmem:s23+$0xC1C0] =	vst.add.f32.msk $0xffff, v9  }
0x7c: {  	[tilespmem:s23+$0xF1C0] =	vst.add.f32.msk $0xffff, v9  }
0x7d: {  	[tilespmem:s23+$0x61D0] =	vst.add.f32.msk $0xffff, v10  }
0x7e: {  	[tilespmem:s23+$0x91D0] =	vst.add.f32.msk $0xffff, v10  }
0x7f: {  	[tilespmem:s23+$0xC1D0] =	vst.add.f32.msk $0xffff, v10  }
0x80: {  	[tilespmem:s23+$0xF1D0] =	vst.add.f32.msk $0xffff, v10  }
0x81: {  	[tilespmem:s23+$0x61E0] =	vst.add.f32.msk $0xffff, v11  }
0x82: {  	[tilespmem:s23+$0x91E0] =	vst.add.f32.msk $0xffff, v11  }
0x83: {  	[tilespmem:s23+$0xC1E0] =	vst.add.f32.msk $0xffff, v11  }
0x84: {  	[tilespmem:s23+$0xF1E0] =	vst.add.f32.msk $0xffff, v11  }
0x85: {  	[tilespmem:s23+$0x61F0] =	vst.add.f32.msk $0xffff, v12  }
0x86: {  	[tilespmem:s23+$0x91F0] =	vst.add.f32.msk $0xffff, v12  }
0x87: {  	[tilespmem:s23+$0xC1F0] =	vst.add.f32.msk $0xffff, v12  }
0x88: {  	[tilespmem:s23+$0xF1F0] =	vst.add.f32.msk $0xffff, v12  }
0x89: {  	s8 =	sadd.s32 $0x0, s8;
	[tilespmem:s23+$0x6580] =	vst.add.f32.msk $0xffff, v13  }
0x8a: {  	s18 =	sor.u32 $0x6400, s8;
	[tilespmem:s23+$0x9580] =	vst.add.f32.msk $0xffff, v13  }
0x8b: {  	[tilespmem:s18+$0x6180] =	vst.add.f32.msk $0xffff, v13  }
0x8c: {  	[tilespmem:s23+$0xF580] =	vst.add.f32.msk $0xffff, v13  }
0x8d: {  	[tilespmem:s23+$0x6590] =	vst.add.f32.msk $0xffff, v4  }
0x8e: {  	v5 =	vld [tilespmem:s23+$0x5A0]  }
0x8f: {  	[tilespmem:s23+$0x9590] =	vst.add.f32.msk $0xffff, v4  }
0x90: {  	[tilespmem:s18+$0x6190] =	vst.add.f32.msk $0xffff, v4  }
0x91: {  	[tilespmem:s23+$0xF590] =	vst.add.f32.msk $0xffff, v4  }
0x92: {  	v4 =	vld [tilespmem:s23+$0x5B0]  }
0x93: {  	[tilespmem:s23+$0x65A0] =	vst.add.f32.msk $0xffff, v5  }
0x94: {  	[tilespmem:s23+$0x95A0] =	vst.add.f32.msk $0xffff, v5  }
0x95: {  	[tilespmem:s18+$0x61A0] =	vst.add.f32.msk $0xffff, v5  }
0x96: {  	[tilespmem:s23+$0xF5A0] =	vst.add.f32.msk $0xffff, v5  }
0x97: {  	v5 =	vld [tilespmem:s23+$0x5C0]  }
0x98: {  	[tilespmem:s23+$0x65B0] =	vst.add.f32.msk $0xffff, v4  }
0x99: {  	[tilespmem:s23+$0x95B0] =	vst.add.f32.msk $0xffff, v4  }
0x9a: {  	[tilespmem:s18+$0x61B0] =	vst.add.f32.msk $0xffff, v4  }
0x9b: {  	[tilespmem:s23+$0xF5B0] =	vst.add.f32.msk $0xffff, v4  }
0x9c: {  	v4 =	vld [tilespmem:s23+$0x5D0]  }
0x9d: {  	[tilespmem:s23+$0x65C0] =	vst.add.f32.msk $0xffff, v5  }
0x9e: {  	[tilespmem:s23+$0x95C0] =	vst.add.f32.msk $0xffff, v5  }
0x9f: {  	[tilespmem:s18+$0x61C0] =	vst.add.f32.msk $0xffff, v5  }
0xa0: {  	[tilespmem:s23+$0xF5C0] =	vst.add.f32.msk $0xffff, v5  }
0xa1: {  	v5 =	vld [tilespmem:s23+$0x5E0]  }
0xa2: {  	[tilespmem:s23+$0x65D0] =	vst.add.f32.msk $0xffff, v4  }
0xa3: {  	[tilespmem:s23+$0x95D0] =	vst.add.f32.msk $0xffff, v4  }
0xa4: {  	[tilespmem:s18+$0x61D0] =	vst.add.f32.msk $0xffff, v4  }
0xa5: {  	[tilespmem:s23+$0xF5D0] =	vst.add.f32.msk $0xffff, v4  }
0xa6: {  	v4 =	vld [tilespmem:s23+$0x5F0]  }
0xa7: {  	[tilespmem:s23+$0x65E0] =	vst.add.f32.msk $0xffff, v5  }
0xa8: {  	[tilespmem:s23+$0x95E0] =	vst.add.f32.msk $0xffff, v5  }
0xa9: {  	[tilespmem:s18+$0x61E0] =	vst.add.f32.msk $0xffff, v5  }
0xaa: {  	[tilespmem:s23+$0xF5E0] =	vst.add.f32.msk $0xffff, v5  }
0xab: {  	v10 =	vld [tilespmem:s23+$0x980]  }
0xac: {  	[tilespmem:s23+$0x65F0] =	vst.add.f32.msk $0xffff, v4  }
0xad: {  	[tilespmem:s23+$0x95F0] =	vst.add.f32.msk $0xffff, v4  }
0xae: {  	[tilespmem:s18+$0x61F0] =	vst.add.f32.msk $0xffff, v4  }
0xaf: {  	[tilespmem:s23+$0xF5F0] =	vst.add.f32.msk $0xffff, v4  }
0xb0: {  	v4 =	vld [tilespmem:s23+$0x1590]  }
0xb1: {  	v11 =	vld [tilespmem:s23+$0x990]  }
0xb2: {  	v62 =	vld [tilespmem:s23+$0x9A0]  }
0xb3: {  	v63 =	vld [tilespmem:s23+$0x9B0]  }
0xb4: {  	v14 =	vld [tilespmem:s23+$0x9C0]  }
0xb5: {  	v15 =	vld [tilespmem:s23+$0x9D0]  }
0xb6: {  	v16 =	vld [tilespmem:s23+$0x9E0]  }
0xb7: {  	v17 =	vld [tilespmem:s23+$0x9F0]  }
0xb8: {  	v18 =	vld [tilespmem:s23+$0xD80]  }
0xb9: {  	v19 =	vld [tilespmem:s23+$0xD90]  }
0xba: {  	v20 =	vld [tilespmem:s23+$0xDA0]  }
0xbb: {  	v21 =	vld [tilespmem:s23+$0xDB0]  }
0xbc: {  	v22 =	vld [tilespmem:s23+$0xDC0]  }
0xbd: {  	v23 =	vld [tilespmem:s23+$0xDD0]  }
0xbe: {  	v24 =	vld [tilespmem:s23+$0xDE0]  }
0xbf: {  	v25 =	vld [tilespmem:s23+$0xDF0]  }
0xc0: {  	v26 =	vld [tilespmem:s23+$0x1180]  }
0xc1: {  	v27 =	vld [tilespmem:s23+$0x1190]  }
0xc2: {  	v28 =	vld [tilespmem:s23+$0x11A0]  }
0xc3: {  	v29 =	vld [tilespmem:s23+$0x11B0]  }
0xc4: {  	v9 =	vld [tilespmem:s23+$0x11C0]  }
0xc5: {  	v8 =	vld [tilespmem:s23+$0x11D0]  }
0xc6: {  	v7 =	vld [tilespmem:s23+$0x11E0]  }
0xc7: {  	v6 =	vld [tilespmem:s23+$0x11F0]  }
0xc8: {  	v5 =	vld [tilespmem:s23+$0x1580]  }
0xc9: {  	[tilespmem:s23+$0x6980] =	vst.add.f32.msk $0xffff, v10  }
0xca: {  	[tilespmem:s23+$0x9980] =	vst.add.f32.msk $0xffff, v10  }
0xcb: {  	[tilespmem:s23+$0xC980] =	vst.add.f32.msk $0xffff, v10  }
0xcc: {  	[tilespmem:s23+$0xF980] =	vst.add.f32.msk $0xffff, v10  }
0xcd: {  	[tilespmem:s23+$0x6990] =	vst.add.f32.msk $0xffff, v11  }
0xce: {  	[tilespmem:s23+$0x9990] =	vst.add.f32.msk $0xffff, v11  }
0xcf: {  	[tilespmem:s23+$0xC990] =	vst.add.f32.msk $0xffff, v11  }
0xd0: {  	[tilespmem:s23+$0xF990] =	vst.add.f32.msk $0xffff, v11  }
0xd1: {  	[tilespmem:s23+$0x69A0] =	vst.add.f32.msk $0xffff, v62  }
0xd2: {  	[tilespmem:s23+$0x99A0] =	vst.add.f32.msk $0xffff, v62  }
0xd3: {  	[tilespmem:s23+$0xC9A0] =	vst.add.f32.msk $0xffff, v62  }
0xd4: {  	[tilespmem:s23+$0xF9A0] =	vst.add.f32.msk $0xffff, v62  }
0xd5: {  	[tilespmem:s23+$0x69B0] =	vst.add.f32.msk $0xffff, v63  }
0xd6: {  	[tilespmem:s23+$0x99B0] =	vst.add.f32.msk $0xffff, v63  }
0xd7: {  	[tilespmem:s23+$0xC9B0] =	vst.add.f32.msk $0xffff, v63  }
0xd8: {  	[tilespmem:s23+$0xF9B0] =	vst.add.f32.msk $0xffff, v63  }
0xd9: {  	[tilespmem:s23+$0x69C0] =	vst.add.f32.msk $0xffff, v14  }
0xda: {  	[tilespmem:s23+$0x99C0] =	vst.add.f32.msk $0xffff, v14  }
0xdb: {  	[tilespmem:s23+$0xC9C0] =	vst.add.f32.msk $0xffff, v14  }
0xdc: {  	[tilespmem:s23+$0xF9C0] =	vst.add.f32.msk $0xffff, v14  }
0xdd: {  	[tilespmem:s23+$0x69D0] =	vst.add.f32.msk $0xffff, v15  }
0xde: {  	[tilespmem:s23+$0x99D0] =	vst.add.f32.msk $0xffff, v15  }
0xdf: {  	[tilespmem:s23+$0xC9D0] =	vst.add.f32.msk $0xffff, v15  }
0xe0: {  	[tilespmem:s23+$0xF9D0] =	vst.add.f32.msk $0xffff, v15  }
0xe1: {  	[tilespmem:s23+$0x69E0] =	vst.add.f32.msk $0xffff, v16  }
0xe2: {  	[tilespmem:s23+$0x99E0] =	vst.add.f32.msk $0xffff, v16  }
0xe3: {  	[tilespmem:s23+$0xC9E0] =	vst.add.f32.msk $0xffff, v16  }
0xe4: {  	[tilespmem:s23+$0xF9E0] =	vst.add.f32.msk $0xffff, v16  }
0xe5: {  	[tilespmem:s23+$0x69F0] =	vst.add.f32.msk $0xffff, v17  }
0xe6: {  	[tilespmem:s23+$0x99F0] =	vst.add.f32.msk $0xffff, v17  }
0xe7: {  	[tilespmem:s23+$0xC9F0] =	vst.add.f32.msk $0xffff, v17  }
0xe8: {  	[tilespmem:s23+$0xF9F0] =	vst.add.f32.msk $0xffff, v17  }
0xe9: {  	[tilespmem:s23+$0x6D80] =	vst.add.f32.msk $0xffff, v18  }
0xea: {  	[tilespmem:s23+$0x9D80] =	vst.add.f32.msk $0xffff, v18  }
0xeb: {  	[tilespmem:s23+$0xCD80] =	vst.add.f32.msk $0xffff, v18  }
0xec: {  	[tilespmem:s23+$0xFD80] =	vst.add.f32.msk $0xffff, v18  }
0xed: {  	[tilespmem:s23+$0x6D90] =	vst.add.f32.msk $0xffff, v19  }
0xee: {  	[tilespmem:s23+$0x9D90] =	vst.add.f32.msk $0xffff, v19  }
0xef: {  	[tilespmem:s23+$0xCD90] =	vst.add.f32.msk $0xffff, v19  }
0xf0: {  	[tilespmem:s23+$0xFD90] =	vst.add.f32.msk $0xffff, v19  }
0xf1: {  	[tilespmem:s23+$0x6DA0] =	vst.add.f32.msk $0xffff, v20  }
0xf2: {  	[tilespmem:s23+$0x9DA0] =	vst.add.f32.msk $0xffff, v20  }
0xf3: {  	[tilespmem:s23+$0xCDA0] =	vst.add.f32.msk $0xffff, v20  }
0xf4: {  	[tilespmem:s23+$0xFDA0] =	vst.add.f32.msk $0xffff, v20  }
0xf5: {  	[tilespmem:s23+$0x6DB0] =	vst.add.f32.msk $0xffff, v21  }
0xf6: {  	[tilespmem:s23+$0x9DB0] =	vst.add.f32.msk $0xffff, v21  }
0xf7: {  	[tilespmem:s23+$0xCDB0] =	vst.add.f32.msk $0xffff, v21  }
0xf8: {  	[tilespmem:s23+$0xFDB0] =	vst.add.f32.msk $0xffff, v21  }
0xf9: {  	[tilespmem:s23+$0x6DC0] =	vst.add.f32.msk $0xffff, v22  }
0xfa: {  	[tilespmem:s23+$0x9DC0] =	vst.add.f32.msk $0xffff, v22  }
0xfb: {  	[tilespmem:s23+$0xCDC0] =	vst.add.f32.msk $0xffff, v22  }
0xfc: {  	[tilespmem:s23+$0xFDC0] =	vst.add.f32.msk $0xffff, v22  }
0xfd: {  	[tilespmem:s23+$0x6DD0] =	vst.add.f32.msk $0xffff, v23  }
0xfe: {  	[tilespmem:s23+$0x9DD0] =	vst.add.f32.msk $0xffff, v23  }
0xff: {  	[tilespmem:s23+$0xCDD0] =	vst.add.f32.msk $0xffff, v23  }
0x100: {  	[tilespmem:s23+$0xFDD0] =	vst.add.f32.msk $0xffff, v23  }
0x101: {  	[tilespmem:s23+$0x6DE0] =	vst.add.f32.msk $0xffff, v24  }
0x102: {  	[tilespmem:s23+$0x9DE0] =	vst.add.f32.msk $0xffff, v24  }
0x103: {  	[tilespmem:s23+$0xCDE0] =	vst.add.f32.msk $0xffff, v24  }
0x104: {  	[tilespmem:s23+$0xFDE0] =	vst.add.f32.msk $0xffff, v24  }
0x105: {  	[tilespmem:s23+$0x6DF0] =	vst.add.f32.msk $0xffff, v25  }
0x106: {  	[tilespmem:s23+$0x9DF0] =	vst.add.f32.msk $0xffff, v25  }
0x107: {  	[tilespmem:s23+$0xCDF0] =	vst.add.f32.msk $0xffff, v25  }
0x108: {  	[tilespmem:s23+$0xFDF0] =	vst.add.f32.msk $0xffff, v25  }
0x109: {  	[tilespmem:s23+$0x7180] =	vst.add.f32.msk $0xffff, v26  }
0x10a: {  	[tilespmem:s23+$0xA180] =	vst.add.f32.msk $0xffff, v26  }
0x10b: {  	[tilespmem:s23+$0xD180] =	vst.add.f32.msk $0xffff, v26  }
0x10c: {  	[tilespmem:s23+$0x10180] =	vst.add.f32.msk $0xffff, v26  }
0x10d: {  	[tilespmem:s23+$0x7190] =	vst.add.f32.msk $0xffff, v27  }
0x10e: {  	[tilespmem:s23+$0xA190] =	vst.add.f32.msk $0xffff, v27  }
0x10f: {  	[tilespmem:s23+$0xD190] =	vst.add.f32.msk $0xffff, v27  }
0x110: {  	[tilespmem:s23+$0x10190] =	vst.add.f32.msk $0xffff, v27  }
0x111: {  	[tilespmem:s23+$0x71A0] =	vst.add.f32.msk $0xffff, v28  }
0x112: {  	[tilespmem:s23+$0xA1A0] =	vst.add.f32.msk $0xffff, v28  }
0x113: {  	[tilespmem:s23+$0xD1A0] =	vst.add.f32.msk $0xffff, v28  }
0x114: {  	[tilespmem:s23+$0x101A0] =	vst.add.f32.msk $0xffff, v28  }
0x115: {  	[tilespmem:s23+$0x71B0] =	vst.add.f32.msk $0xffff, v29  }
0x116: {  	[tilespmem:s23+$0xA1B0] =	vst.add.f32.msk $0xffff, v29  }
0x117: {  	[tilespmem:s23+$0xD1B0] =	vst.add.f32.msk $0xffff, v29  }
0x118: {  	[tilespmem:s23+$0x101B0] =	vst.add.f32.msk $0xffff, v29  }
0x119: {  	s9 =	simm.s32 $0x1;
	[tilespmem:s23+$0x71C0] =	vst.add.f32.msk $0xffff, v9  }
.LBB2_3:
0x11a: {  	p0 =	sne.s32 s9, $0xF;
	[tilespmem:s23+$0xA1C0] =	vst.add.f32.msk $0xffff, v9  }
0x11b: {  	[tilespmem:s23+$0xD1C0] =	vst.add.f32.msk $0xffff, v9  }
0x11c: {  	[tilespmem:s23+$0x101C0] =	vst.add.f32.msk $0xffff, v9  }
0x11d: {  	[tilespmem:s23+$0x71D0] =	vst.add.f32.msk $0xffff, v8  }
0x11e: {  	[tilespmem:s23+$0xA1D0] =	vst.add.f32.msk $0xffff, v8  }
0x11f: {  	[tilespmem:s23+$0xD1D0] =	vst.add.f32.msk $0xffff, v8  }
0x120: {  	[tilespmem:s23+$0x101D0] =	vst.add.f32.msk $0xffff, v8  }
0x121: {  	[tilespmem:s23+$0x71E0] =	vst.add.f32.msk $0xffff, v7  }
0x122: {  	[tilespmem:s23+$0xA1E0] =	vst.add.f32.msk $0xffff, v7  }
0x123: {  	[tilespmem:s23+$0xD1E0] =	vst.add.f32.msk $0xffff, v7  }
0x124: {  	[tilespmem:s23+$0x101E0] =	vst.add.f32.msk $0xffff, v7  }
0x125: {  	[tilespmem:s23+$0x71F0] =	vst.add.f32.msk $0xffff, v6  }
0x126: {  	[tilespmem:s23+$0xA1F0] =	vst.add.f32.msk $0xffff, v6  }
0x127: {  	[tilespmem:s23+$0xD1F0] =	vst.add.f32.msk $0xffff, v6  }
0x128: {  	[tilespmem:s23+$0x101F0] =	vst.add.f32.msk $0xffff, v6  }
0x129: {  	s18 =	sor.u32 $0x4400, s8;
	[tilespmem:s23+$0x7580] =	vst.add.f32.msk $0xffff, v5  }
0x12a: {  	[tilespmem:s18+$0x6180] =	vst.add.f32.msk $0xffff, v5  }
0x12b: {  	s12 =	sor.u32 $0xA400, s8;
	[tilespmem:s23+$0xD580] =	vst.add.f32.msk $0xffff, v5  }
0x12c: {  	[tilespmem:s12+$0x6180] =	vst.add.f32.msk $0xffff, v5  }
0x12d: {  	[tilespmem:s23+$0x7590] =	vst.add.f32.msk $0xffff, v4  }
0x12e: {  	v5 =	vld [tilespmem:s23+$0x15A0]  }
0x12f: {  	[tilespmem:s18+$0x6190] =	vst.add.f32.msk $0xffff, v4  }
0x130: {  	[tilespmem:s23+$0xD590] =	vst.add.f32.msk $0xffff, v4  }
0x131: {  	[tilespmem:s12+$0x6190] =	vst.add.f32.msk $0xffff, v4  }
0x132: {  	v4 =	vld [tilespmem:s23+$0x15B0]  }
0x133: {  	[tilespmem:s23+$0x75A0] =	vst.add.f32.msk $0xffff, v5  }
0x134: {  	[tilespmem:s18+$0x61A0] =	vst.add.f32.msk $0xffff, v5  }
0x135: {  	[tilespmem:s23+$0xD5A0] =	vst.add.f32.msk $0xffff, v5  }
0x136: {  	[tilespmem:s12+$0x61A0] =	vst.add.f32.msk $0xffff, v5  }
0x137: {  	v5 =	vld [tilespmem:s23+$0x15C0]  }
0x138: {  	[tilespmem:s23+$0x75B0] =	vst.add.f32.msk $0xffff, v4  }
0x139: {  	[tilespmem:s18+$0x61B0] =	vst.add.f32.msk $0xffff, v4  }
0x13a: {  	[tilespmem:s23+$0xD5B0] =	vst.add.f32.msk $0xffff, v4  }
0x13b: {  	[tilespmem:s12+$0x61B0] =	vst.add.f32.msk $0xffff, v4  }
0x13c: {  	v4 =	vld [tilespmem:s23+$0x15D0]  }
0x13d: {  	[tilespmem:s23+$0x75C0] =	vst.add.f32.msk $0xffff, v5  }
0x13e: {  	[tilespmem:s18+$0x61C0] =	vst.add.f32.msk $0xffff, v5  }
0x13f: {  	[tilespmem:s23+$0xD5C0] =	vst.add.f32.msk $0xffff, v5  }
0x140: {  	[tilespmem:s12+$0x61C0] =	vst.add.f32.msk $0xffff, v5  }
0x141: {  	v5 =	vld [tilespmem:s23+$0x15E0]  }
0x142: {  	[tilespmem:s23+$0x75D0] =	vst.add.f32.msk $0xffff, v4  }
0x143: {  	[tilespmem:s18+$0x61D0] =	vst.add.f32.msk $0xffff, v4  }
0x144: {  	[tilespmem:s23+$0xD5D0] =	vst.add.f32.msk $0xffff, v4  }
0x145: {  	[tilespmem:s12+$0x61D0] =	vst.add.f32.msk $0xffff, v4  }
0x146: {  	v4 =	vld [tilespmem:s23+$0x15F0]  }
0x147: {  	[tilespmem:s23+$0x75E0] =	vst.add.f32.msk $0xffff, v5  }
0x148: {  	[tilespmem:s18+$0x61E0] =	vst.add.f32.msk $0xffff, v5  }
0x149: {  	[tilespmem:s23+$0xD5E0] =	vst.add.f32.msk $0xffff, v5  }
0x14a: {  	[tilespmem:s12+$0x61E0] =	vst.add.f32.msk $0xffff, v5  }
0x14b: {  	s8 =	sshrl.u32 s9, $0x3;
	[tilespmem:s23+$0x75F0] =	vst.add.f32.msk $0xffff, v4  }
0x14c: {  	s2 =	sadd.s32 $0x80, s2;
	s8 =	smul.u32 $0x1800, s8;
	[tilespmem:s18+$0x61F0] =	vst.add.f32.msk $0xffff, v4  }
0x14d: {  	s16 =	sand.u32 $0x380, s2;
	[tilespmem:s23+$0xD5F0] =	vst.add.f32.msk $0xffff, v4  }
0x14e: {  	s23 =	sor.u32 s16, s8;
	[tilespmem:s12+$0x61F0] =	vst.add.f32.msk $0xffff, v4  }
0x14f: {  	v4 =	vld [tilespmem:s23+$0x590]  }
0x150: {  	v5 =	vld [tilespmem:s23+$0x180]  }
0x151: {  	v6 =	vld [tilespmem:s23+$0x190]  }
0x152: {  	v7 =	vld [tilespmem:s23+$0x1A0]  }
0x153: {  	v8 =	vld [tilespmem:s23+$0x1B0]  }
0x154: {  	v9 =	vld [tilespmem:s23+$0x1C0]  }
0x155: {  	v10 =	vld [tilespmem:s23+$0x1D0]  }
0x156: {  	v11 =	vld [tilespmem:s23+$0x1E0]  }
0x157: {  	v12 =	vld [tilespmem:s23+$0x1F0]  }
0x158: {  	v13 =	vld [tilespmem:s23+$0x580]  }
0x159: {  	[tilespmem:s23+$0x6180] =	vst.add.f32.msk $0xffff, v5  }
0x15a: {  	[tilespmem:s23+$0x9180] =	vst.add.f32.msk $0xffff, v5  }
0x15b: {  	[tilespmem:s23+$0xC180] =	vst.add.f32.msk $0xffff, v5  }
0x15c: {  	[tilespmem:s23+$0xF180] =	vst.add.f32.msk $0xffff, v5  }
0x15d: {  	[tilespmem:s23+$0x6190] =	vst.add.f32.msk $0xffff, v6  }
0x15e: {  	[tilespmem:s23+$0x9190] =	vst.add.f32.msk $0xffff, v6  }
0x15f: {  	[tilespmem:s23+$0xC190] =	vst.add.f32.msk $0xffff, v6  }
0x160: {  	[tilespmem:s23+$0xF190] =	vst.add.f32.msk $0xffff, v6  }
0x161: {  	[tilespmem:s23+$0x61A0] =	vst.add.f32.msk $0xffff, v7  }
0x162: {  	[tilespmem:s23+$0x91A0] =	vst.add.f32.msk $0xffff, v7  }
0x163: {  	[tilespmem:s23+$0xC1A0] =	vst.add.f32.msk $0xffff, v7  }
0x164: {  	[tilespmem:s23+$0xF1A0] =	vst.add.f32.msk $0xffff, v7  }
0x165: {  	[tilespmem:s23+$0x61B0] =	vst.add.f32.msk $0xffff, v8  }
0x166: {  	[tilespmem:s23+$0x91B0] =	vst.add.f32.msk $0xffff, v8  }
0x167: {  	[tilespmem:s23+$0xC1B0] =	vst.add.f32.msk $0xffff, v8  }
0x168: {  	[tilespmem:s23+$0xF1B0] =	vst.add.f32.msk $0xffff, v8  }
0x169: {  	[tilespmem:s23+$0x61C0] =	vst.add.f32.msk $0xffff, v9  }
0x16a: {  	[tilespmem:s23+$0x91C0] =	vst.add.f32.msk $0xffff, v9  }
0x16b: {  	[tilespmem:s23+$0xC1C0] =	vst.add.f32.msk $0xffff, v9  }
0x16c: {  	[tilespmem:s23+$0xF1C0] =	vst.add.f32.msk $0xffff, v9  }
0x16d: {  	[tilespmem:s23+$0x61D0] =	vst.add.f32.msk $0xffff, v10  }
0x16e: {  	[tilespmem:s23+$0x91D0] =	vst.add.f32.msk $0xffff, v10  }
0x16f: {  	[tilespmem:s23+$0xC1D0] =	vst.add.f32.msk $0xffff, v10  }
0x170: {  	[tilespmem:s23+$0xF1D0] =	vst.add.f32.msk $0xffff, v10  }
0x171: {  	[tilespmem:s23+$0x61E0] =	vst.add.f32.msk $0xffff, v11  }
0x172: {  	[tilespmem:s23+$0x91E0] =	vst.add.f32.msk $0xffff, v11  }
0x173: {  	[tilespmem:s23+$0xC1E0] =	vst.add.f32.msk $0xffff, v11  }
0x174: {  	[tilespmem:s23+$0xF1E0] =	vst.add.f32.msk $0xffff, v11  }
0x175: {  	[tilespmem:s23+$0x61F0] =	vst.add.f32.msk $0xffff, v12  }
0x176: {  	[tilespmem:s23+$0x91F0] =	vst.add.f32.msk $0xffff, v12  }
0x177: {  	[tilespmem:s23+$0xC1F0] =	vst.add.f32.msk $0xffff, v12  }
0x178: {  	[tilespmem:s23+$0xF1F0] =	vst.add.f32.msk $0xffff, v12  }
0x179: {  	s8 =	sadd.s32 s8, s2;
	[tilespmem:s23+$0x6580] =	vst.add.f32.msk $0xffff, v13  }
0x17a: {  	s12 =	sor.u32 $0x6400, s8;
	[tilespmem:s23+$0x9580] =	vst.add.f32.msk $0xffff, v13  }
0x17b: {  	[tilespmem:s12+$0x6180] =	vst.add.f32.msk $0xffff, v13  }
0x17c: {  	[tilespmem:s23+$0xF580] =	vst.add.f32.msk $0xffff, v13  }
0x17d: {  	[tilespmem:s23+$0x6590] =	vst.add.f32.msk $0xffff, v4  }
0x17e: {  	v5 =	vld [tilespmem:s23+$0x5A0]  }
0x17f: {  	[tilespmem:s23+$0x9590] =	vst.add.f32.msk $0xffff, v4  }
0x180: {  	[tilespmem:s12+$0x6190] =	vst.add.f32.msk $0xffff, v4  }
0x181: {  	[tilespmem:s23+$0xF590] =	vst.add.f32.msk $0xffff, v4  }
0x182: {  	v4 =	vld [tilespmem:s23+$0x5B0]  }
0x183: {  	[tilespmem:s23+$0x65A0] =	vst.add.f32.msk $0xffff, v5  }
0x184: {  	[tilespmem:s23+$0x95A0] =	vst.add.f32.msk $0xffff, v5  }
0x185: {  	[tilespmem:s12+$0x61A0] =	vst.add.f32.msk $0xffff, v5  }
0x186: {  	[tilespmem:s23+$0xF5A0] =	vst.add.f32.msk $0xffff, v5  }
0x187: {  	v5 =	vld [tilespmem:s23+$0x5C0]  }
0x188: {  	[tilespmem:s23+$0x65B0] =	vst.add.f32.msk $0xffff, v4  }
0x189: {  	[tilespmem:s23+$0x95B0] =	vst.add.f32.msk $0xffff, v4  }
0x18a: {  	[tilespmem:s12+$0x61B0] =	vst.add.f32.msk $0xffff, v4  }
0x18b: {  	[tilespmem:s23+$0xF5B0] =	vst.add.f32.msk $0xffff, v4  }
0x18c: {  	v4 =	vld [tilespmem:s23+$0x5D0]  }
0x18d: {  	[tilespmem:s23+$0x65C0] =	vst.add.f32.msk $0xffff, v5  }
0x18e: {  	[tilespmem:s23+$0x95C0] =	vst.add.f32.msk $0xffff, v5  }
0x18f: {  	[tilespmem:s12+$0x61C0] =	vst.add.f32.msk $0xffff, v5  }
0x190: {  	[tilespmem:s23+$0xF5C0] =	vst.add.f32.msk $0xffff, v5  }
0x191: {  	v5 =	vld [tilespmem:s23+$0x5E0]  }
0x192: {  	[tilespmem:s23+$0x65D0] =	vst.add.f32.msk $0xffff, v4  }
0x193: {  	[tilespmem:s23+$0x95D0] =	vst.add.f32.msk $0xffff, v4  }
0x194: {  	[tilespmem:s12+$0x61D0] =	vst.add.f32.msk $0xffff, v4  }
0x195: {  	[tilespmem:s23+$0xF5D0] =	vst.add.f32.msk $0xffff, v4  }
0x196: {  	v4 =	vld [tilespmem:s23+$0x5F0]  }
0x197: {  	[tilespmem:s23+$0x65E0] =	vst.add.f32.msk $0xffff, v5  }
0x198: {  	[tilespmem:s23+$0x95E0] =	vst.add.f32.msk $0xffff, v5  }
0x199: {  	[tilespmem:s12+$0x61E0] =	vst.add.f32.msk $0xffff, v5  }
0x19a: {  	[tilespmem:s23+$0xF5E0] =	vst.add.f32.msk $0xffff, v5  }
0x19b: {  	v17 =	vld [tilespmem:s23+$0x980]  }
0x19c: {  	[tilespmem:s23+$0x65F0] =	vst.add.f32.msk $0xffff, v4  }
0x19d: {  	[tilespmem:s23+$0x95F0] =	vst.add.f32.msk $0xffff, v4  }
0x19e: {  	[tilespmem:s12+$0x61F0] =	vst.add.f32.msk $0xffff, v4  }
0x19f: {  	[tilespmem:s23+$0xF5F0] =	vst.add.f32.msk $0xffff, v4  }
0x1a0: {  	v4 =	vld [tilespmem:s23+$0x1590]  }
0x1a1: {  	v18 =	vld [tilespmem:s23+$0x990]  }
0x1a2: {  	v19 =	vld [tilespmem:s23+$0x9A0]  }
0x1a3: {  	v20 =	vld [tilespmem:s23+$0x9B0]  }
0x1a4: {  	v21 =	vld [tilespmem:s23+$0x9C0]  }
0x1a5: {  	v22 =	vld [tilespmem:s23+$0x9D0]  }
0x1a6: {  	v23 =	vld [tilespmem:s23+$0x9E0]  }
0x1a7: {  	v24 =	vld [tilespmem:s23+$0x9F0]  }
0x1a8: {  	v25 =	vld [tilespmem:s23+$0xD80]  }
0x1a9: {  	v26 =	vld [tilespmem:s23+$0xD90]  }
0x1aa: {  	v27 =	vld [tilespmem:s23+$0xDA0]  }
0x1ab: {  	v28 =	vld [tilespmem:s23+$0xDB0]  }
0x1ac: {  	v29 =	vld [tilespmem:s23+$0xDC0]  }
0x1ad: {  	v16 =	vld [tilespmem:s23+$0xDD0]  }
0x1ae: {  	v15 =	vld [tilespmem:s23+$0xDE0]  }
0x1af: {  	v14 =	vld [tilespmem:s23+$0xDF0]  }
0x1b0: {  	v13 =	vld [tilespmem:s23+$0x1180]  }
0x1b1: {  	v12 =	vld [tilespmem:s23+$0x1190]  }
0x1b2: {  	v11 =	vld [tilespmem:s23+$0x11A0]  }
0x1b3: {  	v10 =	vld [tilespmem:s23+$0x11B0]  }
0x1b4: {  	v9 =	vld [tilespmem:s23+$0x11C0]  }
0x1b5: {  	v8 =	vld [tilespmem:s23+$0x11D0]  }
0x1b6: {  	v7 =	vld [tilespmem:s23+$0x11E0]  }
0x1b7: {  	v6 =	vld [tilespmem:s23+$0x11F0]  }
0x1b8: {  	v5 =	vld [tilespmem:s23+$0x1580]  }
0x1b9: {  	[tilespmem:s23+$0x6980] =	vst.add.f32.msk $0xffff, v17  }
0x1ba: {  	[tilespmem:s23+$0x9980] =	vst.add.f32.msk $0xffff, v17  }
0x1bb: {  	[tilespmem:s23+$0xC980] =	vst.add.f32.msk $0xffff, v17  }
0x1bc: {  	[tilespmem:s23+$0xF980] =	vst.add.f32.msk $0xffff, v17  }
0x1bd: {  	[tilespmem:s23+$0x6990] =	vst.add.f32.msk $0xffff, v18  }
0x1be: {  	[tilespmem:s23+$0x9990] =	vst.add.f32.msk $0xffff, v18  }
0x1bf: {  	[tilespmem:s23+$0xC990] =	vst.add.f32.msk $0xffff, v18  }
0x1c0: {  	[tilespmem:s23+$0xF990] =	vst.add.f32.msk $0xffff, v18  }
0x1c1: {  	[tilespmem:s23+$0x69A0] =	vst.add.f32.msk $0xffff, v19  }
0x1c2: {  	[tilespmem:s23+$0x99A0] =	vst.add.f32.msk $0xffff, v19  }
0x1c3: {  	[tilespmem:s23+$0xC9A0] =	vst.add.f32.msk $0xffff, v19  }
0x1c4: {  	[tilespmem:s23+$0xF9A0] =	vst.add.f32.msk $0xffff, v19  }
0x1c5: {  	[tilespmem:s23+$0x69B0] =	vst.add.f32.msk $0xffff, v20  }
0x1c6: {  	[tilespmem:s23+$0x99B0] =	vst.add.f32.msk $0xffff, v20  }
0x1c7: {  	[tilespmem:s23+$0xC9B0] =	vst.add.f32.msk $0xffff, v20  }
0x1c8: {  	[tilespmem:s23+$0xF9B0] =	vst.add.f32.msk $0xffff, v20  }
0x1c9: {  	[tilespmem:s23+$0x69C0] =	vst.add.f32.msk $0xffff, v21  }
0x1ca: {  	[tilespmem:s23+$0x99C0] =	vst.add.f32.msk $0xffff, v21  }
0x1cb: {  	[tilespmem:s23+$0xC9C0] =	vst.add.f32.msk $0xffff, v21  }
0x1cc: {  	[tilespmem:s23+$0xF9C0] =	vst.add.f32.msk $0xffff, v21  }
0x1cd: {  	[tilespmem:s23+$0x69D0] =	vst.add.f32.msk $0xffff, v22  }
0x1ce: {  	[tilespmem:s23+$0x99D0] =	vst.add.f32.msk $0xffff, v22  }
0x1cf: {  	[tilespmem:s23+$0xC9D0] =	vst.add.f32.msk $0xffff, v22  }
0x1d0: {  	[tilespmem:s23+$0xF9D0] =	vst.add.f32.msk $0xffff, v22  }
0x1d1: {  	[tilespmem:s23+$0x69E0] =	vst.add.f32.msk $0xffff, v23  }
0x1d2: {  	[tilespmem:s23+$0x99E0] =	vst.add.f32.msk $0xffff, v23  }
0x1d3: {  	[tilespmem:s23+$0xC9E0] =	vst.add.f32.msk $0xffff, v23  }
0x1d4: {  	[tilespmem:s23+$0xF9E0] =	vst.add.f32.msk $0xffff, v23  }
0x1d5: {  	[tilespmem:s23+$0x69F0] =	vst.add.f32.msk $0xffff, v24  }
0x1d6: {  	[tilespmem:s23+$0x99F0] =	vst.add.f32.msk $0xffff, v24  }
0x1d7: {  	[tilespmem:s23+$0xC9F0] =	vst.add.f32.msk $0xffff, v24  }
0x1d8: {  	[tilespmem:s23+$0xF9F0] =	vst.add.f32.msk $0xffff, v24  }
0x1d9: {  	[tilespmem:s23+$0x6D80] =	vst.add.f32.msk $0xffff, v25  }
0x1da: {  	[tilespmem:s23+$0x9D80] =	vst.add.f32.msk $0xffff, v25  }
0x1db: {  	[tilespmem:s23+$0xCD80] =	vst.add.f32.msk $0xffff, v25  }
0x1dc: {  	[tilespmem:s23+$0xFD80] =	vst.add.f32.msk $0xffff, v25  }
0x1dd: {  	[tilespmem:s23+$0x6D90] =	vst.add.f32.msk $0xffff, v26  }
0x1de: {  	[tilespmem:s23+$0x9D90] =	vst.add.f32.msk $0xffff, v26  }
0x1df: {  	[tilespmem:s23+$0xCD90] =	vst.add.f32.msk $0xffff, v26  }
0x1e0: {  	[tilespmem:s23+$0xFD90] =	vst.add.f32.msk $0xffff, v26  }
0x1e1: {  	[tilespmem:s23+$0x6DA0] =	vst.add.f32.msk $0xffff, v27  }
0x1e2: {  	[tilespmem:s23+$0x9DA0] =	vst.add.f32.msk $0xffff, v27  }
0x1e3: {  	[tilespmem:s23+$0xCDA0] =	vst.add.f32.msk $0xffff, v27  }
0x1e4: {  	[tilespmem:s23+$0xFDA0] =	vst.add.f32.msk $0xffff, v27  }
0x1e5: {  	[tilespmem:s23+$0x6DB0] =	vst.add.f32.msk $0xffff, v28  }
0x1e6: {  	[tilespmem:s23+$0x9DB0] =	vst.add.f32.msk $0xffff, v28  }
0x1e7: {  	[tilespmem:s23+$0xCDB0] =	vst.add.f32.msk $0xffff, v28  }
0x1e8: {  	[tilespmem:s23+$0xFDB0] =	vst.add.f32.msk $0xffff, v28  }
0x1e9: {  	[tilespmem:s23+$0x6DC0] =	vst.add.f32.msk $0xffff, v29  }
0x1ea: {  	[tilespmem:s23+$0x9DC0] =	vst.add.f32.msk $0xffff, v29  }
0x1eb: {  	[tilespmem:s23+$0xCDC0] =	vst.add.f32.msk $0xffff, v29  }
0x1ec: {  	[tilespmem:s23+$0xFDC0] =	vst.add.f32.msk $0xffff, v29  }
0x1ed: {  	[tilespmem:s23+$0x6DD0] =	vst.add.f32.msk $0xffff, v16  }
0x1ee: {  	[tilespmem:s23+$0x9DD0] =	vst.add.f32.msk $0xffff, v16  }
0x1ef: {  	[tilespmem:s23+$0xCDD0] =	vst.add.f32.msk $0xffff, v16  }
0x1f0: {  	[tilespmem:s23+$0xFDD0] =	vst.add.f32.msk $0xffff, v16  }
0x1f1: {  	[tilespmem:s23+$0x6DE0] =	vst.add.f32.msk $0xffff, v15  }
0x1f2: {  	[tilespmem:s23+$0x9DE0] =	vst.add.f32.msk $0xffff, v15  }
0x1f3: {  	[tilespmem:s23+$0xCDE0] =	vst.add.f32.msk $0xffff, v15  }
0x1f4: {  	[tilespmem:s23+$0xFDE0] =	vst.add.f32.msk $0xffff, v15  }
0x1f5: {  	[tilespmem:s23+$0x6DF0] =	vst.add.f32.msk $0xffff, v14  }
0x1f6: {  	[tilespmem:s23+$0x9DF0] =	vst.add.f32.msk $0xffff, v14  }
0x1f7: {  	[tilespmem:s23+$0xCDF0] =	vst.add.f32.msk $0xffff, v14  }
0x1f8: {  	[tilespmem:s23+$0xFDF0] =	vst.add.f32.msk $0xffff, v14  }
0x1f9: {  	[tilespmem:s23+$0x7180] =	vst.add.f32.msk $0xffff, v13  }
0x1fa: {  	[tilespmem:s23+$0xA180] =	vst.add.f32.msk $0xffff, v13  }
0x1fb: {  	[tilespmem:s23+$0xD180] =	vst.add.f32.msk $0xffff, v13  }
0x1fc: {  	[tilespmem:s23+$0x10180] =	vst.add.f32.msk $0xffff, v13  }
0x1fd: {  	[tilespmem:s23+$0x7190] =	vst.add.f32.msk $0xffff, v12  }
0x1fe: {  	[tilespmem:s23+$0xA190] =	vst.add.f32.msk $0xffff, v12  }
0x1ff: {  	[tilespmem:s23+$0xD190] =	vst.add.f32.msk $0xffff, v12  }
0x200: {  	[tilespmem:s23+$0x10190] =	vst.add.f32.msk $0xffff, v12  }
0x201: {  	[tilespmem:s23+$0x71A0] =	vst.add.f32.msk $0xffff, v11  }
0x202: {  	[tilespmem:s23+$0xA1A0] =	vst.add.f32.msk $0xffff, v11  }
0x203: {  	[tilespmem:s23+$0xD1A0] =	vst.add.f32.msk $0xffff, v11  }
0x204: {  	[tilespmem:s23+$0x101A0] =	vst.add.f32.msk $0xffff, v11  }
.Ltmp0:
0x205: {  	[tilespmem:s23+$0x71B0] =	vst.add.f32.msk $0xffff, v10;
	(pc) =	sbr.rel @p0 .LBB2_3-.Ltmp0, $4  }
0x206: {  	[tilespmem:s23+$0xA1B0] =	vst.add.f32.msk $0xffff, v10  }
0x207: {  	[tilespmem:s23+$0xD1B0] =	vst.add.f32.msk $0xffff, v10  }
0x208: {  	[tilespmem:s23+$0x101B0] =	vst.add.f32.msk $0xffff, v10  }
0x209: {  	s9 =	sadd.s32 $0x1, s9;
	[tilespmem:s23+$0x71C0] =	vst.add.f32.msk $0xffff, v9  }
0x20a: {  	[tilespmem:s23+$0xA1C0] =	vst.add.f32.msk $0xffff, v9  }
0x20b: {  	[tilespmem:s23+$0xD1C0] =	vst.add.f32.msk $0xffff, v9  }
0x20c: {  	[tilespmem:s23+$0x101C0] =	vst.add.f32.msk $0xffff, v9  }
0x20d: {  	[tilespmem:s23+$0x71D0] =	vst.add.f32.msk $0xffff, v8  }
0x20e: {  	[tilespmem:s23+$0xA1D0] =	vst.add.f32.msk $0xffff, v8  }
0x20f: {  	[tilespmem:s23+$0xD1D0] =	vst.add.f32.msk $0xffff, v8  }
0x210: {  	[tilespmem:s23+$0x101D0] =	vst.add.f32.msk $0xffff, v8  }
0x211: {  	[tilespmem:s23+$0x71E0] =	vst.add.f32.msk $0xffff, v7  }
0x212: {  	[tilespmem:s23+$0xA1E0] =	vst.add.f32.msk $0xffff, v7  }
0x213: {  	[tilespmem:s23+$0xD1E0] =	vst.add.f32.msk $0xffff, v7  }
0x214: {  	[tilespmem:s23+$0x101E0] =	vst.add.f32.msk $0xffff, v7  }
0x215: {  	[tilespmem:s23+$0x71F0] =	vst.add.f32.msk $0xffff, v6  }
0x216: {  	[tilespmem:s23+$0xA1F0] =	vst.add.f32.msk $0xffff, v6  }
0x217: {  	[tilespmem:s23+$0xD1F0] =	vst.add.f32.msk $0xffff, v6  }
0x218: {  	[tilespmem:s23+$0x101F0] =	vst.add.f32.msk $0xffff, v6  }
0x219: {  	[tilespmem:s23+$0x7580] =	vst.add.f32.msk $0xffff, v5;
	s2 =	sor.u32 $0x4400, s8  }
0x21a: {  	[tilespmem:s2+$0x6180] =	vst.add.f32.msk $0xffff, v5  }
0x21b: {  	s16 =	sor.u32 $0xA400, s8;
	[tilespmem:s23+$0xD580] =	vst.add.f32.msk $0xffff, v5  }
0x21c: {  	[tilespmem:s16+$0x6180] =	vst.add.f32.msk $0xffff, v5  }
0x21d: {  	[tilespmem:s23+$0x7590] =	vst.add.f32.msk $0xffff, v4  }
0x21e: {  	v5 =	vld [tilespmem:s23+$0x15A0]  }
0x21f: {  	[tilespmem:s2+$0x6190] =	vst.add.f32.msk $0xffff, v4  }
0x220: {  	[tilespmem:s23+$0xD590] =	vst.add.f32.msk $0xffff, v4  }
0x221: {  	[tilespmem:s16+$0x6190] =	vst.add.f32.msk $0xffff, v4  }
0x222: {  	v4 =	vld [tilespmem:s23+$0x15B0]  }
0x223: {  	[tilespmem:s23+$0x75A0] =	vst.add.f32.msk $0xffff, v5  }
0x224: {  	[tilespmem:s2+$0x61A0] =	vst.add.f32.msk $0xffff, v5  }
0x225: {  	[tilespmem:s23+$0xD5A0] =	vst.add.f32.msk $0xffff, v5  }
0x226: {  	[tilespmem:s16+$0x61A0] =	vst.add.f32.msk $0xffff, v5  }
0x227: {  	v5 =	vld [tilespmem:s23+$0x15C0]  }
0x228: {  	[tilespmem:s23+$0x75B0] =	vst.add.f32.msk $0xffff, v4  }
0x229: {  	[tilespmem:s2+$0x61B0] =	vst.add.f32.msk $0xffff, v4  }
0x22a: {  	[tilespmem:s23+$0xD5B0] =	vst.add.f32.msk $0xffff, v4  }
0x22b: {  	[tilespmem:s16+$0x61B0] =	vst.add.f32.msk $0xffff, v4  }
0x22c: {  	v4 =	vld [tilespmem:s23+$0x15D0]  }
0x22d: {  	[tilespmem:s23+$0x75C0] =	vst.add.f32.msk $0xffff, v5  }
0x22e: {  	[tilespmem:s2+$0x61C0] =	vst.add.f32.msk $0xffff, v5  }
0x22f: {  	[tilespmem:s23+$0xD5C0] =	vst.add.f32.msk $0xffff, v5  }
0x230: {  	[tilespmem:s16+$0x61C0] =	vst.add.f32.msk $0xffff, v5  }
0x231: {  	v5 =	vld [tilespmem:s23+$0x15E0]  }
0x232: {  	[tilespmem:s23+$0x75D0] =	vst.add.f32.msk $0xffff, v4  }
0x233: {  	[tilespmem:s2+$0x61D0] =	vst.add.f32.msk $0xffff, v4  }
0x234: {  	[tilespmem:s23+$0xD5D0] =	vst.add.f32.msk $0xffff, v4  }
0x235: {  	[tilespmem:s16+$0x61D0] =	vst.add.f32.msk $0xffff, v4  }
0x236: {  	v4 =	vld [tilespmem:s23+$0x15F0]  }
0x237: {  	[tilespmem:s23+$0x75E0] =	vst.add.f32.msk $0xffff, v5  }
0x238: {  	[tilespmem:s2+$0x61E0] =	vst.add.f32.msk $0xffff, v5  }
0x239: {  	[tilespmem:s23+$0xD5E0] =	vst.add.f32.msk $0xffff, v5  }
0x23a: {  	s9 =	sor.u32 s6, s22;
	[tilespmem:s16+$0x61E0] =	vst.add.f32.msk $0xffff, v5  }
0x23b: {  	s9 =	sshrl.u32 s9, $0x3;
	[tilespmem:s23+$0x75F0] =	vst.add.f32.msk $0xffff, v4  }
0x23c: {  	s18 =	smul.u32 $0x300, s9;
	[tilespmem:s2+$0x61F0] =	vst.add.f32.msk $0xffff, v4  }
0x23d: {  	[tilespmem:s23+$0xD5F0] =	vst.add.f32.msk $0xffff, v4  }
0x23e: {  	s2 =	sadd.s32 s5, s18;
	[tilespmem:s16+$0x61F0] =	vst.add.f32.msk $0xffff, v4  }
0x23f: {  	[hbm4b:s2+s13] =	stream.strided.scatter [tilespmem:s15], [sflag:$0x3], $0xC000, s14, s13, $0x38;
	[tilespmem:$0x1E180] =	vst v63  }
0x240: {  	_ =	swait.ge [sflag:s0], $0x3000  }
0x241: {  	[sflag:s0] =	ssyncset.done $0x0  }
0x242: {  	[sflag:s0] =	ssyncadd.s32 $0xFFFFD000  }
0x243: {  	_ =	swait.ge [sflag:s0], $0xC000  }
0x244: {  	[sflag:s0] =	ssyncset.done $0x0  }
0x245: {  	[sflag:s0] =	ssyncadd.s32 $0xFFFF4000  }
0x246: {  	_ =	swait.ge [sflag:s17], $0xC000  }
0x247: {  	[sflag:s17] =	ssyncset.done $0x0  }
0x248: {  	p0 =	seq.s32 s20, $0x7;
	[sflag:s17] =	ssyncadd.s32 $0xFFFF4000  }
0x249: {  	v4 =	vld @!p0 [tilespmem:s22+$0x20];
	_ =	sdelay $0x4  }
0x24a: {  	v5 =	vshrl.u32 @!p0 v4, $0x3  }
0x24b: {  	v5 =	vmul.u32 @!p0 $0x30, v5  }
0x24c: {  	v6 =	vlaneseq.u32 @!p0;
	v4 =	vand.u32 @!p0 $0x7, v4  }
0x24d: {  	v7 =	vshrl.u32 @!p0 v6, $0x3;
	v4 =	vor.u32 @!p0 v4, v5;
	v5 =	vand.u32 @!p0 $0x7, v6  }
0x24e: {  	v7 =	vmul.u32 @!p0 $0x8, v7;
	v5 =	vperm.xlane @!p0 v4, v5;
	_ =	sdelay $0x1  }
0x24f: {  	v5 =	vadd.s32 @!p0 v7, v5;
	_ =	sdelay $0x2  }
0x250: {  	v6 =	vor.u32 @!p0 $0x8, v6  }
0x251: {  	vm1 =	vmmov @!p0 $0xffff;
	s8 =	simm.s32 @!p0 $0x180;
	s2 =	simm.s32 @!p0 $0x0;
	v4 =	vperm.xlane @!p0 v4, v6  }
0x252: {  	[tilespmem:s8], [sflag:$0x1] =	stream.indirect_vreg.gather @!p0 [hbm4b:s4+s2], $0x80, v5, vm1, $0xb8;
	[tilespmem:$0x1E180] =	vst v63  }
0x253: {  	v4 =	vadd.s32 @!p0 v7, v4;
	s8 =	simm.s32 @!p0 $0x980  }
0x254: {  	[tilespmem:s8], [sflag:$0x1] =	stream.indirect_vreg.gather @!p0 [hbm4b:s10+s2], $0x80, v5, vm1, $0xb8;
	[tilespmem:$0x1E180] =	vst v63  }
0x255: {  	s8 =	simm.s32 @!p0 $0x1180  }
0x256: {  	[tilespmem:s8], [sflag:$0x1] =	stream.indirect_vreg.gather @!p0 [hbm4b:s11+s2], $0x80, v5, vm1, $0xb8;
	[tilespmem:$0x1E180] =	vst v63  }
0x257: {  	s8 =	simm.s32 @!p0 $0x1980  }
0x258: {  	[tilespmem:s8], [sflag:$0x1] =	stream.indirect_vreg.gather @!p0 [hbm4b:s4+s2], $0x80, v4, vm1, $0xb8;
	[tilespmem:$0x1E180] =	vst v63  }
0x259: {  	s8 =	sadd.s32 @!p0 $0x20, s22  }
0x25a: {  	s9 =	simm.s32 @!p0 $0x2180;
	s8 =	sadd.s32 @!p0 s6, s8  }
0x25b: {  	[tilespmem:s9], [sflag:$0x1] =	stream.indirect_vreg.gather @!p0 [hbm4b:s10+s2], $0x80, v4, vm1, $0xb8;
	[tilespmem:$0x1E180] =	vst v63  }
0x25c: {  	s8 =	sshrl.u32 @!p0 s8, $0x3  }
0x25d: {  	s12 =	simm.s32 @!p0 $0x6180;
	s9 =	simm.s32 @!p0 $0x2980;
	s8 =	smul.u32 @!p0 $0x300, s8  }
0x25e: {  	[tilespmem:s9], [sflag:$0x1] =	stream.indirect_vreg.gather @!p0 [hbm4b:s11+s2], $0x80, v4, vm1, $0xb8;
	[tilespmem:$0x1E180] =	vst v63  }
0x25f: {  	s9 =	simm.s32 @!p0 $0x600000;
	s2 =	sadd.s32 @!p0 s1, s8;
	s8 =	simm.s32 @!p0 $0x3000  }
0x260: {  	[tilespmem:s12], [sflag:$0x1] =	stream.strided.gather @!p0 [hbm4b:s2+s8], $0xC000, s9, s8, $0x38;
	[tilespmem:$0x1E180] =	vst v63  }
0x261: {  	s9 =	simm.s32 $0x0  }
0x262: {  	s23 =	simm.s32 $0x0;
	s2 =	smul.u32 $0x1800, s9  }
0x263: {  	s12 =	sand.u32 $0x380, s23  }
0x264: {  	s22 =	sor.u32 s12, s2  }
0x265: {  	v4 =	vld [tilespmem:s22+$0x3180];
	_ =	sdelay $0x2  }
0x266: {  	v5 =	vld [tilespmem:s22+$0x31A0]  }
0x267: {  	v6 =	vld [tilespmem:s22+$0x3190]  }
0x268: {  	[tilespmem:s22+$0x12180] =	vst.add.f32.msk $0xffff, v4  }
0x269: {  	[tilespmem:s22+$0x15180] =	vst.add.f32.msk $0xffff, v4  }
0x26a: {  	[tilespmem:s22+$0x18180] =	vst.add.f32.msk $0xffff, v4  }
0x26b: {  	s8 =	sadd.s32 $0x15180, s22;
	[tilespmem:s22+$0x1B180] =	vst.add.f32.msk $0xffff, v4  }
0x26c: {  	s16 =	sor.u32 $0x10, s8;
	[tilespmem:s22+$0x12190] =	vst.add.f32.msk $0xffff, v6  }
0x26d: {  	s12 =	sadd.s32 $0x1B180, s22;
	[tilespmem:s16+$0x0] =	vst.add.f32.msk $0xffff, v6  }
0x26e: {  	s18 =	sor.u32 $0x10, s12;
	[tilespmem:s22+$0x18190] =	vst.add.f32.msk $0xffff, v6  }
0x26f: {  	[tilespmem:s18+$0x0] =	vst.add.f32.msk $0xffff, v6  }
0x270: {  	[tilespmem:s22+$0x121A0] =	vst.add.f32.msk $0xffff, v5  }
0x271: {  	s16 =	sor.u32 $0x20, s8;
	v4 =	vld [tilespmem:s22+$0x31B0]  }
0x272: {  	[tilespmem:s16+$0x0] =	vst.add.f32.msk $0xffff, v5  }
0x273: {  	s18 =	sor.u32 $0x20, s12;
	[tilespmem:s22+$0x181A0] =	vst.add.f32.msk $0xffff, v5  }
0x274: {  	[tilespmem:s18+$0x0] =	vst.add.f32.msk $0xffff, v5  }
0x275: {  	v5 =	vld [tilespmem:s22+$0x31C0]  }
0x276: {  	s16 =	sor.u32 $0x30, s8;
	[tilespmem:s22+$0x121B0] =	vst.add.f32.msk $0xffff, v4  }
0x277: {  	[tilespmem:s16+$0x0] =	vst.add.f32.msk $0xffff, v4  }
0x278: {  	s18 =	sor.u32 $0x30, s12;
	[tilespmem:s22+$0x181B0] =	vst.add.f32.msk $0xffff, v4  }
0x279: {  	[tilespmem:s18+$0x0] =	vst.add.f32.msk $0xffff, v4  }
0x27a: {  	[tilespmem:s22+$0x121C0] =	vst.add.f32.msk $0xffff, v5  }
0x27b: {  	s16 =	sor.u32 $0x40, s8;
	v4 =	vld [tilespmem:s22+$0x31D0]  }
0x27c: {  	[tilespmem:s16+$0x0] =	vst.add.f32.msk $0xffff, v5  }
0x27d: {  	s18 =	sor.u32 $0x40, s12;
	[tilespmem:s22+$0x181C0] =	vst.add.f32.msk $0xffff, v5  }
0x27e: {  	[tilespmem:s18+$0x0] =	vst.add.f32.msk $0xffff, v5  }
0x27f: {  	v5 =	vld [tilespmem:s22+$0x31E0]  }
0x280: {  	s16 =	sor.u32 $0x50, s8;
	[tilespmem:s22+$0x121D0] =	vst.add.f32.msk $0xffff, v4  }
0x281: {  	[tilespmem:s16+$0x0] =	vst.add.f32.msk $0xffff, v4  }
0x282: {  	s18 =	sor.u32 $0x50, s12;
	[tilespmem:s22+$0x181D0] =	vst.add.f32.msk $0xffff, v4  }
0x283: {  	[tilespmem:s18+$0x0] =	vst.add.f32.msk $0xffff, v4  }
0x284: {  	[tilespmem:s22+$0x121E0] =	vst.add.f32.msk $0xffff, v5  }
0x285: {  	s16 =	sor.u32 $0x60, s8;
	v4 =	vld [tilespmem:s22+$0x31F0]  }
0x286: {  	[tilespmem:s16+$0x0] =	vst.add.f32.msk $0xffff, v5  }
0x287: {  	s18 =	sor.u32 $0x60, s12;
	[tilespmem:s22+$0x181E0] =	vst.add.f32.msk $0xffff, v5  }
0x288: {  	[tilespmem:s18+$0x0] =	vst.add.f32.msk $0xffff, v5  }
0x289: {  	v5 =	vld [tilespmem:s22+$0x3580]  }
0x28a: {  	s8 =	sor.u32 $0x70, s8;
	[tilespmem:s22+$0x121F0] =	vst.add.f32.msk $0xffff, v4  }
0x28b: {  	[tilespmem:s8+$0x0] =	vst.add.f32.msk $0xffff, v4  }
0x28c: {  	s16 =	sor.u32 $0x70, s12;
	[tilespmem:s22+$0x181F0] =	vst.add.f32.msk $0xffff, v4  }
0x28d: {  	[tilespmem:s16+$0x0] =	vst.add.f32.msk $0xffff, v4  }
0x28e: {  	[tilespmem:s22+$0x12580] =	vst.add.f32.msk $0xffff, v5  }
0x28f: {  	s2 =	sadd.s32 $0x0, s2;
	v4 =	vld [tilespmem:s22+$0x3590]  }
0x290: {  	s8 =	sor.u32 $0x6400, s2;
	[tilespmem:s22+$0x15580] =	vst.add.f32.msk $0xffff, v5  }
0x291: {  	[tilespmem:s8+$0x12180] =	vst.add.f32.msk $0xffff, v5  }
0x292: {  	[tilespmem:s22+$0x1B580] =	vst.add.f32.msk $0xffff, v5  }
0x293: {  	s9 =	sadd.s32 $0x15580, s22;
	v5 =	vld [tilespmem:s22+$0x35A0]  }
0x294: {  	s18 =	sor.u32 $0x10, s9;
	[tilespmem:s22+$0x12590] =	vst.add.f32.msk $0xffff, v4  }
0x295: {  	s16 =	sadd.s32 $0x1B580, s22;
	[tilespmem:s18+$0x0] =	vst.add.f32.msk $0xffff, v4  }
0x296: {  	s18 =	sor.u32 $0x10, s16;
	[tilespmem:s8+$0x12190] =	vst.add.f32.msk $0xffff, v4  }
0x297: {  	[tilespmem:s18+$0x0] =	vst.add.f32.msk $0xffff, v4  }
0x298: {  	[tilespmem:s22+$0x125A0] =	vst.add.f32.msk $0xffff, v5  }
0x299: {  	s18 =	sor.u32 $0x20, s9;
	v4 =	vld [tilespmem:s22+$0x35B0]  }
0x29a: {  	[tilespmem:s18+$0x0] =	vst.add.f32.msk $0xffff, v5  }
0x29b: {  	s18 =	sor.u32 $0x20, s16;
	[tilespmem:s8+$0x121A0] =	vst.add.f32.msk $0xffff, v5  }
0x29c: {  	[tilespmem:s18+$0x0] =	vst.add.f32.msk $0xffff, v5  }
0x29d: {  	v5 =	vld [tilespmem:s22+$0x35C0]  }
0x29e: {  	s18 =	sor.u32 $0x30, s9;
	[tilespmem:s22+$0x125B0] =	vst.add.f32.msk $0xffff, v4  }
0x29f: {  	[tilespmem:s18+$0x0] =	vst.add.f32.msk $0xffff, v4  }
0x2a0: {  	s18 =	sor.u32 $0x30, s16;
	[tilespmem:s8+$0x121B0] =	vst.add.f32.msk $0xffff, v4  }
0x2a1: {  	[tilespmem:s18+$0x0] =	vst.add.f32.msk $0xffff, v4  }
0x2a2: {  	[tilespmem:s22+$0x125C0] =	vst.add.f32.msk $0xffff, v5  }
0x2a3: {  	s18 =	sor.u32 $0x40, s9;
	v4 =	vld [tilespmem:s22+$0x35D0]  }
0x2a4: {  	[tilespmem:s18+$0x0] =	vst.add.f32.msk $0xffff, v5  }
0x2a5: {  	s18 =	sor.u32 $0x40, s16;
	[tilespmem:s8+$0x121C0] =	vst.add.f32.msk $0xffff, v5  }
0x2a6: {  	[tilespmem:s18+$0x0] =	vst.add.f32.msk $0xffff, v5  }
0x2a7: {  	v5 =	vld [tilespmem:s22+$0x35E0]  }
0x2a8: {  	s18 =	sor.u32 $0x50, s9;
	[tilespmem:s22+$0x125D0] =	vst.add.f32.msk $0xffff, v4  }
0x2a9: {  	[tilespmem:s18+$0x0] =	vst.add.f32.msk $0xffff, v4  }
0x2aa: {  	s18 =	sor.u32 $0x50, s16;
	[tilespmem:s8+$0x121D0] =	vst.add.f32.msk $0xffff, v4  }
0x2ab: {  	[tilespmem:s18+$0x0] =	vst.add.f32.msk $0xffff, v4  }
0x2ac: {  	[tilespmem:s22+$0x125E0] =	vst.add.f32.msk $0xffff, v5  }
0x2ad: {  	s18 =	sor.u32 $0x60, s9;
	v4 =	vld [tilespmem:s22+$0x35F0]  }
0x2ae: {  	[tilespmem:s18+$0x0] =	vst.add.f32.msk $0xffff, v5  }
0x2af: {  	s18 =	sor.u32 $0x60, s16;
	[tilespmem:s8+$0x121E0] =	vst.add.f32.msk $0xffff, v5  }
0x2b0: {  	[tilespmem:s18+$0x0] =	vst.add.f32.msk $0xffff, v5  }
0x2b1: {  	v5 =	vld [tilespmem:s22+$0x3980]  }
0x2b2: {  	s9 =	sor.u32 $0x70, s9;
	[tilespmem:s22+$0x125F0] =	vst.add.f32.msk $0xffff, v4  }
0x2b3: {  	[tilespmem:s9+$0x0] =	vst.add.f32.msk $0xffff, v4  }
0x2b4: {  	s12 =	sor.u32 $0x70, s16;
	[tilespmem:s8+$0x121F0] =	vst.add.f32.msk $0xffff, v4  }
0x2b5: {  	[tilespmem:s12+$0x0] =	vst.add.f32.msk $0xffff, v4  }
0x2b6: {  	[tilespmem:s22+$0x12980] =	vst.add.f32.msk $0xffff, v5  }
0x2b7: {  	v6 =	vld [tilespmem:s22+$0x3990]  }
0x2b8: {  	[tilespmem:s22+$0x15980] =	vst.add.f32.msk $0xffff, v5  }
0x2b9: {  	[tilespmem:s22+$0x18980] =	vst.add.f32.msk $0xffff, v5  }
0x2ba: {  	[tilespmem:s22+$0x1B980] =	vst.add.f32.msk $0xffff, v5  }
0x2bb: {  	s12 =	sadd.s32 $0x15980, s22;
	v4 =	vld [tilespmem:s22+$0x39A0]  }
0x2bc: {  	s9 =	sadd.s32 $0x18980, s22;
	s16 =	sor.u32 $0x10, s12;
	[tilespmem:s22+$0x12990] =	vst.add.f32.msk $0xffff, v6  }
0x2bd: {  	s18 =	sadd.s32 $0x1B980, s22;
	[tilespmem:s16+$0x0] =	vst.add.f32.msk $0xffff, v6;
	s16 =	sor.u32 $0x10, s9  }
0x2be: {  	[tilespmem:s16+$0x0] =	vst.add.f32.msk $0xffff, v6;
	s16 =	sor.u32 $0x10, s18  }
0x2bf: {  	[tilespmem:s16+$0x0] =	vst.add.f32.msk $0xffff, v6  }
0x2c0: {  	[tilespmem:s22+$0x129A0] =	vst.add.f32.msk $0xffff, v4  }
0x2c1: {  	s8 =	simm.s32 $0x1;
	s16 =	sor.u32 $0x20, s12;
	v5 =	vld [tilespmem:s22+$0x39B0]  }
.LBB2_5:
0x2c2: {  	p0 =	sne.s32 s8, $0xF;
	[tilespmem:s16+$0x0] =	vst.add.f32.msk $0xffff, v4;
	s16 =	sor.u32 $0x20, s9  }
0x2c3: {  	[tilespmem:s16+$0x0] =	vst.add.f32.msk $0xffff, v4;
	s16 =	sor.u32 $0x20, s18  }
0x2c4: {  	[tilespmem:s16+$0x0] =	vst.add.f32.msk $0xffff, v4  }
0x2c5: {  	v4 =	vld [tilespmem:s22+$0x39C0]  }
0x2c6: {  	s16 =	sor.u32 $0x30, s12;
	[tilespmem:s22+$0x129B0] =	vst.add.f32.msk $0xffff, v5  }
0x2c7: {  	[tilespmem:s16+$0x0] =	vst.add.f32.msk $0xffff, v5;
	s16 =	sor.u32 $0x30, s9  }
0x2c8: {  	[tilespmem:s16+$0x0] =	vst.add.f32.msk $0xffff, v5;
	s16 =	sor.u32 $0x30, s18  }
0x2c9: {  	[tilespmem:s16+$0x0] =	vst.add.f32.msk $0xffff, v5  }
0x2ca: {  	[tilespmem:s22+$0x129C0] =	vst.add.f32.msk $0xffff, v4  }
0x2cb: {  	s16 =	sor.u32 $0x40, s12;
	v5 =	vld [tilespmem:s22+$0x39D0]  }
0x2cc: {  	[tilespmem:s16+$0x0] =	vst.add.f32.msk $0xffff, v4;
	s16 =	sor.u32 $0x40, s9  }
0x2cd: {  	[tilespmem:s16+$0x0] =	vst.add.f32.msk $0xffff, v4;
	s16 =	sor.u32 $0x40, s18  }
0x2ce: {  	[tilespmem:s16+$0x0] =	vst.add.f32.msk $0xffff, v4  }
0x2cf: {  	v4 =	vld [tilespmem:s22+$0x39E0]  }
0x2d0: {  	s16 =	sor.u32 $0x50, s12;
	[tilespmem:s22+$0x129D0] =	vst.add.f32.msk $0xffff, v5  }
0x2d1: {  	[tilespmem:s16+$0x0] =	vst.add.f32.msk $0xffff, v5;
	s16 =	sor.u32 $0x50, s9  }
0x2d2: {  	[tilespmem:s16+$0x0] =	vst.add.f32.msk $0xffff, v5;
	s16 =	sor.u32 $0x50, s18  }
0x2d3: {  	[tilespmem:s16+$0x0] =	vst.add.f32.msk $0xffff, v5  }
0x2d4: {  	[tilespmem:s22+$0x129E0] =	vst.add.f32.msk $0xffff, v4  }
0x2d5: {  	s16 =	sor.u32 $0x60, s12;
	v5 =	vld [tilespmem:s22+$0x39F0]  }
0x2d6: {  	[tilespmem:s16+$0x0] =	vst.add.f32.msk $0xffff, v4;
	s16 =	sor.u32 $0x60, s9  }
0x2d7: {  	[tilespmem:s16+$0x0] =	vst.add.f32.msk $0xffff, v4;
	s16 =	sor.u32 $0x60, s18  }
0x2d8: {  	[tilespmem:s16+$0x0] =	vst.add.f32.msk $0xffff, v4  }
0x2d9: {  	v4 =	vld [tilespmem:s22+$0x3D80]  }
0x2da: {  	s12 =	sor.u32 $0x70, s12;
	[tilespmem:s22+$0x129F0] =	vst.add.f32.msk $0xffff, v5  }
0x2db: {  	s9 =	sor.u32 $0x70, s9;
	[tilespmem:s12+$0x0] =	vst.add.f32.msk $0xffff, v5  }
0x2dc: {  	[tilespmem:s9+$0x0] =	vst.add.f32.msk $0xffff, v5;
	s9 =	sor.u32 $0x70, s18  }
0x2dd: {  	[tilespmem:s9+$0x0] =	vst.add.f32.msk $0xffff, v5  }
0x2de: {  	[tilespmem:s22+$0x12D80] =	vst.add.f32.msk $0xffff, v4  }
0x2df: {  	v5 =	vld [tilespmem:s22+$0x3D90]  }
0x2e0: {  	[tilespmem:s22+$0x15D80] =	vst.add.f32.msk $0xffff, v4  }
0x2e1: {  	[tilespmem:s22+$0x18D80] =	vst.add.f32.msk $0xffff, v4  }
0x2e2: {  	[tilespmem:s22+$0x1BD80] =	vst.add.f32.msk $0xffff, v4  }
0x2e3: {  	s9 =	sadd.s32 $0x15D80, s22;
	v4 =	vld [tilespmem:s22+$0x3DA0]  }
0x2e4: {  	s12 =	sadd.s32 $0x18D80, s22;
	s16 =	sor.u32 $0x10, s9;
	[tilespmem:s22+$0x12D90] =	vst.add.f32.msk $0xffff, v5  }
0x2e5: {  	s18 =	sadd.s32 $0x1BD80, s22;
	[tilespmem:s16+$0x0] =	vst.add.f32.msk $0xffff, v5;
	s16 =	sor.u32 $0x10, s12  }
0x2e6: {  	[tilespmem:s16+$0x0] =	vst.add.f32.msk $0xffff, v5;
	s16 =	sor.u32 $0x10, s18  }
0x2e7: {  	[tilespmem:s16+$0x0] =	vst.add.f32.msk $0xffff, v5  }
0x2e8: {  	[tilespmem:s22+$0x12DA0] =	vst.add.f32.msk $0xffff, v4  }
0x2e9: {  	s16 =	sor.u32 $0x20, s9;
	v5 =	vld [tilespmem:s22+$0x3DB0]  }
0x2ea: {  	[tilespmem:s16+$0x0] =	vst.add.f32.msk $0xffff, v4;
	s16 =	sor.u32 $0x20, s12  }
0x2eb: {  	[tilespmem:s16+$0x0] =	vst.add.f32.msk $0xffff, v4;
	s16 =	sor.u32 $0x20, s18  }
0x2ec: {  	[tilespmem:s16+$0x0] =	vst.add.f32.msk $0xffff, v4  }
0x2ed: {  	v4 =	vld [tilespmem:s22+$0x3DC0]  }
0x2ee: {  	s16 =	sor.u32 $0x30, s9;
	[tilespmem:s22+$0x12DB0] =	vst.add.f32.msk $0xffff, v5  }
0x2ef: {  	[tilespmem:s16+$0x0] =	vst.add.f32.msk $0xffff, v5;
	s16 =	sor.u32 $0x30, s12  }
0x2f0: {  	[tilespmem:s16+$0x0] =	vst.add.f32.msk $0xffff, v5;
	s16 =	sor.u32 $0x30, s18  }
0x2f1: {  	[tilespmem:s16+$0x0] =	vst.add.f32.msk $0xffff, v5  }
0x2f2: {  	[tilespmem:s22+$0x12DC0] =	vst.add.f32.msk $0xffff, v4  }
0x2f3: {  	s16 =	sor.u32 $0x40, s9;
	v5 =	vld [tilespmem:s22+$0x3DD0]  }
0x2f4: {  	[tilespmem:s16+$0x0] =	vst.add.f32.msk $0xffff, v4;
	s16 =	sor.u32 $0x40, s12  }
0x2f5: {  	[tilespmem:s16+$0x0] =	vst.add.f32.msk $0xffff, v4;
	s16 =	sor.u32 $0x40, s18  }
0x2f6: {  	[tilespmem:s16+$0x0] =	vst.add.f32.msk $0xffff, v4  }
0x2f7: {  	v4 =	vld [tilespmem:s22+$0x3DE0]  }
0x2f8: {  	s16 =	sor.u32 $0x50, s9;
	[tilespmem:s22+$0x12DD0] =	vst.add.f32.msk $0xffff, v5  }
0x2f9: {  	[tilespmem:s16+$0x0] =	vst.add.f32.msk $0xffff, v5;
	s16 =	sor.u32 $0x50, s12  }
0x2fa: {  	[tilespmem:s16+$0x0] =	vst.add.f32.msk $0xffff, v5;
	s16 =	sor.u32 $0x50, s18  }
0x2fb: {  	[tilespmem:s16+$0x0] =	vst.add.f32.msk $0xffff, v5  }
0x2fc: {  	[tilespmem:s22+$0x12DE0] =	vst.add.f32.msk $0xffff, v4  }
0x2fd: {  	s16 =	sor.u32 $0x60, s9;
	v5 =	vld [tilespmem:s22+$0x3DF0]  }
0x2fe: {  	[tilespmem:s16+$0x0] =	vst.add.f32.msk $0xffff, v4;
	s16 =	sor.u32 $0x60, s12  }
0x2ff: {  	[tilespmem:s16+$0x0] =	vst.add.f32.msk $0xffff, v4;
	s16 =	sor.u32 $0x60, s18  }
0x300: {  	[tilespmem:s16+$0x0] =	vst.add.f32.msk $0xffff, v4  }
0x301: {  	v4 =	vld [tilespmem:s22+$0x4180]  }
0x302: {  	s9 =	sor.u32 $0x70, s9;
	[tilespmem:s22+$0x12DF0] =	vst.add.f32.msk $0xffff, v5  }
0x303: {  	[tilespmem:s9+$0x0] =	vst.add.f32.msk $0xffff, v5;
	s9 =	sor.u32 $0x70, s12  }
0x304: {  	[tilespmem:s9+$0x0] =	vst.add.f32.msk $0xffff, v5;
	s9 =	sor.u32 $0x70, s18  }
0x305: {  	[tilespmem:s9+$0x0] =	vst.add.f32.msk $0xffff, v5  }
0x306: {  	[tilespmem:s22+$0x13180] =	vst.add.f32.msk $0xffff, v4  }
0x307: {  	v5 =	vld [tilespmem:s22+$0x4190]  }
0x308: {  	[tilespmem:s22+$0x16180] =	vst.add.f32.msk $0xffff, v4  }
0x309: {  	[tilespmem:s22+$0x19180] =	vst.add.f32.msk $0xffff, v4  }
0x30a: {  	[tilespmem:s22+$0x1C180] =	vst.add.f32.msk $0xffff, v4  }
0x30b: {  	v4 =	vld [tilespmem:s22+$0x41A0]  }
0x30c: {  	s9 =	sadd.s32 $0x19180, s22;
	[tilespmem:s22+$0x13190] =	vst.add.f32.msk $0xffff, v5  }
0x30d: {  	s12 =	sor.u32 $0x10, s9;
	[tilespmem:s22+$0x16190] =	vst.add.f32.msk $0xffff, v5  }
0x30e: {  	[tilespmem:s12+$0x0] =	vst.add.f32.msk $0xffff, v5  }
0x30f: {  	[tilespmem:s22+$0x1C190] =	vst.add.f32.msk $0xffff, v5  }
0x310: {  	[tilespmem:s22+$0x131A0] =	vst.add.f32.msk $0xffff, v4  }
0x311: {  	v5 =	vld [tilespmem:s22+$0x41B0]  }
0x312: {  	s12 =	sor.u32 $0x20, s9;
	[tilespmem:s22+$0x161A0] =	vst.add.f32.msk $0xffff, v4  }
0x313: {  	[tilespmem:s12+$0x0] =	vst.add.f32.msk $0xffff, v4  }
0x314: {  	[tilespmem:s22+$0x1C1A0] =	vst.add.f32.msk $0xffff, v4  }
0x315: {  	v4 =	vld [tilespmem:s22+$0x41C0]  }
0x316: {  	[tilespmem:s22+$0x131B0] =	vst.add.f32.msk $0xffff, v5  }
0x317: {  	s12 =	sor.u32 $0x30, s9;
	[tilespmem:s22+$0x161B0] =	vst.add.f32.msk $0xffff, v5  }
0x318: {  	[tilespmem:s12+$0x0] =	vst.add.f32.msk $0xffff, v5  }
0x319: {  	[tilespmem:s22+$0x1C1B0] =	vst.add.f32.msk $0xffff, v5  }
0x31a: {  	[tilespmem:s22+$0x131C0] =	vst.add.f32.msk $0xffff, v4  }
0x31b: {  	v5 =	vld [tilespmem:s22+$0x41D0]  }
0x31c: {  	s12 =	sor.u32 $0x40, s9;
	[tilespmem:s22+$0x161C0] =	vst.add.f32.msk $0xffff, v4  }
0x31d: {  	[tilespmem:s12+$0x0] =	vst.add.f32.msk $0xffff, v4  }
0x31e: {  	[tilespmem:s22+$0x1C1C0] =	vst.add.f32.msk $0xffff, v4  }
0x31f: {  	v4 =	vld [tilespmem:s22+$0x41E0]  }
0x320: {  	[tilespmem:s22+$0x131D0] =	vst.add.f32.msk $0xffff, v5  }
0x321: {  	s12 =	sor.u32 $0x50, s9;
	[tilespmem:s22+$0x161D0] =	vst.add.f32.msk $0xffff, v5  }
0x322: {  	[tilespmem:s12+$0x0] =	vst.add.f32.msk $0xffff, v5  }
0x323: {  	[tilespmem:s22+$0x1C1D0] =	vst.add.f32.msk $0xffff, v5  }
0x324: {  	[tilespmem:s22+$0x131E0] =	vst.add.f32.msk $0xffff, v4  }
0x325: {  	v5 =	vld [tilespmem:s22+$0x41F0]  }
0x326: {  	s12 =	sor.u32 $0x60, s9;
	[tilespmem:s22+$0x161E0] =	vst.add.f32.msk $0xffff, v4  }
0x327: {  	[tilespmem:s12+$0x0] =	vst.add.f32.msk $0xffff, v4  }
0x328: {  	[tilespmem:s22+$0x1C1E0] =	vst.add.f32.msk $0xffff, v4  }
0x329: {  	v4 =	vld [tilespmem:s22+$0x4580]  }
0x32a: {  	[tilespmem:s22+$0x131F0] =	vst.add.f32.msk $0xffff, v5  }
0x32b: {  	s9 =	sor.u32 $0x70, s9;
	[tilespmem:s22+$0x161F0] =	vst.add.f32.msk $0xffff, v5  }
0x32c: {  	[tilespmem:s9+$0x0] =	vst.add.f32.msk $0xffff, v5  }
0x32d: {  	[tilespmem:s22+$0x1C1F0] =	vst.add.f32.msk $0xffff, v5  }
0x32e: {  	[tilespmem:s22+$0x13580] =	vst.add.f32.msk $0xffff, v4  }
0x32f: {  	s12 =	sor.u32 $0x4400, s2;
	v5 =	vld [tilespmem:s22+$0x4590]  }
0x330: {  	[tilespmem:s12+$0x12180] =	vst.add.f32.msk $0xffff, v4  }
0x331: {  	s9 =	sor.u32 $0xA400, s2;
	[tilespmem:s22+$0x19580] =	vst.add.f32.msk $0xffff, v4  }
0x332: {  	[tilespmem:s9+$0x12180] =	vst.add.f32.msk $0xffff, v4  }
0x333: {  	v4 =	vld [tilespmem:s22+$0x45A0]  }
0x334: {  	s18 =	sadd.s32 $0x19580, s22;
	[tilespmem:s22+$0x13590] =	vst.add.f32.msk $0xffff, v5  }
0x335: {  	s2 =	sor.u32 $0x10, s18;
	[tilespmem:s12+$0x12190] =	vst.add.f32.msk $0xffff, v5  }
0x336: {  	[tilespmem:s2+$0x0] =	vst.add.f32.msk $0xffff, v5  }
0x337: {  	[tilespmem:s9+$0x12190] =	vst.add.f32.msk $0xffff, v5  }
0x338: {  	[tilespmem:s22+$0x135A0] =	vst.add.f32.msk $0xffff, v4  }
0x339: {  	v5 =	vld [tilespmem:s22+$0x45B0]  }
0x33a: {  	s2 =	sor.u32 $0x20, s18;
	[tilespmem:s12+$0x121A0] =	vst.add.f32.msk $0xffff, v4  }
0x33b: {  	[tilespmem:s2+$0x0] =	vst.add.f32.msk $0xffff, v4  }
0x33c: {  	[tilespmem:s9+$0x121A0] =	vst.add.f32.msk $0xffff, v4  }
0x33d: {  	v4 =	vld [tilespmem:s22+$0x45C0]  }
0x33e: {  	[tilespmem:s22+$0x135B0] =	vst.add.f32.msk $0xffff, v5  }
0x33f: {  	s2 =	sor.u32 $0x30, s18;
	[tilespmem:s12+$0x121B0] =	vst.add.f32.msk $0xffff, v5  }
0x340: {  	[tilespmem:s2+$0x0] =	vst.add.f32.msk $0xffff, v5  }
0x341: {  	[tilespmem:s9+$0x121B0] =	vst.add.f32.msk $0xffff, v5  }
0x342: {  	[tilespmem:s22+$0x135C0] =	vst.add.f32.msk $0xffff, v4  }
0x343: {  	v5 =	vld [tilespmem:s22+$0x45D0]  }
0x344: {  	s2 =	sor.u32 $0x40, s18;
	[tilespmem:s12+$0x121C0] =	vst.add.f32.msk $0xffff, v4  }
0x345: {  	[tilespmem:s2+$0x0] =	vst.add.f32.msk $0xffff, v4  }
0x346: {  	[tilespmem:s9+$0x121C0] =	vst.add.f32.msk $0xffff, v4  }
0x347: {  	v4 =	vld [tilespmem:s22+$0x45E0]  }
0x348: {  	[tilespmem:s22+$0x135D0] =	vst.add.f32.msk $0xffff, v5  }
0x349: {  	s2 =	sor.u32 $0x50, s18;
	[tilespmem:s12+$0x121D0] =	vst.add.f32.msk $0xffff, v5  }
0x34a: {  	[tilespmem:s2+$0x0] =	vst.add.f32.msk $0xffff, v5  }
0x34b: {  	[tilespmem:s9+$0x121D0] =	vst.add.f32.msk $0xffff, v5  }
0x34c: {  	v5 =	vld [tilespmem:s22+$0x45F0]  }
0x34d: {  	[tilespmem:s22+$0x135E0] =	vst.add.f32.msk $0xffff, v4  }
0x34e: {  	s2 =	sor.u32 $0x60, s18;
	[tilespmem:s12+$0x121E0] =	vst.add.f32.msk $0xffff, v4  }
0x34f: {  	[tilespmem:s2+$0x0] =	vst.add.f32.msk $0xffff, v4  }
0x350: {  	[tilespmem:s9+$0x121E0] =	vst.add.f32.msk $0xffff, v4  }
0x351: {  	s2 =	sshrl.u32 s8, $0x3;
	[tilespmem:s22+$0x135F0] =	vst.add.f32.msk $0xffff, v5  }
0x352: {  	s23 =	sadd.s32 $0x80, s23;
	s2 =	smul.u32 $0x1800, s2;
	[tilespmem:s12+$0x121F0] =	vst.add.f32.msk $0xffff, v5;
	s12 =	sor.u32 $0x70, s18  }
0x353: {  	s16 =	sand.u32 $0x380, s23;
	[tilespmem:s12+$0x0] =	vst.add.f32.msk $0xffff, v5  }
0x354: {  	s22 =	sor.u32 s16, s2;
	[tilespmem:s9+$0x121F0] =	vst.add.f32.msk $0xffff, v5  }
0x355: {  	v4 =	vld [tilespmem:s22+$0x3180];
	_ =	sdelay $0x2  }
0x356: {  	v5 =	vld [tilespmem:s22+$0x31A0]  }
0x357: {  	v6 =	vld [tilespmem:s22+$0x3190]  }
0x358: {  	[tilespmem:s22+$0x12180] =	vst.add.f32.msk $0xffff, v4  }
0x359: {  	[tilespmem:s22+$0x15180] =	vst.add.f32.msk $0xffff, v4  }
0x35a: {  	[tilespmem:s22+$0x18180] =	vst.add.f32.msk $0xffff, v4  }
0x35b: {  	s9 =	sadd.s32 $0x15180, s22;
	[tilespmem:s22+$0x1B180] =	vst.add.f32.msk $0xffff, v4  }
0x35c: {  	s16 =	sor.u32 $0x10, s9;
	[tilespmem:s22+$0x12190] =	vst.add.f32.msk $0xffff, v6  }
0x35d: {  	s12 =	sadd.s32 $0x1B180, s22;
	[tilespmem:s16+$0x0] =	vst.add.f32.msk $0xffff, v6  }
0x35e: {  	s16 =	sor.u32 $0x10, s12;
	[tilespmem:s22+$0x18190] =	vst.add.f32.msk $0xffff, v6  }
0x35f: {  	[tilespmem:s16+$0x0] =	vst.add.f32.msk $0xffff, v6  }
0x360: {  	[tilespmem:s22+$0x121A0] =	vst.add.f32.msk $0xffff, v5  }
0x361: {  	s16 =	sor.u32 $0x20, s9;
	v4 =	vld [tilespmem:s22+$0x31B0]  }
0x362: {  	[tilespmem:s16+$0x0] =	vst.add.f32.msk $0xffff, v5  }
0x363: {  	s16 =	sor.u32 $0x20, s12;
	[tilespmem:s22+$0x181A0] =	vst.add.f32.msk $0xffff, v5  }
0x364: {  	[tilespmem:s16+$0x0] =	vst.add.f32.msk $0xffff, v5  }
0x365: {  	v5 =	vld [tilespmem:s22+$0x31C0]  }
0x366: {  	s16 =	sor.u32 $0x30, s9;
	[tilespmem:s22+$0x121B0] =	vst.add.f32.msk $0xffff, v4  }
0x367: {  	[tilespmem:s16+$0x0] =	vst.add.f32.msk $0xffff, v4  }
0x368: {  	s16 =	sor.u32 $0x30, s12;
	[tilespmem:s22+$0x181B0] =	vst.add.f32.msk $0xffff, v4  }
0x369: {  	[tilespmem:s16+$0x0] =	vst.add.f32.msk $0xffff, v4  }
0x36a: {  	[tilespmem:s22+$0x121C0] =	vst.add.f32.msk $0xffff, v5  }
0x36b: {  	s16 =	sor.u32 $0x40, s9;
	v4 =	vld [tilespmem:s22+$0x31D0]  }
0x36c: {  	[tilespmem:s16+$0x0] =	vst.add.f32.msk $0xffff, v5  }
0x36d: {  	s16 =	sor.u32 $0x40, s12;
	[tilespmem:s22+$0x181C0] =	vst.add.f32.msk $0xffff, v5  }
0x36e: {  	[tilespmem:s16+$0x0] =	vst.add.f32.msk $0xffff, v5  }
0x36f: {  	v5 =	vld [tilespmem:s22+$0x31E0]  }
0x370: {  	s16 =	sor.u32 $0x50, s9;
	[tilespmem:s22+$0x121D0] =	vst.add.f32.msk $0xffff, v4  }
0x371: {  	[tilespmem:s16+$0x0] =	vst.add.f32.msk $0xffff, v4  }
0x372: {  	s16 =	sor.u32 $0x50, s12;
	[tilespmem:s22+$0x181D0] =	vst.add.f32.msk $0xffff, v4  }
0x373: {  	[tilespmem:s16+$0x0] =	vst.add.f32.msk $0xffff, v4  }
0x374: {  	[tilespmem:s22+$0x121E0] =	vst.add.f32.msk $0xffff, v5  }
0x375: {  	s16 =	sor.u32 $0x60, s9;
	v4 =	vld [tilespmem:s22+$0x31F0]  }
0x376: {  	[tilespmem:s16+$0x0] =	vst.add.f32.msk $0xffff, v5  }
0x377: {  	s16 =	sor.u32 $0x60, s12;
	[tilespmem:s22+$0x181E0] =	vst.add.f32.msk $0xffff, v5  }
0x378: {  	[tilespmem:s16+$0x0] =	vst.add.f32.msk $0xffff, v5  }
0x379: {  	v5 =	vld [tilespmem:s22+$0x3580]  }
0x37a: {  	s9 =	sor.u32 $0x70, s9;
	[tilespmem:s22+$0x121F0] =	vst.add.f32.msk $0xffff, v4  }
0x37b: {  	[tilespmem:s9+$0x0] =	vst.add.f32.msk $0xffff, v4  }
0x37c: {  	s9 =	sor.u32 $0x70, s12;
	[tilespmem:s22+$0x181F0] =	vst.add.f32.msk $0xffff, v4  }
0x37d: {  	[tilespmem:s9+$0x0] =	vst.add.f32.msk $0xffff, v4  }
0x37e: {  	[tilespmem:s22+$0x12580] =	vst.add.f32.msk $0xffff, v5  }
0x37f: {  	s2 =	sadd.s32 s2, s23;
	v4 =	vld [tilespmem:s22+$0x3590]  }
0x380: {  	s9 =	sor.u32 $0x6400, s2;
	[tilespmem:s22+$0x15580] =	vst.add.f32.msk $0xffff, v5  }
0x381: {  	[tilespmem:s9+$0x12180] =	vst.add.f32.msk $0xffff, v5  }
0x382: {  	[tilespmem:s22+$0x1B580] =	vst.add.f32.msk $0xffff, v5  }
0x383: {  	s12 =	sadd.s32 $0x15580, s22;
	v5 =	vld [tilespmem:s22+$0x35A0]  }
0x384: {  	s16 =	sor.u32 $0x10, s12;
	[tilespmem:s22+$0x12590] =	vst.add.f32.msk $0xffff, v4  }
0x385: {  	s18 =	sadd.s32 $0x1B580, s22;
	[tilespmem:s16+$0x0] =	vst.add.f32.msk $0xffff, v4  }
0x386: {  	s16 =	sor.u32 $0x10, s18;
	[tilespmem:s9+$0x12190] =	vst.add.f32.msk $0xffff, v4  }
0x387: {  	[tilespmem:s16+$0x0] =	vst.add.f32.msk $0xffff, v4  }
0x388: {  	[tilespmem:s22+$0x125A0] =	vst.add.f32.msk $0xffff, v5  }
0x389: {  	s16 =	sor.u32 $0x20, s12;
	v4 =	vld [tilespmem:s22+$0x35B0]  }
0x38a: {  	[tilespmem:s16+$0x0] =	vst.add.f32.msk $0xffff, v5  }
0x38b: {  	s16 =	sor.u32 $0x20, s18;
	[tilespmem:s9+$0x121A0] =	vst.add.f32.msk $0xffff, v5  }
0x38c: {  	[tilespmem:s16+$0x0] =	vst.add.f32.msk $0xffff, v5  }
0x38d: {  	v5 =	vld [tilespmem:s22+$0x35C0]  }
0x38e: {  	s16 =	sor.u32 $0x30, s12;
	[tilespmem:s22+$0x125B0] =	vst.add.f32.msk $0xffff, v4  }
0x38f: {  	[tilespmem:s16+$0x0] =	vst.add.f32.msk $0xffff, v4  }
0x390: {  	s16 =	sor.u32 $0x30, s18;
	[tilespmem:s9+$0x121B0] =	vst.add.f32.msk $0xffff, v4  }
0x391: {  	[tilespmem:s16+$0x0] =	vst.add.f32.msk $0xffff, v4  }
0x392: {  	[tilespmem:s22+$0x125C0] =	vst.add.f32.msk $0xffff, v5  }
0x393: {  	s16 =	sor.u32 $0x40, s12;
	v4 =	vld [tilespmem:s22+$0x35D0]  }
0x394: {  	[tilespmem:s16+$0x0] =	vst.add.f32.msk $0xffff, v5  }
0x395: {  	s16 =	sor.u32 $0x40, s18;
	[tilespmem:s9+$0x121C0] =	vst.add.f32.msk $0xffff, v5  }
0x396: {  	[tilespmem:s16+$0x0] =	vst.add.f32.msk $0xffff, v5  }
0x397: {  	v5 =	vld [tilespmem:s22+$0x35E0]  }
0x398: {  	s16 =	sor.u32 $0x50, s12;
	[tilespmem:s22+$0x125D0] =	vst.add.f32.msk $0xffff, v4  }
0x399: {  	[tilespmem:s16+$0x0] =	vst.add.f32.msk $0xffff, v4  }
0x39a: {  	s16 =	sor.u32 $0x50, s18;
	[tilespmem:s9+$0x121D0] =	vst.add.f32.msk $0xffff, v4  }
0x39b: {  	[tilespmem:s16+$0x0] =	vst.add.f32.msk $0xffff, v4  }
0x39c: {  	[tilespmem:s22+$0x125E0] =	vst.add.f32.msk $0xffff, v5  }
0x39d: {  	s16 =	sor.u32 $0x60, s12;
	v4 =	vld [tilespmem:s22+$0x35F0]  }
0x39e: {  	[tilespmem:s16+$0x0] =	vst.add.f32.msk $0xffff, v5  }
0x39f: {  	s16 =	sor.u32 $0x60, s18;
	[tilespmem:s9+$0x121E0] =	vst.add.f32.msk $0xffff, v5  }
0x3a0: {  	[tilespmem:s16+$0x0] =	vst.add.f32.msk $0xffff, v5  }
0x3a1: {  	v5 =	vld [tilespmem:s22+$0x3980]  }
0x3a2: {  	s12 =	sor.u32 $0x70, s12;
	[tilespmem:s22+$0x125F0] =	vst.add.f32.msk $0xffff, v4  }
0x3a3: {  	[tilespmem:s12+$0x0] =	vst.add.f32.msk $0xffff, v4  }
0x3a4: {  	[tilespmem:s9+$0x121F0] =	vst.add.f32.msk $0xffff, v4;
	s9 =	sor.u32 $0x70, s18  }
0x3a5: {  	[tilespmem:s9+$0x0] =	vst.add.f32.msk $0xffff, v4  }
0x3a6: {  	[tilespmem:s22+$0x12980] =	vst.add.f32.msk $0xffff, v5  }
0x3a7: {  	v6 =	vld [tilespmem:s22+$0x3990]  }
0x3a8: {  	[tilespmem:s22+$0x15980] =	vst.add.f32.msk $0xffff, v5  }
0x3a9: {  	[tilespmem:s22+$0x18980] =	vst.add.f32.msk $0xffff, v5  }
0x3aa: {  	[tilespmem:s22+$0x1B980] =	vst.add.f32.msk $0xffff, v5  }
0x3ab: {  	s12 =	sadd.s32 $0x15980, s22;
	v4 =	vld [tilespmem:s22+$0x39A0]  }
0x3ac: {  	s16 =	sor.u32 $0x10, s12;
	s9 =	sadd.s32 $0x18980, s22;
	[tilespmem:s22+$0x12990] =	vst.add.f32.msk $0xffff, v6  }
.Ltmp1:
0x3ad: {  	s18 =	sadd.s32 $0x1B980, s22;
	[tilespmem:s16+$0x0] =	vst.add.f32.msk $0xffff, v6;
	s16 =	sor.u32 $0x10, s9;
	(pc) =	sbr.rel @p0 .LBB2_5-.Ltmp1, $4  }
0x3ae: {  	[tilespmem:s16+$0x0] =	vst.add.f32.msk $0xffff, v6;
	s16 =	sor.u32 $0x10, s18  }
0x3af: {  	[tilespmem:s16+$0x0] =	vst.add.f32.msk $0xffff, v6  }
0x3b0: {  	[tilespmem:s22+$0x129A0] =	vst.add.f32.msk $0xffff, v4  }
0x3b1: {  	s8 =	sadd.s32 $0x1, s8;
	s16 =	sor.u32 $0x20, s12;
	v5 =	vld [tilespmem:s22+$0x39B0]  }
0x3b2: {  	[tilespmem:s16+$0x0] =	vst.add.f32.msk $0xffff, v4;
	s8 =	sor.u32 $0x20, s9  }
0x3b3: {  	s16 =	sor.u32 $0x20, s18;
	[tilespmem:s8+$0x0] =	vst.add.f32.msk $0xffff, v4  }
0x3b4: {  	[tilespmem:s16+$0x0] =	vst.add.f32.msk $0xffff, v4  }
0x3b5: {  	v4 =	vld [tilespmem:s22+$0x39C0]  }
0x3b6: {  	s23 =	sor.u32 $0x30, s12;
	[tilespmem:s22+$0x129B0] =	vst.add.f32.msk $0xffff, v5  }
0x3b7: {  	s16 =	sor.u32 $0x30, s9;
	[tilespmem:s23+$0x0] =	vst.add.f32.msk $0xffff, v5  }
0x3b8: {  	s23 =	sor.u32 $0x30, s18;
	[tilespmem:s16+$0x0] =	vst.add.f32.msk $0xffff, v5  }
0x3b9: {  	[tilespmem:s23+$0x0] =	vst.add.f32.msk $0xffff, v5  }
0x3ba: {  	[tilespmem:s22+$0x129C0] =	vst.add.f32.msk $0xffff, v4  }
0x3bb: {  	s16 =	sor.u32 $0x40, s12;
	v5 =	vld [tilespmem:s22+$0x39D0]  }
0x3bc: {  	s23 =	sor.u32 $0x40, s9;
	[tilespmem:s16+$0x0] =	vst.add.f32.msk $0xffff, v4  }
0x3bd: {  	s16 =	sor.u32 $0x40, s18;
	[tilespmem:s23+$0x0] =	vst.add.f32.msk $0xffff, v4  }
0x3be: {  	[tilespmem:s16+$0x0] =	vst.add.f32.msk $0xffff, v4  }
0x3bf: {  	v4 =	vld [tilespmem:s22+$0x39E0]  }
0x3c0: {  	s23 =	sor.u32 $0x50, s12;
	[tilespmem:s22+$0x129D0] =	vst.add.f32.msk $0xffff, v5  }
0x3c1: {  	s16 =	sor.u32 $0x50, s9;
	[tilespmem:s23+$0x0] =	vst.add.f32.msk $0xffff, v5  }
0x3c2: {  	s23 =	sor.u32 $0x50, s18;
	[tilespmem:s16+$0x0] =	vst.add.f32.msk $0xffff, v5  }
0x3c3: {  	[tilespmem:s23+$0x0] =	vst.add.f32.msk $0xffff, v5  }
0x3c4: {  	[tilespmem:s22+$0x129E0] =	vst.add.f32.msk $0xffff, v4  }
0x3c5: {  	s16 =	sor.u32 $0x60, s12;
	v5 =	vld [tilespmem:s22+$0x39F0]  }
0x3c6: {  	s23 =	sor.u32 $0x60, s9;
	[tilespmem:s16+$0x0] =	vst.add.f32.msk $0xffff, v4  }
0x3c7: {  	s16 =	sor.u32 $0x60, s18;
	[tilespmem:s23+$0x0] =	vst.add.f32.msk $0xffff, v4  }
0x3c8: {  	[tilespmem:s16+$0x0] =	vst.add.f32.msk $0xffff, v4  }
0x3c9: {  	v4 =	vld [tilespmem:s22+$0x3D80]  }
0x3ca: {  	s23 =	sor.u32 $0x70, s12;
	[tilespmem:s22+$0x129F0] =	vst.add.f32.msk $0xffff, v5  }
0x3cb: {  	s12 =	sor.u32 $0x70, s9;
	[tilespmem:s23+$0x0] =	vst.add.f32.msk $0xffff, v5  }
0x3cc: {  	s16 =	sor.u32 $0x70, s18;
	[tilespmem:s12+$0x0] =	vst.add.f32.msk $0xffff, v5  }
0x3cd: {  	[tilespmem:s16+$0x0] =	vst.add.f32.msk $0xffff, v5  }
0x3ce: {  	[tilespmem:s22+$0x12D80] =	vst.add.f32.msk $0xffff, v4  }
0x3cf: {  	v5 =	vld [tilespmem:s22+$0x3D90]  }
0x3d0: {  	[tilespmem:s22+$0x15D80] =	vst.add.f32.msk $0xffff, v4  }
0x3d1: {  	[tilespmem:s22+$0x18D80] =	vst.add.f32.msk $0xffff, v4  }
0x3d2: {  	[tilespmem:s22+$0x1BD80] =	vst.add.f32.msk $0xffff, v4  }
0x3d3: {  	s8 =	sadd.s32 $0x15D80, s22;
	v4 =	vld [tilespmem:s22+$0x3DA0]  }
0x3d4: {  	s9 =	sadd.s32 $0x18D80, s22;
	s18 =	sor.u32 $0x10, s8;
	[tilespmem:s22+$0x12D90] =	vst.add.f32.msk $0xffff, v5  }
0x3d5: {  	s23 =	sor.u32 $0x10, s9;
	s16 =	sadd.s32 $0x1BD80, s22;
	[tilespmem:s18+$0x0] =	vst.add.f32.msk $0xffff, v5  }
0x3d6: {  	s18 =	sor.u32 $0x10, s16;
	[tilespmem:s23+$0x0] =	vst.add.f32.msk $0xffff, v5  }
0x3d7: {  	[tilespmem:s18+$0x0] =	vst.add.f32.msk $0xffff, v5  }
0x3d8: {  	[tilespmem:s22+$0x12DA0] =	vst.add.f32.msk $0xffff, v4  }
0x3d9: {  	s23 =	sor.u32 $0x20, s8;
	v5 =	vld [tilespmem:s22+$0x3DB0]  }
0x3da: {  	s18 =	sor.u32 $0x20, s9;
	[tilespmem:s23+$0x0] =	vst.add.f32.msk $0xffff, v4  }
0x3db: {  	s23 =	sor.u32 $0x20, s16;
	[tilespmem:s18+$0x0] =	vst.add.f32.msk $0xffff, v4  }
0x3dc: {  	[tilespmem:s23+$0x0] =	vst.add.f32.msk $0xffff, v4  }
0x3dd: {  	v4 =	vld [tilespmem:s22+$0x3DC0]  }
0x3de: {  	s18 =	sor.u32 $0x30, s8;
	[tilespmem:s22+$0x12DB0] =	vst.add.f32.msk $0xffff, v5  }
0x3df: {  	s23 =	sor.u32 $0x30, s9;
	[tilespmem:s18+$0x0] =	vst.add.f32.msk $0xffff, v5  }
0x3e0: {  	s18 =	sor.u32 $0x30, s16;
	[tilespmem:s23+$0x0] =	vst.add.f32.msk $0xffff, v5  }
0x3e1: {  	[tilespmem:s18+$0x0] =	vst.add.f32.msk $0xffff, v5  }
0x3e2: {  	[tilespmem:s22+$0x12DC0] =	vst.add.f32.msk $0xffff, v4  }
0x3e3: {  	s23 =	sor.u32 $0x40, s8;
	v5 =	vld [tilespmem:s22+$0x3DD0]  }
0x3e4: {  	s18 =	sor.u32 $0x40, s9;
	[tilespmem:s23+$0x0] =	vst.add.f32.msk $0xffff, v4  }
0x3e5: {  	s23 =	sor.u32 $0x40, s16;
	[tilespmem:s18+$0x0] =	vst.add.f32.msk $0xffff, v4  }
0x3e6: {  	[tilespmem:s23+$0x0] =	vst.add.f32.msk $0xffff, v4  }
0x3e7: {  	v4 =	vld [tilespmem:s22+$0x3DE0]  }
0x3e8: {  	s18 =	sor.u32 $0x50, s8;
	[tilespmem:s22+$0x12DD0] =	vst.add.f32.msk $0xffff, v5  }
0x3e9: {  	s23 =	sor.u32 $0x50, s9;
	[tilespmem:s18+$0x0] =	vst.add.f32.msk $0xffff, v5  }
0x3ea: {  	s18 =	sor.u32 $0x50, s16;
	[tilespmem:s23+$0x0] =	vst.add.f32.msk $0xffff, v5  }
0x3eb: {  	[tilespmem:s18+$0x0] =	vst.add.f32.msk $0xffff, v5  }
0x3ec: {  	[tilespmem:s22+$0x12DE0] =	vst.add.f32.msk $0xffff, v4  }
0x3ed: {  	s23 =	sor.u32 $0x60, s8;
	v5 =	vld [tilespmem:s22+$0x3DF0]  }
0x3ee: {  	s18 =	sor.u32 $0x60, s9;
	[tilespmem:s23+$0x0] =	vst.add.f32.msk $0xffff, v4  }
0x3ef: {  	s23 =	sor.u32 $0x60, s16;
	[tilespmem:s18+$0x0] =	vst.add.f32.msk $0xffff, v4  }
0x3f0: {  	[tilespmem:s23+$0x0] =	vst.add.f32.msk $0xffff, v4  }
0x3f1: {  	v4 =	vld [tilespmem:s22+$0x4180]  }
0x3f2: {  	s8 =	sor.u32 $0x70, s8;
	[tilespmem:s22+$0x12DF0] =	vst.add.f32.msk $0xffff, v5  }
0x3f3: {  	s9 =	sor.u32 $0x70, s9;
	[tilespmem:s8+$0x0] =	vst.add.f32.msk $0xffff, v5  }
0x3f4: {  	s12 =	sor.u32 $0x70, s16;
	[tilespmem:s9+$0x0] =	vst.add.f32.msk $0xffff, v5  }
0x3f5: {  	[tilespmem:s12+$0x0] =	vst.add.f32.msk $0xffff, v5  }
0x3f6: {  	[tilespmem:s22+$0x13180] =	vst.add.f32.msk $0xffff, v4  }
0x3f7: {  	v5 =	vld [tilespmem:s22+$0x4190]  }
0x3f8: {  	[tilespmem:s22+$0x16180] =	vst.add.f32.msk $0xffff, v4  }
0x3f9: {  	[tilespmem:s22+$0x19180] =	vst.add.f32.msk $0xffff, v4  }
0x3fa: {  	[tilespmem:s22+$0x1C180] =	vst.add.f32.msk $0xffff, v4  }
0x3fb: {  	v4 =	vld [tilespmem:s22+$0x41A0]  }
0x3fc: {  	s8 =	sadd.s32 $0x19180, s22;
	[tilespmem:s22+$0x13190] =	vst.add.f32.msk $0xffff, v5  }
0x3fd: {  	s16 =	sor.u32 $0x10, s8;
	[tilespmem:s22+$0x16190] =	vst.add.f32.msk $0xffff, v5  }
0x3fe: {  	[tilespmem:s16+$0x0] =	vst.add.f32.msk $0xffff, v5  }
0x3ff: {  	[tilespmem:s22+$0x1C190] =	vst.add.f32.msk $0xffff, v5  }
0x400: {  	[tilespmem:s22+$0x131A0] =	vst.add.f32.msk $0xffff, v4  }
0x401: {  	v5 =	vld [tilespmem:s22+$0x41B0]  }
0x402: {  	s18 =	sor.u32 $0x20, s8;
	[tilespmem:s22+$0x161A0] =	vst.add.f32.msk $0xffff, v4  }
0x403: {  	[tilespmem:s18+$0x0] =	vst.add.f32.msk $0xffff, v4  }
0x404: {  	[tilespmem:s22+$0x1C1A0] =	vst.add.f32.msk $0xffff, v4  }
0x405: {  	v4 =	vld [tilespmem:s22+$0x41C0]  }
0x406: {  	[tilespmem:s22+$0x131B0] =	vst.add.f32.msk $0xffff, v5  }
0x407: {  	s23 =	sor.u32 $0x30, s8;
	[tilespmem:s22+$0x161B0] =	vst.add.f32.msk $0xffff, v5  }
0x408: {  	[tilespmem:s23+$0x0] =	vst.add.f32.msk $0xffff, v5  }
0x409: {  	[tilespmem:s22+$0x1C1B0] =	vst.add.f32.msk $0xffff, v5  }
0x40a: {  	[tilespmem:s22+$0x131C0] =	vst.add.f32.msk $0xffff, v4  }
0x40b: {  	v5 =	vld [tilespmem:s22+$0x41D0]  }
0x40c: {  	s12 =	sor.u32 $0x40, s8;
	[tilespmem:s22+$0x161C0] =	vst.add.f32.msk $0xffff, v4  }
0x40d: {  	[tilespmem:s12+$0x0] =	vst.add.f32.msk $0xffff, v4  }
0x40e: {  	[tilespmem:s22+$0x1C1C0] =	vst.add.f32.msk $0xffff, v4  }
0x40f: {  	v4 =	vld [tilespmem:s22+$0x41E0]  }
0x410: {  	[tilespmem:s22+$0x131D0] =	vst.add.f32.msk $0xffff, v5  }
0x411: {  	s16 =	sor.u32 $0x50, s8;
	[tilespmem:s22+$0x161D0] =	vst.add.f32.msk $0xffff, v5  }
0x412: {  	[tilespmem:s16+$0x0] =	vst.add.f32.msk $0xffff, v5  }
0x413: {  	[tilespmem:s22+$0x1C1D0] =	vst.add.f32.msk $0xffff, v5  }
0x414: {  	[tilespmem:s22+$0x131E0] =	vst.add.f32.msk $0xffff, v4  }
0x415: {  	v5 =	vld [tilespmem:s22+$0x41F0]  }
0x416: {  	s18 =	sor.u32 $0x60, s8;
	[tilespmem:s22+$0x161E0] =	vst.add.f32.msk $0xffff, v4  }
0x417: {  	[tilespmem:s18+$0x0] =	vst.add.f32.msk $0xffff, v4  }
0x418: {  	[tilespmem:s22+$0x1C1E0] =	vst.add.f32.msk $0xffff, v4  }
0x419: {  	v4 =	vld [tilespmem:s22+$0x4580]  }
0x41a: {  	[tilespmem:s22+$0x131F0] =	vst.add.f32.msk $0xffff, v5  }
0x41b: {  	s8 =	sor.u32 $0x70, s8;
	[tilespmem:s22+$0x161F0] =	vst.add.f32.msk $0xffff, v5  }
0x41c: {  	[tilespmem:s8+$0x0] =	vst.add.f32.msk $0xffff, v5  }
0x41d: {  	[tilespmem:s22+$0x1C1F0] =	vst.add.f32.msk $0xffff, v5  }
0x41e: {  	[tilespmem:s22+$0x13580] =	vst.add.f32.msk $0xffff, v4  }
0x41f: {  	s8 =	sor.u32 $0x4400, s2;
	v5 =	vld [tilespmem:s22+$0x4590]  }
0x420: {  	[tilespmem:s8+$0x12180] =	vst.add.f32.msk $0xffff, v4  }
0x421: {  	s2 =	sor.u32 $0xA400, s2;
	[tilespmem:s22+$0x19580] =	vst.add.f32.msk $0xffff, v4  }
0x422: {  	[tilespmem:s2+$0x12180] =	vst.add.f32.msk $0xffff, v4  }
0x423: {  	v4 =	vld [tilespmem:s22+$0x45A0]  }
0x424: {  	s9 =	sadd.s32 $0x19580, s22;
	[tilespmem:s22+$0x13590] =	vst.add.f32.msk $0xffff, v5  }
0x425: {  	s23 =	sor.u32 $0x10, s9;
	[tilespmem:s8+$0x12190] =	vst.add.f32.msk $0xffff, v5  }
0x426: {  	[tilespmem:s23+$0x0] =	vst.add.f32.msk $0xffff, v5  }
0x427: {  	[tilespmem:s2+$0x12190] =	vst.add.f32.msk $0xffff, v5  }
0x428: {  	[tilespmem:s22+$0x135A0] =	vst.add.f32.msk $0xffff, v4  }
0x429: {  	v5 =	vld [tilespmem:s22+$0x45B0]  }
0x42a: {  	s16 =	sor.u32 $0x20, s9;
	[tilespmem:s8+$0x121A0] =	vst.add.f32.msk $0xffff, v4  }
0x42b: {  	[tilespmem:s16+$0x0] =	vst.add.f32.msk $0xffff, v4  }
0x42c: {  	[tilespmem:s2+$0x121A0] =	vst.add.f32.msk $0xffff, v4  }
0x42d: {  	v4 =	vld [tilespmem:s22+$0x45C0]  }
0x42e: {  	[tilespmem:s22+$0x135B0] =	vst.add.f32.msk $0xffff, v5  }
0x42f: {  	s18 =	sor.u32 $0x30, s9;
	[tilespmem:s8+$0x121B0] =	vst.add.f32.msk $0xffff, v5  }
0x430: {  	[tilespmem:s18+$0x0] =	vst.add.f32.msk $0xffff, v5  }
0x431: {  	[tilespmem:s2+$0x121B0] =	vst.add.f32.msk $0xffff, v5  }
0x432: {  	[tilespmem:s22+$0x135C0] =	vst.add.f32.msk $0xffff, v4  }
0x433: {  	v5 =	vld [tilespmem:s22+$0x45D0]  }
0x434: {  	s23 =	sor.u32 $0x40, s9;
	[tilespmem:s8+$0x121C0] =	vst.add.f32.msk $0xffff, v4  }
0x435: {  	[tilespmem:s23+$0x0] =	vst.add.f32.msk $0xffff, v4  }
0x436: {  	[tilespmem:s2+$0x121C0] =	vst.add.f32.msk $0xffff, v4  }
0x437: {  	v4 =	vld [tilespmem:s22+$0x45E0]  }
0x438: {  	[tilespmem:s22+$0x135D0] =	vst.add.f32.msk $0xffff, v5  }
0x439: {  	s16 =	sor.u32 $0x50, s9;
	[tilespmem:s8+$0x121D0] =	vst.add.f32.msk $0xffff, v5  }
0x43a: {  	[tilespmem:s16+$0x0] =	vst.add.f32.msk $0xffff, v5  }
0x43b: {  	[tilespmem:s2+$0x121D0] =	vst.add.f32.msk $0xffff, v5  }
0x43c: {  	v5 =	vld [tilespmem:s22+$0x45F0]  }
0x43d: {  	[tilespmem:s22+$0x135E0] =	vst.add.f32.msk $0xffff, v4  }
0x43e: {  	s18 =	sor.u32 $0x60, s9;
	[tilespmem:s8+$0x121E0] =	vst.add.f32.msk $0xffff, v4  }
0x43f: {  	s20 =	sadd.s32 $0x1, s20;
	[tilespmem:s18+$0x0] =	vst.add.f32.msk $0xffff, v4  }
0x440: {  	p0 =	sne.s32 s20, $0x8;
	[tilespmem:s2+$0x121E0] =	vst.add.f32.msk $0xffff, v4  }
.Ltmp2:
0x441: {  	[tilespmem:s22+$0x135F0] =	vst.add.f32.msk $0xffff, v5;
	(pc) =	sbr.rel @p0 .LBB2_2-.Ltmp2, $4  }
0x442: {  	s22 =	sor.u32 $0x70, s9;
	[tilespmem:s8+$0x121F0] =	vst.add.f32.msk $0xffff, v5  }
0x443: {  	[tilespmem:s22+$0x0] =	vst.add.f32.msk $0xffff, v5  }
0x444: {  	s23 =	sadd.s32 s5, s21;
	[tilespmem:s2+$0x121F0] =	vst.add.f32.msk $0xffff, v5  }
0x445: {  	[hbm4b:s23+s13] =	stream.strided.scatter [tilespmem:s3], [sflag:$0x4], $0xC000, s14, s13, $0x38;
	[tilespmem:$0x1E180] =	vst v63  }
0x446: {  	s8 =	simm.s32 $0x4  }
0x447: {  	_ =	swait.ge [sflag:s8], $0xC000  }
0x448: {  	s19 =	sadd.s32 $0x1, s19;
	s2 =	rddreg [dreg:$0x7]  }
0x449: {  	p0 =	sne.s32 s19, s2  }
.Ltmp3:
0x44a: {  	_ = 	snop;
	(pc) =	sbr.rel @p0 .LBB2_1-.Ltmp3, $3  }
0x44b: {  	_ =	sdelay $0x1  }
0x44c: {  	[sflag:s8] =	ssyncset.done $0x0  }
0x44d: {  	[sflag:s8] =	ssyncadd.s32 $0xFFFF4000  }
0x44e: {  	_ =	sfence.sel $0x180000  }
0x44f: {  	[bflag:$0x0] =	sbarrier.arrive $0xFFFF  }
0x450: {  	_ =	strace $0x90000047  }
0x451: {  	s0 =	stileid.u32;
	[bflag:$0x2] =	sbarrier.arrive $0xFFFF  }
0x452: {  	p0 =	sne.s32 s0, $0x0;
	s0 =	rddreg [dreg:$0x4]  }
0x453: {  	s0 =	sadd.s32 @!p0 $0x100000, s0  }
0x454: {  	[sflag:s0] =	ssyncadd.tile.s32 @!p0 $0x1;
	_ =	shalt  }
.Lfunc_end2:
_tile_overlayer_lowered:
.L_overlay_start_2:
0x455: {  	(tag) =	ssettag $0x2  }
0x456: {  	s0 =	rddreg [dreg:$0x0];
	s2 =	stileid.u32  }
0x457: {  	s1 =	rddreg [dreg:$0x1];
	p0 =	sne.s32 s2, $0x0  }
0x458: {  	s3 =	rddreg [dreg:$0x2];
	[bflag:$0x3] =	sbarrier.arrive $0xFFFF;
	s2 =	simm.s32 @!p0 $0x1C05  }
0x459: {  	[timem:s3], [sflag:s2] =	dma.local @!p0 [hbm:s0], s1  }
0x45a: {  	s0 =	simm.s32 @!p0 $0x5  }
0x45b: {  	_ =	swait.ge @!p0 [sflag:s0], s1  }
0x45c: {  	s1 =	ssub.s32 @!p0 $0x0, s1;
	[sflag:s0] =	ssyncset.done @!p0 $0x0  }
0x45d: {  	[sflag:s0] =	ssyncadd.s32 @!p0 s1  }
0x45e: {  	[bflag:$0x3] =	sbarrier.arrive $0xFFFF  }
0x45f: {  	_ =	shalt  }

</sc_bundles>
